<compile_context>
chip_gen: v7x
topology: tpu7x:2x2x1
jax: 0.10.2.dev20260603
libtpu: 0.0.44.dev20260713+nightly
codegen_flags: <defaults>
</compile_context>

<pallas_src>
import functools

import jax
import jax.numpy as jnp
from jax import lax
from jax.experimental import pallas as pl
from jax.experimental.pallas import tpu as pltpu
from jax.experimental.pallas import tpu_sc as plsc

N = 10000
E = 320000
D_IN = 128
H = 7
HP = 8
NP = 10240
EPS = 1e-5

NC, NS = 2, 16
NW = NC * NS
CH = 128
RW = 80
NROWS = NW * RW
E_PAD = NROWS * CH
NB = 4
GROUPS = RW // NB
RPT = NP // NS

_MESH = plsc.VectorSubcoreMesh(core_axis_name="c", subcore_axis_name="s")
_SC_PARAMS = pltpu.CompilerParams(use_tc_tiling_on_sc=False)


def _hop_body(table, srcr, dstr, zeros, out, idx_s, idx_d, rows, gsem, ssem,
              acc, tbl):
    c = lax.axis_index("c")
    s = lax.axis_index("s")
    w = c * NS + s

    pltpu.sync_copy(table.at[pl.ds(s * RPT, RPT)], tbl.at[pl.ds(s * RPT, RPT)])
    pltpu.sync_copy(zeros.at[pl.ds(s * RPT, RPT)], acc.at[pl.ds(s * RPT, RPT)])
    pltpu.sync_copy(srcr.at[pl.ds(w * RW, RW)], idx_s)
    pltpu.sync_copy(dstr.at[pl.ds(w * RW, RW)], idx_d)
    plsc.subcore_barrier()

    for b in range(NB):
        pltpu.async_copy(tbl.at[idx_s.at[b]], rows.at[b], gsem[b])

    def group(g, carry):
        base = g * NB
        for b in range(NB):
            pltpu.make_async_copy(
                tbl.at[idx_s.at[base + b]], rows.at[b], gsem[b]).wait()
            pltpu.async_copy(rows.at[b], acc.at[idx_d.at[base + b]], ssem[b],
                             add=True)
        for b in range(NB):
            pltpu.make_async_copy(
                rows.at[b], acc.at[idx_d.at[base + b]], ssem[b]).wait()
            pltpu.async_copy(tbl.at[idx_s.at[base + NB + b]], rows.at[b],
                             gsem[b])
        return carry

    lax.fori_loop(0, GROUPS - 1, group, 0)

    last = (GROUPS - 1) * NB
    for b in range(NB):
        pltpu.make_async_copy(
            tbl.at[idx_s.at[last + b]], rows.at[b], gsem[b]).wait()
        pltpu.async_copy(rows.at[b], acc.at[idx_d.at[last + b]], ssem[b],
                         add=True)
    for b in range(NB):
        pltpu.make_async_copy(
            rows.at[b], acc.at[idx_d.at[last + b]], ssem[b]).wait()

    plsc.subcore_barrier()
    pltpu.sync_copy(acc.at[pl.ds(s * RPT, RPT)],
                    out.at[c, pl.ds(s * RPT, RPT)])


_hop = pl.kernel(
    _hop_body,
    out_type=jax.ShapeDtypeStruct((NC, NP, HP), jnp.float32),
    mesh=_MESH,
    scratch_types=[
        pltpu.VMEM((RW, CH), jnp.int32),
        pltpu.VMEM((RW, CH), jnp.int32),
        pltpu.VMEM((NB, CH, HP), jnp.float32),
        [pltpu.SemaphoreType.DMA] * NB,
        [pltpu.SemaphoreType.DMA] * NB,
        pltpu.VMEM_SHARED((NP, HP), jnp.float32),
        pltpu.VMEM_SHARED((NP, HP), jnp.float32),
    ],
    compiler_params=_SC_PARAMS,
)


def _deg_body(onesr, dstr, zeros, out, idx_d, obuf, sem, acc):
    c = lax.axis_index("c")
    s = lax.axis_index("s")
    w = c * NS + s

    pltpu.sync_copy(zeros.at[pl.ds(s * RPT, RPT)], acc.at[pl.ds(s * RPT, RPT)])
    pltpu.sync_copy(onesr, obuf)
    pltpu.sync_copy(dstr.at[pl.ds(w * RW, RW)], idx_d)
    plsc.subcore_barrier()

    for b in range(NB):
        pltpu.async_copy(obuf, acc.at[idx_d.at[b]], sem, add=True)

    def step(g, carry):
        pltpu.make_async_copy(obuf, acc.at[idx_d.at[g]], sem).wait()
        pltpu.async_copy(obuf, acc.at[idx_d.at[g + NB]], sem, add=True)
        return carry

    lax.fori_loop(0, RW - NB, step, 0)

    for b in range(NB):
        pltpu.make_async_copy(obuf, acc.at[idx_d.at[RW - NB + b]], sem).wait()

    plsc.subcore_barrier()
    pltpu.sync_copy(acc.at[pl.ds(s * RPT, RPT)],
                    out.at[c, pl.ds(s * RPT, RPT)])


_deg = pl.kernel(
    _deg_body,
    out_type=jax.ShapeDtypeStruct((NC, NP, HP), jnp.float32),
    mesh=_MESH,
    scratch_types=[
        pltpu.VMEM((RW, CH), jnp.int32),
        pltpu.VMEM((CH, HP), jnp.float32),
        pltpu.SemaphoreType.DMA,
        pltpu.VMEM_SHARED((NP, HP), jnp.float32),
    ],
    compiler_params=_SC_PARAMS,
)


def _rmask():
    return lax.broadcasted_iota(jnp.int32, (NP, 1), 0) < N


def _cmask():
    return lax.broadcasted_iota(jnp.int32, (1, HP), 1) < H


def _gatenorm_body(x, wg, bg, dp, h0_o, norm_o, u0_o):
    z = jnp.dot(x[...], wg[...], preferred_element_type=jnp.float32) + bg[...]
    h = jnp.where(_rmask() & _cmask(), jax.nn.sigmoid(z), 0.0)
    deg = dp[0] + dp[1]
    norm = lax.rsqrt(jnp.maximum(deg, 1.0))
    h0_o[...] = h
    norm_o[...] = norm
    u0_o[...] = h * norm


def _scale_body(vp, norm, h_o, u_o):
    h = jnp.where(_rmask(), (vp[0] + vp[1]) * norm[...], 0.0)
    h_o[...] = h
    u_o[...] = h * norm[...]


def _bn_relu(z, g, b):
    mean = jnp.sum(z, axis=0, keepdims=True) / N
    var = jnp.sum(z * z, axis=0, keepdims=True) / N - mean * mean
    zn = (z - mean) * lax.rsqrt(var + EPS) * g + b
    return jnp.maximum(zn, 0.0)


def _layer_body(vp, norm, h0, h1, W, g, b, t_o, u_o):
    h2 = jnp.where(_rmask(), (vp[0] + vp[1]) * norm[...], 0.0)
    Wm = W[...]
    z = (jnp.dot(h0[...], Wm[0:HP], preferred_element_type=jnp.float32)
         + jnp.dot(h1[...], Wm[HP:2 * HP], preferred_element_type=jnp.float32)
         + jnp.dot(h2, Wm[2 * HP:3 * HP], preferred_element_type=jnp.float32))
    t = jnp.where(_rmask() & _cmask(), _bn_relu(z, g[...], b[...]), 0.0)
    t_o[...] = t
    u_o[...] = t * norm[...]


def _final_body(vp, norm, h0, h1, W, g, b, Wd, bd, y_o):
    h2 = jnp.where(_rmask(), (vp[0] + vp[1]) * norm[...], 0.0)
    Wm = W[...]
    z = (jnp.dot(h0[...], Wm[0:HP], preferred_element_type=jnp.float32)
         + jnp.dot(h1[...], Wm[HP:2 * HP], preferred_element_type=jnp.float32)
         + jnp.dot(h2, Wm[2 * HP:3 * HP], preferred_element_type=jnp.float32))
    t = jnp.where(_rmask() & _cmask(), _bn_relu(z, g[...], b[...]), 0.0)
    m = jnp.sum(t, axis=0, keepdims=True) / N
    y_o[...] = jnp.dot(m, Wd[...], preferred_element_type=jnp.float32) + bd[...]


def _tc(body, *outs):
    return pl.pallas_call(body, out_shape=tuple(
        jax.ShapeDtypeStruct(s, jnp.float32) for s in outs))


_gatenorm = _tc(_gatenorm_body, (NP, HP), (NP, HP), (NP, HP))
_scale = _tc(_scale_body, (NP, HP), (NP, HP))
_layer = _tc(_layer_body, (NP, HP), (NP, HP))
_final = _tc(_final_body, (1, D_IN))


def _pad_stack_w(W):
    Wp = jnp.zeros((3 * HP, HP), jnp.float32)
    for i in range(3):
        Wp = Wp.at[i * HP:i * HP + H, :H].set(W[i * H:(i + 1) * H])
    return Wp


def _pad_vec(v):
    return jnp.zeros((1, HP), jnp.float32).at[0, :H].set(v)


def kernel(x, edge_index, Wg, bg, W1, g1, b1, W2, g2, b2, Wd, bd):
    xp = jnp.zeros((NP, D_IN), jnp.float32).at[:N].set(x)
    pad = E_PAD - E
    srcr = jnp.concatenate(
        [edge_index[0], jnp.zeros((pad,), jnp.int32)]).reshape(NROWS, CH)
    dstr = jnp.concatenate(
        [edge_index[1], jnp.full((pad,), N, jnp.int32)]).reshape(NROWS, CH)
    zeros = jnp.zeros((NP, HP), jnp.float32)
    ones_cr = jnp.ones((CH, HP), jnp.float32)

    Wgp = jnp.zeros((D_IN, HP), jnp.float32).at[:, :H].set(Wg)
    bgp = _pad_vec(bg)
    W1p, W2p = _pad_stack_w(W1), _pad_stack_w(W2)
    g1p, b1p = _pad_vec(g1), _pad_vec(b1)
    g2p, b2p = _pad_vec(g2), _pad_vec(b2)
    Wdp = jnp.zeros((HP, D_IN), jnp.float32).at[:H].set(Wd)
    bdp = bd.reshape(1, D_IN)

    dp = _deg(ones_cr, dstr, zeros)
    h0, norm8, u0 = _gatenorm(xp, Wgp, bgp, dp)

    v1 = _hop(u0, srcr, dstr, zeros)
    h1, u1 = _scale(v1, norm8)
    v2 = _hop(u1, srcr, dstr, zeros)
    t1, ua = _layer(v2, norm8, h0, h1, W1p, g1p, b1p)

    w1 = _hop(ua, srcr, dstr, zeros)
    h1b, u1b = _scale(w1, norm8)
    w2 = _hop(u1b, srcr, dstr, zeros)
    (y,) = _final(w2, norm8, t1, h1b, W2p, g2p, b2p, Wdp, bdp)

    return y.reshape(D_IN)

# --- scband reference (transcript-rebuilt; emitter-appended) ---
"""Pipeline reference for scband-graph-embed-27582279975426 (READ-ONLY COPY).

The authoritative reference and input builder live on the scoring server;
editing this copy changes nothing except your own understanding.
"""

import jax, jax.numpy as jnp
import numpy as np

N = 10000
E = 320000
D_IN = 128
H = 7
D_OUT = 128
K = 2
EPS = 1e-5


def setup_inputs(seed: int = 0) -> dict:
    key = jax.random.key(seed)
    ks = jax.random.split(key, 16)
    x = jax.random.normal(ks[0], (N, D_IN), dtype=jnp.float32)
    edge_index = jax.random.randint(ks[1], (2, E), 0, N, dtype=jnp.int32)
    # node gating: Linear(D_IN, H) + Sigmoid
    Wg = jax.random.normal(ks[2], (D_IN, H), dtype=jnp.float32) * 0.05
    bg = jax.random.normal(ks[3], (H,), dtype=jnp.float32) * 0.05
    # TAGConv layer 1: Linear(H*(K+1), H), bias=False (use_batch_norm=True)
    W1 = jax.random.normal(ks[4], (H * (K + 1), H), dtype=jnp.float32) * 0.1
    g1 = jnp.ones((H,), dtype=jnp.float32)
    b1 = jnp.zeros((H,), dtype=jnp.float32)
    # TAGConv layer 2
    W2 = jax.random.normal(ks[5], (H * (K + 1), H), dtype=jnp.float32) * 0.1
    g2 = jnp.ones((H,), dtype=jnp.float32)
    b2 = jnp.zeros((H,), dtype=jnp.float32)
    # final dense: Linear(H, D_OUT)
    Wd = jax.random.normal(ks[6], (H, D_OUT), dtype=jnp.float32) * 0.1
    bd = jax.random.normal(ks[7], (D_OUT,), dtype=jnp.float32) * 0.05
    return {"x": x, "edge_index": edge_index, "Wg": Wg, "bg": bg,
            "W1": W1, "g1": g1, "b1": b1, "W2": W2, "g2": g2, "b2": b2,
            "Wd": Wd, "bd": bd}


def _tagconv(h, src, dst, W):
    # DGL TAGConv semantics: norm = in_degrees().clamp(min=1) ** -0.5 applied
    # on both sides of aggregation; stack K+1 hops then a single linear.
    deg = jnp.zeros((N,), jnp.float32).at[dst].add(1.0)
    norm = jnp.power(jnp.clip(deg, 1.0, None), -0.5)
    fstack = [h]
    cur = h
    for _ in range(K):
        cur = cur * norm[:, None]
        msg = cur[src]
        cur = jnp.zeros((N, cur.shape[1]), jnp.float32).at[dst].add(msg)
        cur = cur * norm[:, None]
        fstack.append(cur)
    return jnp.concatenate(fstack, axis=-1) @ W


def _batchnorm(h, gamma, beta):
    mean = jnp.mean(h, axis=0)
    var = jnp.mean((h - mean) ** 2, axis=0)  # biased, as torch BN in train mode
    return (h - mean) / jnp.sqrt(var + EPS) * gamma + beta


def reference(x, edge_index, Wg, bg, W1, g1, b1, W2, g2, b2, Wd, bd):
    src = edge_index[0]
    dst = edge_index[1]
    h = jax.nn.sigmoid(x @ Wg + bg)          # node gating
    h = _tagconv(h, src, dst, W1)
    h = _batchnorm(h, g1, b1)
    h = jax.nn.relu(h)
    h = _tagconv(h, src, dst, W2)
    h = _batchnorm(h, g2, b2)
    h = jax.nn.relu(h)
    h = h @ Wd + bd
    return jnp.mean(h, axis=0)               # graph-level mean aggregation

if __name__ == "__main__":
    import jax
    _d = setup_inputs()
    print(jax.jit(kernel)(*tuple(_d.values())))

</pallas_src>

<mosaic_0001>
#map = affine_map<(d0, d1) -> (0, 0)>
#map1 = affine_map<(d0, d1) -> (0, 0, 0)>
module attributes {stable_mosaic.version = 14 : i64} {
  func.func @_deg_body(%arg0: i32, %arg1: i32, %arg2: memref<128x8xf32, #tpu.memory_space<hbm>>, %arg3: memref<2560x128xi32, #tpu.memory_space<hbm>>, %arg4: memref<10240x8xf32, #tpu.memory_space<hbm>>, %arg5: memref<2x10240x8xf32, #tpu.memory_space<hbm>>, %arg6: memref<80x128xi32, #tpu.memory_space<vmem>>, %arg7: memref<128x8xf32, #tpu.memory_space<vmem>>, %arg8: memref<!tpu.dma_semaphore, #tpu.memory_space<semaphore_mem>>, %arg9: memref<10240x8xf32, #tpu.memory_space<vmem_shared>>) attributes {dimension_semantics = [#tpu.dimension_semantics<core_parallel>, #tpu.dimension_semantics<subcore_parallel>], iteration_bounds = array<i64: 2, 16>, scalar_prefetch = 0 : i64, scratch_operands = 4 : i64, tpu.core_type = #tpu.core_type<sc_vector_subcore>, window_params = [{transform_indices = #map}, {transform_indices = #map}, {transform_indices = #map}, {transform_indices = #map1}]} {
    %mul3A = arith.constant 16 : i32
    %mul3A_0 = arith.muli %arg0, %mul3A : i32
    %add3A = arith.addi %mul3A_0, %arg1 : i32
    %mul3A_1 = arith.constant 640 : i32
    %mul3A_2 = arith.muli %arg1, %mul3A_1 : i32
    %mul3A_3 = arith.constant 640 : i32
    %mul3A_4 = arith.muli %arg1, %mul3A_3 : i32
    "tpu.region"() ({
      %run_scoped3A = tpu.sem_alloc : memref<!tpu.dma_semaphore, #tpu.memory_space<semaphore_mem>>
      %dma_start3A_71 = arith.constant 0 : i32
      %dma_start3A_72 = tpu.memref_slice %arg9[%mul3A_4, %dma_start3A_71] : memref<10240x8xf32, #tpu.memory_space<vmem_shared>> -> memref<640x8xf32, #tpu.memory_space<vmem_shared>>
      %dma_start3A_73 = arith.constant 0 : i32
      %dma_start3A_74 = tpu.memref_slice %arg4[%mul3A_2, %dma_start3A_73] : memref<10240x8xf32, #tpu.memory_space<hbm>> -> memref<640x8xf32, #tpu.memory_space<hbm>>
      tpu.enqueue_dma source(%dma_start3A_74 : memref<640x8xf32, #tpu.memory_space<hbm>>) target(%dma_start3A_72 : memref<640x8xf32, #tpu.memory_space<vmem_shared>>) target_semaphore(%run_scoped3A : memref<!tpu.dma_semaphore, #tpu.memory_space<semaphore_mem>>)
      %dma_wait3A_75 = arith.constant 0 : i32
      %dma_wait3A_76 = tpu.memref_slice %arg9[%mul3A_4, %dma_wait3A_75] : memref<10240x8xf32, #tpu.memory_space<vmem_shared>> -> memref<640x8xf32, #tpu.memory_space<vmem_shared>>
      %dma_wait3A_77 = arith.constant 0 : i32
      %dma_wait3A_78 = tpu.memref_slice %arg4[%mul3A_2, %dma_wait3A_77] : memref<10240x8xf32, #tpu.memory_space<hbm>> -> memref<640x8xf32, #tpu.memory_space<hbm>>
      tpu.wait_dma2 semaphore(%run_scoped3A : memref<!tpu.dma_semaphore, #tpu.memory_space<semaphore_mem>>) src(%dma_wait3A_78 : memref<640x8xf32, #tpu.memory_space<hbm>>) dst(%dma_wait3A_76 : memref<640x8xf32, #tpu.memory_space<vmem_shared>>)
      tpu.yield
    }) : () -> ()
    "tpu.region"() ({
      %run_scoped3A = tpu.sem_alloc : memref<!tpu.dma_semaphore, #tpu.memory_space<semaphore_mem>>
      tpu.enqueue_dma source(%arg2 : memref<128x8xf32, #tpu.memory_space<hbm>>) target(%arg7 : memref<128x8xf32, #tpu.memory_space<vmem>>) target_semaphore(%run_scoped3A : memref<!tpu.dma_semaphore, #tpu.memory_space<semaphore_mem>>)
      tpu.wait_dma2 semaphore(%run_scoped3A : memref<!tpu.dma_semaphore, #tpu.memory_space<semaphore_mem>>) src(%arg2 : memref<128x8xf32, #tpu.memory_space<hbm>>) dst(%arg7 : memref<128x8xf32, #tpu.memory_space<vmem>>)
      tpu.yield
    }) : () -> ()
    %mul3A_5 = arith.constant 80 : i32
    %mul3A_6 = arith.muli %add3A, %mul3A_5 : i32
    "tpu.region"() ({
      %run_scoped3A = tpu.sem_alloc : memref<!tpu.dma_semaphore, #tpu.memory_space<semaphore_mem>>
      %dma_start3A_71 = arith.constant 0 : i32
      %dma_start3A_72 = tpu.memref_slice %arg3[%mul3A_6, %dma_start3A_71] : memref<2560x128xi32, #tpu.memory_space<hbm>> -> memref<80x128xi32, #tpu.memory_space<hbm>>
      %dma_start3A_73 = arith.constant 0 : i32
      %dma_start3A_74 = tpu.memref_slice %arg3[%mul3A_6, %dma_start3A_73] : memref<2560x128xi32, #tpu.memory_space<hbm>> -> memref<80x128xi32, #tpu.memory_space<hbm>>
      tpu.enqueue_dma source(%dma_start3A_74 : memref<80x128xi32, #tpu.memory_space<hbm>>) target(%arg6 : memref<80x128xi32, #tpu.memory_space<vmem>>) target_semaphore(%run_scoped3A : memref<!tpu.dma_semaphore, #tpu.memory_space<semaphore_mem>>)
      %dma_wait3A_75 = arith.constant 0 : i32
      %dma_wait3A_76 = tpu.memref_slice %arg3[%mul3A_6, %dma_wait3A_75] : memref<2560x128xi32, #tpu.memory_space<hbm>> -> memref<80x128xi32, #tpu.memory_space<hbm>>
      %dma_wait3A_77 = arith.constant 0 : i32
      %dma_wait3A_78 = tpu.memref_slice %arg3[%mul3A_6, %dma_wait3A_77] : memref<2560x128xi32, #tpu.memory_space<hbm>> -> memref<80x128xi32, #tpu.memory_space<hbm>>
      tpu.wait_dma2 semaphore(%run_scoped3A : memref<!tpu.dma_semaphore, #tpu.memory_space<semaphore_mem>>) src(%dma_wait3A_78 : memref<80x128xi32, #tpu.memory_space<hbm>>) dst(%arg6 : memref<80x128xi32, #tpu.memory_space<vmem>>)
      tpu.yield
    }) : () -> ()
    %barrier3A = arith.constant 0 : index
    tpu.barrier barrier_id(%barrier3A)
    %dma_start3A = arith.constant 0 : i32
    %dma_start3A_7 = arith.constant 0 : i32
    %dma_start3A_8 = tpu.memref_slice %arg6[%dma_start3A, %dma_start3A_7] : memref<80x128xi32, #tpu.memory_space<vmem>> -> memref<1x128xi32, #tpu.memory_space<vmem>>
    %dma_start3A_9 = tpu.memref_squeeze %dma_start3A_8 : memref<1x128xi32, #tpu.memory_space<vmem>> -> memref<128xi32, #tpu.memory_space<vmem>>
    %dma_start3A_10 = arith.constant 0 : i32
    %dma_start3A_11 = arith.constant 0 : i32
    %dma_start3A_12 = tpu.memref_slice %arg9[%dma_start3A_10, %dma_start3A_11] : memref<10240x8xf32, #tpu.memory_space<vmem_shared>> -> memref<10240x8xf32, #tpu.memory_space<vmem_shared>>
    tpu.enqueue_indirect_dma source(%arg7 : memref<128x8xf32, #tpu.memory_space<vmem>>) target(%dma_start3A_12 : memref<10240x8xf32, #tpu.memory_space<vmem_shared>>) offsets(%dma_start3A_9 : memref<128xi32, #tpu.memory_space<vmem>>) semaphore(%arg8 : memref<!tpu.dma_semaphore, #tpu.memory_space<semaphore_mem>>) {add = true}
    %dma_start3A_13 = arith.constant 1 : i32
    %dma_start3A_14 = arith.constant 0 : i32
    %dma_start3A_15 = tpu.memref_slice %arg6[%dma_start3A_13, %dma_start3A_14] : memref<80x128xi32, #tpu.memory_space<vmem>> -> memref<1x128xi32, #tpu.memory_space<vmem>>
    %dma_start3A_16 = tpu.memref_squeeze %dma_start3A_15 : memref<1x128xi32, #tpu.memory_space<vmem>> -> memref<128xi32, #tpu.memory_space<vmem>>
    %dma_start3A_17 = arith.constant 0 : i32
    %dma_start3A_18 = arith.constant 0 : i32
    %dma_start3A_19 = tpu.memref_slice %arg9[%dma_start3A_17, %dma_start3A_18] : memref<10240x8xf32, #tpu.memory_space<vmem_shared>> -> memref<10240x8xf32, #tpu.memory_space<vmem_shared>>
    tpu.enqueue_indirect_dma source(%arg7 : memref<128x8xf32, #tpu.memory_space<vmem>>) target(%dma_start3A_19 : memref<10240x8xf32, #tpu.memory_space<vmem_shared>>) offsets(%dma_start3A_16 : memref<128xi32, #tpu.memory_space<vmem>>) semaphore(%arg8 : memref<!tpu.dma_semaphore, #tpu.memory_space<semaphore_mem>>) {add = true}
    %dma_start3A_20 = arith.constant 2 : i32
    %dma_start3A_21 = arith.constant 0 : i32
    %dma_start3A_22 = tpu.memref_slice %arg6[%dma_start3A_20, %dma_start3A_21] : memref<80x128xi32, #tpu.memory_space<vmem>> -> memref<1x128xi32, #tpu.memory_space<vmem>>
    %dma_start3A_23 = tpu.memref_squeeze %dma_start3A_22 : memref<1x128xi32, #tpu.memory_space<vmem>> -> memref<128xi32, #tpu.memory_space<vmem>>
    %dma_start3A_24 = arith.constant 0 : i32
    %dma_start3A_25 = arith.constant 0 : i32
    %dma_start3A_26 = tpu.memref_slice %arg9[%dma_start3A_24, %dma_start3A_25] : memref<10240x8xf32, #tpu.memory_space<vmem_shared>> -> memref<10240x8xf32, #tpu.memory_space<vmem_shared>>
    tpu.enqueue_indirect_dma source(%arg7 : memref<128x8xf32, #tpu.memory_space<vmem>>) target(%dma_start3A_26 : memref<10240x8xf32, #tpu.memory_space<vmem_shared>>) offsets(%dma_start3A_23 : memref<128xi32, #tpu.memory_space<vmem>>) semaphore(%arg8 : memref<!tpu.dma_semaphore, #tpu.memory_space<semaphore_mem>>) {add = true}
    %dma_start3A_27 = arith.constant 3 : i32
    %dma_start3A_28 = arith.constant 0 : i32
    %dma_start3A_29 = tpu.memref_slice %arg6[%dma_start3A_27, %dma_start3A_28] : memref<80x128xi32, #tpu.memory_space<vmem>> -> memref<1x128xi32, #tpu.memory_space<vmem>>
    %dma_start3A_30 = tpu.memref_squeeze %dma_start3A_29 : memref<1x128xi32, #tpu.memory_space<vmem>> -> memref<128xi32, #tpu.memory_space<vmem>>
    %dma_start3A_31 = arith.constant 0 : i32
    %dma_start3A_32 = arith.constant 0 : i32
    %dma_start3A_33 = tpu.memref_slice %arg9[%dma_start3A_31, %dma_start3A_32] : memref<10240x8xf32, #tpu.memory_space<vmem_shared>> -> memref<10240x8xf32, #tpu.memory_space<vmem_shared>>
    tpu.enqueue_indirect_dma source(%arg7 : memref<128x8xf32, #tpu.memory_space<vmem>>) target(%dma_start3A_33 : memref<10240x8xf32, #tpu.memory_space<vmem_shared>>) offsets(%dma_start3A_30 : memref<128xi32, #tpu.memory_space<vmem>>) semaphore(%arg8 : memref<!tpu.dma_semaphore, #tpu.memory_space<semaphore_mem>>) {add = true}
    %scan3A = arith.constant 0 : i32
    %scan3A_34 = arith.constant 0 : i32
    %scan3A_35 = arith.constant 76 : i32
    %scan3A_36 = arith.addi %scan3A_34, %scan3A_35 : i32
    %scan3A_37 = arith.constant 1 : i32
    scf.for %scan3A_71 = %scan3A_34 to %scan3A_36 step %scan3A_37  : i32 {
      %dma_wait3A_72 = arith.constant 0 : i32
      %dma_wait3A_73 = tpu.memref_slice %arg6[%scan3A_71, %dma_wait3A_72] : memref<80x128xi32, #tpu.memory_space<vmem>> -> memref<1x128xi32, #tpu.memory_space<vmem>>
      %dma_wait3A_74 = tpu.memref_squeeze %dma_wait3A_73 : memref<1x128xi32, #tpu.memory_space<vmem>> -> memref<128xi32, #tpu.memory_space<vmem>>
      %dma_wait3A_75 = arith.constant 0 : i32
      %dma_wait3A_76 = arith.constant 0 : i32
      %dma_wait3A_77 = tpu.memref_slice %arg9[%dma_wait3A_75, %dma_wait3A_76] : memref<10240x8xf32, #tpu.memory_space<vmem_shared>> -> memref<10240x8xf32, #tpu.memory_space<vmem_shared>>
      tpu.wait_indirect_dma semaphore(%arg8 : memref<!tpu.dma_semaphore, #tpu.memory_space<semaphore_mem>>) src(%arg7 : memref<128x8xf32, #tpu.memory_space<vmem>>) dst(%dma_wait3A_77 : memref<10240x8xf32, #tpu.memory_space<vmem_shared>>)
      %add3A_78 = arith.constant 4 : i32
      %add3A_79 = arith.addi %scan3A_71, %add3A_78 : i32
      %dma_start3A_80 = arith.constant 0 : i32
      %dma_start3A_81 = tpu.memref_slice %arg6[%add3A_79, %dma_start3A_80] : memref<80x128xi32, #tpu.memory_space<vmem>> -> memref<1x128xi32, #tpu.memory_space<vmem>>
      %dma_start3A_82 = tpu.memref_squeeze %dma_start3A_81 : memref<1x128xi32, #tpu.memory_space<vmem>> -> memref<128xi32, #tpu.memory_space<vmem>>
      %dma_start3A_83 = arith.constant 0 : i32
      %dma_start3A_84 = arith.constant 0 : i32
      %dma_start3A_85 = tpu.memref_slice %arg9[%dma_start3A_83, %dma_start3A_84] : memref<10240x8xf32, #tpu.memory_space<vmem_shared>> -> memref<10240x8xf32, #tpu.memory_space<vmem_shared>>
      tpu.enqueue_indirect_dma source(%arg7 : memref<128x8xf32, #tpu.memory_space<vmem>>) target(%dma_start3A_85 : memref<10240x8xf32, #tpu.memory_space<vmem_shared>>) offsets(%dma_start3A_82 : memref<128xi32, #tpu.memory_space<vmem>>) semaphore(%arg8 : memref<!tpu.dma_semaphore, #tpu.memory_space<semaphore_mem>>) {add = true}
    }
    %scan3A_38 = arith.constant 76 : i32
    %dma_wait3A = arith.constant 76 : i32
    %dma_wait3A_39 = arith.constant 0 : i32
    %dma_wait3A_40 = tpu.memref_slice %arg6[%dma_wait3A, %dma_wait3A_39] : memref<80x128xi32, #tpu.memory_space<vmem>> -> memref<1x128xi32, #tpu.memory_space<vmem>>
    %dma_wait3A_41 = tpu.memref_squeeze %dma_wait3A_40 : memref<1x128xi32, #tpu.memory_space<vmem>> -> memref<128xi32, #tpu.memory_space<vmem>>
    %dma_wait3A_42 = arith.constant 0 : i32
    %dma_wait3A_43 = arith.constant 0 : i32
    %dma_wait3A_44 = tpu.memref_slice %arg9[%dma_wait3A_42, %dma_wait3A_43] : memref<10240x8xf32, #tpu.memory_space<vmem_shared>> -> memref<10240x8xf32, #tpu.memory_space<vmem_shared>>
    tpu.wait_indirect_dma semaphore(%arg8 : memref<!tpu.dma_semaphore, #tpu.memory_space<semaphore_mem>>) src(%arg7 : memref<128x8xf32, #tpu.memory_space<vmem>>) dst(%dma_wait3A_44 : memref<10240x8xf32, #tpu.memory_space<vmem_shared>>)
    %dma_wait3A_45 = arith.constant 77 : i32
    %dma_wait3A_46 = arith.constant 0 : i32
    %dma_wait3A_47 = tpu.memref_slice %arg6[%dma_wait3A_45, %dma_wait3A_46] : memref<80x128xi32, #tpu.memory_space<vmem>> -> memref<1x128xi32, #tpu.memory_space<vmem>>
    %dma_wait3A_48 = tpu.memref_squeeze %dma_wait3A_47 : memref<1x128xi32, #tpu.memory_space<vmem>> -> memref<128xi32, #tpu.memory_space<vmem>>
    %dma_wait3A_49 = arith.constant 0 : i32
    %dma_wait3A_50 = arith.constant 0 : i32
    %dma_wait3A_51 = tpu.memref_slice %arg9[%dma_wait3A_49, %dma_wait3A_50] : memref<10240x8xf32, #tpu.memory_space<vmem_shared>> -> memref<10240x8xf32, #tpu.memory_space<vmem_shared>>
    tpu.wait_indirect_dma semaphore(%arg8 : memref<!tpu.dma_semaphore, #tpu.memory_space<semaphore_mem>>) src(%arg7 : memref<128x8xf32, #tpu.memory_space<vmem>>) dst(%dma_wait3A_51 : memref<10240x8xf32, #tpu.memory_space<vmem_shared>>)
    %dma_wait3A_52 = arith.constant 78 : i32
    %dma_wait3A_53 = arith.constant 0 : i32
    %dma_wait3A_54 = tpu.memref_slice %arg6[%dma_wait3A_52, %dma_wait3A_53] : memref<80x128xi32, #tpu.memory_space<vmem>> -> memref<1x128xi32, #tpu.memory_space<vmem>>
    %dma_wait3A_55 = tpu.memref_squeeze %dma_wait3A_54 : memref<1x128xi32, #tpu.memory_space<vmem>> -> memref<128xi32, #tpu.memory_space<vmem>>
    %dma_wait3A_56 = arith.constant 0 : i32
    %dma_wait3A_57 = arith.constant 0 : i32
    %dma_wait3A_58 = tpu.memref_slice %arg9[%dma_wait3A_56, %dma_wait3A_57] : memref<10240x8xf32, #tpu.memory_space<vmem_shared>> -> memref<10240x8xf32, #tpu.memory_space<vmem_shared>>
    tpu.wait_indirect_dma semaphore(%arg8 : memref<!tpu.dma_semaphore, #tpu.memory_space<semaphore_mem>>) src(%arg7 : memref<128x8xf32, #tpu.memory_space<vmem>>) dst(%dma_wait3A_58 : memref<10240x8xf32, #tpu.memory_space<vmem_shared>>)
    %dma_wait3A_59 = arith.constant 79 : i32
    %dma_wait3A_60 = arith.constant 0 : i32
    %dma_wait3A_61 = tpu.memref_slice %arg6[%dma_wait3A_59, %dma_wait3A_60] : memref<80x128xi32, #tpu.memory_space<vmem>> -> memref<1x128xi32, #tpu.memory_space<vmem>>
    %dma_wait3A_62 = tpu.memref_squeeze %dma_wait3A_61 : memref<1x128xi32, #tpu.memory_space<vmem>> -> memref<128xi32, #tpu.memory_space<vmem>>
    %dma_wait3A_63 = arith.constant 0 : i32
    %dma_wait3A_64 = arith.constant 0 : i32
    %dma_wait3A_65 = tpu.memref_slice %arg9[%dma_wait3A_63, %dma_wait3A_64] : memref<10240x8xf32, #tpu.memory_space<vmem_shared>> -> memref<10240x8xf32, #tpu.memory_space<vmem_shared>>
    tpu.wait_indirect_dma semaphore(%arg8 : memref<!tpu.dma_semaphore, #tpu.memory_space<semaphore_mem>>) src(%arg7 : memref<128x8xf32, #tpu.memory_space<vmem>>) dst(%dma_wait3A_65 : memref<10240x8xf32, #tpu.memory_space<vmem_shared>>)
    %barrier3A_66 = arith.constant 0 : index
    tpu.barrier barrier_id(%barrier3A_66)
    %mul3A_67 = arith.constant 640 : i32
    %mul3A_68 = arith.muli %arg1, %mul3A_67 : i32
    %mul3A_69 = arith.constant 640 : i32
    %mul3A_70 = arith.muli %arg1, %mul3A_69 : i32
    "tpu.region"() ({
      %run_scoped3A = tpu.sem_alloc : memref<!tpu.dma_semaphore, #tpu.memory_space<semaphore_mem>>
      %dma_start3A_71 = arith.constant 0 : i32
      %dma_start3A_72 = tpu.memref_slice %arg5[%arg0, %mul3A_70, %dma_start3A_71] : memref<2x10240x8xf32, #tpu.memory_space<hbm>> -> memref<1x640x8xf32, #tpu.memory_space<hbm>>
      %dma_start3A_73 = tpu.memref_squeeze %dma_start3A_72 : memref<1x640x8xf32, #tpu.memory_space<hbm>> -> memref<640x8xf32, #tpu.memory_space<hbm>>
      %dma_start3A_74 = arith.constant 0 : i32
      %dma_start3A_75 = tpu.memref_slice %arg9[%mul3A_68, %dma_start3A_74] : memref<10240x8xf32, #tpu.memory_space<vmem_shared>> -> memref<640x8xf32, #tpu.memory_space<vmem_shared>>
      tpu.enqueue_dma source(%dma_start3A_75 : memref<640x8xf32, #tpu.memory_space<vmem_shared>>) target(%dma_start3A_73 : memref<640x8xf32, #tpu.memory_space<hbm>>) target_semaphore(%run_scoped3A : memref<!tpu.dma_semaphore, #tpu.memory_space<semaphore_mem>>)
      %dma_wait3A_76 = arith.constant 0 : i32
      %dma_wait3A_77 = tpu.memref_slice %arg5[%arg0, %mul3A_70, %dma_wait3A_76] : memref<2x10240x8xf32, #tpu.memory_space<hbm>> -> memref<1x640x8xf32, #tpu.memory_space<hbm>>
      %dma_wait3A_78 = tpu.memref_squeeze %dma_wait3A_77 : memref<1x640x8xf32, #tpu.memory_space<hbm>> -> memref<640x8xf32, #tpu.memory_space<hbm>>
      %dma_wait3A_79 = arith.constant 0 : i32
      %dma_wait3A_80 = tpu.memref_slice %arg9[%mul3A_68, %dma_wait3A_79] : memref<10240x8xf32, #tpu.memory_space<vmem_shared>> -> memref<640x8xf32, #tpu.memory_space<vmem_shared>>
      tpu.wait_dma2 semaphore(%run_scoped3A : memref<!tpu.dma_semaphore, #tpu.memory_space<semaphore_mem>>) src(%dma_wait3A_80 : memref<640x8xf32, #tpu.memory_space<vmem_shared>>) dst(%dma_wait3A_78 : memref<640x8xf32, #tpu.memory_space<hbm>>)
      tpu.yield
    }) : () -> ()
    return
  }
}

#map = affine_map<(d0, d1) -> (0, 0)>
#map1 = affine_map<(d0, d1) -> (0, 0, 0)>
module attributes {stable_mosaic.version = 14 : i64} {
  func.func @_hop_body(%arg0: i32, %arg1: i32, %arg2: memref<10240x8xf32, #tpu.memory_space<hbm>>, %arg3: memref<2560x128xi32, #tpu.memory_space<hbm>>, %arg4: memref<2560x128xi32, #tpu.memory_space<hbm>>, %arg5: memref<10240x8xf32, #tpu.memory_space<hbm>>, %arg6: memref<2x10240x8xf32, #tpu.memory_space<hbm>>, %arg7: memref<80x128xi32, #tpu.memory_space<vmem>>, %arg8: memref<80x128xi32, #tpu.memory_space<vmem>>, %arg9: memref<4x128x8xf32, #tpu.memory_space<vmem>>, %arg10: memref<!tpu.dma_semaphore, #tpu.memory_space<semaphore_mem>>, %arg11: memref<!tpu.dma_semaphore, #tpu.memory_space<semaphore_mem>>, %arg12: memref<!tpu.dma_semaphore, #tpu.memory_space<semaphore_mem>>, %arg13: memref<!tpu.dma_semaphore, #tpu.memory_space<semaphore_mem>>, %arg14: memref<!tpu.dma_semaphore, #tpu.memory_space<semaphore_mem>>, %arg15: memref<!tpu.dma_semaphore, #tpu.memory_space<semaphore_mem>>, %arg16: memref<!tpu.dma_semaphore, #tpu.memory_space<semaphore_mem>>, %arg17: memref<!tpu.dma_semaphore, #tpu.memory_space<semaphore_mem>>, %arg18: memref<10240x8xf32, #tpu.memory_space<vmem_shared>>, %arg19: memref<10240x8xf32, #tpu.memory_space<vmem_shared>>) attributes {dimension_semantics = [#tpu.dimension_semantics<core_parallel>, #tpu.dimension_semantics<subcore_parallel>], iteration_bounds = array<i64: 2, 16>, scalar_prefetch = 0 : i64, scratch_operands = 13 : i64, tpu.core_type = #tpu.core_type<sc_vector_subcore>, window_params = [{transform_indices = #map}, {transform_indices = #map}, {transform_indices = #map}, {transform_indices = #map}, {transform_indices = #map1}]} {
    %mul3A = arith.constant 16 : i32
    %mul3A_0 = arith.muli %arg0, %mul3A : i32
    %add3A = arith.addi %mul3A_0, %arg1 : i32
    %mul3A_1 = arith.constant 640 : i32
    %mul3A_2 = arith.muli %arg1, %mul3A_1 : i32
    %mul3A_3 = arith.constant 640 : i32
    %mul3A_4 = arith.muli %arg1, %mul3A_3 : i32
    "tpu.region"() ({
      %run_scoped3A = tpu.sem_alloc : memref<!tpu.dma_semaphore, #tpu.memory_space<semaphore_mem>>
      %dma_start3A_213 = arith.constant 0 : i32
      %dma_start3A_214 = tpu.memref_slice %arg19[%mul3A_4, %dma_start3A_213] : memref<10240x8xf32, #tpu.memory_space<vmem_shared>> -> memref<640x8xf32, #tpu.memory_space<vmem_shared>>
      %dma_start3A_215 = arith.constant 0 : i32
      %dma_start3A_216 = tpu.memref_slice %arg2[%mul3A_2, %dma_start3A_215] : memref<10240x8xf32, #tpu.memory_space<hbm>> -> memref<640x8xf32, #tpu.memory_space<hbm>>
      tpu.enqueue_dma source(%dma_start3A_216 : memref<640x8xf32, #tpu.memory_space<hbm>>) target(%dma_start3A_214 : memref<640x8xf32, #tpu.memory_space<vmem_shared>>) target_semaphore(%run_scoped3A : memref<!tpu.dma_semaphore, #tpu.memory_space<semaphore_mem>>)
      %dma_wait3A_217 = arith.constant 0 : i32
      %dma_wait3A_218 = tpu.memref_slice %arg19[%mul3A_4, %dma_wait3A_217] : memref<10240x8xf32, #tpu.memory_space<vmem_shared>> -> memref<640x8xf32, #tpu.memory_space<vmem_shared>>
      %dma_wait3A_219 = arith.constant 0 : i32
      %dma_wait3A_220 = tpu.memref_slice %arg2[%mul3A_2, %dma_wait3A_219] : memref<10240x8xf32, #tpu.memory_space<hbm>> -> memref<640x8xf32, #tpu.memory_space<hbm>>
      tpu.wait_dma2 semaphore(%run_scoped3A : memref<!tpu.dma_semaphore, #tpu.memory_space<semaphore_mem>>) src(%dma_wait3A_220 : memref<640x8xf32, #tpu.memory_space<hbm>>) dst(%dma_wait3A_218 : memref<640x8xf32, #tpu.memory_space<vmem_shared>>)
      tpu.yield
    }) : () -> ()
    %mul3A_5 = arith.constant 640 : i32
    %mul3A_6 = arith.muli %arg1, %mul3A_5 : i32
    %mul3A_7 = arith.constant 640 : i32
    %mul3A_8 = arith.muli %arg1, %mul3A_7 : i32
    "tpu.region"() ({
      %run_scoped3A = tpu.sem_alloc : memref<!tpu.dma_semaphore, #tpu.memory_space<semaphore_mem>>
      %dma_start3A_213 = arith.constant 0 : i32
      %dma_start3A_214 = tpu.memref_slice %arg18[%mul3A_8, %dma_start3A_213] : memref<10240x8xf32, #tpu.memory_space<vmem_shared>> -> memref<640x8xf32, #tpu.memory_space<vmem_shared>>
      %dma_start3A_215 = arith.constant 0 : i32
      %dma_start3A_216 = tpu.memref_slice %arg5[%mul3A_6, %dma_start3A_215] : memref<10240x8xf32, #tpu.memory_space<hbm>> -> memref<640x8xf32, #tpu.memory_space<hbm>>
      tpu.enqueue_dma source(%dma_start3A_216 : memref<640x8xf32, #tpu.memory_space<hbm>>) target(%dma_start3A_214 : memref<640x8xf32, #tpu.memory_space<vmem_shared>>) target_semaphore(%run_scoped3A : memref<!tpu.dma_semaphore, #tpu.memory_space<semaphore_mem>>)
      %dma_wait3A_217 = arith.constant 0 : i32
      %dma_wait3A_218 = tpu.memref_slice %arg18[%mul3A_8, %dma_wait3A_217] : memref<10240x8xf32, #tpu.memory_space<vmem_shared>> -> memref<640x8xf32, #tpu.memory_space<vmem_shared>>
      %dma_wait3A_219 = arith.constant 0 : i32
      %dma_wait3A_220 = tpu.memref_slice %arg5[%mul3A_6, %dma_wait3A_219] : memref<10240x8xf32, #tpu.memory_space<hbm>> -> memref<640x8xf32, #tpu.memory_space<hbm>>
      tpu.wait_dma2 semaphore(%run_scoped3A : memref<!tpu.dma_semaphore, #tpu.memory_space<semaphore_mem>>) src(%dma_wait3A_220 : memref<640x8xf32, #tpu.memory_space<hbm>>) dst(%dma_wait3A_218 : memref<640x8xf32, #tpu.memory_space<vmem_shared>>)
      tpu.yield
    }) : () -> ()
    %mul3A_9 = arith.constant 80 : i32
    %mul3A_10 = arith.muli %add3A, %mul3A_9 : i32
    "tpu.region"() ({
      %run_scoped3A = tpu.sem_alloc : memref<!tpu.dma_semaphore, #tpu.memory_space<semaphore_mem>>
      %dma_start3A_213 = arith.constant 0 : i32
      %dma_start3A_214 = tpu.memref_slice %arg3[%mul3A_10, %dma_start3A_213] : memref<2560x128xi32, #tpu.memory_space<hbm>> -> memref<80x128xi32, #tpu.memory_space<hbm>>
      %dma_start3A_215 = arith.constant 0 : i32
      %dma_start3A_216 = tpu.memref_slice %arg3[%mul3A_10, %dma_start3A_215] : memref<2560x128xi32, #tpu.memory_space<hbm>> -> memref<80x128xi32, #tpu.memory_space<hbm>>
      tpu.enqueue_dma source(%dma_start3A_216 : memref<80x128xi32, #tpu.memory_space<hbm>>) target(%arg7 : memref<80x128xi32, #tpu.memory_space<vmem>>) target_semaphore(%run_scoped3A : memref<!tpu.dma_semaphore, #tpu.memory_space<semaphore_mem>>)
      %dma_wait3A_217 = arith.constant 0 : i32
      %dma_wait3A_218 = tpu.memref_slice %arg3[%mul3A_10, %dma_wait3A_217] : memref<2560x128xi32, #tpu.memory_space<hbm>> -> memref<80x128xi32, #tpu.memory_space<hbm>>
      %dma_wait3A_219 = arith.constant 0 : i32
      %dma_wait3A_220 = tpu.memref_slice %arg3[%mul3A_10, %dma_wait3A_219] : memref<2560x128xi32, #tpu.memory_space<hbm>> -> memref<80x128xi32, #tpu.memory_space<hbm>>
      tpu.wait_dma2 semaphore(%run_scoped3A : memref<!tpu.dma_semaphore, #tpu.memory_space<semaphore_mem>>) src(%dma_wait3A_220 : memref<80x128xi32, #tpu.memory_space<hbm>>) dst(%arg7 : memref<80x128xi32, #tpu.memory_space<vmem>>)
      tpu.yield
    }) : () -> ()
    %mul3A_11 = arith.constant 80 : i32
    %mul3A_12 = arith.muli %add3A, %mul3A_11 : i32
    "tpu.region"() ({
      %run_scoped3A = tpu.sem_alloc : memref<!tpu.dma_semaphore, #tpu.memory_space<semaphore_mem>>
      %dma_start3A_213 = arith.constant 0 : i32
      %dma_start3A_214 = tpu.memref_slice %arg4[%mul3A_12, %dma_start3A_213] : memref<2560x128xi32, #tpu.memory_space<hbm>> -> memref<80x128xi32, #tpu.memory_space<hbm>>
      %dma_start3A_215 = arith.constant 0 : i32
      %dma_start3A_216 = tpu.memref_slice %arg4[%mul3A_12, %dma_start3A_215] : memref<2560x128xi32, #tpu.memory_space<hbm>> -> memref<80x128xi32, #tpu.memory_space<hbm>>
      tpu.enqueue_dma source(%dma_start3A_216 : memref<80x128xi32, #tpu.memory_space<hbm>>) target(%arg8 : memref<80x128xi32, #tpu.memory_space<vmem>>) target_semaphore(%run_scoped3A : memref<!tpu.dma_semaphore, #tpu.memory_space<semaphore_mem>>)
      %dma_wait3A_217 = arith.constant 0 : i32
      %dma_wait3A_218 = tpu.memref_slice %arg4[%mul3A_12, %dma_wait3A_217] : memref<2560x128xi32, #tpu.memory_space<hbm>> -> memref<80x128xi32, #tpu.memory_space<hbm>>
      %dma_wait3A_219 = arith.constant 0 : i32
      %dma_wait3A_220 = tpu.memref_slice %arg4[%mul3A_12, %dma_wait3A_219] : memref<2560x128xi32, #tpu.memory_space<hbm>> -> memref<80x128xi32, #tpu.memory_space<hbm>>
      tpu.wait_dma2 semaphore(%run_scoped3A : memref<!tpu.dma_semaphore, #tpu.memory_space<semaphore_mem>>) src(%dma_wait3A_220 : memref<80x128xi32, #tpu.memory_space<hbm>>) dst(%arg8 : memref<80x128xi32, #tpu.memory_space<vmem>>)
      tpu.yield
    }) : () -> ()
    %barrier3A = arith.constant 0 : index
    tpu.barrier barrier_id(%barrier3A)
    %dma_start3A = arith.constant 0 : i32
    %dma_start3A_13 = arith.constant 0 : i32
    %dma_start3A_14 = arith.constant 0 : i32
    %dma_start3A_15 = arith.constant 0 : i32
    %dma_start3A_16 = tpu.memref_slice %arg9[%dma_start3A_13, %dma_start3A_14, %dma_start3A_15] : memref<4x128x8xf32, #tpu.memory_space<vmem>> -> memref<1x128x8xf32, #tpu.memory_space<vmem>>
    %dma_start3A_17 = tpu.memref_squeeze %dma_start3A_16 : memref<1x128x8xf32, #tpu.memory_space<vmem>> -> memref<128x8xf32, #tpu.memory_space<vmem>>
    %dma_start3A_18 = arith.constant 0 : i32
    %dma_start3A_19 = tpu.memref_slice %arg7[%dma_start3A, %dma_start3A_18] : memref<80x128xi32, #tpu.memory_space<vmem>> -> memref<1x128xi32, #tpu.memory_space<vmem>>
    %dma_start3A_20 = tpu.memref_squeeze %dma_start3A_19 : memref<1x128xi32, #tpu.memory_space<vmem>> -> memref<128xi32, #tpu.memory_space<vmem>>
    %dma_start3A_21 = arith.constant 0 : i32
    %dma_start3A_22 = arith.constant 0 : i32
    %dma_start3A_23 = tpu.memref_slice %arg19[%dma_start3A_21, %dma_start3A_22] : memref<10240x8xf32, #tpu.memory_space<vmem_shared>> -> memref<10240x8xf32, #tpu.memory_space<vmem_shared>>
    tpu.enqueue_indirect_dma source(%dma_start3A_23 : memref<10240x8xf32, #tpu.memory_space<vmem_shared>>) target(%dma_start3A_17 : memref<128x8xf32, #tpu.memory_space<vmem>>) offsets(%dma_start3A_20 : memref<128xi32, #tpu.memory_space<vmem>>) semaphore(%arg10 : memref<!tpu.dma_semaphore, #tpu.memory_space<semaphore_mem>>)
    %dma_start3A_24 = arith.constant 1 : i32
    %dma_start3A_25 = arith.constant 1 : i32
    %dma_start3A_26 = arith.constant 0 : i32
    %dma_start3A_27 = arith.constant 0 : i32
    %dma_start3A_28 = tpu.memref_slice %arg9[%dma_start3A_25, %dma_start3A_26, %dma_start3A_27] : memref<4x128x8xf32, #tpu.memory_space<vmem>> -> memref<1x128x8xf32, #tpu.memory_space<vmem>>
    %dma_start3A_29 = tpu.memref_squeeze %dma_start3A_28 : memref<1x128x8xf32, #tpu.memory_space<vmem>> -> memref<128x8xf32, #tpu.memory_space<vmem>>
    %dma_start3A_30 = arith.constant 0 : i32
    %dma_start3A_31 = tpu.memref_slice %arg7[%dma_start3A_24, %dma_start3A_30] : memref<80x128xi32, #tpu.memory_space<vmem>> -> memref<1x128xi32, #tpu.memory_space<vmem>>
    %dma_start3A_32 = tpu.memref_squeeze %dma_start3A_31 : memref<1x128xi32, #tpu.memory_space<vmem>> -> memref<128xi32, #tpu.memory_space<vmem>>
    %dma_start3A_33 = arith.constant 0 : i32
    %dma_start3A_34 = arith.constant 0 : i32
    %dma_start3A_35 = tpu.memref_slice %arg19[%dma_start3A_33, %dma_start3A_34] : memref<10240x8xf32, #tpu.memory_space<vmem_shared>> -> memref<10240x8xf32, #tpu.memory_space<vmem_shared>>
    tpu.enqueue_indirect_dma source(%dma_start3A_35 : memref<10240x8xf32, #tpu.memory_space<vmem_shared>>) target(%dma_start3A_29 : memref<128x8xf32, #tpu.memory_space<vmem>>) offsets(%dma_start3A_32 : memref<128xi32, #tpu.memory_space<vmem>>) semaphore(%arg11 : memref<!tpu.dma_semaphore, #tpu.memory_space<semaphore_mem>>)
    %dma_start3A_36 = arith.constant 2 : i32
    %dma_start3A_37 = arith.constant 2 : i32
    %dma_start3A_38 = arith.constant 0 : i32
    %dma_start3A_39 = arith.constant 0 : i32
    %dma_start3A_40 = tpu.memref_slice %arg9[%dma_start3A_37, %dma_start3A_38, %dma_start3A_39] : memref<4x128x8xf32, #tpu.memory_space<vmem>> -> memref<1x128x8xf32, #tpu.memory_space<vmem>>
    %dma_start3A_41 = tpu.memref_squeeze %dma_start3A_40 : memref<1x128x8xf32, #tpu.memory_space<vmem>> -> memref<128x8xf32, #tpu.memory_space<vmem>>
    %dma_start3A_42 = arith.constant 0 : i32
    %dma_start3A_43 = tpu.memref_slice %arg7[%dma_start3A_36, %dma_start3A_42] : memref<80x128xi32, #tpu.memory_space<vmem>> -> memref<1x128xi32, #tpu.memory_space<vmem>>
    %dma_start3A_44 = tpu.memref_squeeze %dma_start3A_43 : memref<1x128xi32, #tpu.memory_space<vmem>> -> memref<128xi32, #tpu.memory_space<vmem>>
    %dma_start3A_45 = arith.constant 0 : i32
    %dma_start3A_46 = arith.constant 0 : i32
    %dma_start3A_47 = tpu.memref_slice %arg19[%dma_start3A_45, %dma_start3A_46] : memref<10240x8xf32, #tpu.memory_space<vmem_shared>> -> memref<10240x8xf32, #tpu.memory_space<vmem_shared>>
    tpu.enqueue_indirect_dma source(%dma_start3A_47 : memref<10240x8xf32, #tpu.memory_space<vmem_shared>>) target(%dma_start3A_41 : memref<128x8xf32, #tpu.memory_space<vmem>>) offsets(%dma_start3A_44 : memref<128xi32, #tpu.memory_space<vmem>>) semaphore(%arg12 : memref<!tpu.dma_semaphore, #tpu.memory_space<semaphore_mem>>)
    %dma_start3A_48 = arith.constant 3 : i32
    %dma_start3A_49 = arith.constant 3 : i32
    %dma_start3A_50 = arith.constant 0 : i32
    %dma_start3A_51 = arith.constant 0 : i32
    %dma_start3A_52 = tpu.memref_slice %arg9[%dma_start3A_49, %dma_start3A_50, %dma_start3A_51] : memref<4x128x8xf32, #tpu.memory_space<vmem>> -> memref<1x128x8xf32, #tpu.memory_space<vmem>>
    %dma_start3A_53 = tpu.memref_squeeze %dma_start3A_52 : memref<1x128x8xf32, #tpu.memory_space<vmem>> -> memref<128x8xf32, #tpu.memory_space<vmem>>
    %dma_start3A_54 = arith.constant 0 : i32
    %dma_start3A_55 = tpu.memref_slice %arg7[%dma_start3A_48, %dma_start3A_54] : memref<80x128xi32, #tpu.memory_space<vmem>> -> memref<1x128xi32, #tpu.memory_space<vmem>>
    %dma_start3A_56 = tpu.memref_squeeze %dma_start3A_55 : memref<1x128xi32, #tpu.memory_space<vmem>> -> memref<128xi32, #tpu.memory_space<vmem>>
    %dma_start3A_57 = arith.constant 0 : i32
    %dma_start3A_58 = arith.constant 0 : i32
    %dma_start3A_59 = tpu.memref_slice %arg19[%dma_start3A_57, %dma_start3A_58] : memref<10240x8xf32, #tpu.memory_space<vmem_shared>> -> memref<10240x8xf32, #tpu.memory_space<vmem_shared>>
    tpu.enqueue_indirect_dma source(%dma_start3A_59 : memref<10240x8xf32, #tpu.memory_space<vmem_shared>>) target(%dma_start3A_53 : memref<128x8xf32, #tpu.memory_space<vmem>>) offsets(%dma_start3A_56 : memref<128xi32, #tpu.memory_space<vmem>>) semaphore(%arg13 : memref<!tpu.dma_semaphore, #tpu.memory_space<semaphore_mem>>)
    %scan3A = arith.constant 0 : i32
    %scan3A_60 = arith.constant 0 : i32
    %scan3A_61 = arith.constant 19 : i32
    %scan3A_62 = arith.addi %scan3A_60, %scan3A_61 : i32
    %scan3A_63 = arith.constant 1 : i32
    scf.for %scan3A_213 = %scan3A_60 to %scan3A_62 step %scan3A_63  : i32 {
      %mul3A_214 = arith.constant 4 : i32
      %mul3A_215 = arith.muli %scan3A_213, %mul3A_214 : i32
      %add3A_216 = arith.constant 0 : i32
      %add3A_217 = arith.addi %mul3A_215, %add3A_216 : i32
      %dma_wait3A_218 = arith.constant 0 : i32
      %dma_wait3A_219 = arith.constant 0 : i32
      %dma_wait3A_220 = arith.constant 0 : i32
      %dma_wait3A_221 = tpu.memref_slice %arg9[%dma_wait3A_218, %dma_wait3A_219, %dma_wait3A_220] : memref<4x128x8xf32, #tpu.memory_space<vmem>> -> memref<1x128x8xf32, #tpu.memory_space<vmem>>
      %dma_wait3A_222 = tpu.memref_squeeze %dma_wait3A_221 : memref<1x128x8xf32, #tpu.memory_space<vmem>> -> memref<128x8xf32, #tpu.memory_space<vmem>>
      %dma_wait3A_223 = arith.constant 0 : i32
      %dma_wait3A_224 = tpu.memref_slice %arg7[%add3A_217, %dma_wait3A_223] : memref<80x128xi32, #tpu.memory_space<vmem>> -> memref<1x128xi32, #tpu.memory_space<vmem>>
      %dma_wait3A_225 = tpu.memref_squeeze %dma_wait3A_224 : memref<1x128xi32, #tpu.memory_space<vmem>> -> memref<128xi32, #tpu.memory_space<vmem>>
      %dma_wait3A_226 = arith.constant 0 : i32
      %dma_wait3A_227 = arith.constant 0 : i32
      %dma_wait3A_228 = tpu.memref_slice %arg19[%dma_wait3A_226, %dma_wait3A_227] : memref<10240x8xf32, #tpu.memory_space<vmem_shared>> -> memref<10240x8xf32, #tpu.memory_space<vmem_shared>>
      tpu.wait_indirect_dma semaphore(%arg10 : memref<!tpu.dma_semaphore, #tpu.memory_space<semaphore_mem>>) src(%dma_wait3A_228 : memref<10240x8xf32, #tpu.memory_space<vmem_shared>>) dst(%dma_wait3A_222 : memref<128x8xf32, #tpu.memory_space<vmem>>)
      %add3A_229 = arith.constant 0 : i32
      %add3A_230 = arith.addi %mul3A_215, %add3A_229 : i32
      %dma_start3A_231 = arith.constant 0 : i32
      %dma_start3A_232 = arith.constant 0 : i32
      %dma_start3A_233 = arith.constant 0 : i32
      %dma_start3A_234 = tpu.memref_slice %arg9[%dma_start3A_231, %dma_start3A_232, %dma_start3A_233] : memref<4x128x8xf32, #tpu.memory_space<vmem>> -> memref<1x128x8xf32, #tpu.memory_space<vmem>>
      %dma_start3A_235 = tpu.memref_squeeze %dma_start3A_234 : memref<1x128x8xf32, #tpu.memory_space<vmem>> -> memref<128x8xf32, #tpu.memory_space<vmem>>
      %dma_start3A_236 = arith.constant 0 : i32
      %dma_start3A_237 = tpu.memref_slice %arg8[%add3A_230, %dma_start3A_236] : memref<80x128xi32, #tpu.memory_space<vmem>> -> memref<1x128xi32, #tpu.memory_space<vmem>>
      %dma_start3A_238 = tpu.memref_squeeze %dma_start3A_237 : memref<1x128xi32, #tpu.memory_space<vmem>> -> memref<128xi32, #tpu.memory_space<vmem>>
      %dma_start3A_239 = arith.constant 0 : i32
      %dma_start3A_240 = arith.constant 0 : i32
      %dma_start3A_241 = tpu.memref_slice %arg18[%dma_start3A_239, %dma_start3A_240] : memref<10240x8xf32, #tpu.memory_space<vmem_shared>> -> memref<10240x8xf32, #tpu.memory_space<vmem_shared>>
      tpu.enqueue_indirect_dma source(%dma_start3A_235 : memref<128x8xf32, #tpu.memory_space<vmem>>) target(%dma_start3A_241 : memref<10240x8xf32, #tpu.memory_space<vmem_shared>>) offsets(%dma_start3A_238 : memref<128xi32, #tpu.memory_space<vmem>>) semaphore(%arg14 : memref<!tpu.dma_semaphore, #tpu.memory_space<semaphore_mem>>) {add = true}
      %add3A_242 = arith.constant 1 : i32
      %add3A_243 = arith.addi %mul3A_215, %add3A_242 : i32
      %dma_wait3A_244 = arith.constant 1 : i32
      %dma_wait3A_245 = arith.constant 0 : i32
      %dma_wait3A_246 = arith.constant 0 : i32
      %dma_wait3A_247 = tpu.memref_slice %arg9[%dma_wait3A_244, %dma_wait3A_245, %dma_wait3A_246] : memref<4x128x8xf32, #tpu.memory_space<vmem>> -> memref<1x128x8xf32, #tpu.memory_space<vmem>>
      %dma_wait3A_248 = tpu.memref_squeeze %dma_wait3A_247 : memref<1x128x8xf32, #tpu.memory_space<vmem>> -> memref<128x8xf32, #tpu.memory_space<vmem>>
      %dma_wait3A_249 = arith.constant 0 : i32
      %dma_wait3A_250 = tpu.memref_slice %arg7[%add3A_243, %dma_wait3A_249] : memref<80x128xi32, #tpu.memory_space<vmem>> -> memref<1x128xi32, #tpu.memory_space<vmem>>
      %dma_wait3A_251 = tpu.memref_squeeze %dma_wait3A_250 : memref<1x128xi32, #tpu.memory_space<vmem>> -> memref<128xi32, #tpu.memory_space<vmem>>
      %dma_wait3A_252 = arith.constant 0 : i32
      %dma_wait3A_253 = arith.constant 0 : i32
      %dma_wait3A_254 = tpu.memref_slice %arg19[%dma_wait3A_252, %dma_wait3A_253] : memref<10240x8xf32, #tpu.memory_space<vmem_shared>> -> memref<10240x8xf32, #tpu.memory_space<vmem_shared>>
      tpu.wait_indirect_dma semaphore(%arg11 : memref<!tpu.dma_semaphore, #tpu.memory_space<semaphore_mem>>) src(%dma_wait3A_254 : memref<10240x8xf32, #tpu.memory_space<vmem_shared>>) dst(%dma_wait3A_248 : memref<128x8xf32, #tpu.memory_space<vmem>>)
      %add3A_255 = arith.constant 1 : i32
      %add3A_256 = arith.addi %mul3A_215, %add3A_255 : i32
      %dma_start3A_257 = arith.constant 1 : i32
      %dma_start3A_258 = arith.constant 0 : i32
      %dma_start3A_259 = arith.constant 0 : i32
      %dma_start3A_260 = tpu.memref_slice %arg9[%dma_start3A_257, %dma_start3A_258, %dma_start3A_259] : memref<4x128x8xf32, #tpu.memory_space<vmem>> -> memref<1x128x8xf32, #tpu.memory_space<vmem>>
      %dma_start3A_261 = tpu.memref_squeeze %dma_start3A_260 : memref<1x128x8xf32, #tpu.memory_space<vmem>> -> memref<128x8xf32, #tpu.memory_space<vmem>>
      %dma_start3A_262 = arith.constant 0 : i32
      %dma_start3A_263 = tpu.memref_slice %arg8[%add3A_256, %dma_start3A_262] : memref<80x128xi32, #tpu.memory_space<vmem>> -> memref<1x128xi32, #tpu.memory_space<vmem>>
      %dma_start3A_264 = tpu.memref_squeeze %dma_start3A_263 : memref<1x128xi32, #tpu.memory_space<vmem>> -> memref<128xi32, #tpu.memory_space<vmem>>
      %dma_start3A_265 = arith.constant 0 : i32
      %dma_start3A_266 = arith.constant 0 : i32
      %dma_start3A_267 = tpu.memref_slice %arg18[%dma_start3A_265, %dma_start3A_266] : memref<10240x8xf32, #tpu.memory_space<vmem_shared>> -> memref<10240x8xf32, #tpu.memory_space<vmem_shared>>
      tpu.enqueue_indirect_dma source(%dma_start3A_261 : memref<128x8xf32, #tpu.memory_space<vmem>>) target(%dma_start3A_267 : memref<10240x8xf32, #tpu.memory_space<vmem_shared>>) offsets(%dma_start3A_264 : memref<128xi32, #tpu.memory_space<vmem>>) semaphore(%arg15 : memref<!tpu.dma_semaphore, #tpu.memory_space<semaphore_mem>>) {add = true}
      %add3A_268 = arith.constant 2 : i32
      %add3A_269 = arith.addi %mul3A_215, %add3A_268 : i32
      %dma_wait3A_270 = arith.constant 2 : i32
      %dma_wait3A_271 = arith.constant 0 : i32
      %dma_wait3A_272 = arith.constant 0 : i32
      %dma_wait3A_273 = tpu.memref_slice %arg9[%dma_wait3A_270, %dma_wait3A_271, %dma_wait3A_272] : memref<4x128x8xf32, #tpu.memory_space<vmem>> -> memref<1x128x8xf32, #tpu.memory_space<vmem>>
      %dma_wait3A_274 = tpu.memref_squeeze %dma_wait3A_273 : memref<1x128x8xf32, #tpu.memory_space<vmem>> -> memref<128x8xf32, #tpu.memory_space<vmem>>
      %dma_wait3A_275 = arith.constant 0 : i32
      %dma_wait3A_276 = tpu.memref_slice %arg7[%add3A_269, %dma_wait3A_275] : memref<80x128xi32, #tpu.memory_space<vmem>> -> memref<1x128xi32, #tpu.memory_space<vmem>>
      %dma_wait3A_277 = tpu.memref_squeeze %dma_wait3A_276 : memref<1x128xi32, #tpu.memory_space<vmem>> -> memref<128xi32, #tpu.memory_space<vmem>>
      %dma_wait3A_278 = arith.constant 0 : i32
      %dma_wait3A_279 = arith.constant 0 : i32
      %dma_wait3A_280 = tpu.memref_slice %arg19[%dma_wait3A_278, %dma_wait3A_279] : memref<10240x8xf32, #tpu.memory_space<vmem_shared>> -> memref<10240x8xf32, #tpu.memory_space<vmem_shared>>
      tpu.wait_indirect_dma semaphore(%arg12 : memref<!tpu.dma_semaphore, #tpu.memory_space<semaphore_mem>>) src(%dma_wait3A_280 : memref<10240x8xf32, #tpu.memory_space<vmem_shared>>) dst(%dma_wait3A_274 : memref<128x8xf32, #tpu.memory_space<vmem>>)
      %add3A_281 = arith.constant 2 : i32
      %add3A_282 = arith.addi %mul3A_215, %add3A_281 : i32
      %dma_start3A_283 = arith.constant 2 : i32
      %dma_start3A_284 = arith.constant 0 : i32
      %dma_start3A_285 = arith.constant 0 : i32
      %dma_start3A_286 = tpu.memref_slice %arg9[%dma_start3A_283, %dma_start3A_284, %dma_start3A_285] : memref<4x128x8xf32, #tpu.memory_space<vmem>> -> memref<1x128x8xf32, #tpu.memory_space<vmem>>
      %dma_start3A_287 = tpu.memref_squeeze %dma_start3A_286 : memref<1x128x8xf32, #tpu.memory_space<vmem>> -> memref<128x8xf32, #tpu.memory_space<vmem>>
      %dma_start3A_288 = arith.constant 0 : i32
      %dma_start3A_289 = tpu.memref_slice %arg8[%add3A_282, %dma_start3A_288] : memref<80x128xi32, #tpu.memory_space<vmem>> -> memref<1x128xi32, #tpu.memory_space<vmem>>
      %dma_start3A_290 = tpu.memref_squeeze %dma_start3A_289 : memref<1x128xi32, #tpu.memory_space<vmem>> -> memref<128xi32, #tpu.memory_space<vmem>>
      %dma_start3A_291 = arith.constant 0 : i32
      %dma_start3A_292 = arith.constant 0 : i32
      %dma_start3A_293 = tpu.memref_slice %arg18[%dma_start3A_291, %dma_start3A_292] : memref<10240x8xf32, #tpu.memory_space<vmem_shared>> -> memref<10240x8xf32, #tpu.memory_space<vmem_shared>>
      tpu.enqueue_indirect_dma source(%dma_start3A_287 : memref<128x8xf32, #tpu.memory_space<vmem>>) target(%dma_start3A_293 : memref<10240x8xf32, #tpu.memory_space<vmem_shared>>) offsets(%dma_start3A_290 : memref<128xi32, #tpu.memory_space<vmem>>) semaphore(%arg16 : memref<!tpu.dma_semaphore, #tpu.memory_space<semaphore_mem>>) {add = true}
      %add3A_294 = arith.constant 3 : i32
      %add3A_295 = arith.addi %mul3A_215, %add3A_294 : i32
      %dma_wait3A_296 = arith.constant 3 : i32
      %dma_wait3A_297 = arith.constant 0 : i32
      %dma_wait3A_298 = arith.constant 0 : i32
      %dma_wait3A_299 = tpu.memref_slice %arg9[%dma_wait3A_296, %dma_wait3A_297, %dma_wait3A_298] : memref<4x128x8xf32, #tpu.memory_space<vmem>> -> memref<1x128x8xf32, #tpu.memory_space<vmem>>
      %dma_wait3A_300 = tpu.memref_squeeze %dma_wait3A_299 : memref<1x128x8xf32, #tpu.memory_space<vmem>> -> memref<128x8xf32, #tpu.memory_space<vmem>>
      %dma_wait3A_301 = arith.constant 0 : i32
      %dma_wait3A_302 = tpu.memref_slice %arg7[%add3A_295, %dma_wait3A_301] : memref<80x128xi32, #tpu.memory_space<vmem>> -> memref<1x128xi32, #tpu.memory_space<vmem>>
      %dma_wait3A_303 = tpu.memref_squeeze %dma_wait3A_302 : memref<1x128xi32, #tpu.memory_space<vmem>> -> memref<128xi32, #tpu.memory_space<vmem>>
      %dma_wait3A_304 = arith.constant 0 : i32
      %dma_wait3A_305 = arith.constant 0 : i32
      %dma_wait3A_306 = tpu.memref_slice %arg19[%dma_wait3A_304, %dma_wait3A_305] : memref<10240x8xf32, #tpu.memory_space<vmem_shared>> -> memref<10240x8xf32, #tpu.memory_space<vmem_shared>>
      tpu.wait_indirect_dma semaphore(%arg13 : memref<!tpu.dma_semaphore, #tpu.memory_space<semaphore_mem>>) src(%dma_wait3A_306 : memref<10240x8xf32, #tpu.memory_space<vmem_shared>>) dst(%dma_wait3A_300 : memref<128x8xf32, #tpu.memory_space<vmem>>)
      %add3A_307 = arith.constant 3 : i32
      %add3A_308 = arith.addi %mul3A_215, %add3A_307 : i32
      %dma_start3A_309 = arith.constant 3 : i32
      %dma_start3A_310 = arith.constant 0 : i32
      %dma_start3A_311 = arith.constant 0 : i32
      %dma_start3A_312 = tpu.memref_slice %arg9[%dma_start3A_309, %dma_start3A_310, %dma_start3A_311] : memref<4x128x8xf32, #tpu.memory_space<vmem>> -> memref<1x128x8xf32, #tpu.memory_space<vmem>>
      %dma_start3A_313 = tpu.memref_squeeze %dma_start3A_312 : memref<1x128x8xf32, #tpu.memory_space<vmem>> -> memref<128x8xf32, #tpu.memory_space<vmem>>
      %dma_start3A_314 = arith.constant 0 : i32
      %dma_start3A_315 = tpu.memref_slice %arg8[%add3A_308, %dma_start3A_314] : memref<80x128xi32, #tpu.memory_space<vmem>> -> memref<1x128xi32, #tpu.memory_space<vmem>>
      %dma_start3A_316 = tpu.memref_squeeze %dma_start3A_315 : memref<1x128xi32, #tpu.memory_space<vmem>> -> memref<128xi32, #tpu.memory_space<vmem>>
      %dma_start3A_317 = arith.constant 0 : i32
      %dma_start3A_318 = arith.constant 0 : i32
      %dma_start3A_319 = tpu.memref_slice %arg18[%dma_start3A_317, %dma_start3A_318] : memref<10240x8xf32, #tpu.memory_space<vmem_shared>> -> memref<10240x8xf32, #tpu.memory_space<vmem_shared>>
      tpu.enqueue_indirect_dma source(%dma_start3A_313 : memref<128x8xf32, #tpu.memory_space<vmem>>) target(%dma_start3A_319 : memref<10240x8xf32, #tpu.memory_space<vmem_shared>>) offsets(%dma_start3A_316 : memref<128xi32, #tpu.memory_space<vmem>>) semaphore(%arg17 : memref<!tpu.dma_semaphore, #tpu.memory_space<semaphore_mem>>) {add = true}
      %add3A_320 = arith.constant 0 : i32
      %add3A_321 = arith.addi %mul3A_215, %add3A_320 : i32
      %dma_wait3A_322 = arith.constant 0 : i32
      %dma_wait3A_323 = arith.constant 0 : i32
      %dma_wait3A_324 = arith.constant 0 : i32
      %dma_wait3A_325 = tpu.memref_slice %arg9[%dma_wait3A_322, %dma_wait3A_323, %dma_wait3A_324] : memref<4x128x8xf32, #tpu.memory_space<vmem>> -> memref<1x128x8xf32, #tpu.memory_space<vmem>>
      %dma_wait3A_326 = tpu.memref_squeeze %dma_wait3A_325 : memref<1x128x8xf32, #tpu.memory_space<vmem>> -> memref<128x8xf32, #tpu.memory_space<vmem>>
      %dma_wait3A_327 = arith.constant 0 : i32
      %dma_wait3A_328 = tpu.memref_slice %arg8[%add3A_321, %dma_wait3A_327] : memref<80x128xi32, #tpu.memory_space<vmem>> -> memref<1x128xi32, #tpu.memory_space<vmem>>
      %dma_wait3A_329 = tpu.memref_squeeze %dma_wait3A_328 : memref<1x128xi32, #tpu.memory_space<vmem>> -> memref<128xi32, #tpu.memory_space<vmem>>
      %dma_wait3A_330 = arith.constant 0 : i32
      %dma_wait3A_331 = arith.constant 0 : i32
      %dma_wait3A_332 = tpu.memref_slice %arg18[%dma_wait3A_330, %dma_wait3A_331] : memref<10240x8xf32, #tpu.memory_space<vmem_shared>> -> memref<10240x8xf32, #tpu.memory_space<vmem_shared>>
      tpu.wait_indirect_dma semaphore(%arg14 : memref<!tpu.dma_semaphore, #tpu.memory_space<semaphore_mem>>) src(%dma_wait3A_326 : memref<128x8xf32, #tpu.memory_space<vmem>>) dst(%dma_wait3A_332 : memref<10240x8xf32, #tpu.memory_space<vmem_shared>>)
      %add3A_333 = arith.constant 4 : i32
      %add3A_334 = arith.addi %mul3A_215, %add3A_333 : i32
      %add3A_335 = arith.constant 0 : i32
      %add3A_336 = arith.addi %add3A_334, %add3A_335 : i32
      %dma_start3A_337 = arith.constant 0 : i32
      %dma_start3A_338 = arith.constant 0 : i32
      %dma_start3A_339 = arith.constant 0 : i32
      %dma_start3A_340 = tpu.memref_slice %arg9[%dma_start3A_337, %dma_start3A_338, %dma_start3A_339] : memref<4x128x8xf32, #tpu.memory_space<vmem>> -> memref<1x128x8xf32, #tpu.memory_space<vmem>>
      %dma_start3A_341 = tpu.memref_squeeze %dma_start3A_340 : memref<1x128x8xf32, #tpu.memory_space<vmem>> -> memref<128x8xf32, #tpu.memory_space<vmem>>
      %dma_start3A_342 = arith.constant 0 : i32
      %dma_start3A_343 = tpu.memref_slice %arg7[%add3A_336, %dma_start3A_342] : memref<80x128xi32, #tpu.memory_space<vmem>> -> memref<1x128xi32, #tpu.memory_space<vmem>>
      %dma_start3A_344 = tpu.memref_squeeze %dma_start3A_343 : memref<1x128xi32, #tpu.memory_space<vmem>> -> memref<128xi32, #tpu.memory_space<vmem>>
      %dma_start3A_345 = arith.constant 0 : i32
      %dma_start3A_346 = arith.constant 0 : i32
      %dma_start3A_347 = tpu.memref_slice %arg19[%dma_start3A_345, %dma_start3A_346] : memref<10240x8xf32, #tpu.memory_space<vmem_shared>> -> memref<10240x8xf32, #tpu.memory_space<vmem_shared>>
      tpu.enqueue_indirect_dma source(%dma_start3A_347 : memref<10240x8xf32, #tpu.memory_space<vmem_shared>>) target(%dma_start3A_341 : memref<128x8xf32, #tpu.memory_space<vmem>>) offsets(%dma_start3A_344 : memref<128xi32, #tpu.memory_space<vmem>>) semaphore(%arg10 : memref<!tpu.dma_semaphore, #tpu.memory_space<semaphore_mem>>)
      %add3A_348 = arith.constant 1 : i32
      %add3A_349 = arith.addi %mul3A_215, %add3A_348 : i32
      %dma_wait3A_350 = arith.constant 1 : i32
      %dma_wait3A_351 = arith.constant 0 : i32
      %dma_wait3A_352 = arith.constant 0 : i32
      %dma_wait3A_353 = tpu.memref_slice %arg9[%dma_wait3A_350, %dma_wait3A_351, %dma_wait3A_352] : memref<4x128x8xf32, #tpu.memory_space<vmem>> -> memref<1x128x8xf32, #tpu.memory_space<vmem>>
      %dma_wait3A_354 = tpu.memref_squeeze %dma_wait3A_353 : memref<1x128x8xf32, #tpu.memory_space<vmem>> -> memref<128x8xf32, #tpu.memory_space<vmem>>
      %dma_wait3A_355 = arith.constant 0 : i32
      %dma_wait3A_356 = tpu.memref_slice %arg8[%add3A_349, %dma_wait3A_355] : memref<80x128xi32, #tpu.memory_space<vmem>> -> memref<1x128xi32, #tpu.memory_space<vmem>>
      %dma_wait3A_357 = tpu.memref_squeeze %dma_wait3A_356 : memref<1x128xi32, #tpu.memory_space<vmem>> -> memref<128xi32, #tpu.memory_space<vmem>>
      %dma_wait3A_358 = arith.constant 0 : i32
      %dma_wait3A_359 = arith.constant 0 : i32
      %dma_wait3A_360 = tpu.memref_slice %arg18[%dma_wait3A_358, %dma_wait3A_359] : memref<10240x8xf32, #tpu.memory_space<vmem_shared>> -> memref<10240x8xf32, #tpu.memory_space<vmem_shared>>
      tpu.wait_indirect_dma semaphore(%arg15 : memref<!tpu.dma_semaphore, #tpu.memory_space<semaphore_mem>>) src(%dma_wait3A_354 : memref<128x8xf32, #tpu.memory_space<vmem>>) dst(%dma_wait3A_360 : memref<10240x8xf32, #tpu.memory_space<vmem_shared>>)
      %add3A_361 = arith.constant 4 : i32
      %add3A_362 = arith.addi %mul3A_215, %add3A_361 : i32
      %add3A_363 = arith.constant 1 : i32
      %add3A_364 = arith.addi %add3A_362, %add3A_363 : i32
      %dma_start3A_365 = arith.constant 1 : i32
      %dma_start3A_366 = arith.constant 0 : i32
      %dma_start3A_367 = arith.constant 0 : i32
      %dma_start3A_368 = tpu.memref_slice %arg9[%dma_start3A_365, %dma_start3A_366, %dma_start3A_367] : memref<4x128x8xf32, #tpu.memory_space<vmem>> -> memref<1x128x8xf32, #tpu.memory_space<vmem>>
      %dma_start3A_369 = tpu.memref_squeeze %dma_start3A_368 : memref<1x128x8xf32, #tpu.memory_space<vmem>> -> memref<128x8xf32, #tpu.memory_space<vmem>>
      %dma_start3A_370 = arith.constant 0 : i32
      %dma_start3A_371 = tpu.memref_slice %arg7[%add3A_364, %dma_start3A_370] : memref<80x128xi32, #tpu.memory_space<vmem>> -> memref<1x128xi32, #tpu.memory_space<vmem>>
      %dma_start3A_372 = tpu.memref_squeeze %dma_start3A_371 : memref<1x128xi32, #tpu.memory_space<vmem>> -> memref<128xi32, #tpu.memory_space<vmem>>
      %dma_start3A_373 = arith.constant 0 : i32
      %dma_start3A_374 = arith.constant 0 : i32
      %dma_start3A_375 = tpu.memref_slice %arg19[%dma_start3A_373, %dma_start3A_374] : memref<10240x8xf32, #tpu.memory_space<vmem_shared>> -> memref<10240x8xf32, #tpu.memory_space<vmem_shared>>
      tpu.enqueue_indirect_dma source(%dma_start3A_375 : memref<10240x8xf32, #tpu.memory_space<vmem_shared>>) target(%dma_start3A_369 : memref<128x8xf32, #tpu.memory_space<vmem>>) offsets(%dma_start3A_372 : memref<128xi32, #tpu.memory_space<vmem>>) semaphore(%arg11 : memref<!tpu.dma_semaphore, #tpu.memory_space<semaphore_mem>>)
      %add3A_376 = arith.constant 2 : i32
      %add3A_377 = arith.addi %mul3A_215, %add3A_376 : i32
      %dma_wait3A_378 = arith.constant 2 : i32
      %dma_wait3A_379 = arith.constant 0 : i32
      %dma_wait3A_380 = arith.constant 0 : i32
      %dma_wait3A_381 = tpu.memref_slice %arg9[%dma_wait3A_378, %dma_wait3A_379, %dma_wait3A_380] : memref<4x128x8xf32, #tpu.memory_space<vmem>> -> memref<1x128x8xf32, #tpu.memory_space<vmem>>
      %dma_wait3A_382 = tpu.memref_squeeze %dma_wait3A_381 : memref<1x128x8xf32, #tpu.memory_space<vmem>> -> memref<128x8xf32, #tpu.memory_space<vmem>>
      %dma_wait3A_383 = arith.constant 0 : i32
      %dma_wait3A_384 = tpu.memref_slice %arg8[%add3A_377, %dma_wait3A_383] : memref<80x128xi32, #tpu.memory_space<vmem>> -> memref<1x128xi32, #tpu.memory_space<vmem>>
      %dma_wait3A_385 = tpu.memref_squeeze %dma_wait3A_384 : memref<1x128xi32, #tpu.memory_space<vmem>> -> memref<128xi32, #tpu.memory_space<vmem>>
      %dma_wait3A_386 = arith.constant 0 : i32
      %dma_wait3A_387 = arith.constant 0 : i32
      %dma_wait3A_388 = tpu.memref_slice %arg18[%dma_wait3A_386, %dma_wait3A_387] : memref<10240x8xf32, #tpu.memory_space<vmem_shared>> -> memref<10240x8xf32, #tpu.memory_space<vmem_shared>>
      tpu.wait_indirect_dma semaphore(%arg16 : memref<!tpu.dma_semaphore, #tpu.memory_space<semaphore_mem>>) src(%dma_wait3A_382 : memref<128x8xf32, #tpu.memory_space<vmem>>) dst(%dma_wait3A_388 : memref<10240x8xf32, #tpu.memory_space<vmem_shared>>)
      %add3A_389 = arith.constant 4 : i32
      %add3A_390 = arith.addi %mul3A_215, %add3A_389 : i32
      %add3A_391 = arith.constant 2 : i32
      %add3A_392 = arith.addi %add3A_390, %add3A_391 : i32
      %dma_start3A_393 = arith.constant 2 : i32
      %dma_start3A_394 = arith.constant 0 : i32
      %dma_start3A_395 = arith.constant 0 : i32
      %dma_start3A_396 = tpu.memref_slice %arg9[%dma_start3A_393, %dma_start3A_394, %dma_start3A_395] : memref<4x128x8xf32, #tpu.memory_space<vmem>> -> memref<1x128x8xf32, #tpu.memory_space<vmem>>
      %dma_start3A_397 = tpu.memref_squeeze %dma_start3A_396 : memref<1x128x8xf32, #tpu.memory_space<vmem>> -> memref<128x8xf32, #tpu.memory_space<vmem>>
      %dma_start3A_398 = arith.constant 0 : i32
      %dma_start3A_399 = tpu.memref_slice %arg7[%add3A_392, %dma_start3A_398] : memref<80x128xi32, #tpu.memory_space<vmem>> -> memref<1x128xi32, #tpu.memory_space<vmem>>
      %dma_start3A_400 = tpu.memref_squeeze %dma_start3A_399 : memref<1x128xi32, #tpu.memory_space<vmem>> -> memref<128xi32, #tpu.memory_space<vmem>>
      %dma_start3A_401 = arith.constant 0 : i32
      %dma_start3A_402 = arith.constant 0 : i32
      %dma_start3A_403 = tpu.memref_slice %arg19[%dma_start3A_401, %dma_start3A_402] : memref<10240x8xf32, #tpu.memory_space<vmem_shared>> -> memref<10240x8xf32, #tpu.memory_space<vmem_shared>>
      tpu.enqueue_indirect_dma source(%dma_start3A_403 : memref<10240x8xf32, #tpu.memory_space<vmem_shared>>) target(%dma_start3A_397 : memref<128x8xf32, #tpu.memory_space<vmem>>) offsets(%dma_start3A_400 : memref<128xi32, #tpu.memory_space<vmem>>) semaphore(%arg12 : memref<!tpu.dma_semaphore, #tpu.memory_space<semaphore_mem>>)
      %add3A_404 = arith.constant 3 : i32
      %add3A_405 = arith.addi %mul3A_215, %add3A_404 : i32
      %dma_wait3A_406 = arith.constant 3 : i32
      %dma_wait3A_407 = arith.constant 0 : i32
      %dma_wait3A_408 = arith.constant 0 : i32
      %dma_wait3A_409 = tpu.memref_slice %arg9[%dma_wait3A_406, %dma_wait3A_407, %dma_wait3A_408] : memref<4x128x8xf32, #tpu.memory_space<vmem>> -> memref<1x128x8xf32, #tpu.memory_space<vmem>>
      %dma_wait3A_410 = tpu.memref_squeeze %dma_wait3A_409 : memref<1x128x8xf32, #tpu.memory_space<vmem>> -> memref<128x8xf32, #tpu.memory_space<vmem>>
      %dma_wait3A_411 = arith.constant 0 : i32
      %dma_wait3A_412 = tpu.memref_slice %arg8[%add3A_405, %dma_wait3A_411] : memref<80x128xi32, #tpu.memory_space<vmem>> -> memref<1x128xi32, #tpu.memory_space<vmem>>
      %dma_wait3A_413 = tpu.memref_squeeze %dma_wait3A_412 : memref<1x128xi32, #tpu.memory_space<vmem>> -> memref<128xi32, #tpu.memory_space<vmem>>
      %dma_wait3A_414 = arith.constant 0 : i32
      %dma_wait3A_415 = arith.constant 0 : i32
      %dma_wait3A_416 = tpu.memref_slice %arg18[%dma_wait3A_414, %dma_wait3A_415] : memref<10240x8xf32, #tpu.memory_space<vmem_shared>> -> memref<10240x8xf32, #tpu.memory_space<vmem_shared>>
      tpu.wait_indirect_dma semaphore(%arg17 : memref<!tpu.dma_semaphore, #tpu.memory_space<semaphore_mem>>) src(%dma_wait3A_410 : memref<128x8xf32, #tpu.memory_space<vmem>>) dst(%dma_wait3A_416 : memref<10240x8xf32, #tpu.memory_space<vmem_shared>>)
      %add3A_417 = arith.constant 4 : i32
      %add3A_418 = arith.addi %mul3A_215, %add3A_417 : i32
      %add3A_419 = arith.constant 3 : i32
      %add3A_420 = arith.addi %add3A_418, %add3A_419 : i32
      %dma_start3A_421 = arith.constant 3 : i32
      %dma_start3A_422 = arith.constant 0 : i32
      %dma_start3A_423 = arith.constant 0 : i32
      %dma_start3A_424 = tpu.memref_slice %arg9[%dma_start3A_421, %dma_start3A_422, %dma_start3A_423] : memref<4x128x8xf32, #tpu.memory_space<vmem>> -> memref<1x128x8xf32, #tpu.memory_space<vmem>>
      %dma_start3A_425 = tpu.memref_squeeze %dma_start3A_424 : memref<1x128x8xf32, #tpu.memory_space<vmem>> -> memref<128x8xf32, #tpu.memory_space<vmem>>
      %dma_start3A_426 = arith.constant 0 : i32
      %dma_start3A_427 = tpu.memref_slice %arg7[%add3A_420, %dma_start3A_426] : memref<80x128xi32, #tpu.memory_space<vmem>> -> memref<1x128xi32, #tpu.memory_space<vmem>>
      %dma_start3A_428 = tpu.memref_squeeze %dma_start3A_427 : memref<1x128xi32, #tpu.memory_space<vmem>> -> memref<128xi32, #tpu.memory_space<vmem>>
      %dma_start3A_429 = arith.constant 0 : i32
      %dma_start3A_430 = arith.constant 0 : i32
      %dma_start3A_431 = tpu.memref_slice %arg19[%dma_start3A_429, %dma_start3A_430] : memref<10240x8xf32, #tpu.memory_space<vmem_shared>> -> memref<10240x8xf32, #tpu.memory_space<vmem_shared>>
      tpu.enqueue_indirect_dma source(%dma_start3A_431 : memref<10240x8xf32, #tpu.memory_space<vmem_shared>>) target(%dma_start3A_425 : memref<128x8xf32, #tpu.memory_space<vmem>>) offsets(%dma_start3A_428 : memref<128xi32, #tpu.memory_space<vmem>>) semaphore(%arg13 : memref<!tpu.dma_semaphore, #tpu.memory_space<semaphore_mem>>)
    }
    %scan3A_64 = arith.constant 19 : i32
    %dma_wait3A = arith.constant 76 : i32
    %dma_wait3A_65 = arith.constant 0 : i32
    %dma_wait3A_66 = arith.constant 0 : i32
    %dma_wait3A_67 = arith.constant 0 : i32
    %dma_wait3A_68 = tpu.memref_slice %arg9[%dma_wait3A_65, %dma_wait3A_66, %dma_wait3A_67] : memref<4x128x8xf32, #tpu.memory_space<vmem>> -> memref<1x128x8xf32, #tpu.memory_space<vmem>>
    %dma_wait3A_69 = tpu.memref_squeeze %dma_wait3A_68 : memref<1x128x8xf32, #tpu.memory_space<vmem>> -> memref<128x8xf32, #tpu.memory_space<vmem>>
    %dma_wait3A_70 = arith.constant 0 : i32
    %dma_wait3A_71 = tpu.memref_slice %arg7[%dma_wait3A, %dma_wait3A_70] : memref<80x128xi32, #tpu.memory_space<vmem>> -> memref<1x128xi32, #tpu.memory_space<vmem>>
    %dma_wait3A_72 = tpu.memref_squeeze %dma_wait3A_71 : memref<1x128xi32, #tpu.memory_space<vmem>> -> memref<128xi32, #tpu.memory_space<vmem>>
    %dma_wait3A_73 = arith.constant 0 : i32
    %dma_wait3A_74 = arith.constant 0 : i32
    %dma_wait3A_75 = tpu.memref_slice %arg19[%dma_wait3A_73, %dma_wait3A_74] : memref<10240x8xf32, #tpu.memory_space<vmem_shared>> -> memref<10240x8xf32, #tpu.memory_space<vmem_shared>>
    tpu.wait_indirect_dma semaphore(%arg10 : memref<!tpu.dma_semaphore, #tpu.memory_space<semaphore_mem>>) src(%dma_wait3A_75 : memref<10240x8xf32, #tpu.memory_space<vmem_shared>>) dst(%dma_wait3A_69 : memref<128x8xf32, #tpu.memory_space<vmem>>)
    %dma_start3A_76 = arith.constant 0 : i32
    %dma_start3A_77 = arith.constant 76 : i32
    %dma_start3A_78 = arith.constant 0 : i32
    %dma_start3A_79 = arith.constant 0 : i32
    %dma_start3A_80 = tpu.memref_slice %arg9[%dma_start3A_76, %dma_start3A_78, %dma_start3A_79] : memref<4x128x8xf32, #tpu.memory_space<vmem>> -> memref<1x128x8xf32, #tpu.memory_space<vmem>>
    %dma_start3A_81 = tpu.memref_squeeze %dma_start3A_80 : memref<1x128x8xf32, #tpu.memory_space<vmem>> -> memref<128x8xf32, #tpu.memory_space<vmem>>
    %dma_start3A_82 = arith.constant 0 : i32
    %dma_start3A_83 = tpu.memref_slice %arg8[%dma_start3A_77, %dma_start3A_82] : memref<80x128xi32, #tpu.memory_space<vmem>> -> memref<1x128xi32, #tpu.memory_space<vmem>>
    %dma_start3A_84 = tpu.memref_squeeze %dma_start3A_83 : memref<1x128xi32, #tpu.memory_space<vmem>> -> memref<128xi32, #tpu.memory_space<vmem>>
    %dma_start3A_85 = arith.constant 0 : i32
    %dma_start3A_86 = arith.constant 0 : i32
    %dma_start3A_87 = tpu.memref_slice %arg18[%dma_start3A_85, %dma_start3A_86] : memref<10240x8xf32, #tpu.memory_space<vmem_shared>> -> memref<10240x8xf32, #tpu.memory_space<vmem_shared>>
    tpu.enqueue_indirect_dma source(%dma_start3A_81 : memref<128x8xf32, #tpu.memory_space<vmem>>) target(%dma_start3A_87 : memref<10240x8xf32, #tpu.memory_space<vmem_shared>>) offsets(%dma_start3A_84 : memref<128xi32, #tpu.memory_space<vmem>>) semaphore(%arg14 : memref<!tpu.dma_semaphore, #tpu.memory_space<semaphore_mem>>) {add = true}
    %dma_wait3A_88 = arith.constant 77 : i32
    %dma_wait3A_89 = arith.constant 1 : i32
    %dma_wait3A_90 = arith.constant 0 : i32
    %dma_wait3A_91 = arith.constant 0 : i32
    %dma_wait3A_92 = tpu.memref_slice %arg9[%dma_wait3A_89, %dma_wait3A_90, %dma_wait3A_91] : memref<4x128x8xf32, #tpu.memory_space<vmem>> -> memref<1x128x8xf32, #tpu.memory_space<vmem>>
    %dma_wait3A_93 = tpu.memref_squeeze %dma_wait3A_92 : memref<1x128x8xf32, #tpu.memory_space<vmem>> -> memref<128x8xf32, #tpu.memory_space<vmem>>
    %dma_wait3A_94 = arith.constant 0 : i32
    %dma_wait3A_95 = tpu.memref_slice %arg7[%dma_wait3A_88, %dma_wait3A_94] : memref<80x128xi32, #tpu.memory_space<vmem>> -> memref<1x128xi32, #tpu.memory_space<vmem>>
    %dma_wait3A_96 = tpu.memref_squeeze %dma_wait3A_95 : memref<1x128xi32, #tpu.memory_space<vmem>> -> memref<128xi32, #tpu.memory_space<vmem>>
    %dma_wait3A_97 = arith.constant 0 : i32
    %dma_wait3A_98 = arith.constant 0 : i32
    %dma_wait3A_99 = tpu.memref_slice %arg19[%dma_wait3A_97, %dma_wait3A_98] : memref<10240x8xf32, #tpu.memory_space<vmem_shared>> -> memref<10240x8xf32, #tpu.memory_space<vmem_shared>>
    tpu.wait_indirect_dma semaphore(%arg11 : memref<!tpu.dma_semaphore, #tpu.memory_space<semaphore_mem>>) src(%dma_wait3A_99 : memref<10240x8xf32, #tpu.memory_space<vmem_shared>>) dst(%dma_wait3A_93 : memref<128x8xf32, #tpu.memory_space<vmem>>)
    %dma_start3A_100 = arith.constant 1 : i32
    %dma_start3A_101 = arith.constant 77 : i32
    %dma_start3A_102 = arith.constant 0 : i32
    %dma_start3A_103 = arith.constant 0 : i32
    %dma_start3A_104 = tpu.memref_slice %arg9[%dma_start3A_100, %dma_start3A_102, %dma_start3A_103] : memref<4x128x8xf32, #tpu.memory_space<vmem>> -> memref<1x128x8xf32, #tpu.memory_space<vmem>>
    %dma_start3A_105 = tpu.memref_squeeze %dma_start3A_104 : memref<1x128x8xf32, #tpu.memory_space<vmem>> -> memref<128x8xf32, #tpu.memory_space<vmem>>
    %dma_start3A_106 = arith.constant 0 : i32
    %dma_start3A_107 = tpu.memref_slice %arg8[%dma_start3A_101, %dma_start3A_106] : memref<80x128xi32, #tpu.memory_space<vmem>> -> memref<1x128xi32, #tpu.memory_space<vmem>>
    %dma_start3A_108 = tpu.memref_squeeze %dma_start3A_107 : memref<1x128xi32, #tpu.memory_space<vmem>> -> memref<128xi32, #tpu.memory_space<vmem>>
    %dma_start3A_109 = arith.constant 0 : i32
    %dma_start3A_110 = arith.constant 0 : i32
    %dma_start3A_111 = tpu.memref_slice %arg18[%dma_start3A_109, %dma_start3A_110] : memref<10240x8xf32, #tpu.memory_space<vmem_shared>> -> memref<10240x8xf32, #tpu.memory_space<vmem_shared>>
    tpu.enqueue_indirect_dma source(%dma_start3A_105 : memref<128x8xf32, #tpu.memory_space<vmem>>) target(%dma_start3A_111 : memref<10240x8xf32, #tpu.memory_space<vmem_shared>>) offsets(%dma_start3A_108 : memref<128xi32, #tpu.memory_space<vmem>>) semaphore(%arg15 : memref<!tpu.dma_semaphore, #tpu.memory_space<semaphore_mem>>) {add = true}
    %dma_wait3A_112 = arith.constant 78 : i32
    %dma_wait3A_113 = arith.constant 2 : i32
    %dma_wait3A_114 = arith.constant 0 : i32
    %dma_wait3A_115 = arith.constant 0 : i32
    %dma_wait3A_116 = tpu.memref_slice %arg9[%dma_wait3A_113, %dma_wait3A_114, %dma_wait3A_115] : memref<4x128x8xf32, #tpu.memory_space<vmem>> -> memref<1x128x8xf32, #tpu.memory_space<vmem>>
    %dma_wait3A_117 = tpu.memref_squeeze %dma_wait3A_116 : memref<1x128x8xf32, #tpu.memory_space<vmem>> -> memref<128x8xf32, #tpu.memory_space<vmem>>
    %dma_wait3A_118 = arith.constant 0 : i32
    %dma_wait3A_119 = tpu.memref_slice %arg7[%dma_wait3A_112, %dma_wait3A_118] : memref<80x128xi32, #tpu.memory_space<vmem>> -> memref<1x128xi32, #tpu.memory_space<vmem>>
    %dma_wait3A_120 = tpu.memref_squeeze %dma_wait3A_119 : memref<1x128xi32, #tpu.memory_space<vmem>> -> memref<128xi32, #tpu.memory_space<vmem>>
    %dma_wait3A_121 = arith.constant 0 : i32
    %dma_wait3A_122 = arith.constant 0 : i32
    %dma_wait3A_123 = tpu.memref_slice %arg19[%dma_wait3A_121, %dma_wait3A_122] : memref<10240x8xf32, #tpu.memory_space<vmem_shared>> -> memref<10240x8xf32, #tpu.memory_space<vmem_shared>>
    tpu.wait_indirect_dma semaphore(%arg12 : memref<!tpu.dma_semaphore, #tpu.memory_space<semaphore_mem>>) src(%dma_wait3A_123 : memref<10240x8xf32, #tpu.memory_space<vmem_shared>>) dst(%dma_wait3A_117 : memref<128x8xf32, #tpu.memory_space<vmem>>)
    %dma_start3A_124 = arith.constant 2 : i32
    %dma_start3A_125 = arith.constant 78 : i32
    %dma_start3A_126 = arith.constant 0 : i32
    %dma_start3A_127 = arith.constant 0 : i32
    %dma_start3A_128 = tpu.memref_slice %arg9[%dma_start3A_124, %dma_start3A_126, %dma_start3A_127] : memref<4x128x8xf32, #tpu.memory_space<vmem>> -> memref<1x128x8xf32, #tpu.memory_space<vmem>>
    %dma_start3A_129 = tpu.memref_squeeze %dma_start3A_128 : memref<1x128x8xf32, #tpu.memory_space<vmem>> -> memref<128x8xf32, #tpu.memory_space<vmem>>
    %dma_start3A_130 = arith.constant 0 : i32
    %dma_start3A_131 = tpu.memref_slice %arg8[%dma_start3A_125, %dma_start3A_130] : memref<80x128xi32, #tpu.memory_space<vmem>> -> memref<1x128xi32, #tpu.memory_space<vmem>>
    %dma_start3A_132 = tpu.memref_squeeze %dma_start3A_131 : memref<1x128xi32, #tpu.memory_space<vmem>> -> memref<128xi32, #tpu.memory_space<vmem>>
    %dma_start3A_133 = arith.constant 0 : i32
    %dma_start3A_134 = arith.constant 0 : i32
    %dma_start3A_135 = tpu.memref_slice %arg18[%dma_start3A_133, %dma_start3A_134] : memref<10240x8xf32, #tpu.memory_space<vmem_shared>> -> memref<10240x8xf32, #tpu.memory_space<vmem_shared>>
    tpu.enqueue_indirect_dma source(%dma_start3A_129 : memref<128x8xf32, #tpu.memory_space<vmem>>) target(%dma_start3A_135 : memref<10240x8xf32, #tpu.memory_space<vmem_shared>>) offsets(%dma_start3A_132 : memref<128xi32, #tpu.memory_space<vmem>>) semaphore(%arg16 : memref<!tpu.dma_semaphore, #tpu.memory_space<semaphore_mem>>) {add = true}
    %dma_wait3A_136 = arith.constant 79 : i32
    %dma_wait3A_137 = arith.constant 3 : i32
    %dma_wait3A_138 = arith.constant 0 : i32
    %dma_wait3A_139 = arith.constant 0 : i32
    %dma_wait3A_140 = tpu.memref_slice %arg9[%dma_wait3A_137, %dma_wait3A_138, %dma_wait3A_139] : memref<4x128x8xf32, #tpu.memory_space<vmem>> -> memref<1x128x8xf32, #tpu.memory_space<vmem>>
    %dma_wait3A_141 = tpu.memref_squeeze %dma_wait3A_140 : memref<1x128x8xf32, #tpu.memory_space<vmem>> -> memref<128x8xf32, #tpu.memory_space<vmem>>
    %dma_wait3A_142 = arith.constant 0 : i32
    %dma_wait3A_143 = tpu.memref_slice %arg7[%dma_wait3A_136, %dma_wait3A_142] : memref<80x128xi32, #tpu.memory_space<vmem>> -> memref<1x128xi32, #tpu.memory_space<vmem>>
    %dma_wait3A_144 = tpu.memref_squeeze %dma_wait3A_143 : memref<1x128xi32, #tpu.memory_space<vmem>> -> memref<128xi32, #tpu.memory_space<vmem>>
    %dma_wait3A_145 = arith.constant 0 : i32
    %dma_wait3A_146 = arith.constant 0 : i32
    %dma_wait3A_147 = tpu.memref_slice %arg19[%dma_wait3A_145, %dma_wait3A_146] : memref<10240x8xf32, #tpu.memory_space<vmem_shared>> -> memref<10240x8xf32, #tpu.memory_space<vmem_shared>>
    tpu.wait_indirect_dma semaphore(%arg13 : memref<!tpu.dma_semaphore, #tpu.memory_space<semaphore_mem>>) src(%dma_wait3A_147 : memref<10240x8xf32, #tpu.memory_space<vmem_shared>>) dst(%dma_wait3A_141 : memref<128x8xf32, #tpu.memory_space<vmem>>)
    %dma_start3A_148 = arith.constant 3 : i32
    %dma_start3A_149 = arith.constant 79 : i32
    %dma_start3A_150 = arith.constant 0 : i32
    %dma_start3A_151 = arith.constant 0 : i32
    %dma_start3A_152 = tpu.memref_slice %arg9[%dma_start3A_148, %dma_start3A_150, %dma_start3A_151] : memref<4x128x8xf32, #tpu.memory_space<vmem>> -> memref<1x128x8xf32, #tpu.memory_space<vmem>>
    %dma_start3A_153 = tpu.memref_squeeze %dma_start3A_152 : memref<1x128x8xf32, #tpu.memory_space<vmem>> -> memref<128x8xf32, #tpu.memory_space<vmem>>
    %dma_start3A_154 = arith.constant 0 : i32
    %dma_start3A_155 = tpu.memref_slice %arg8[%dma_start3A_149, %dma_start3A_154] : memref<80x128xi32, #tpu.memory_space<vmem>> -> memref<1x128xi32, #tpu.memory_space<vmem>>
    %dma_start3A_156 = tpu.memref_squeeze %dma_start3A_155 : memref<1x128xi32, #tpu.memory_space<vmem>> -> memref<128xi32, #tpu.memory_space<vmem>>
    %dma_start3A_157 = arith.constant 0 : i32
    %dma_start3A_158 = arith.constant 0 : i32
    %dma_start3A_159 = tpu.memref_slice %arg18[%dma_start3A_157, %dma_start3A_158] : memref<10240x8xf32, #tpu.memory_space<vmem_shared>> -> memref<10240x8xf32, #tpu.memory_space<vmem_shared>>
    tpu.enqueue_indirect_dma source(%dma_start3A_153 : memref<128x8xf32, #tpu.memory_space<vmem>>) target(%dma_start3A_159 : memref<10240x8xf32, #tpu.memory_space<vmem_shared>>) offsets(%dma_start3A_156 : memref<128xi32, #tpu.memory_space<vmem>>) semaphore(%arg17 : memref<!tpu.dma_semaphore, #tpu.memory_space<semaphore_mem>>) {add = true}
    %dma_wait3A_160 = arith.constant 0 : i32
    %dma_wait3A_161 = arith.constant 76 : i32
    %dma_wait3A_162 = arith.constant 0 : i32
    %dma_wait3A_163 = arith.constant 0 : i32
    %dma_wait3A_164 = tpu.memref_slice %arg9[%dma_wait3A_160, %dma_wait3A_162, %dma_wait3A_163] : memref<4x128x8xf32, #tpu.memory_space<vmem>> -> memref<1x128x8xf32, #tpu.memory_space<vmem>>
    %dma_wait3A_165 = tpu.memref_squeeze %dma_wait3A_164 : memref<1x128x8xf32, #tpu.memory_space<vmem>> -> memref<128x8xf32, #tpu.memory_space<vmem>>
    %dma_wait3A_166 = arith.constant 0 : i32
    %dma_wait3A_167 = tpu.memref_slice %arg8[%dma_wait3A_161, %dma_wait3A_166] : memref<80x128xi32, #tpu.memory_space<vmem>> -> memref<1x128xi32, #tpu.memory_space<vmem>>
    %dma_wait3A_168 = tpu.memref_squeeze %dma_wait3A_167 : memref<1x128xi32, #tpu.memory_space<vmem>> -> memref<128xi32, #tpu.memory_space<vmem>>
    %dma_wait3A_169 = arith.constant 0 : i32
    %dma_wait3A_170 = arith.constant 0 : i32
    %dma_wait3A_171 = tpu.memref_slice %arg18[%dma_wait3A_169, %dma_wait3A_170] : memref<10240x8xf32, #tpu.memory_space<vmem_shared>> -> memref<10240x8xf32, #tpu.memory_space<vmem_shared>>
    tpu.wait_indirect_dma semaphore(%arg14 : memref<!tpu.dma_semaphore, #tpu.memory_space<semaphore_mem>>) src(%dma_wait3A_165 : memref<128x8xf32, #tpu.memory_space<vmem>>) dst(%dma_wait3A_171 : memref<10240x8xf32, #tpu.memory_space<vmem_shared>>)
    %dma_wait3A_172 = arith.constant 1 : i32
    %dma_wait3A_173 = arith.constant 77 : i32
    %dma_wait3A_174 = arith.constant 0 : i32
    %dma_wait3A_175 = arith.constant 0 : i32
    %dma_wait3A_176 = tpu.memref_slice %arg9[%dma_wait3A_172, %dma_wait3A_174, %dma_wait3A_175] : memref<4x128x8xf32, #tpu.memory_space<vmem>> -> memref<1x128x8xf32, #tpu.memory_space<vmem>>
    %dma_wait3A_177 = tpu.memref_squeeze %dma_wait3A_176 : memref<1x128x8xf32, #tpu.memory_space<vmem>> -> memref<128x8xf32, #tpu.memory_space<vmem>>
    %dma_wait3A_178 = arith.constant 0 : i32
    %dma_wait3A_179 = tpu.memref_slice %arg8[%dma_wait3A_173, %dma_wait3A_178] : memref<80x128xi32, #tpu.memory_space<vmem>> -> memref<1x128xi32, #tpu.memory_space<vmem>>
    %dma_wait3A_180 = tpu.memref_squeeze %dma_wait3A_179 : memref<1x128xi32, #tpu.memory_space<vmem>> -> memref<128xi32, #tpu.memory_space<vmem>>
    %dma_wait3A_181 = arith.constant 0 : i32
    %dma_wait3A_182 = arith.constant 0 : i32
    %dma_wait3A_183 = tpu.memref_slice %arg18[%dma_wait3A_181, %dma_wait3A_182] : memref<10240x8xf32, #tpu.memory_space<vmem_shared>> -> memref<10240x8xf32, #tpu.memory_space<vmem_shared>>
    tpu.wait_indirect_dma semaphore(%arg15 : memref<!tpu.dma_semaphore, #tpu.memory_space<semaphore_mem>>) src(%dma_wait3A_177 : memref<128x8xf32, #tpu.memory_space<vmem>>) dst(%dma_wait3A_183 : memref<10240x8xf32, #tpu.memory_space<vmem_shared>>)
    %dma_wait3A_184 = arith.constant 2 : i32
    %dma_wait3A_185 = arith.constant 78 : i32
    %dma_wait3A_186 = arith.constant 0 : i32
    %dma_wait3A_187 = arith.constant 0 : i32
    %dma_wait3A_188 = tpu.memref_slice %arg9[%dma_wait3A_184, %dma_wait3A_186, %dma_wait3A_187] : memref<4x128x8xf32, #tpu.memory_space<vmem>> -> memref<1x128x8xf32, #tpu.memory_space<vmem>>
    %dma_wait3A_189 = tpu.memref_squeeze %dma_wait3A_188 : memref<1x128x8xf32, #tpu.memory_space<vmem>> -> memref<128x8xf32, #tpu.memory_space<vmem>>
    %dma_wait3A_190 = arith.constant 0 : i32
    %dma_wait3A_191 = tpu.memref_slice %arg8[%dma_wait3A_185, %dma_wait3A_190] : memref<80x128xi32, #tpu.memory_space<vmem>> -> memref<1x128xi32, #tpu.memory_space<vmem>>
    %dma_wait3A_192 = tpu.memref_squeeze %dma_wait3A_191 : memref<1x128xi32, #tpu.memory_space<vmem>> -> memref<128xi32, #tpu.memory_space<vmem>>
    %dma_wait3A_193 = arith.constant 0 : i32
    %dma_wait3A_194 = arith.constant 0 : i32
    %dma_wait3A_195 = tpu.memref_slice %arg18[%dma_wait3A_193, %dma_wait3A_194] : memref<10240x8xf32, #tpu.memory_space<vmem_shared>> -> memref<10240x8xf32, #tpu.memory_space<vmem_shared>>
    tpu.wait_indirect_dma semaphore(%arg16 : memref<!tpu.dma_semaphore, #tpu.memory_space<semaphore_mem>>) src(%dma_wait3A_189 : memref<128x8xf32, #tpu.memory_space<vmem>>) dst(%dma_wait3A_195 : memref<10240x8xf32, #tpu.memory_space<vmem_shared>>)
    %dma_wait3A_196 = arith.constant 3 : i32
    %dma_wait3A_197 = arith.constant 79 : i32
    %dma_wait3A_198 = arith.constant 0 : i32
    %dma_wait3A_199 = arith.constant 0 : i32
    %dma_wait3A_200 = tpu.memref_slice %arg9[%dma_wait3A_196, %dma_wait3A_198, %dma_wait3A_199] : memref<4x128x8xf32, #tpu.memory_space<vmem>> -> memref<1x128x8xf32, #tpu.memory_space<vmem>>
    %dma_wait3A_201 = tpu.memref_squeeze %dma_wait3A_200 : memref<1x128x8xf32, #tpu.memory_space<vmem>> -> memref<128x8xf32, #tpu.memory_space<vmem>>
    %dma_wait3A_202 = arith.constant 0 : i32
    %dma_wait3A_203 = tpu.memref_slice %arg8[%dma_wait3A_197, %dma_wait3A_202] : memref<80x128xi32, #tpu.memory_space<vmem>> -> memref<1x128xi32, #tpu.memory_space<vmem>>
    %dma_wait3A_204 = tpu.memref_squeeze %dma_wait3A_203 : memref<1x128xi32, #tpu.memory_space<vmem>> -> memref<128xi32, #tpu.memory_space<vmem>>
    %dma_wait3A_205 = arith.constant 0 : i32
    %dma_wait3A_206 = arith.constant 0 : i32
    %dma_wait3A_207 = tpu.memref_slice %arg18[%dma_wait3A_205, %dma_wait3A_206] : memref<10240x8xf32, #tpu.memory_space<vmem_shared>> -> memref<10240x8xf32, #tpu.memory_space<vmem_shared>>
    tpu.wait_indirect_dma semaphore(%arg17 : memref<!tpu.dma_semaphore, #tpu.memory_space<semaphore_mem>>) src(%dma_wait3A_201 : memref<128x8xf32, #tpu.memory_space<vmem>>) dst(%dma_wait3A_207 : memref<10240x8xf32, #tpu.memory_space<vmem_shared>>)
    %barrier3A_208 = arith.constant 0 : index
    tpu.barrier barrier_id(%barrier3A_208)
    %mul3A_209 = arith.constant 640 : i32
    %mul3A_210 = arith.muli %arg1, %mul3A_209 : i32
    %mul3A_211 = arith.constant 640 : i32
    %mul3A_212 = arith.muli %arg1, %mul3A_211 : i32
    "tpu.region"() ({
      %run_scoped3A = tpu.sem_alloc : memref<!tpu.dma_semaphore, #tpu.memory_space<semaphore_mem>>
      %dma_start3A_213 = arith.constant 0 : i32
      %dma_start3A_214 = tpu.memref_slice %arg6[%arg0, %mul3A_212, %dma_start3A_213] : memref<2x10240x8xf32, #tpu.memory_space<hbm>> -> memref<1x640x8xf32, #tpu.memory_space<hbm>>
      %dma_start3A_215 = tpu.memref_squeeze %dma_start3A_214 : memref<1x640x8xf32, #tpu.memory_space<hbm>> -> memref<640x8xf32, #tpu.memory_space<hbm>>
      %dma_start3A_216 = arith.constant 0 : i32
      %dma_start3A_217 = tpu.memref_slice %arg18[%mul3A_210, %dma_start3A_216] : memref<10240x8xf32, #tpu.memory_space<vmem_shared>> -> memref<640x8xf32, #tpu.memory_space<vmem_shared>>
      tpu.enqueue_dma source(%dma_start3A_217 : memref<640x8xf32, #tpu.memory_space<vmem_shared>>) target(%dma_start3A_215 : memref<640x8xf32, #tpu.memory_space<hbm>>) target_semaphore(%run_scoped3A : memref<!tpu.dma_semaphore, #tpu.memory_space<semaphore_mem>>)
      %dma_wait3A_218 = arith.constant 0 : i32
      %dma_wait3A_219 = tpu.memref_slice %arg6[%arg0, %mul3A_212, %dma_wait3A_218] : memref<2x10240x8xf32, #tpu.memory_space<hbm>> -> memref<1x640x8xf32, #tpu.memory_space<hbm>>
      %dma_wait3A_220 = tpu.memref_squeeze %dma_wait3A_219 : memref<1x640x8xf32, #tpu.memory_space<hbm>> -> memref<640x8xf32, #tpu.memory_space<hbm>>
      %dma_wait3A_221 = arith.constant 0 : i32
      %dma_wait3A_222 = tpu.memref_slice %arg18[%mul3A_210, %dma_wait3A_221] : memref<10240x8xf32, #tpu.memory_space<vmem_shared>> -> memref<640x8xf32, #tpu.memory_space<vmem_shared>>
      tpu.wait_dma2 semaphore(%run_scoped3A : memref<!tpu.dma_semaphore, #tpu.memory_space<semaphore_mem>>) src(%dma_wait3A_222 : memref<640x8xf32, #tpu.memory_space<vmem_shared>>) dst(%dma_wait3A_220 : memref<640x8xf32, #tpu.memory_space<hbm>>)
      tpu.yield
    }) : () -> ()
    return
  }
}

#map = affine_map<(d0, d1) -> (0, 0)>
#map1 = affine_map<(d0, d1) -> (0, 0, 0)>
module attributes {stable_mosaic.version = 14 : i64} {
  func.func @_hop_body(%arg0: i32, %arg1: i32, %arg2: memref<10240x8xf32, #tpu.memory_space<hbm>>, %arg3: memref<2560x128xi32, #tpu.memory_space<hbm>>, %arg4: memref<2560x128xi32, #tpu.memory_space<hbm>>, %arg5: memref<10240x8xf32, #tpu.memory_space<hbm>>, %arg6: memref<2x10240x8xf32, #tpu.memory_space<hbm>>, %arg7: memref<80x128xi32, #tpu.memory_space<vmem>>, %arg8: memref<80x128xi32, #tpu.memory_space<vmem>>, %arg9: memref<4x128x8xf32, #tpu.memory_space<vmem>>, %arg10: memref<!tpu.dma_semaphore, #tpu.memory_space<semaphore_mem>>, %arg11: memref<!tpu.dma_semaphore, #tpu.memory_space<semaphore_mem>>, %arg12: memref<!tpu.dma_semaphore, #tpu.memory_space<semaphore_mem>>, %arg13: memref<!tpu.dma_semaphore, #tpu.memory_space<semaphore_mem>>, %arg14: memref<!tpu.dma_semaphore, #tpu.memory_space<semaphore_mem>>, %arg15: memref<!tpu.dma_semaphore, #tpu.memory_space<semaphore_mem>>, %arg16: memref<!tpu.dma_semaphore, #tpu.memory_space<semaphore_mem>>, %arg17: memref<!tpu.dma_semaphore, #tpu.memory_space<semaphore_mem>>, %arg18: memref<10240x8xf32, #tpu.memory_space<vmem_shared>>, %arg19: memref<10240x8xf32, #tpu.memory_space<vmem_shared>>) attributes {dimension_semantics = [#tpu.dimension_semantics<core_parallel>, #tpu.dimension_semantics<subcore_parallel>], iteration_bounds = array<i64: 2, 16>, scalar_prefetch = 0 : i64, scratch_operands = 13 : i64, tpu.core_type = #tpu.core_type<sc_vector_subcore>, window_params = [{transform_indices = #map}, {transform_indices = #map}, {transform_indices = #map}, {transform_indices = #map}, {transform_indices = #map1}]} {
    %mul3A = arith.constant 16 : i32
    %mul3A_0 = arith.muli %arg0, %mul3A : i32
    %add3A = arith.addi %mul3A_0, %arg1 : i32
    %mul3A_1 = arith.constant 640 : i32
    %mul3A_2 = arith.muli %arg1, %mul3A_1 : i32
    %mul3A_3 = arith.constant 640 : i32
    %mul3A_4 = arith.muli %arg1, %mul3A_3 : i32
    "tpu.region"() ({
      %run_scoped3A = tpu.sem_alloc : memref<!tpu.dma_semaphore, #tpu.memory_space<semaphore_mem>>
      %dma_start3A_213 = arith.constant 0 : i32
      %dma_start3A_214 = tpu.memref_slice %arg19[%mul3A_4, %dma_start3A_213] : memref<10240x8xf32, #tpu.memory_space<vmem_shared>> -> memref<640x8xf32, #tpu.memory_space<vmem_shared>>
      %dma_start3A_215 = arith.constant 0 : i32
      %dma_start3A_216 = tpu.memref_slice %arg2[%mul3A_2, %dma_start3A_215] : memref<10240x8xf32, #tpu.memory_space<hbm>> -> memref<640x8xf32, #tpu.memory_space<hbm>>
      tpu.enqueue_dma source(%dma_start3A_216 : memref<640x8xf32, #tpu.memory_space<hbm>>) target(%dma_start3A_214 : memref<640x8xf32, #tpu.memory_space<vmem_shared>>) target_semaphore(%run_scoped3A : memref<!tpu.dma_semaphore, #tpu.memory_space<semaphore_mem>>)
      %dma_wait3A_217 = arith.constant 0 : i32
      %dma_wait3A_218 = tpu.memref_slice %arg19[%mul3A_4, %dma_wait3A_217] : memref<10240x8xf32, #tpu.memory_space<vmem_shared>> -> memref<640x8xf32, #tpu.memory_space<vmem_shared>>
      %dma_wait3A_219 = arith.constant 0 : i32
      %dma_wait3A_220 = tpu.memref_slice %arg2[%mul3A_2, %dma_wait3A_219] : memref<10240x8xf32, #tpu.memory_space<hbm>> -> memref<640x8xf32, #tpu.memory_space<hbm>>
      tpu.wait_dma2 semaphore(%run_scoped3A : memref<!tpu.dma_semaphore, #tpu.memory_space<semaphore_mem>>) src(%dma_wait3A_220 : memref<640x8xf32, #tpu.memory_space<hbm>>) dst(%dma_wait3A_218 : memref<640x8xf32, #tpu.memory_space<vmem_shared>>)
      tpu.yield
    }) : () -> ()
    %mul3A_5 = arith.constant 640 : i32
    %mul3A_6 = arith.muli %arg1, %mul3A_5 : i32
    %mul3A_7 = arith.constant 640 : i32
    %mul3A_8 = arith.muli %arg1, %mul3A_7 : i32
    "tpu.region"() ({
      %run_scoped3A = tpu.sem_alloc : memref<!tpu.dma_semaphore, #tpu.memory_space<semaphore_mem>>
      %dma_start3A_213 = arith.constant 0 : i32
      %dma_start3A_214 = tpu.memref_slice %arg18[%mul3A_8, %dma_start3A_213] : memref<10240x8xf32, #tpu.memory_space<vmem_shared>> -> memref<640x8xf32, #tpu.memory_space<vmem_shared>>
      %dma_start3A_215 = arith.constant 0 : i32
      %dma_start3A_216 = tpu.memref_slice %arg5[%mul3A_6, %dma_start3A_215] : memref<10240x8xf32, #tpu.memory_space<hbm>> -> memref<640x8xf32, #tpu.memory_space<hbm>>
      tpu.enqueue_dma source(%dma_start3A_216 : memref<640x8xf32, #tpu.memory_space<hbm>>) target(%dma_start3A_214 : memref<640x8xf32, #tpu.memory_space<vmem_shared>>) target_semaphore(%run_scoped3A : memref<!tpu.dma_semaphore, #tpu.memory_space<semaphore_mem>>)
      %dma_wait3A_217 = arith.constant 0 : i32
      %dma_wait3A_218 = tpu.memref_slice %arg18[%mul3A_8, %dma_wait3A_217] : memref<10240x8xf32, #tpu.memory_space<vmem_shared>> -> memref<640x8xf32, #tpu.memory_space<vmem_shared>>
      %dma_wait3A_219 = arith.constant 0 : i32
      %dma_wait3A_220 = tpu.memref_slice %arg5[%mul3A_6, %dma_wait3A_219] : memref<10240x8xf32, #tpu.memory_space<hbm>> -> memref<640x8xf32, #tpu.memory_space<hbm>>
      tpu.wait_dma2 semaphore(%run_scoped3A : memref<!tpu.dma_semaphore, #tpu.memory_space<semaphore_mem>>) src(%dma_wait3A_220 : memref<640x8xf32, #tpu.memory_space<hbm>>) dst(%dma_wait3A_218 : memref<640x8xf32, #tpu.memory_space<vmem_shared>>)
      tpu.yield
    }) : () -> ()
    %mul3A_9 = arith.constant 80 : i32
    %mul3A_10 = arith.muli %add3A, %mul3A_9 : i32
    "tpu.region"() ({
      %run_scoped3A = tpu.sem_alloc : memref<!tpu.dma_semaphore, #tpu.memory_space<semaphore_mem>>
      %dma_start3A_213 = arith.constant 0 : i32
      %dma_start3A_214 = tpu.memref_slice %arg3[%mul3A_10, %dma_start3A_213] : memref<2560x128xi32, #tpu.memory_space<hbm>> -> memref<80x128xi32, #tpu.memory_space<hbm>>
      %dma_start3A_215 = arith.constant 0 : i32
      %dma_start3A_216 = tpu.memref_slice %arg3[%mul3A_10, %dma_start3A_215] : memref<2560x128xi32, #tpu.memory_space<hbm>> -> memref<80x128xi32, #tpu.memory_space<hbm>>
      tpu.enqueue_dma source(%dma_start3A_216 : memref<80x128xi32, #tpu.memory_space<hbm>>) target(%arg7 : memref<80x128xi32, #tpu.memory_space<vmem>>) target_semaphore(%run_scoped3A : memref<!tpu.dma_semaphore, #tpu.memory_space<semaphore_mem>>)
      %dma_wait3A_217 = arith.constant 0 : i32
      %dma_wait3A_218 = tpu.memref_slice %arg3[%mul3A_10, %dma_wait3A_217] : memref<2560x128xi32, #tpu.memory_space<hbm>> -> memref<80x128xi32, #tpu.memory_space<hbm>>
      %dma_wait3A_219 = arith.constant 0 : i32
      %dma_wait3A_220 = tpu.memref_slice %arg3[%mul3A_10, %dma_wait3A_219] : memref<2560x128xi32, #tpu.memory_space<hbm>> -> memref<80x128xi32, #tpu.memory_space<hbm>>
      tpu.wait_dma2 semaphore(%run_scoped3A : memref<!tpu.dma_semaphore, #tpu.memory_space<semaphore_mem>>) src(%dma_wait3A_220 : memref<80x128xi32, #tpu.memory_space<hbm>>) dst(%arg7 : memref<80x128xi32, #tpu.memory_space<vmem>>)
      tpu.yield
    }) : () -> ()
    %mul3A_11 = arith.constant 80 : i32
    %mul3A_12 = arith.muli %add3A, %mul3A_11 : i32
    "tpu.region"() ({
      %run_scoped3A = tpu.sem_alloc : memref<!tpu.dma_semaphore, #tpu.memory_space<semaphore_mem>>
      %dma_start3A_213 = arith.constant 0 : i32
      %dma_start3A_214 = tpu.memref_slice %arg4[%mul3A_12, %dma_start3A_213] : memref<2560x128xi32, #tpu.memory_space<hbm>> -> memref<80x128xi32, #tpu.memory_space<hbm>>
      %dma_start3A_215 = arith.constant 0 : i32
      %dma_start3A_216 = tpu.memref_slice %arg4[%mul3A_12, %dma_start3A_215] : memref<2560x128xi32, #tpu.memory_space<hbm>> -> memref<80x128xi32, #tpu.memory_space<hbm>>
      tpu.enqueue_dma source(%dma_start3A_216 : memref<80x128xi32, #tpu.memory_space<hbm>>) target(%arg8 : memref<80x128xi32, #tpu.memory_space<vmem>>) target_semaphore(%run_scoped3A : memref<!tpu.dma_semaphore, #tpu.memory_space<semaphore_mem>>)
      %dma_wait3A_217 = arith.constant 0 : i32
      %dma_wait3A_218 = tpu.memref_slice %arg4[%mul3A_12, %dma_wait3A_217] : memref<2560x128xi32, #tpu.memory_space<hbm>> -> memref<80x128xi32, #tpu.memory_space<hbm>>
      %dma_wait3A_219 = arith.constant 0 : i32
      %dma_wait3A_220 = tpu.memref_slice %arg4[%mul3A_12, %dma_wait3A_219] : memref<2560x128xi32, #tpu.memory_space<hbm>> -> memref<80x128xi32, #tpu.memory_space<hbm>>
      tpu.wait_dma2 semaphore(%run_scoped3A : memref<!tpu.dma_semaphore, #tpu.memory_space<semaphore_mem>>) src(%dma_wait3A_220 : memref<80x128xi32, #tpu.memory_space<hbm>>) dst(%arg8 : memref<80x128xi32, #tpu.memory_space<vmem>>)
      tpu.yield
    }) : () -> ()
    %barrier3A = arith.constant 0 : index
    tpu.barrier barrier_id(%barrier3A)
    %dma_start3A = arith.constant 0 : i32
    %dma_start3A_13 = arith.constant 0 : i32
    %dma_start3A_14 = arith.constant 0 : i32
    %dma_start3A_15 = arith.constant 0 : i32
    %dma_start3A_16 = tpu.memref_slice %arg9[%dma_start3A_13, %dma_start3A_14, %dma_start3A_15] : memref<4x128x8xf32, #tpu.memory_space<vmem>> -> memref<1x128x8xf32, #tpu.memory_space<vmem>>
    %dma_start3A_17 = tpu.memref_squeeze %dma_start3A_16 : memref<1x128x8xf32, #tpu.memory_space<vmem>> -> memref<128x8xf32, #tpu.memory_space<vmem>>
    %dma_start3A_18 = arith.constant 0 : i32
    %dma_start3A_19 = tpu.memref_slice %arg7[%dma_start3A, %dma_start3A_18] : memref<80x128xi32, #tpu.memory_space<vmem>> -> memref<1x128xi32, #tpu.memory_space<vmem>>
    %dma_start3A_20 = tpu.memref_squeeze %dma_start3A_19 : memref<1x128xi32, #tpu.memory_space<vmem>> -> memref<128xi32, #tpu.memory_space<vmem>>
    %dma_start3A_21 = arith.constant 0 : i32
    %dma_start3A_22 = arith.constant 0 : i32
    %dma_start3A_23 = tpu.memref_slice %arg19[%dma_start3A_21, %dma_start3A_22] : memref<10240x8xf32, #tpu.memory_space<vmem_shared>> -> memref<10240x8xf32, #tpu.memory_space<vmem_shared>>
    tpu.enqueue_indirect_dma source(%dma_start3A_23 : memref<10240x8xf32, #tpu.memory_space<vmem_shared>>) target(%dma_start3A_17 : memref<128x8xf32, #tpu.memory_space<vmem>>) offsets(%dma_start3A_20 : memref<128xi32, #tpu.memory_space<vmem>>) semaphore(%arg10 : memref<!tpu.dma_semaphore, #tpu.memory_space<semaphore_mem>>)
    %dma_start3A_24 = arith.constant 1 : i32
    %dma_start3A_25 = arith.constant 1 : i32
    %dma_start3A_26 = arith.constant 0 : i32
    %dma_start3A_27 = arith.constant 0 : i32
    %dma_start3A_28 = tpu.memref_slice %arg9[%dma_start3A_25, %dma_start3A_26, %dma_start3A_27] : memref<4x128x8xf32, #tpu.memory_space<vmem>> -> memref<1x128x8xf32, #tpu.memory_space<vmem>>
    %dma_start3A_29 = tpu.memref_squeeze %dma_start3A_28 : memref<1x128x8xf32, #tpu.memory_space<vmem>> -> memref<128x8xf32, #tpu.memory_space<vmem>>
    %dma_start3A_30 = arith.constant 0 : i32
    %dma_start3A_31 = tpu.memref_slice %arg7[%dma_start3A_24, %dma_start3A_30] : memref<80x128xi32, #tpu.memory_space<vmem>> -> memref<1x128xi32, #tpu.memory_space<vmem>>
    %dma_start3A_32 = tpu.memref_squeeze %dma_start3A_31 : memref<1x128xi32, #tpu.memory_space<vmem>> -> memref<128xi32, #tpu.memory_space<vmem>>
    %dma_start3A_33 = arith.constant 0 : i32
    %dma_start3A_34 = arith.constant 0 : i32
    %dma_start3A_35 = tpu.memref_slice %arg19[%dma_start3A_33, %dma_start3A_34] : memref<10240x8xf32, #tpu.memory_space<vmem_shared>> -> memref<10240x8xf32, #tpu.memory_space<vmem_shared>>
    tpu.enqueue_indirect_dma source(%dma_start3A_35 : memref<10240x8xf32, #tpu.memory_space<vmem_shared>>) target(%dma_start3A_29 : memref<128x8xf32, #tpu.memory_space<vmem>>) offsets(%dma_start3A_32 : memref<128xi32, #tpu.memory_space<vmem>>) semaphore(%arg11 : memref<!tpu.dma_semaphore, #tpu.memory_space<semaphore_mem>>)
    %dma_start3A_36 = arith.constant 2 : i32
    %dma_start3A_37 = arith.constant 2 : i32
    %dma_start3A_38 = arith.constant 0 : i32
    %dma_start3A_39 = arith.constant 0 : i32
    %dma_start3A_40 = tpu.memref_slice %arg9[%dma_start3A_37, %dma_start3A_38, %dma_start3A_39] : memref<4x128x8xf32, #tpu.memory_space<vmem>> -> memref<1x128x8xf32, #tpu.memory_space<vmem>>
    %dma_start3A_41 = tpu.memref_squeeze %dma_start3A_40 : memref<1x128x8xf32, #tpu.memory_space<vmem>> -> memref<128x8xf32, #tpu.memory_space<vmem>>
    %dma_start3A_42 = arith.constant 0 : i32
    %dma_start3A_43 = tpu.memref_slice %arg7[%dma_start3A_36, %dma_start3A_42] : memref<80x128xi32, #tpu.memory_space<vmem>> -> memref<1x128xi32, #tpu.memory_space<vmem>>
    %dma_start3A_44 = tpu.memref_squeeze %dma_start3A_43 : memref<1x128xi32, #tpu.memory_space<vmem>> -> memref<128xi32, #tpu.memory_space<vmem>>
    %dma_start3A_45 = arith.constant 0 : i32
    %dma_start3A_46 = arith.constant 0 : i32
    %dma_start3A_47 = tpu.memref_slice %arg19[%dma_start3A_45, %dma_start3A_46] : memref<10240x8xf32, #tpu.memory_space<vmem_shared>> -> memref<10240x8xf32, #tpu.memory_space<vmem_shared>>
    tpu.enqueue_indirect_dma source(%dma_start3A_47 : memref<10240x8xf32, #tpu.memory_space<vmem_shared>>) target(%dma_start3A_41 : memref<128x8xf32, #tpu.memory_space<vmem>>) offsets(%dma_start3A_44 : memref<128xi32, #tpu.memory_space<vmem>>) semaphore(%arg12 : memref<!tpu.dma_semaphore, #tpu.memory_space<semaphore_mem>>)
    %dma_start3A_48 = arith.constant 3 : i32
    %dma_start3A_49 = arith.constant 3 : i32
    %dma_start3A_50 = arith.constant 0 : i32
    %dma_start3A_51 = arith.constant 0 : i32
    %dma_start3A_52 = tpu.memref_slice %arg9[%dma_start3A_49, %dma_start3A_50, %dma_start3A_51] : memref<4x128x8xf32, #tpu.memory_space<vmem>> -> memref<1x128x8xf32, #tpu.memory_space<vmem>>
    %dma_start3A_53 = tpu.memref_squeeze %dma_start3A_52 : memref<1x128x8xf32, #tpu.memory_space<vmem>> -> memref<128x8xf32, #tpu.memory_space<vmem>>
    %dma_start3A_54 = arith.constant 0 : i32
    %dma_start3A_55 = tpu.memref_slice %arg7[%dma_start3A_48, %dma_start3A_54] : memref<80x128xi32, #tpu.memory_space<vmem>> -> memref<1x128xi32, #tpu.memory_space<vmem>>
    %dma_start3A_56 = tpu.memref_squeeze %dma_start3A_55 : memref<1x128xi32, #tpu.memory_space<vmem>> -> memref<128xi32, #tpu.memory_space<vmem>>
    %dma_start3A_57 = arith.constant 0 : i32
    %dma_start3A_58 = arith.constant 0 : i32
    %dma_start3A_59 = tpu.memref_slice %arg19[%dma_start3A_57, %dma_start3A_58] : memref<10240x8xf32, #tpu.memory_space<vmem_shared>> -> memref<10240x8xf32, #tpu.memory_space<vmem_shared>>
    tpu.enqueue_indirect_dma source(%dma_start3A_59 : memref<10240x8xf32, #tpu.memory_space<vmem_shared>>) target(%dma_start3A_53 : memref<128x8xf32, #tpu.memory_space<vmem>>) offsets(%dma_start3A_56 : memref<128xi32, #tpu.memory_space<vmem>>) semaphore(%arg13 : memref<!tpu.dma_semaphore, #tpu.memory_space<semaphore_mem>>)
    %scan3A = arith.constant 0 : i32
    %scan3A_60 = arith.constant 0 : i32
    %scan3A_61 = arith.constant 19 : i32
    %scan3A_62 = arith.addi %scan3A_60, %scan3A_61 : i32
    %scan3A_63 = arith.constant 1 : i32
    scf.for %scan3A_213 = %scan3A_60 to %scan3A_62 step %scan3A_63  : i32 {
      %mul3A_214 = arith.constant 4 : i32
      %mul3A_215 = arith.muli %scan3A_213, %mul3A_214 : i32
      %add3A_216 = arith.constant 0 : i32
      %add3A_217 = arith.addi %mul3A_215, %add3A_216 : i32
      %dma_wait3A_218 = arith.constant 0 : i32
      %dma_wait3A_219 = arith.constant 0 : i32
      %dma_wait3A_220 = arith.constant 0 : i32
      %dma_wait3A_221 = tpu.memref_slice %arg9[%dma_wait3A_218, %dma_wait3A_219, %dma_wait3A_220] : memref<4x128x8xf32, #tpu.memory_space<vmem>> -> memref<1x128x8xf32, #tpu.memory_space<vmem>>
      %dma_wait3A_222 = tpu.memref_squeeze %dma_wait3A_221 : memref<1x128x8xf32, #tpu.memory_space<vmem>> -> memref<128x8xf32, #tpu.memory_space<vmem>>
      %dma_wait3A_223 = arith.constant 0 : i32
      %dma_wait3A_224 = tpu.memref_slice %arg7[%add3A_217, %dma_wait3A_223] : memref<80x128xi32, #tpu.memory_space<vmem>> -> memref<1x128xi32, #tpu.memory_space<vmem>>
      %dma_wait3A_225 = tpu.memref_squeeze %dma_wait3A_224 : memref<1x128xi32, #tpu.memory_space<vmem>> -> memref<128xi32, #tpu.memory_space<vmem>>
      %dma_wait3A_226 = arith.constant 0 : i32
      %dma_wait3A_227 = arith.constant 0 : i32
      %dma_wait3A_228 = tpu.memref_slice %arg19[%dma_wait3A_226, %dma_wait3A_227] : memref<10240x8xf32, #tpu.memory_space<vmem_shared>> -> memref<10240x8xf32, #tpu.memory_space<vmem_shared>>
      tpu.wait_indirect_dma semaphore(%arg10 : memref<!tpu.dma_semaphore, #tpu.memory_space<semaphore_mem>>) src(%dma_wait3A_228 : memref<10240x8xf32, #tpu.memory_space<vmem_shared>>) dst(%dma_wait3A_222 : memref<128x8xf32, #tpu.memory_space<vmem>>)
      %add3A_229 = arith.constant 0 : i32
      %add3A_230 = arith.addi %mul3A_215, %add3A_229 : i32
      %dma_start3A_231 = arith.constant 0 : i32
      %dma_start3A_232 = arith.constant 0 : i32
      %dma_start3A_233 = arith.constant 0 : i32
      %dma_start3A_234 = tpu.memref_slice %arg9[%dma_start3A_231, %dma_start3A_232, %dma_start3A_233] : memref<4x128x8xf32, #tpu.memory_space<vmem>> -> memref<1x128x8xf32, #tpu.memory_space<vmem>>
      %dma_start3A_235 = tpu.memref_squeeze %dma_start3A_234 : memref<1x128x8xf32, #tpu.memory_space<vmem>> -> memref<128x8xf32, #tpu.memory_space<vmem>>
      %dma_start3A_236 = arith.constant 0 : i32
      %dma_start3A_237 = tpu.memref_slice %arg8[%add3A_230, %dma_start3A_236] : memref<80x128xi32, #tpu.memory_space<vmem>> -> memref<1x128xi32, #tpu.memory_space<vmem>>
      %dma_start3A_238 = tpu.memref_squeeze %dma_start3A_237 : memref<1x128xi32, #tpu.memory_space<vmem>> -> memref<128xi32, #tpu.memory_space<vmem>>
      %dma_start3A_239 = arith.constant 0 : i32
      %dma_start3A_240 = arith.constant 0 : i32
      %dma_start3A_241 = tpu.memref_slice %arg18[%dma_start3A_239, %dma_start3A_240] : memref<10240x8xf32, #tpu.memory_space<vmem_shared>> -> memref<10240x8xf32, #tpu.memory_space<vmem_shared>>
      tpu.enqueue_indirect_dma source(%dma_start3A_235 : memref<128x8xf32, #tpu.memory_space<vmem>>) target(%dma_start3A_241 : memref<10240x8xf32, #tpu.memory_space<vmem_shared>>) offsets(%dma_start3A_238 : memref<128xi32, #tpu.memory_space<vmem>>) semaphore(%arg14 : memref<!tpu.dma_semaphore, #tpu.memory_space<semaphore_mem>>) {add = true}
      %add3A_242 = arith.constant 1 : i32
      %add3A_243 = arith.addi %mul3A_215, %add3A_242 : i32
      %dma_wait3A_244 = arith.constant 1 : i32
      %dma_wait3A_245 = arith.constant 0 : i32
      %dma_wait3A_246 = arith.constant 0 : i32
      %dma_wait3A_247 = tpu.memref_slice %arg9[%dma_wait3A_244, %dma_wait3A_245, %dma_wait3A_246] : memref<4x128x8xf32, #tpu.memory_space<vmem>> -> memref<1x128x8xf32, #tpu.memory_space<vmem>>
      %dma_wait3A_248 = tpu.memref_squeeze %dma_wait3A_247 : memref<1x128x8xf32, #tpu.memory_space<vmem>> -> memref<128x8xf32, #tpu.memory_space<vmem>>
      %dma_wait3A_249 = arith.constant 0 : i32
      %dma_wait3A_250 = tpu.memref_slice %arg7[%add3A_243, %dma_wait3A_249] : memref<80x128xi32, #tpu.memory_space<vmem>> -> memref<1x128xi32, #tpu.memory_space<vmem>>
      %dma_wait3A_251 = tpu.memref_squeeze %dma_wait3A_250 : memref<1x128xi32, #tpu.memory_space<vmem>> -> memref<128xi32, #tpu.memory_space<vmem>>
      %dma_wait3A_252 = arith.constant 0 : i32
      %dma_wait3A_253 = arith.constant 0 : i32
      %dma_wait3A_254 = tpu.memref_slice %arg19[%dma_wait3A_252, %dma_wait3A_253] : memref<10240x8xf32, #tpu.memory_space<vmem_shared>> -> memref<10240x8xf32, #tpu.memory_space<vmem_shared>>
      tpu.wait_indirect_dma semaphore(%arg11 : memref<!tpu.dma_semaphore, #tpu.memory_space<semaphore_mem>>) src(%dma_wait3A_254 : memref<10240x8xf32, #tpu.memory_space<vmem_shared>>) dst(%dma_wait3A_248 : memref<128x8xf32, #tpu.memory_space<vmem>>)
      %add3A_255 = arith.constant 1 : i32
      %add3A_256 = arith.addi %mul3A_215, %add3A_255 : i32
      %dma_start3A_257 = arith.constant 1 : i32
      %dma_start3A_258 = arith.constant 0 : i32
      %dma_start3A_259 = arith.constant 0 : i32
      %dma_start3A_260 = tpu.memref_slice %arg9[%dma_start3A_257, %dma_start3A_258, %dma_start3A_259] : memref<4x128x8xf32, #tpu.memory_space<vmem>> -> memref<1x128x8xf32, #tpu.memory_space<vmem>>
      %dma_start3A_261 = tpu.memref_squeeze %dma_start3A_260 : memref<1x128x8xf32, #tpu.memory_space<vmem>> -> memref<128x8xf32, #tpu.memory_space<vmem>>
      %dma_start3A_262 = arith.constant 0 : i32
      %dma_start3A_263 = tpu.memref_slice %arg8[%add3A_256, %dma_start3A_262] : memref<80x128xi32, #tpu.memory_space<vmem>> -> memref<1x128xi32, #tpu.memory_space<vmem>>
      %dma_start3A_264 = tpu.memref_squeeze %dma_start3A_263 : memref<1x128xi32, #tpu.memory_space<vmem>> -> memref<128xi32, #tpu.memory_space<vmem>>
      %dma_start3A_265 = arith.constant 0 : i32
      %dma_start3A_266 = arith.constant 0 : i32
      %dma_start3A_267 = tpu.memref_slice %arg18[%dma_start3A_265, %dma_start3A_266] : memref<10240x8xf32, #tpu.memory_space<vmem_shared>> -> memref<10240x8xf32, #tpu.memory_space<vmem_shared>>
      tpu.enqueue_indirect_dma source(%dma_start3A_261 : memref<128x8xf32, #tpu.memory_space<vmem>>) target(%dma_start3A_267 : memref<10240x8xf32, #tpu.memory_space<vmem_shared>>) offsets(%dma_start3A_264 : memref<128xi32, #tpu.memory_space<vmem>>) semaphore(%arg15 : memref<!tpu.dma_semaphore, #tpu.memory_space<semaphore_mem>>) {add = true}
      %add3A_268 = arith.constant 2 : i32
      %add3A_269 = arith.addi %mul3A_215, %add3A_268 : i32
      %dma_wait3A_270 = arith.constant 2 : i32
      %dma_wait3A_271 = arith.constant 0 : i32
      %dma_wait3A_272 = arith.constant 0 : i32
      %dma_wait3A_273 = tpu.memref_slice %arg9[%dma_wait3A_270, %dma_wait3A_271, %dma_wait3A_272] : memref<4x128x8xf32, #tpu.memory_space<vmem>> -> memref<1x128x8xf32, #tpu.memory_space<vmem>>
      %dma_wait3A_274 = tpu.memref_squeeze %dma_wait3A_273 : memref<1x128x8xf32, #tpu.memory_space<vmem>> -> memref<128x8xf32, #tpu.memory_space<vmem>>
      %dma_wait3A_275 = arith.constant 0 : i32
      %dma_wait3A_276 = tpu.memref_slice %arg7[%add3A_269, %dma_wait3A_275] : memref<80x128xi32, #tpu.memory_space<vmem>> -> memref<1x128xi32, #tpu.memory_space<vmem>>
      %dma_wait3A_277 = tpu.memref_squeeze %dma_wait3A_276 : memref<1x128xi32, #tpu.memory_space<vmem>> -> memref<128xi32, #tpu.memory_space<vmem>>
      %dma_wait3A_278 = arith.constant 0 : i32
      %dma_wait3A_279 = arith.constant 0 : i32
      %dma_wait3A_280 = tpu.memref_slice %arg19[%dma_wait3A_278, %dma_wait3A_279] : memref<10240x8xf32, #tpu.memory_space<vmem_shared>> -> memref<10240x8xf32, #tpu.memory_space<vmem_shared>>
      tpu.wait_indirect_dma semaphore(%arg12 : memref<!tpu.dma_semaphore, #tpu.memory_space<semaphore_mem>>) src(%dma_wait3A_280 : memref<10240x8xf32, #tpu.memory_space<vmem_shared>>) dst(%dma_wait3A_274 : memref<128x8xf32, #tpu.memory_space<vmem>>)
      %add3A_281 = arith.constant 2 : i32
      %add3A_282 = arith.addi %mul3A_215, %add3A_281 : i32
      %dma_start3A_283 = arith.constant 2 : i32
      %dma_start3A_284 = arith.constant 0 : i32
      %dma_start3A_285 = arith.constant 0 : i32
      %dma_start3A_286 = tpu.memref_slice %arg9[%dma_start3A_283, %dma_start3A_284, %dma_start3A_285] : memref<4x128x8xf32, #tpu.memory_space<vmem>> -> memref<1x128x8xf32, #tpu.memory_space<vmem>>
      %dma_start3A_287 = tpu.memref_squeeze %dma_start3A_286 : memref<1x128x8xf32, #tpu.memory_space<vmem>> -> memref<128x8xf32, #tpu.memory_space<vmem>>
      %dma_start3A_288 = arith.constant 0 : i32
      %dma_start3A_289 = tpu.memref_slice %arg8[%add3A_282, %dma_start3A_288] : memref<80x128xi32, #tpu.memory_space<vmem>> -> memref<1x128xi32, #tpu.memory_space<vmem>>
      %dma_start3A_290 = tpu.memref_squeeze %dma_start3A_289 : memref<1x128xi32, #tpu.memory_space<vmem>> -> memref<128xi32, #tpu.memory_space<vmem>>
      %dma_start3A_291 = arith.constant 0 : i32
      %dma_start3A_292 = arith.constant 0 : i32
      %dma_start3A_293 = tpu.memref_slice %arg18[%dma_start3A_291, %dma_start3A_292] : memref<10240x8xf32, #tpu.memory_space<vmem_shared>> -> memref<10240x8xf32, #tpu.memory_space<vmem_shared>>
      tpu.enqueue_indirect_dma source(%dma_start3A_287 : memref<128x8xf32, #tpu.memory_space<vmem>>) target(%dma_start3A_293 : memref<10240x8xf32, #tpu.memory_space<vmem_shared>>) offsets(%dma_start3A_290 : memref<128xi32, #tpu.memory_space<vmem>>) semaphore(%arg16 : memref<!tpu.dma_semaphore, #tpu.memory_space<semaphore_mem>>) {add = true}
      %add3A_294 = arith.constant 3 : i32
      %add3A_295 = arith.addi %mul3A_215, %add3A_294 : i32
      %dma_wait3A_296 = arith.constant 3 : i32
      %dma_wait3A_297 = arith.constant 0 : i32
      %dma_wait3A_298 = arith.constant 0 : i32
      %dma_wait3A_299 = tpu.memref_slice %arg9[%dma_wait3A_296, %dma_wait3A_297, %dma_wait3A_298] : memref<4x128x8xf32, #tpu.memory_space<vmem>> -> memref<1x128x8xf32, #tpu.memory_space<vmem>>
      %dma_wait3A_300 = tpu.memref_squeeze %dma_wait3A_299 : memref<1x128x8xf32, #tpu.memory_space<vmem>> -> memref<128x8xf32, #tpu.memory_space<vmem>>
      %dma_wait3A_301 = arith.constant 0 : i32
      %dma_wait3A_302 = tpu.memref_slice %arg7[%add3A_295, %dma_wait3A_301] : memref<80x128xi32, #tpu.memory_space<vmem>> -> memref<1x128xi32, #tpu.memory_space<vmem>>
      %dma_wait3A_303 = tpu.memref_squeeze %dma_wait3A_302 : memref<1x128xi32, #tpu.memory_space<vmem>> -> memref<128xi32, #tpu.memory_space<vmem>>
      %dma_wait3A_304 = arith.constant 0 : i32
      %dma_wait3A_305 = arith.constant 0 : i32
      %dma_wait3A_306 = tpu.memref_slice %arg19[%dma_wait3A_304, %dma_wait3A_305] : memref<10240x8xf32, #tpu.memory_space<vmem_shared>> -> memref<10240x8xf32, #tpu.memory_space<vmem_shared>>
      tpu.wait_indirect_dma semaphore(%arg13 : memref<!tpu.dma_semaphore, #tpu.memory_space<semaphore_mem>>) src(%dma_wait3A_306 : memref<10240x8xf32, #tpu.memory_space<vmem_shared>>) dst(%dma_wait3A_300 : memref<128x8xf32, #tpu.memory_space<vmem>>)
      %add3A_307 = arith.constant 3 : i32
      %add3A_308 = arith.addi %mul3A_215, %add3A_307 : i32
      %dma_start3A_309 = arith.constant 3 : i32
      %dma_start3A_310 = arith.constant 0 : i32
      %dma_start3A_311 = arith.constant 0 : i32
      %dma_start3A_312 = tpu.memref_slice %arg9[%dma_start3A_309, %dma_start3A_310, %dma_start3A_311] : memref<4x128x8xf32, #tpu.memory_space<vmem>> -> memref<1x128x8xf32, #tpu.memory_space<vmem>>
      %dma_start3A_313 = tpu.memref_squeeze %dma_start3A_312 : memref<1x128x8xf32, #tpu.memory_space<vmem>> -> memref<128x8xf32, #tpu.memory_space<vmem>>
      %dma_start3A_314 = arith.constant 0 : i32
      %dma_start3A_315 = tpu.memref_slice %arg8[%add3A_308, %dma_start3A_314] : memref<80x128xi32, #tpu.memory_space<vmem>> -> memref<1x128xi32, #tpu.memory_space<vmem>>
      %dma_start3A_316 = tpu.memref_squeeze %dma_start3A_315 : memref<1x128xi32, #tpu.memory_space<vmem>> -> memref<128xi32, #tpu.memory_space<vmem>>
      %dma_start3A_317 = arith.constant 0 : i32
      %dma_start3A_318 = arith.constant 0 : i32
      %dma_start3A_319 = tpu.memref_slice %arg18[%dma_start3A_317, %dma_start3A_318] : memref<10240x8xf32, #tpu.memory_space<vmem_shared>> -> memref<10240x8xf32, #tpu.memory_space<vmem_shared>>
      tpu.enqueue_indirect_dma source(%dma_start3A_313 : memref<128x8xf32, #tpu.memory_space<vmem>>) target(%dma_start3A_319 : memref<10240x8xf32, #tpu.memory_space<vmem_shared>>) offsets(%dma_start3A_316 : memref<128xi32, #tpu.memory_space<vmem>>) semaphore(%arg17 : memref<!tpu.dma_semaphore, #tpu.memory_space<semaphore_mem>>) {add = true}
      %add3A_320 = arith.constant 0 : i32
      %add3A_321 = arith.addi %mul3A_215, %add3A_320 : i32
      %dma_wait3A_322 = arith.constant 0 : i32
      %dma_wait3A_323 = arith.constant 0 : i32
      %dma_wait3A_324 = arith.constant 0 : i32
      %dma_wait3A_325 = tpu.memref_slice %arg9[%dma_wait3A_322, %dma_wait3A_323, %dma_wait3A_324] : memref<4x128x8xf32, #tpu.memory_space<vmem>> -> memref<1x128x8xf32, #tpu.memory_space<vmem>>
      %dma_wait3A_326 = tpu.memref_squeeze %dma_wait3A_325 : memref<1x128x8xf32, #tpu.memory_space<vmem>> -> memref<128x8xf32, #tpu.memory_space<vmem>>
      %dma_wait3A_327 = arith.constant 0 : i32
      %dma_wait3A_328 = tpu.memref_slice %arg8[%add3A_321, %dma_wait3A_327] : memref<80x128xi32, #tpu.memory_space<vmem>> -> memref<1x128xi32, #tpu.memory_space<vmem>>
      %dma_wait3A_329 = tpu.memref_squeeze %dma_wait3A_328 : memref<1x128xi32, #tpu.memory_space<vmem>> -> memref<128xi32, #tpu.memory_space<vmem>>
      %dma_wait3A_330 = arith.constant 0 : i32
      %dma_wait3A_331 = arith.constant 0 : i32
      %dma_wait3A_332 = tpu.memref_slice %arg18[%dma_wait3A_330, %dma_wait3A_331] : memref<10240x8xf32, #tpu.memory_space<vmem_shared>> -> memref<10240x8xf32, #tpu.memory_space<vmem_shared>>
      tpu.wait_indirect_dma semaphore(%arg14 : memref<!tpu.dma_semaphore, #tpu.memory_space<semaphore_mem>>) src(%dma_wait3A_326 : memref<128x8xf32, #tpu.memory_space<vmem>>) dst(%dma_wait3A_332 : memref<10240x8xf32, #tpu.memory_space<vmem_shared>>)
      %add3A_333 = arith.constant 4 : i32
      %add3A_334 = arith.addi %mul3A_215, %add3A_333 : i32
      %add3A_335 = arith.constant 0 : i32
      %add3A_336 = arith.addi %add3A_334, %add3A_335 : i32
      %dma_start3A_337 = arith.constant 0 : i32
      %dma_start3A_338 = arith.constant 0 : i32
      %dma_start3A_339 = arith.constant 0 : i32
      %dma_start3A_340 = tpu.memref_slice %arg9[%dma_start3A_337, %dma_start3A_338, %dma_start3A_339] : memref<4x128x8xf32, #tpu.memory_space<vmem>> -> memref<1x128x8xf32, #tpu.memory_space<vmem>>
      %dma_start3A_341 = tpu.memref_squeeze %dma_start3A_340 : memref<1x128x8xf32, #tpu.memory_space<vmem>> -> memref<128x8xf32, #tpu.memory_space<vmem>>
      %dma_start3A_342 = arith.constant 0 : i32
      %dma_start3A_343 = tpu.memref_slice %arg7[%add3A_336, %dma_start3A_342] : memref<80x128xi32, #tpu.memory_space<vmem>> -> memref<1x128xi32, #tpu.memory_space<vmem>>
      %dma_start3A_344 = tpu.memref_squeeze %dma_start3A_343 : memref<1x128xi32, #tpu.memory_space<vmem>> -> memref<128xi32, #tpu.memory_space<vmem>>
      %dma_start3A_345 = arith.constant 0 : i32
      %dma_start3A_346 = arith.constant 0 : i32
      %dma_start3A_347 = tpu.memref_slice %arg19[%dma_start3A_345, %dma_start3A_346] : memref<10240x8xf32, #tpu.memory_space<vmem_shared>> -> memref<10240x8xf32, #tpu.memory_space<vmem_shared>>
      tpu.enqueue_indirect_dma source(%dma_start3A_347 : memref<10240x8xf32, #tpu.memory_space<vmem_shared>>) target(%dma_start3A_341 : memref<128x8xf32, #tpu.memory_space<vmem>>) offsets(%dma_start3A_344 : memref<128xi32, #tpu.memory_space<vmem>>) semaphore(%arg10 : memref<!tpu.dma_semaphore, #tpu.memory_space<semaphore_mem>>)
      %add3A_348 = arith.constant 1 : i32
      %add3A_349 = arith.addi %mul3A_215, %add3A_348 : i32
      %dma_wait3A_350 = arith.constant 1 : i32
      %dma_wait3A_351 = arith.constant 0 : i32
      %dma_wait3A_352 = arith.constant 0 : i32
      %dma_wait3A_353 = tpu.memref_slice %arg9[%dma_wait3A_350, %dma_wait3A_351, %dma_wait3A_352] : memref<4x128x8xf32, #tpu.memory_space<vmem>> -> memref<1x128x8xf32, #tpu.memory_space<vmem>>
      %dma_wait3A_354 = tpu.memref_squeeze %dma_wait3A_353 : memref<1x128x8xf32, #tpu.memory_space<vmem>> -> memref<128x8xf32, #tpu.memory_space<vmem>>
      %dma_wait3A_355 = arith.constant 0 : i32
      %dma_wait3A_356 = tpu.memref_slice %arg8[%add3A_349, %dma_wait3A_355] : memref<80x128xi32, #tpu.memory_space<vmem>> -> memref<1x128xi32, #tpu.memory_space<vmem>>
      %dma_wait3A_357 = tpu.memref_squeeze %dma_wait3A_356 : memref<1x128xi32, #tpu.memory_space<vmem>> -> memref<128xi32, #tpu.memory_space<vmem>>
      %dma_wait3A_358 = arith.constant 0 : i32
      %dma_wait3A_359 = arith.constant 0 : i32
      %dma_wait3A_360 = tpu.memref_slice %arg18[%dma_wait3A_358, %dma_wait3A_359] : memref<10240x8xf32, #tpu.memory_space<vmem_shared>> -> memref<10240x8xf32, #tpu.memory_space<vmem_shared>>
      tpu.wait_indirect_dma semaphore(%arg15 : memref<!tpu.dma_semaphore, #tpu.memory_space<semaphore_mem>>) src(%dma_wait3A_354 : memref<128x8xf32, #tpu.memory_space<vmem>>) dst(%dma_wait3A_360 : memref<10240x8xf32, #tpu.memory_space<vmem_shared>>)
      %add3A_361 = arith.constant 4 : i32
      %add3A_362 = arith.addi %mul3A_215, %add3A_361 : i32
      %add3A_363 = arith.constant 1 : i32
      %add3A_364 = arith.addi %add3A_362, %add3A_363 : i32
      %dma_start3A_365 = arith.constant 1 : i32
      %dma_start3A_366 = arith.constant 0 : i32
      %dma_start3A_367 = arith.constant 0 : i32
      %dma_start3A_368 = tpu.memref_slice %arg9[%dma_start3A_365, %dma_start3A_366, %dma_start3A_367] : memref<4x128x8xf32, #tpu.memory_space<vmem>> -> memref<1x128x8xf32, #tpu.memory_space<vmem>>
      %dma_start3A_369 = tpu.memref_squeeze %dma_start3A_368 : memref<1x128x8xf32, #tpu.memory_space<vmem>> -> memref<128x8xf32, #tpu.memory_space<vmem>>
      %dma_start3A_370 = arith.constant 0 : i32
      %dma_start3A_371 = tpu.memref_slice %arg7[%add3A_364, %dma_start3A_370] : memref<80x128xi32, #tpu.memory_space<vmem>> -> memref<1x128xi32, #tpu.memory_space<vmem>>
      %dma_start3A_372 = tpu.memref_squeeze %dma_start3A_371 : memref<1x128xi32, #tpu.memory_space<vmem>> -> memref<128xi32, #tpu.memory_space<vmem>>
      %dma_start3A_373 = arith.constant 0 : i32
      %dma_start3A_374 = arith.constant 0 : i32
      %dma_start3A_375 = tpu.memref_slice %arg19[%dma_start3A_373, %dma_start3A_374] : memref<10240x8xf32, #tpu.memory_space<vmem_shared>> -> memref<10240x8xf32, #tpu.memory_space<vmem_shared>>
      tpu.enqueue_indirect_dma source(%dma_start3A_375 : memref<10240x8xf32, #tpu.memory_space<vmem_shared>>) target(%dma_start3A_369 : memref<128x8xf32, #tpu.memory_space<vmem>>) offsets(%dma_start3A_372 : memref<128xi32, #tpu.memory_space<vmem>>) semaphore(%arg11 : memref<!tpu.dma_semaphore, #tpu.memory_space<semaphore_mem>>)
      %add3A_376 = arith.constant 2 : i32
      %add3A_377 = arith.addi %mul3A_215, %add3A_376 : i32
      %dma_wait3A_378 = arith.constant 2 : i32
      %dma_wait3A_379 = arith.constant 0 : i32
      %dma_wait3A_380 = arith.constant 0 : i32
      %dma_wait3A_381 = tpu.memref_slice %arg9[%dma_wait3A_378, %dma_wait3A_379, %dma_wait3A_380] : memref<4x128x8xf32, #tpu.memory_space<vmem>> -> memref<1x128x8xf32, #tpu.memory_space<vmem>>
      %dma_wait3A_382 = tpu.memref_squeeze %dma_wait3A_381 : memref<1x128x8xf32, #tpu.memory_space<vmem>> -> memref<128x8xf32, #tpu.memory_space<vmem>>
      %dma_wait3A_383 = arith.constant 0 : i32
      %dma_wait3A_384 = tpu.memref_slice %arg8[%add3A_377, %dma_wait3A_383] : memref<80x128xi32, #tpu.memory_space<vmem>> -> memref<1x128xi32, #tpu.memory_space<vmem>>
      %dma_wait3A_385 = tpu.memref_squeeze %dma_wait3A_384 : memref<1x128xi32, #tpu.memory_space<vmem>> -> memref<128xi32, #tpu.memory_space<vmem>>
      %dma_wait3A_386 = arith.constant 0 : i32
      %dma_wait3A_387 = arith.constant 0 : i32
      %dma_wait3A_388 = tpu.memref_slice %arg18[%dma_wait3A_386, %dma_wait3A_387] : memref<10240x8xf32, #tpu.memory_space<vmem_shared>> -> memref<10240x8xf32, #tpu.memory_space<vmem_shared>>
      tpu.wait_indirect_dma semaphore(%arg16 : memref<!tpu.dma_semaphore, #tpu.memory_space<semaphore_mem>>) src(%dma_wait3A_382 : memref<128x8xf32, #tpu.memory_space<vmem>>) dst(%dma_wait3A_388 : memref<10240x8xf32, #tpu.memory_space<vmem_shared>>)
      %add3A_389 = arith.constant 4 : i32
      %add3A_390 = arith.addi %mul3A_215, %add3A_389 : i32
      %add3A_391 = arith.constant 2 : i32
      %add3A_392 = arith.addi %add3A_390, %add3A_391 : i32
      %dma_start3A_393 = arith.constant 2 : i32
      %dma_start3A_394 = arith.constant 0 : i32
      %dma_start3A_395 = arith.constant 0 : i32
      %dma_start3A_396 = tpu.memref_slice %arg9[%dma_start3A_393, %dma_start3A_394, %dma_start3A_395] : memref<4x128x8xf32, #tpu.memory_space<vmem>> -> memref<1x128x8xf32, #tpu.memory_space<vmem>>
      %dma_start3A_397 = tpu.memref_squeeze %dma_start3A_396 : memref<1x128x8xf32, #tpu.memory_space<vmem>> -> memref<128x8xf32, #tpu.memory_space<vmem>>
      %dma_start3A_398 = arith.constant 0 : i32
      %dma_start3A_399 = tpu.memref_slice %arg7[%add3A_392, %dma_start3A_398] : memref<80x128xi32, #tpu.memory_space<vmem>> -> memref<1x128xi32, #tpu.memory_space<vmem>>
      %dma_start3A_400 = tpu.memref_squeeze %dma_start3A_399 : memref<1x128xi32, #tpu.memory_space<vmem>> -> memref<128xi32, #tpu.memory_space<vmem>>
      %dma_start3A_401 = arith.constant 0 : i32
      %dma_start3A_402 = arith.constant 0 : i32
      %dma_start3A_403 = tpu.memref_slice %arg19[%dma_start3A_401, %dma_start3A_402] : memref<10240x8xf32, #tpu.memory_space<vmem_shared>> -> memref<10240x8xf32, #tpu.memory_space<vmem_shared>>
      tpu.enqueue_indirect_dma source(%dma_start3A_403 : memref<10240x8xf32, #tpu.memory_space<vmem_shared>>) target(%dma_start3A_397 : memref<128x8xf32, #tpu.memory_space<vmem>>) offsets(%dma_start3A_400 : memref<128xi32, #tpu.memory_space<vmem>>) semaphore(%arg12 : memref<!tpu.dma_semaphore, #tpu.memory_space<semaphore_mem>>)
      %add3A_404 = arith.constant 3 : i32
      %add3A_405 = arith.addi %mul3A_215, %add3A_404 : i32
      %dma_wait3A_406 = arith.constant 3 : i32
      %dma_wait3A_407 = arith.constant 0 : i32
      %dma_wait3A_408 = arith.constant 0 : i32
      %dma_wait3A_409 = tpu.memref_slice %arg9[%dma_wait3A_406, %dma_wait3A_407, %dma_wait3A_408] : memref<4x128x8xf32, #tpu.memory_space<vmem>> -> memref<1x128x8xf32, #tpu.memory_space<vmem>>
      %dma_wait3A_410 = tpu.memref_squeeze %dma_wait3A_409 : memref<1x128x8xf32, #tpu.memory_space<vmem>> -> memref<128x8xf32, #tpu.memory_space<vmem>>
      %dma_wait3A_411 = arith.constant 0 : i32
      %dma_wait3A_412 = tpu.memref_slice %arg8[%add3A_405, %dma_wait3A_411] : memref<80x128xi32, #tpu.memory_space<vmem>> -> memref<1x128xi32, #tpu.memory_space<vmem>>
      %dma_wait3A_413 = tpu.memref_squeeze %dma_wait3A_412 : memref<1x128xi32, #tpu.memory_space<vmem>> -> memref<128xi32, #tpu.memory_space<vmem>>
      %dma_wait3A_414 = arith.constant 0 : i32
      %dma_wait3A_415 = arith.constant 0 : i32
      %dma_wait3A_416 = tpu.memref_slice %arg18[%dma_wait3A_414, %dma_wait3A_415] : memref<10240x8xf32, #tpu.memory_space<vmem_shared>> -> memref<10240x8xf32, #tpu.memory_space<vmem_shared>>
      tpu.wait_indirect_dma semaphore(%arg17 : memref<!tpu.dma_semaphore, #tpu.memory_space<semaphore_mem>>) src(%dma_wait3A_410 : memref<128x8xf32, #tpu.memory_space<vmem>>) dst(%dma_wait3A_416 : memref<10240x8xf32, #tpu.memory_space<vmem_shared>>)
      %add3A_417 = arith.constant 4 : i32
      %add3A_418 = arith.addi %mul3A_215, %add3A_417 : i32
      %add3A_419 = arith.constant 3 : i32
      %add3A_420 = arith.addi %add3A_418, %add3A_419 : i32
      %dma_start3A_421 = arith.constant 3 : i32
      %dma_start3A_422 = arith.constant 0 : i32
      %dma_start3A_423 = arith.constant 0 : i32
      %dma_start3A_424 = tpu.memref_slice %arg9[%dma_start3A_421, %dma_start3A_422, %dma_start3A_423] : memref<4x128x8xf32, #tpu.memory_space<vmem>> -> memref<1x128x8xf32, #tpu.memory_space<vmem>>
      %dma_start3A_425 = tpu.memref_squeeze %dma_start3A_424 : memref<1x128x8xf32, #tpu.memory_space<vmem>> -> memref<128x8xf32, #tpu.memory_space<vmem>>
      %dma_start3A_426 = arith.constant 0 : i32
      %dma_start3A_427 = tpu.memref_slice %arg7[%add3A_420, %dma_start3A_426] : memref<80x128xi32, #tpu.memory_space<vmem>> -> memref<1x128xi32, #tpu.memory_space<vmem>>
      %dma_start3A_428 = tpu.memref_squeeze %dma_start3A_427 : memref<1x128xi32, #tpu.memory_space<vmem>> -> memref<128xi32, #tpu.memory_space<vmem>>
      %dma_start3A_429 = arith.constant 0 : i32
      %dma_start3A_430 = arith.constant 0 : i32
      %dma_start3A_431 = tpu.memref_slice %arg19[%dma_start3A_429, %dma_start3A_430] : memref<10240x8xf32, #tpu.memory_space<vmem_shared>> -> memref<10240x8xf32, #tpu.memory_space<vmem_shared>>
      tpu.enqueue_indirect_dma source(%dma_start3A_431 : memref<10240x8xf32, #tpu.memory_space<vmem_shared>>) target(%dma_start3A_425 : memref<128x8xf32, #tpu.memory_space<vmem>>) offsets(%dma_start3A_428 : memref<128xi32, #tpu.memory_space<vmem>>) semaphore(%arg13 : memref<!tpu.dma_semaphore, #tpu.memory_space<semaphore_mem>>)
    }
    %scan3A_64 = arith.constant 19 : i32
    %dma_wait3A = arith.constant 76 : i32
    %dma_wait3A_65 = arith.constant 0 : i32
    %dma_wait3A_66 = arith.constant 0 : i32
    %dma_wait3A_67 = arith.constant 0 : i32
    %dma_wait3A_68 = tpu.memref_slice %arg9[%dma_wait3A_65, %dma_wait3A_66, %dma_wait3A_67] : memref<4x128x8xf32, #tpu.memory_space<vmem>> -> memref<1x128x8xf32, #tpu.memory_space<vmem>>
    %dma_wait3A_69 = tpu.memref_squeeze %dma_wait3A_68 : memref<1x128x8xf32, #tpu.memory_space<vmem>> -> memref<128x8xf32, #tpu.memory_space<vmem>>
    %dma_wait3A_70 = arith.constant 0 : i32
    %dma_wait3A_71 = tpu.memref_slice %arg7[%dma_wait3A, %dma_wait3A_70] : memref<80x128xi32, #tpu.memory_space<vmem>> -> memref<1x128xi32, #tpu.memory_space<vmem>>
    %dma_wait3A_72 = tpu.memref_squeeze %dma_wait3A_71 : memref<1x128xi32, #tpu.memory_space<vmem>> -> memref<128xi32, #tpu.memory_space<vmem>>
    %dma_wait3A_73 = arith.constant 0 : i32
    %dma_wait3A_74 = arith.constant 0 : i32
    %dma_wait3A_75 = tpu.memref_slice %arg19[%dma_wait3A_73, %dma_wait3A_74] : memref<10240x8xf32, #tpu.memory_space<vmem_shared>> -> memref<10240x8xf32, #tpu.memory_space<vmem_shared>>
    tpu.wait_indirect_dma semaphore(%arg10 : memref<!tpu.dma_semaphore, #tpu.memory_space<semaphore_mem>>) src(%dma_wait3A_75 : memref<10240x8xf32, #tpu.memory_space<vmem_shared>>) dst(%dma_wait3A_69 : memref<128x8xf32, #tpu.memory_space<vmem>>)
    %dma_start3A_76 = arith.constant 0 : i32
    %dma_start3A_77 = arith.constant 76 : i32
    %dma_start3A_78 = arith.constant 0 : i32
    %dma_start3A_79 = arith.constant 0 : i32
    %dma_start3A_80 = tpu.memref_slice %arg9[%dma_start3A_76, %dma_start3A_78, %dma_start3A_79] : memref<4x128x8xf32, #tpu.memory_space<vmem>> -> memref<1x128x8xf32, #tpu.memory_space<vmem>>
    %dma_start3A_81 = tpu.memref_squeeze %dma_start3A_80 : memref<1x128x8xf32, #tpu.memory_space<vmem>> -> memref<128x8xf32, #tpu.memory_space<vmem>>
    %dma_start3A_82 = arith.constant 0 : i32
    %dma_start3A_83 = tpu.memref_slice %arg8[%dma_start3A_77, %dma_start3A_82] : memref<80x128xi32, #tpu.memory_space<vmem>> -> memref<1x128xi32, #tpu.memory_space<vmem>>
    %dma_start3A_84 = tpu.memref_squeeze %dma_start3A_83 : memref<1x128xi32, #tpu.memory_space<vmem>> -> memref<128xi32, #tpu.memory_space<vmem>>
    %dma_start3A_85 = arith.constant 0 : i32
    %dma_start3A_86 = arith.constant 0 : i32
    %dma_start3A_87 = tpu.memref_slice %arg18[%dma_start3A_85, %dma_start3A_86] : memref<10240x8xf32, #tpu.memory_space<vmem_shared>> -> memref<10240x8xf32, #tpu.memory_space<vmem_shared>>
    tpu.enqueue_indirect_dma source(%dma_start3A_81 : memref<128x8xf32, #tpu.memory_space<vmem>>) target(%dma_start3A_87 : memref<10240x8xf32, #tpu.memory_space<vmem_shared>>) offsets(%dma_start3A_84 : memref<128xi32, #tpu.memory_space<vmem>>) semaphore(%arg14 : memref<!tpu.dma_semaphore, #tpu.memory_space<semaphore_mem>>) {add = true}
    %dma_wait3A_88 = arith.constant 77 : i32
    %dma_wait3A_89 = arith.constant 1 : i32
    %dma_wait3A_90 = arith.constant 0 : i32
    %dma_wait3A_91 = arith.constant 0 : i32
    %dma_wait3A_92 = tpu.memref_slice %arg9[%dma_wait3A_89, %dma_wait3A_90, %dma_wait3A_91] : memref<4x128x8xf32, #tpu.memory_space<vmem>> -> memref<1x128x8xf32, #tpu.memory_space<vmem>>
    %dma_wait3A_93 = tpu.memref_squeeze %dma_wait3A_92 : memref<1x128x8xf32, #tpu.memory_space<vmem>> -> memref<128x8xf32, #tpu.memory_space<vmem>>
    %dma_wait3A_94 = arith.constant 0 : i32
    %dma_wait3A_95 = tpu.memref_slice %arg7[%dma_wait3A_88, %dma_wait3A_94] : memref<80x128xi32, #tpu.memory_space<vmem>> -> memref<1x128xi32, #tpu.memory_space<vmem>>
    %dma_wait3A_96 = tpu.memref_squeeze %dma_wait3A_95 : memref<1x128xi32, #tpu.memory_space<vmem>> -> memref<128xi32, #tpu.memory_space<vmem>>
    %dma_wait3A_97 = arith.constant 0 : i32
    %dma_wait3A_98 = arith.constant 0 : i32
    %dma_wait3A_99 = tpu.memref_slice %arg19[%dma_wait3A_97, %dma_wait3A_98] : memref<10240x8xf32, #tpu.memory_space<vmem_shared>> -> memref<10240x8xf32, #tpu.memory_space<vmem_shared>>
    tpu.wait_indirect_dma semaphore(%arg11 : memref<!tpu.dma_semaphore, #tpu.memory_space<semaphore_mem>>) src(%dma_wait3A_99 : memref<10240x8xf32, #tpu.memory_space<vmem_shared>>) dst(%dma_wait3A_93 : memref<128x8xf32, #tpu.memory_space<vmem>>)
    %dma_start3A_100 = arith.constant 1 : i32
    %dma_start3A_101 = arith.constant 77 : i32
    %dma_start3A_102 = arith.constant 0 : i32
    %dma_start3A_103 = arith.constant 0 : i32
    %dma_start3A_104 = tpu.memref_slice %arg9[%dma_start3A_100, %dma_start3A_102, %dma_start3A_103] : memref<4x128x8xf32, #tpu.memory_space<vmem>> -> memref<1x128x8xf32, #tpu.memory_space<vmem>>
    %dma_start3A_105 = tpu.memref_squeeze %dma_start3A_104 : memref<1x128x8xf32, #tpu.memory_space<vmem>> -> memref<128x8xf32, #tpu.memory_space<vmem>>
    %dma_start3A_106 = arith.constant 0 : i32
    %dma_start3A_107 = tpu.memref_slice %arg8[%dma_start3A_101, %dma_start3A_106] : memref<80x128xi32, #tpu.memory_space<vmem>> -> memref<1x128xi32, #tpu.memory_space<vmem>>
    %dma_start3A_108 = tpu.memref_squeeze %dma_start3A_107 : memref<1x128xi32, #tpu.memory_space<vmem>> -> memref<128xi32, #tpu.memory_space<vmem>>
    %dma_start3A_109 = arith.constant 0 : i32
    %dma_start3A_110 = arith.constant 0 : i32
    %dma_start3A_111 = tpu.memref_slice %arg18[%dma_start3A_109, %dma_start3A_110] : memref<10240x8xf32, #tpu.memory_space<vmem_shared>> -> memref<10240x8xf32, #tpu.memory_space<vmem_shared>>
    tpu.enqueue_indirect_dma source(%dma_start3A_105 : memref<128x8xf32, #tpu.memory_space<vmem>>) target(%dma_start3A_111 : memref<10240x8xf32, #tpu.memory_space<vmem_shared>>) offsets(%dma_start3A_108 : memref<128xi32, #tpu.memory_space<vmem>>) semaphore(%arg15 : memref<!tpu.dma_semaphore, #tpu.memory_space<semaphore_mem>>) {add = true}
    %dma_wait3A_112 = arith.constant 78 : i32
    %dma_wait3A_113 = arith.constant 2 : i32
    %dma_wait3A_114 = arith.constant 0 : i32
    %dma_wait3A_115 = arith.constant 0 : i32
    %dma_wait3A_116 = tpu.memref_slice %arg9[%dma_wait3A_113, %dma_wait3A_114, %dma_wait3A_115] : memref<4x128x8xf32, #tpu.memory_space<vmem>> -> memref<1x128x8xf32, #tpu.memory_space<vmem>>
    %dma_wait3A_117 = tpu.memref_squeeze %dma_wait3A_116 : memref<1x128x8xf32, #tpu.memory_space<vmem>> -> memref<128x8xf32, #tpu.memory_space<vmem>>
    %dma_wait3A_118 = arith.constant 0 : i32
    %dma_wait3A_119 = tpu.memref_slice %arg7[%dma_wait3A_112, %dma_wait3A_118] : memref<80x128xi32, #tpu.memory_space<vmem>> -> memref<1x128xi32, #tpu.memory_space<vmem>>
    %dma_wait3A_120 = tpu.memref_squeeze %dma_wait3A_119 : memref<1x128xi32, #tpu.memory_space<vmem>> -> memref<128xi32, #tpu.memory_space<vmem>>
    %dma_wait3A_121 = arith.constant 0 : i32
    %dma_wait3A_122 = arith.constant 0 : i32
    %dma_wait3A_123 = tpu.memref_slice %arg19[%dma_wait3A_121, %dma_wait3A_122] : memref<10240x8xf32, #tpu.memory_space<vmem_shared>> -> memref<10240x8xf32, #tpu.memory_space<vmem_shared>>
    tpu.wait_indirect_dma semaphore(%arg12 : memref<!tpu.dma_semaphore, #tpu.memory_space<semaphore_mem>>) src(%dma_wait3A_123 : memref<10240x8xf32, #tpu.memory_space<vmem_shared>>) dst(%dma_wait3A_117 : memref<128x8xf32, #tpu.memory_space<vmem>>)
    %dma_start3A_124 = arith.constant 2 : i32
    %dma_start3A_125 = arith.constant 78 : i32
    %dma_start3A_126 = arith.constant 0 : i32
    %dma_start3A_127 = arith.constant 0 : i32
    %dma_start3A_128 = tpu.memref_slice %arg9[%dma_start3A_124, %dma_start3A_126, %dma_start3A_127] : memref<4x128x8xf32, #tpu.memory_space<vmem>> -> memref<1x128x8xf32, #tpu.memory_space<vmem>>
    %dma_start3A_129 = tpu.memref_squeeze %dma_start3A_128 : memref<1x128x8xf32, #tpu.memory_space<vmem>> -> memref<128x8xf32, #tpu.memory_space<vmem>>
    %dma_start3A_130 = arith.constant 0 : i32
    %dma_start3A_131 = tpu.memref_slice %arg8[%dma_start3A_125, %dma_start3A_130] : memref<80x128xi32, #tpu.memory_space<vmem>> -> memref<1x128xi32, #tpu.memory_space<vmem>>
    %dma_start3A_132 = tpu.memref_squeeze %dma_start3A_131 : memref<1x128xi32, #tpu.memory_space<vmem>> -> memref<128xi32, #tpu.memory_space<vmem>>
    %dma_start3A_133 = arith.constant 0 : i32
    %dma_start3A_134 = arith.constant 0 : i32
    %dma_start3A_135 = tpu.memref_slice %arg18[%dma_start3A_133, %dma_start3A_134] : memref<10240x8xf32, #tpu.memory_space<vmem_shared>> -> memref<10240x8xf32, #tpu.memory_space<vmem_shared>>
    tpu.enqueue_indirect_dma source(%dma_start3A_129 : memref<128x8xf32, #tpu.memory_space<vmem>>) target(%dma_start3A_135 : memref<10240x8xf32, #tpu.memory_space<vmem_shared>>) offsets(%dma_start3A_132 : memref<128xi32, #tpu.memory_space<vmem>>) semaphore(%arg16 : memref<!tpu.dma_semaphore, #tpu.memory_space<semaphore_mem>>) {add = true}
    %dma_wait3A_136 = arith.constant 79 : i32
    %dma_wait3A_137 = arith.constant 3 : i32
    %dma_wait3A_138 = arith.constant 0 : i32
    %dma_wait3A_139 = arith.constant 0 : i32
    %dma_wait3A_140 = tpu.memref_slice %arg9[%dma_wait3A_137, %dma_wait3A_138, %dma_wait3A_139] : memref<4x128x8xf32, #tpu.memory_space<vmem>> -> memref<1x128x8xf32, #tpu.memory_space<vmem>>
    %dma_wait3A_141 = tpu.memref_squeeze %dma_wait3A_140 : memref<1x128x8xf32, #tpu.memory_space<vmem>> -> memref<128x8xf32, #tpu.memory_space<vmem>>
    %dma_wait3A_142 = arith.constant 0 : i32
    %dma_wait3A_143 = tpu.memref_slice %arg7[%dma_wait3A_136, %dma_wait3A_142] : memref<80x128xi32, #tpu.memory_space<vmem>> -> memref<1x128xi32, #tpu.memory_space<vmem>>
    %dma_wait3A_144 = tpu.memref_squeeze %dma_wait3A_143 : memref<1x128xi32, #tpu.memory_space<vmem>> -> memref<128xi32, #tpu.memory_space<vmem>>
    %dma_wait3A_145 = arith.constant 0 : i32
    %dma_wait3A_146 = arith.constant 0 : i32
    %dma_wait3A_147 = tpu.memref_slice %arg19[%dma_wait3A_145, %dma_wait3A_146] : memref<10240x8xf32, #tpu.memory_space<vmem_shared>> -> memref<10240x8xf32, #tpu.memory_space<vmem_shared>>
    tpu.wait_indirect_dma semaphore(%arg13 : memref<!tpu.dma_semaphore, #tpu.memory_space<semaphore_mem>>) src(%dma_wait3A_147 : memref<10240x8xf32, #tpu.memory_space<vmem_shared>>) dst(%dma_wait3A_141 : memref<128x8xf32, #tpu.memory_space<vmem>>)
    %dma_start3A_148 = arith.constant 3 : i32
    %dma_start3A_149 = arith.constant 79 : i32
    %dma_start3A_150 = arith.constant 0 : i32
    %dma_start3A_151 = arith.constant 0 : i32
    %dma_start3A_152 = tpu.memref_slice %arg9[%dma_start3A_148, %dma_start3A_150, %dma_start3A_151] : memref<4x128x8xf32, #tpu.memory_space<vmem>> -> memref<1x128x8xf32, #tpu.memory_space<vmem>>
    %dma_start3A_153 = tpu.memref_squeeze %dma_start3A_152 : memref<1x128x8xf32, #tpu.memory_space<vmem>> -> memref<128x8xf32, #tpu.memory_space<vmem>>
    %dma_start3A_154 = arith.constant 0 : i32
    %dma_start3A_155 = tpu.memref_slice %arg8[%dma_start3A_149, %dma_start3A_154] : memref<80x128xi32, #tpu.memory_space<vmem>> -> memref<1x128xi32, #tpu.memory_space<vmem>>
    %dma_start3A_156 = tpu.memref_squeeze %dma_start3A_155 : memref<1x128xi32, #tpu.memory_space<vmem>> -> memref<128xi32, #tpu.memory_space<vmem>>
    %dma_start3A_157 = arith.constant 0 : i32
    %dma_start3A_158 = arith.constant 0 : i32
    %dma_start3A_159 = tpu.memref_slice %arg18[%dma_start3A_157, %dma_start3A_158] : memref<10240x8xf32, #tpu.memory_space<vmem_shared>> -> memref<10240x8xf32, #tpu.memory_space<vmem_shared>>
    tpu.enqueue_indirect_dma source(%dma_start3A_153 : memref<128x8xf32, #tpu.memory_space<vmem>>) target(%dma_start3A_159 : memref<10240x8xf32, #tpu.memory_space<vmem_shared>>) offsets(%dma_start3A_156 : memref<128xi32, #tpu.memory_space<vmem>>) semaphore(%arg17 : memref<!tpu.dma_semaphore, #tpu.memory_space<semaphore_mem>>) {add = true}
    %dma_wait3A_160 = arith.constant 0 : i32
    %dma_wait3A_161 = arith.constant 76 : i32
    %dma_wait3A_162 = arith.constant 0 : i32
    %dma_wait3A_163 = arith.constant 0 : i32
    %dma_wait3A_164 = tpu.memref_slice %arg9[%dma_wait3A_160, %dma_wait3A_162, %dma_wait3A_163] : memref<4x128x8xf32, #tpu.memory_space<vmem>> -> memref<1x128x8xf32, #tpu.memory_space<vmem>>
    %dma_wait3A_165 = tpu.memref_squeeze %dma_wait3A_164 : memref<1x128x8xf32, #tpu.memory_space<vmem>> -> memref<128x8xf32, #tpu.memory_space<vmem>>
    %dma_wait3A_166 = arith.constant 0 : i32
    %dma_wait3A_167 = tpu.memref_slice %arg8[%dma_wait3A_161, %dma_wait3A_166] : memref<80x128xi32, #tpu.memory_space<vmem>> -> memref<1x128xi32, #tpu.memory_space<vmem>>
    %dma_wait3A_168 = tpu.memref_squeeze %dma_wait3A_167 : memref<1x128xi32, #tpu.memory_space<vmem>> -> memref<128xi32, #tpu.memory_space<vmem>>
    %dma_wait3A_169 = arith.constant 0 : i32
    %dma_wait3A_170 = arith.constant 0 : i32
    %dma_wait3A_171 = tpu.memref_slice %arg18[%dma_wait3A_169, %dma_wait3A_170] : memref<10240x8xf32, #tpu.memory_space<vmem_shared>> -> memref<10240x8xf32, #tpu.memory_space<vmem_shared>>
    tpu.wait_indirect_dma semaphore(%arg14 : memref<!tpu.dma_semaphore, #tpu.memory_space<semaphore_mem>>) src(%dma_wait3A_165 : memref<128x8xf32, #tpu.memory_space<vmem>>) dst(%dma_wait3A_171 : memref<10240x8xf32, #tpu.memory_space<vmem_shared>>)
    %dma_wait3A_172 = arith.constant 1 : i32
    %dma_wait3A_173 = arith.constant 77 : i32
    %dma_wait3A_174 = arith.constant 0 : i32
    %dma_wait3A_175 = arith.constant 0 : i32
    %dma_wait3A_176 = tpu.memref_slice %arg9[%dma_wait3A_172, %dma_wait3A_174, %dma_wait3A_175] : memref<4x128x8xf32, #tpu.memory_space<vmem>> -> memref<1x128x8xf32, #tpu.memory_space<vmem>>
    %dma_wait3A_177 = tpu.memref_squeeze %dma_wait3A_176 : memref<1x128x8xf32, #tpu.memory_space<vmem>> -> memref<128x8xf32, #tpu.memory_space<vmem>>
    %dma_wait3A_178 = arith.constant 0 : i32
    %dma_wait3A_179 = tpu.memref_slice %arg8[%dma_wait3A_173, %dma_wait3A_178] : memref<80x128xi32, #tpu.memory_space<vmem>> -> memref<1x128xi32, #tpu.memory_space<vmem>>
    %dma_wait3A_180 = tpu.memref_squeeze %dma_wait3A_179 : memref<1x128xi32, #tpu.memory_space<vmem>> -> memref<128xi32, #tpu.memory_space<vmem>>
    %dma_wait3A_181 = arith.constant 0 : i32
    %dma_wait3A_182 = arith.constant 0 : i32
    %dma_wait3A_183 = tpu.memref_slice %arg18[%dma_wait3A_181, %dma_wait3A_182] : memref<10240x8xf32, #tpu.memory_space<vmem_shared>> -> memref<10240x8xf32, #tpu.memory_space<vmem_shared>>
    tpu.wait_indirect_dma semaphore(%arg15 : memref<!tpu.dma_semaphore, #tpu.memory_space<semaphore_mem>>) src(%dma_wait3A_177 : memref<128x8xf32, #tpu.memory_space<vmem>>) dst(%dma_wait3A_183 : memref<10240x8xf32, #tpu.memory_space<vmem_shared>>)
    %dma_wait3A_184 = arith.constant 2 : i32
    %dma_wait3A_185 = arith.constant 78 : i32
    %dma_wait3A_186 = arith.constant 0 : i32
    %dma_wait3A_187 = arith.constant 0 : i32
    %dma_wait3A_188 = tpu.memref_slice %arg9[%dma_wait3A_184, %dma_wait3A_186, %dma_wait3A_187] : memref<4x128x8xf32, #tpu.memory_space<vmem>> -> memref<1x128x8xf32, #tpu.memory_space<vmem>>
    %dma_wait3A_189 = tpu.memref_squeeze %dma_wait3A_188 : memref<1x128x8xf32, #tpu.memory_space<vmem>> -> memref<128x8xf32, #tpu.memory_space<vmem>>
    %dma_wait3A_190 = arith.constant 0 : i32
    %dma_wait3A_191 = tpu.memref_slice %arg8[%dma_wait3A_185, %dma_wait3A_190] : memref<80x128xi32, #tpu.memory_space<vmem>> -> memref<1x128xi32, #tpu.memory_space<vmem>>
    %dma_wait3A_192 = tpu.memref_squeeze %dma_wait3A_191 : memref<1x128xi32, #tpu.memory_space<vmem>> -> memref<128xi32, #tpu.memory_space<vmem>>
    %dma_wait3A_193 = arith.constant 0 : i32
    %dma_wait3A_194 = arith.constant 0 : i32
    %dma_wait3A_195 = tpu.memref_slice %arg18[%dma_wait3A_193, %dma_wait3A_194] : memref<10240x8xf32, #tpu.memory_space<vmem_shared>> -> memref<10240x8xf32, #tpu.memory_space<vmem_shared>>
    tpu.wait_indirect_dma semaphore(%arg16 : memref<!tpu.dma_semaphore, #tpu.memory_space<semaphore_mem>>) src(%dma_wait3A_189 : memref<128x8xf32, #tpu.memory_space<vmem>>) dst(%dma_wait3A_195 : memref<10240x8xf32, #tpu.memory_space<vmem_shared>>)
    %dma_wait3A_196 = arith.constant 3 : i32
    %dma_wait3A_197 = arith.constant 79 : i32
    %dma_wait3A_198 = arith.constant 0 : i32
    %dma_wait3A_199 = arith.constant 0 : i32
    %dma_wait3A_200 = tpu.memref_slice %arg9[%dma_wait3A_196, %dma_wait3A_198, %dma_wait3A_199] : memref<4x128x8xf32, #tpu.memory_space<vmem>> -> memref<1x128x8xf32, #tpu.memory_space<vmem>>
    %dma_wait3A_201 = tpu.memref_squeeze %dma_wait3A_200 : memref<1x128x8xf32, #tpu.memory_space<vmem>> -> memref<128x8xf32, #tpu.memory_space<vmem>>
    %dma_wait3A_202 = arith.constant 0 : i32
    %dma_wait3A_203 = tpu.memref_slice %arg8[%dma_wait3A_197, %dma_wait3A_202] : memref<80x128xi32, #tpu.memory_space<vmem>> -> memref<1x128xi32, #tpu.memory_space<vmem>>
    %dma_wait3A_204 = tpu.memref_squeeze %dma_wait3A_203 : memref<1x128xi32, #tpu.memory_space<vmem>> -> memref<128xi32, #tpu.memory_space<vmem>>
    %dma_wait3A_205 = arith.constant 0 : i32
    %dma_wait3A_206 = arith.constant 0 : i32
    %dma_wait3A_207 = tpu.memref_slice %arg18[%dma_wait3A_205, %dma_wait3A_206] : memref<10240x8xf32, #tpu.memory_space<vmem_shared>> -> memref<10240x8xf32, #tpu.memory_space<vmem_shared>>
    tpu.wait_indirect_dma semaphore(%arg17 : memref<!tpu.dma_semaphore, #tpu.memory_space<semaphore_mem>>) src(%dma_wait3A_201 : memref<128x8xf32, #tpu.memory_space<vmem>>) dst(%dma_wait3A_207 : memref<10240x8xf32, #tpu.memory_space<vmem_shared>>)
    %barrier3A_208 = arith.constant 0 : index
    tpu.barrier barrier_id(%barrier3A_208)
    %mul3A_209 = arith.constant 640 : i32
    %mul3A_210 = arith.muli %arg1, %mul3A_209 : i32
    %mul3A_211 = arith.constant 640 : i32
    %mul3A_212 = arith.muli %arg1, %mul3A_211 : i32
    "tpu.region"() ({
      %run_scoped3A = tpu.sem_alloc : memref<!tpu.dma_semaphore, #tpu.memory_space<semaphore_mem>>
      %dma_start3A_213 = arith.constant 0 : i32
      %dma_start3A_214 = tpu.memref_slice %arg6[%arg0, %mul3A_212, %dma_start3A_213] : memref<2x10240x8xf32, #tpu.memory_space<hbm>> -> memref<1x640x8xf32, #tpu.memory_space<hbm>>
      %dma_start3A_215 = tpu.memref_squeeze %dma_start3A_214 : memref<1x640x8xf32, #tpu.memory_space<hbm>> -> memref<640x8xf32, #tpu.memory_space<hbm>>
      %dma_start3A_216 = arith.constant 0 : i32
      %dma_start3A_217 = tpu.memref_slice %arg18[%mul3A_210, %dma_start3A_216] : memref<10240x8xf32, #tpu.memory_space<vmem_shared>> -> memref<640x8xf32, #tpu.memory_space<vmem_shared>>
      tpu.enqueue_dma source(%dma_start3A_217 : memref<640x8xf32, #tpu.memory_space<vmem_shared>>) target(%dma_start3A_215 : memref<640x8xf32, #tpu.memory_space<hbm>>) target_semaphore(%run_scoped3A : memref<!tpu.dma_semaphore, #tpu.memory_space<semaphore_mem>>)
      %dma_wait3A_218 = arith.constant 0 : i32
      %dma_wait3A_219 = tpu.memref_slice %arg6[%arg0, %mul3A_212, %dma_wait3A_218] : memref<2x10240x8xf32, #tpu.memory_space<hbm>> -> memref<1x640x8xf32, #tpu.memory_space<hbm>>
      %dma_wait3A_220 = tpu.memref_squeeze %dma_wait3A_219 : memref<1x640x8xf32, #tpu.memory_space<hbm>> -> memref<640x8xf32, #tpu.memory_space<hbm>>
      %dma_wait3A_221 = arith.constant 0 : i32
      %dma_wait3A_222 = tpu.memref_slice %arg18[%mul3A_210, %dma_wait3A_221] : memref<10240x8xf32, #tpu.memory_space<vmem_shared>> -> memref<640x8xf32, #tpu.memory_space<vmem_shared>>
      tpu.wait_dma2 semaphore(%run_scoped3A : memref<!tpu.dma_semaphore, #tpu.memory_space<semaphore_mem>>) src(%dma_wait3A_222 : memref<640x8xf32, #tpu.memory_space<vmem_shared>>) dst(%dma_wait3A_220 : memref<640x8xf32, #tpu.memory_space<hbm>>)
      tpu.yield
    }) : () -> ()
    return
  }
}

#map = affine_map<(d0, d1) -> (0, 0)>
#map1 = affine_map<(d0, d1) -> (0, 0, 0)>
module attributes {stable_mosaic.version = 14 : i64} {
  func.func @_hop_body(%arg0: i32, %arg1: i32, %arg2: memref<10240x8xf32, #tpu.memory_space<hbm>>, %arg3: memref<2560x128xi32, #tpu.memory_space<hbm>>, %arg4: memref<2560x128xi32, #tpu.memory_space<hbm>>, %arg5: memref<10240x8xf32, #tpu.memory_space<hbm>>, %arg6: memref<2x10240x8xf32, #tpu.memory_space<hbm>>, %arg7: memref<80x128xi32, #tpu.memory_space<vmem>>, %arg8: memref<80x128xi32, #tpu.memory_space<vmem>>, %arg9: memref<4x128x8xf32, #tpu.memory_space<vmem>>, %arg10: memref<!tpu.dma_semaphore, #tpu.memory_space<semaphore_mem>>, %arg11: memref<!tpu.dma_semaphore, #tpu.memory_space<semaphore_mem>>, %arg12: memref<!tpu.dma_semaphore, #tpu.memory_space<semaphore_mem>>, %arg13: memref<!tpu.dma_semaphore, #tpu.memory_space<semaphore_mem>>, %arg14: memref<!tpu.dma_semaphore, #tpu.memory_space<semaphore_mem>>, %arg15: memref<!tpu.dma_semaphore, #tpu.memory_space<semaphore_mem>>, %arg16: memref<!tpu.dma_semaphore, #tpu.memory_space<semaphore_mem>>, %arg17: memref<!tpu.dma_semaphore, #tpu.memory_space<semaphore_mem>>, %arg18: memref<10240x8xf32, #tpu.memory_space<vmem_shared>>, %arg19: memref<10240x8xf32, #tpu.memory_space<vmem_shared>>) attributes {dimension_semantics = [#tpu.dimension_semantics<core_parallel>, #tpu.dimension_semantics<subcore_parallel>], iteration_bounds = array<i64: 2, 16>, scalar_prefetch = 0 : i64, scratch_operands = 13 : i64, tpu.core_type = #tpu.core_type<sc_vector_subcore>, window_params = [{transform_indices = #map}, {transform_indices = #map}, {transform_indices = #map}, {transform_indices = #map}, {transform_indices = #map1}]} {
    %mul3A = arith.constant 16 : i32
    %mul3A_0 = arith.muli %arg0, %mul3A : i32
    %add3A = arith.addi %mul3A_0, %arg1 : i32
    %mul3A_1 = arith.constant 640 : i32
    %mul3A_2 = arith.muli %arg1, %mul3A_1 : i32
    %mul3A_3 = arith.constant 640 : i32
    %mul3A_4 = arith.muli %arg1, %mul3A_3 : i32
    "tpu.region"() ({
      %run_scoped3A = tpu.sem_alloc : memref<!tpu.dma_semaphore, #tpu.memory_space<semaphore_mem>>
      %dma_start3A_213 = arith.constant 0 : i32
      %dma_start3A_214 = tpu.memref_slice %arg19[%mul3A_4, %dma_start3A_213] : memref<10240x8xf32, #tpu.memory_space<vmem_shared>> -> memref<640x8xf32, #tpu.memory_space<vmem_shared>>
      %dma_start3A_215 = arith.constant 0 : i32
      %dma_start3A_216 = tpu.memref_slice %arg2[%mul3A_2, %dma_start3A_215] : memref<10240x8xf32, #tpu.memory_space<hbm>> -> memref<640x8xf32, #tpu.memory_space<hbm>>
      tpu.enqueue_dma source(%dma_start3A_216 : memref<640x8xf32, #tpu.memory_space<hbm>>) target(%dma_start3A_214 : memref<640x8xf32, #tpu.memory_space<vmem_shared>>) target_semaphore(%run_scoped3A : memref<!tpu.dma_semaphore, #tpu.memory_space<semaphore_mem>>)
      %dma_wait3A_217 = arith.constant 0 : i32
      %dma_wait3A_218 = tpu.memref_slice %arg19[%mul3A_4, %dma_wait3A_217] : memref<10240x8xf32, #tpu.memory_space<vmem_shared>> -> memref<640x8xf32, #tpu.memory_space<vmem_shared>>
      %dma_wait3A_219 = arith.constant 0 : i32
      %dma_wait3A_220 = tpu.memref_slice %arg2[%mul3A_2, %dma_wait3A_219] : memref<10240x8xf32, #tpu.memory_space<hbm>> -> memref<640x8xf32, #tpu.memory_space<hbm>>
      tpu.wait_dma2 semaphore(%run_scoped3A : memref<!tpu.dma_semaphore, #tpu.memory_space<semaphore_mem>>) src(%dma_wait3A_220 : memref<640x8xf32, #tpu.memory_space<hbm>>) dst(%dma_wait3A_218 : memref<640x8xf32, #tpu.memory_space<vmem_shared>>)
      tpu.yield
    }) : () -> ()
    %mul3A_5 = arith.constant 640 : i32
    %mul3A_6 = arith.muli %arg1, %mul3A_5 : i32
    %mul3A_7 = arith.constant 640 : i32
    %mul3A_8 = arith.muli %arg1, %mul3A_7 : i32
    "tpu.region"() ({
      %run_scoped3A = tpu.sem_alloc : memref<!tpu.dma_semaphore, #tpu.memory_space<semaphore_mem>>
      %dma_start3A_213 = arith.constant 0 : i32
      %dma_start3A_214 = tpu.memref_slice %arg18[%mul3A_8, %dma_start3A_213] : memref<10240x8xf32, #tpu.memory_space<vmem_shared>> -> memref<640x8xf32, #tpu.memory_space<vmem_shared>>
      %dma_start3A_215 = arith.constant 0 : i32
      %dma_start3A_216 = tpu.memref_slice %arg5[%mul3A_6, %dma_start3A_215] : memref<10240x8xf32, #tpu.memory_space<hbm>> -> memref<640x8xf32, #tpu.memory_space<hbm>>
      tpu.enqueue_dma source(%dma_start3A_216 : memref<640x8xf32, #tpu.memory_space<hbm>>) target(%dma_start3A_214 : memref<640x8xf32, #tpu.memory_space<vmem_shared>>) target_semaphore(%run_scoped3A : memref<!tpu.dma_semaphore, #tpu.memory_space<semaphore_mem>>)
      %dma_wait3A_217 = arith.constant 0 : i32
      %dma_wait3A_218 = tpu.memref_slice %arg18[%mul3A_8, %dma_wait3A_217] : memref<10240x8xf32, #tpu.memory_space<vmem_shared>> -> memref<640x8xf32, #tpu.memory_space<vmem_shared>>
      %dma_wait3A_219 = arith.constant 0 : i32
      %dma_wait3A_220 = tpu.memref_slice %arg5[%mul3A_6, %dma_wait3A_219] : memref<10240x8xf32, #tpu.memory_space<hbm>> -> memref<640x8xf32, #tpu.memory_space<hbm>>
      tpu.wait_dma2 semaphore(%run_scoped3A : memref<!tpu.dma_semaphore, #tpu.memory_space<semaphore_mem>>) src(%dma_wait3A_220 : memref<640x8xf32, #tpu.memory_space<hbm>>) dst(%dma_wait3A_218 : memref<640x8xf32, #tpu.memory_space<vmem_shared>>)
      tpu.yield
    }) : () -> ()
    %mul3A_9 = arith.constant 80 : i32
    %mul3A_10 = arith.muli %add3A, %mul3A_9 : i32
    "tpu.region"() ({
      %run_scoped3A = tpu.sem_alloc : memref<!tpu.dma_semaphore, #tpu.memory_space<semaphore_mem>>
      %dma_start3A_213 = arith.constant 0 : i32
      %dma_start3A_214 = tpu.memref_slice %arg3[%mul3A_10, %dma_start3A_213] : memref<2560x128xi32, #tpu.memory_space<hbm>> -> memref<80x128xi32, #tpu.memory_space<hbm>>
      %dma_start3A_215 = arith.constant 0 : i32
      %dma_start3A_216 = tpu.memref_slice %arg3[%mul3A_10, %dma_start3A_215] : memref<2560x128xi32, #tpu.memory_space<hbm>> -> memref<80x128xi32, #tpu.memory_space<hbm>>
      tpu.enqueue_dma source(%dma_start3A_216 : memref<80x128xi32, #tpu.memory_space<hbm>>) target(%arg7 : memref<80x128xi32, #tpu.memory_space<vmem>>) target_semaphore(%run_scoped3A : memref<!tpu.dma_semaphore, #tpu.memory_space<semaphore_mem>>)
      %dma_wait3A_217 = arith.constant 0 : i32
      %dma_wait3A_218 = tpu.memref_slice %arg3[%mul3A_10, %dma_wait3A_217] : memref<2560x128xi32, #tpu.memory_space<hbm>> -> memref<80x128xi32, #tpu.memory_space<hbm>>
      %dma_wait3A_219 = arith.constant 0 : i32
      %dma_wait3A_220 = tpu.memref_slice %arg3[%mul3A_10, %dma_wait3A_219] : memref<2560x128xi32, #tpu.memory_space<hbm>> -> memref<80x128xi32, #tpu.memory_space<hbm>>
      tpu.wait_dma2 semaphore(%run_scoped3A : memref<!tpu.dma_semaphore, #tpu.memory_space<semaphore_mem>>) src(%dma_wait3A_220 : memref<80x128xi32, #tpu.memory_space<hbm>>) dst(%arg7 : memref<80x128xi32, #tpu.memory_space<vmem>>)
      tpu.yield
    }) : () -> ()
    %mul3A_11 = arith.constant 80 : i32
    %mul3A_12 = arith.muli %add3A, %mul3A_11 : i32
    "tpu.region"() ({
      %run_scoped3A = tpu.sem_alloc : memref<!tpu.dma_semaphore, #tpu.memory_space<semaphore_mem>>
      %dma_start3A_213 = arith.constant 0 : i32
      %dma_start3A_214 = tpu.memref_slice %arg4[%mul3A_12, %dma_start3A_213] : memref<2560x128xi32, #tpu.memory_space<hbm>> -> memref<80x128xi32, #tpu.memory_space<hbm>>
      %dma_start3A_215 = arith.constant 0 : i32
      %dma_start3A_216 = tpu.memref_slice %arg4[%mul3A_12, %dma_start3A_215] : memref<2560x128xi32, #tpu.memory_space<hbm>> -> memref<80x128xi32, #tpu.memory_space<hbm>>
      tpu.enqueue_dma source(%dma_start3A_216 : memref<80x128xi32, #tpu.memory_space<hbm>>) target(%arg8 : memref<80x128xi32, #tpu.memory_space<vmem>>) target_semaphore(%run_scoped3A : memref<!tpu.dma_semaphore, #tpu.memory_space<semaphore_mem>>)
      %dma_wait3A_217 = arith.constant 0 : i32
      %dma_wait3A_218 = tpu.memref_slice %arg4[%mul3A_12, %dma_wait3A_217] : memref<2560x128xi32, #tpu.memory_space<hbm>> -> memref<80x128xi32, #tpu.memory_space<hbm>>
      %dma_wait3A_219 = arith.constant 0 : i32
      %dma_wait3A_220 = tpu.memref_slice %arg4[%mul3A_12, %dma_wait3A_219] : memref<2560x128xi32, #tpu.memory_space<hbm>> -> memref<80x128xi32, #tpu.memory_space<hbm>>
      tpu.wait_dma2 semaphore(%run_scoped3A : memref<!tpu.dma_semaphore, #tpu.memory_space<semaphore_mem>>) src(%dma_wait3A_220 : memref<80x128xi32, #tpu.memory_space<hbm>>) dst(%arg8 : memref<80x128xi32, #tpu.memory_space<vmem>>)
      tpu.yield
    }) : () -> ()
    %barrier3A = arith.constant 0 : index
    tpu.barrier barrier_id(%barrier3A)
    %dma_start3A = arith.constant 0 : i32
    %dma_start3A_13 = arith.constant 0 : i32
    %dma_start3A_14 = arith.constant 0 : i32
    %dma_start3A_15 = arith.constant 0 : i32
    %dma_start3A_16 = tpu.memref_slice %arg9[%dma_start3A_13, %dma_start3A_14, %dma_start3A_15] : memref<4x128x8xf32, #tpu.memory_space<vmem>> -> memref<1x128x8xf32, #tpu.memory_space<vmem>>
    %dma_start3A_17 = tpu.memref_squeeze %dma_start3A_16 : memref<1x128x8xf32, #tpu.memory_space<vmem>> -> memref<128x8xf32, #tpu.memory_space<vmem>>
    %dma_start3A_18 = arith.constant 0 : i32
    %dma_start3A_19 = tpu.memref_slice %arg7[%dma_start3A, %dma_start3A_18] : memref<80x128xi32, #tpu.memory_space<vmem>> -> memref<1x128xi32, #tpu.memory_space<vmem>>
    %dma_start3A_20 = tpu.memref_squeeze %dma_start3A_19 : memref<1x128xi32, #tpu.memory_space<vmem>> -> memref<128xi32, #tpu.memory_space<vmem>>
    %dma_start3A_21 = arith.constant 0 : i32
    %dma_start3A_22 = arith.constant 0 : i32
    %dma_start3A_23 = tpu.memref_slice %arg19[%dma_start3A_21, %dma_start3A_22] : memref<10240x8xf32, #tpu.memory_space<vmem_shared>> -> memref<10240x8xf32, #tpu.memory_space<vmem_shared>>
    tpu.enqueue_indirect_dma source(%dma_start3A_23 : memref<10240x8xf32, #tpu.memory_space<vmem_shared>>) target(%dma_start3A_17 : memref<128x8xf32, #tpu.memory_space<vmem>>) offsets(%dma_start3A_20 : memref<128xi32, #tpu.memory_space<vmem>>) semaphore(%arg10 : memref<!tpu.dma_semaphore, #tpu.memory_space<semaphore_mem>>)
    %dma_start3A_24 = arith.constant 1 : i32
    %dma_start3A_25 = arith.constant 1 : i32
    %dma_start3A_26 = arith.constant 0 : i32
    %dma_start3A_27 = arith.constant 0 : i32
    %dma_start3A_28 = tpu.memref_slice %arg9[%dma_start3A_25, %dma_start3A_26, %dma_start3A_27] : memref<4x128x8xf32, #tpu.memory_space<vmem>> -> memref<1x128x8xf32, #tpu.memory_space<vmem>>
    %dma_start3A_29 = tpu.memref_squeeze %dma_start3A_28 : memref<1x128x8xf32, #tpu.memory_space<vmem>> -> memref<128x8xf32, #tpu.memory_space<vmem>>
    %dma_start3A_30 = arith.constant 0 : i32
    %dma_start3A_31 = tpu.memref_slice %arg7[%dma_start3A_24, %dma_start3A_30] : memref<80x128xi32, #tpu.memory_space<vmem>> -> memref<1x128xi32, #tpu.memory_space<vmem>>
    %dma_start3A_32 = tpu.memref_squeeze %dma_start3A_31 : memref<1x128xi32, #tpu.memory_space<vmem>> -> memref<128xi32, #tpu.memory_space<vmem>>
    %dma_start3A_33 = arith.constant 0 : i32
    %dma_start3A_34 = arith.constant 0 : i32
    %dma_start3A_35 = tpu.memref_slice %arg19[%dma_start3A_33, %dma_start3A_34] : memref<10240x8xf32, #tpu.memory_space<vmem_shared>> -> memref<10240x8xf32, #tpu.memory_space<vmem_shared>>
    tpu.enqueue_indirect_dma source(%dma_start3A_35 : memref<10240x8xf32, #tpu.memory_space<vmem_shared>>) target(%dma_start3A_29 : memref<128x8xf32, #tpu.memory_space<vmem>>) offsets(%dma_start3A_32 : memref<128xi32, #tpu.memory_space<vmem>>) semaphore(%arg11 : memref<!tpu.dma_semaphore, #tpu.memory_space<semaphore_mem>>)
    %dma_start3A_36 = arith.constant 2 : i32
    %dma_start3A_37 = arith.constant 2 : i32
    %dma_start3A_38 = arith.constant 0 : i32
    %dma_start3A_39 = arith.constant 0 : i32
    %dma_start3A_40 = tpu.memref_slice %arg9[%dma_start3A_37, %dma_start3A_38, %dma_start3A_39] : memref<4x128x8xf32, #tpu.memory_space<vmem>> -> memref<1x128x8xf32, #tpu.memory_space<vmem>>
    %dma_start3A_41 = tpu.memref_squeeze %dma_start3A_40 : memref<1x128x8xf32, #tpu.memory_space<vmem>> -> memref<128x8xf32, #tpu.memory_space<vmem>>
    %dma_start3A_42 = arith.constant 0 : i32
    %dma_start3A_43 = tpu.memref_slice %arg7[%dma_start3A_36, %dma_start3A_42] : memref<80x128xi32, #tpu.memory_space<vmem>> -> memref<1x128xi32, #tpu.memory_space<vmem>>
    %dma_start3A_44 = tpu.memref_squeeze %dma_start3A_43 : memref<1x128xi32, #tpu.memory_space<vmem>> -> memref<128xi32, #tpu.memory_space<vmem>>
    %dma_start3A_45 = arith.constant 0 : i32
    %dma_start3A_46 = arith.constant 0 : i32
    %dma_start3A_47 = tpu.memref_slice %arg19[%dma_start3A_45, %dma_start3A_46] : memref<10240x8xf32, #tpu.memory_space<vmem_shared>> -> memref<10240x8xf32, #tpu.memory_space<vmem_shared>>
    tpu.enqueue_indirect_dma source(%dma_start3A_47 : memref<10240x8xf32, #tpu.memory_space<vmem_shared>>) target(%dma_start3A_41 : memref<128x8xf32, #tpu.memory_space<vmem>>) offsets(%dma_start3A_44 : memref<128xi32, #tpu.memory_space<vmem>>) semaphore(%arg12 : memref<!tpu.dma_semaphore, #tpu.memory_space<semaphore_mem>>)
    %dma_start3A_48 = arith.constant 3 : i32
    %dma_start3A_49 = arith.constant 3 : i32
    %dma_start3A_50 = arith.constant 0 : i32
    %dma_start3A_51 = arith.constant 0 : i32
    %dma_start3A_52 = tpu.memref_slice %arg9[%dma_start3A_49, %dma_start3A_50, %dma_start3A_51] : memref<4x128x8xf32, #tpu.memory_space<vmem>> -> memref<1x128x8xf32, #tpu.memory_space<vmem>>
    %dma_start3A_53 = tpu.memref_squeeze %dma_start3A_52 : memref<1x128x8xf32, #tpu.memory_space<vmem>> -> memref<128x8xf32, #tpu.memory_space<vmem>>
    %dma_start3A_54 = arith.constant 0 : i32
    %dma_start3A_55 = tpu.memref_slice %arg7[%dma_start3A_48, %dma_start3A_54] : memref<80x128xi32, #tpu.memory_space<vmem>> -> memref<1x128xi32, #tpu.memory_space<vmem>>
    %dma_start3A_56 = tpu.memref_squeeze %dma_start3A_55 : memref<1x128xi32, #tpu.memory_space<vmem>> -> memref<128xi32, #tpu.memory_space<vmem>>
    %dma_start3A_57 = arith.constant 0 : i32
    %dma_start3A_58 = arith.constant 0 : i32
    %dma_start3A_59 = tpu.memref_slice %arg19[%dma_start3A_57, %dma_start3A_58] : memref<10240x8xf32, #tpu.memory_space<vmem_shared>> -> memref<10240x8xf32, #tpu.memory_space<vmem_shared>>
    tpu.enqueue_indirect_dma source(%dma_start3A_59 : memref<10240x8xf32, #tpu.memory_space<vmem_shared>>) target(%dma_start3A_53 : memref<128x8xf32, #tpu.memory_space<vmem>>) offsets(%dma_start3A_56 : memref<128xi32, #tpu.memory_space<vmem>>) semaphore(%arg13 : memref<!tpu.dma_semaphore, #tpu.memory_space<semaphore_mem>>)
    %scan3A = arith.constant 0 : i32
    %scan3A_60 = arith.constant 0 : i32
    %scan3A_61 = arith.constant 19 : i32
    %scan3A_62 = arith.addi %scan3A_60, %scan3A_61 : i32
    %scan3A_63 = arith.constant 1 : i32
    scf.for %scan3A_213 = %scan3A_60 to %scan3A_62 step %scan3A_63  : i32 {
      %mul3A_214 = arith.constant 4 : i32
      %mul3A_215 = arith.muli %scan3A_213, %mul3A_214 : i32
      %add3A_216 = arith.constant 0 : i32
      %add3A_217 = arith.addi %mul3A_215, %add3A_216 : i32
      %dma_wait3A_218 = arith.constant 0 : i32
      %dma_wait3A_219 = arith.constant 0 : i32
      %dma_wait3A_220 = arith.constant 0 : i32
      %dma_wait3A_221 = tpu.memref_slice %arg9[%dma_wait3A_218, %dma_wait3A_219, %dma_wait3A_220] : memref<4x128x8xf32, #tpu.memory_space<vmem>> -> memref<1x128x8xf32, #tpu.memory_space<vmem>>
      %dma_wait3A_222 = tpu.memref_squeeze %dma_wait3A_221 : memref<1x128x8xf32, #tpu.memory_space<vmem>> -> memref<128x8xf32, #tpu.memory_space<vmem>>
      %dma_wait3A_223 = arith.constant 0 : i32
      %dma_wait3A_224 = tpu.memref_slice %arg7[%add3A_217, %dma_wait3A_223] : memref<80x128xi32, #tpu.memory_space<vmem>> -> memref<1x128xi32, #tpu.memory_space<vmem>>
      %dma_wait3A_225 = tpu.memref_squeeze %dma_wait3A_224 : memref<1x128xi32, #tpu.memory_space<vmem>> -> memref<128xi32, #tpu.memory_space<vmem>>
      %dma_wait3A_226 = arith.constant 0 : i32
      %dma_wait3A_227 = arith.constant 0 : i32
      %dma_wait3A_228 = tpu.memref_slice %arg19[%dma_wait3A_226, %dma_wait3A_227] : memref<10240x8xf32, #tpu.memory_space<vmem_shared>> -> memref<10240x8xf32, #tpu.memory_space<vmem_shared>>
      tpu.wait_indirect_dma semaphore(%arg10 : memref<!tpu.dma_semaphore, #tpu.memory_space<semaphore_mem>>) src(%dma_wait3A_228 : memref<10240x8xf32, #tpu.memory_space<vmem_shared>>) dst(%dma_wait3A_222 : memref<128x8xf32, #tpu.memory_space<vmem>>)
      %add3A_229 = arith.constant 0 : i32
      %add3A_230 = arith.addi %mul3A_215, %add3A_229 : i32
      %dma_start3A_231 = arith.constant 0 : i32
      %dma_start3A_232 = arith.constant 0 : i32
      %dma_start3A_233 = arith.constant 0 : i32
      %dma_start3A_234 = tpu.memref_slice %arg9[%dma_start3A_231, %dma_start3A_232, %dma_start3A_233] : memref<4x128x8xf32, #tpu.memory_space<vmem>> -> memref<1x128x8xf32, #tpu.memory_space<vmem>>
      %dma_start3A_235 = tpu.memref_squeeze %dma_start3A_234 : memref<1x128x8xf32, #tpu.memory_space<vmem>> -> memref<128x8xf32, #tpu.memory_space<vmem>>
      %dma_start3A_236 = arith.constant 0 : i32
      %dma_start3A_237 = tpu.memref_slice %arg8[%add3A_230, %dma_start3A_236] : memref<80x128xi32, #tpu.memory_space<vmem>> -> memref<1x128xi32, #tpu.memory_space<vmem>>
      %dma_start3A_238 = tpu.memref_squeeze %dma_start3A_237 : memref<1x128xi32, #tpu.memory_space<vmem>> -> memref<128xi32, #tpu.memory_space<vmem>>
      %dma_start3A_239 = arith.constant 0 : i32
      %dma_start3A_240 = arith.constant 0 : i32
      %dma_start3A_241 = tpu.memref_slice %arg18[%dma_start3A_239, %dma_start3A_240] : memref<10240x8xf32, #tpu.memory_space<vmem_shared>> -> memref<10240x8xf32, #tpu.memory_space<vmem_shared>>
      tpu.enqueue_indirect_dma source(%dma_start3A_235 : memref<128x8xf32, #tpu.memory_space<vmem>>) target(%dma_start3A_241 : memref<10240x8xf32, #tpu.memory_space<vmem_shared>>) offsets(%dma_start3A_238 : memref<128xi32, #tpu.memory_space<vmem>>) semaphore(%arg14 : memref<!tpu.dma_semaphore, #tpu.memory_space<semaphore_mem>>) {add = true}
      %add3A_242 = arith.constant 1 : i32
      %add3A_243 = arith.addi %mul3A_215, %add3A_242 : i32
      %dma_wait3A_244 = arith.constant 1 : i32
      %dma_wait3A_245 = arith.constant 0 : i32
      %dma_wait3A_246 = arith.constant 0 : i32
      %dma_wait3A_247 = tpu.memref_slice %arg9[%dma_wait3A_244, %dma_wait3A_245, %dma_wait3A_246] : memref<4x128x8xf32, #tpu.memory_space<vmem>> -> memref<1x128x8xf32, #tpu.memory_space<vmem>>
      %dma_wait3A_248 = tpu.memref_squeeze %dma_wait3A_247 : memref<1x128x8xf32, #tpu.memory_space<vmem>> -> memref<128x8xf32, #tpu.memory_space<vmem>>
      %dma_wait3A_249 = arith.constant 0 : i32
      %dma_wait3A_250 = tpu.memref_slice %arg7[%add3A_243, %dma_wait3A_249] : memref<80x128xi32, #tpu.memory_space<vmem>> -> memref<1x128xi32, #tpu.memory_space<vmem>>
      %dma_wait3A_251 = tpu.memref_squeeze %dma_wait3A_250 : memref<1x128xi32, #tpu.memory_space<vmem>> -> memref<128xi32, #tpu.memory_space<vmem>>
      %dma_wait3A_252 = arith.constant 0 : i32
      %dma_wait3A_253 = arith.constant 0 : i32
      %dma_wait3A_254 = tpu.memref_slice %arg19[%dma_wait3A_252, %dma_wait3A_253] : memref<10240x8xf32, #tpu.memory_space<vmem_shared>> -> memref<10240x8xf32, #tpu.memory_space<vmem_shared>>
      tpu.wait_indirect_dma semaphore(%arg11 : memref<!tpu.dma_semaphore, #tpu.memory_space<semaphore_mem>>) src(%dma_wait3A_254 : memref<10240x8xf32, #tpu.memory_space<vmem_shared>>) dst(%dma_wait3A_248 : memref<128x8xf32, #tpu.memory_space<vmem>>)
      %add3A_255 = arith.constant 1 : i32
      %add3A_256 = arith.addi %mul3A_215, %add3A_255 : i32
      %dma_start3A_257 = arith.constant 1 : i32
      %dma_start3A_258 = arith.constant 0 : i32
      %dma_start3A_259 = arith.constant 0 : i32
      %dma_start3A_260 = tpu.memref_slice %arg9[%dma_start3A_257, %dma_start3A_258, %dma_start3A_259] : memref<4x128x8xf32, #tpu.memory_space<vmem>> -> memref<1x128x8xf32, #tpu.memory_space<vmem>>
      %dma_start3A_261 = tpu.memref_squeeze %dma_start3A_260 : memref<1x128x8xf32, #tpu.memory_space<vmem>> -> memref<128x8xf32, #tpu.memory_space<vmem>>
      %dma_start3A_262 = arith.constant 0 : i32
      %dma_start3A_263 = tpu.memref_slice %arg8[%add3A_256, %dma_start3A_262] : memref<80x128xi32, #tpu.memory_space<vmem>> -> memref<1x128xi32, #tpu.memory_space<vmem>>
      %dma_start3A_264 = tpu.memref_squeeze %dma_start3A_263 : memref<1x128xi32, #tpu.memory_space<vmem>> -> memref<128xi32, #tpu.memory_space<vmem>>
      %dma_start3A_265 = arith.constant 0 : i32
      %dma_start3A_266 = arith.constant 0 : i32
      %dma_start3A_267 = tpu.memref_slice %arg18[%dma_start3A_265, %dma_start3A_266] : memref<10240x8xf32, #tpu.memory_space<vmem_shared>> -> memref<10240x8xf32, #tpu.memory_space<vmem_shared>>
      tpu.enqueue_indirect_dma source(%dma_start3A_261 : memref<128x8xf32, #tpu.memory_space<vmem>>) target(%dma_start3A_267 : memref<10240x8xf32, #tpu.memory_space<vmem_shared>>) offsets(%dma_start3A_264 : memref<128xi32, #tpu.memory_space<vmem>>) semaphore(%arg15 : memref<!tpu.dma_semaphore, #tpu.memory_space<semaphore_mem>>) {add = true}
      %add3A_268 = arith.constant 2 : i32
      %add3A_269 = arith.addi %mul3A_215, %add3A_268 : i32
      %dma_wait3A_270 = arith.constant 2 : i32
      %dma_wait3A_271 = arith.constant 0 : i32
      %dma_wait3A_272 = arith.constant 0 : i32
      %dma_wait3A_273 = tpu.memref_slice %arg9[%dma_wait3A_270, %dma_wait3A_271, %dma_wait3A_272] : memref<4x128x8xf32, #tpu.memory_space<vmem>> -> memref<1x128x8xf32, #tpu.memory_space<vmem>>
      %dma_wait3A_274 = tpu.memref_squeeze %dma_wait3A_273 : memref<1x128x8xf32, #tpu.memory_space<vmem>> -> memref<128x8xf32, #tpu.memory_space<vmem>>
      %dma_wait3A_275 = arith.constant 0 : i32
      %dma_wait3A_276 = tpu.memref_slice %arg7[%add3A_269, %dma_wait3A_275] : memref<80x128xi32, #tpu.memory_space<vmem>> -> memref<1x128xi32, #tpu.memory_space<vmem>>
      %dma_wait3A_277 = tpu.memref_squeeze %dma_wait3A_276 : memref<1x128xi32, #tpu.memory_space<vmem>> -> memref<128xi32, #tpu.memory_space<vmem>>
      %dma_wait3A_278 = arith.constant 0 : i32
      %dma_wait3A_279 = arith.constant 0 : i32
      %dma_wait3A_280 = tpu.memref_slice %arg19[%dma_wait3A_278, %dma_wait3A_279] : memref<10240x8xf32, #tpu.memory_space<vmem_shared>> -> memref<10240x8xf32, #tpu.memory_space<vmem_shared>>
      tpu.wait_indirect_dma semaphore(%arg12 : memref<!tpu.dma_semaphore, #tpu.memory_space<semaphore_mem>>) src(%dma_wait3A_280 : memref<10240x8xf32, #tpu.memory_space<vmem_shared>>) dst(%dma_wait3A_274 : memref<128x8xf32, #tpu.memory_space<vmem>>)
      %add3A_281 = arith.constant 2 : i32
      %add3A_282 = arith.addi %mul3A_215, %add3A_281 : i32
      %dma_start3A_283 = arith.constant 2 : i32
      %dma_start3A_284 = arith.constant 0 : i32
      %dma_start3A_285 = arith.constant 0 : i32
      %dma_start3A_286 = tpu.memref_slice %arg9[%dma_start3A_283, %dma_start3A_284, %dma_start3A_285] : memref<4x128x8xf32, #tpu.memory_space<vmem>> -> memref<1x128x8xf32, #tpu.memory_space<vmem>>
      %dma_start3A_287 = tpu.memref_squeeze %dma_start3A_286 : memref<1x128x8xf32, #tpu.memory_space<vmem>> -> memref<128x8xf32, #tpu.memory_space<vmem>>
      %dma_start3A_288 = arith.constant 0 : i32
      %dma_start3A_289 = tpu.memref_slice %arg8[%add3A_282, %dma_start3A_288] : memref<80x128xi32, #tpu.memory_space<vmem>> -> memref<1x128xi32, #tpu.memory_space<vmem>>
      %dma_start3A_290 = tpu.memref_squeeze %dma_start3A_289 : memref<1x128xi32, #tpu.memory_space<vmem>> -> memref<128xi32, #tpu.memory_space<vmem>>
      %dma_start3A_291 = arith.constant 0 : i32
      %dma_start3A_292 = arith.constant 0 : i32
      %dma_start3A_293 = tpu.memref_slice %arg18[%dma_start3A_291, %dma_start3A_292] : memref<10240x8xf32, #tpu.memory_space<vmem_shared>> -> memref<10240x8xf32, #tpu.memory_space<vmem_shared>>
      tpu.enqueue_indirect_dma source(%dma_start3A_287 : memref<128x8xf32, #tpu.memory_space<vmem>>) target(%dma_start3A_293 : memref<10240x8xf32, #tpu.memory_space<vmem_shared>>) offsets(%dma_start3A_290 : memref<128xi32, #tpu.memory_space<vmem>>) semaphore(%arg16 : memref<!tpu.dma_semaphore, #tpu.memory_space<semaphore_mem>>) {add = true}
      %add3A_294 = arith.constant 3 : i32
      %add3A_295 = arith.addi %mul3A_215, %add3A_294 : i32
      %dma_wait3A_296 = arith.constant 3 : i32
      %dma_wait3A_297 = arith.constant 0 : i32
      %dma_wait3A_298 = arith.constant 0 : i32
      %dma_wait3A_299 = tpu.memref_slice %arg9[%dma_wait3A_296, %dma_wait3A_297, %dma_wait3A_298] : memref<4x128x8xf32, #tpu.memory_space<vmem>> -> memref<1x128x8xf32, #tpu.memory_space<vmem>>
      %dma_wait3A_300 = tpu.memref_squeeze %dma_wait3A_299 : memref<1x128x8xf32, #tpu.memory_space<vmem>> -> memref<128x8xf32, #tpu.memory_space<vmem>>
      %dma_wait3A_301 = arith.constant 0 : i32
      %dma_wait3A_302 = tpu.memref_slice %arg7[%add3A_295, %dma_wait3A_301] : memref<80x128xi32, #tpu.memory_space<vmem>> -> memref<1x128xi32, #tpu.memory_space<vmem>>
      %dma_wait3A_303 = tpu.memref_squeeze %dma_wait3A_302 : memref<1x128xi32, #tpu.memory_space<vmem>> -> memref<128xi32, #tpu.memory_space<vmem>>
      %dma_wait3A_304 = arith.constant 0 : i32
      %dma_wait3A_305 = arith.constant 0 : i32
      %dma_wait3A_306 = tpu.memref_slice %arg19[%dma_wait3A_304, %dma_wait3A_305] : memref<10240x8xf32, #tpu.memory_space<vmem_shared>> -> memref<10240x8xf32, #tpu.memory_space<vmem_shared>>
      tpu.wait_indirect_dma semaphore(%arg13 : memref<!tpu.dma_semaphore, #tpu.memory_space<semaphore_mem>>) src(%dma_wait3A_306 : memref<10240x8xf32, #tpu.memory_space<vmem_shared>>) dst(%dma_wait3A_300 : memref<128x8xf32, #tpu.memory_space<vmem>>)
      %add3A_307 = arith.constant 3 : i32
      %add3A_308 = arith.addi %mul3A_215, %add3A_307 : i32
      %dma_start3A_309 = arith.constant 3 : i32
      %dma_start3A_310 = arith.constant 0 : i32
      %dma_start3A_311 = arith.constant 0 : i32
      %dma_start3A_312 = tpu.memref_slice %arg9[%dma_start3A_309, %dma_start3A_310, %dma_start3A_311] : memref<4x128x8xf32, #tpu.memory_space<vmem>> -> memref<1x128x8xf32, #tpu.memory_space<vmem>>
      %dma_start3A_313 = tpu.memref_squeeze %dma_start3A_312 : memref<1x128x8xf32, #tpu.memory_space<vmem>> -> memref<128x8xf32, #tpu.memory_space<vmem>>
      %dma_start3A_314 = arith.constant 0 : i32
      %dma_start3A_315 = tpu.memref_slice %arg8[%add3A_308, %dma_start3A_314] : memref<80x128xi32, #tpu.memory_space<vmem>> -> memref<1x128xi32, #tpu.memory_space<vmem>>
      %dma_start3A_316 = tpu.memref_squeeze %dma_start3A_315 : memref<1x128xi32, #tpu.memory_space<vmem>> -> memref<128xi32, #tpu.memory_space<vmem>>
      %dma_start3A_317 = arith.constant 0 : i32
      %dma_start3A_318 = arith.constant 0 : i32
      %dma_start3A_319 = tpu.memref_slice %arg18[%dma_start3A_317, %dma_start3A_318] : memref<10240x8xf32, #tpu.memory_space<vmem_shared>> -> memref<10240x8xf32, #tpu.memory_space<vmem_shared>>
      tpu.enqueue_indirect_dma source(%dma_start3A_313 : memref<128x8xf32, #tpu.memory_space<vmem>>) target(%dma_start3A_319 : memref<10240x8xf32, #tpu.memory_space<vmem_shared>>) offsets(%dma_start3A_316 : memref<128xi32, #tpu.memory_space<vmem>>) semaphore(%arg17 : memref<!tpu.dma_semaphore, #tpu.memory_space<semaphore_mem>>) {add = true}
      %add3A_320 = arith.constant 0 : i32
      %add3A_321 = arith.addi %mul3A_215, %add3A_320 : i32
      %dma_wait3A_322 = arith.constant 0 : i32
      %dma_wait3A_323 = arith.constant 0 : i32
      %dma_wait3A_324 = arith.constant 0 : i32
      %dma_wait3A_325 = tpu.memref_slice %arg9[%dma_wait3A_322, %dma_wait3A_323, %dma_wait3A_324] : memref<4x128x8xf32, #tpu.memory_space<vmem>> -> memref<1x128x8xf32, #tpu.memory_space<vmem>>
      %dma_wait3A_326 = tpu.memref_squeeze %dma_wait3A_325 : memref<1x128x8xf32, #tpu.memory_space<vmem>> -> memref<128x8xf32, #tpu.memory_space<vmem>>
      %dma_wait3A_327 = arith.constant 0 : i32
      %dma_wait3A_328 = tpu.memref_slice %arg8[%add3A_321, %dma_wait3A_327] : memref<80x128xi32, #tpu.memory_space<vmem>> -> memref<1x128xi32, #tpu.memory_space<vmem>>
      %dma_wait3A_329 = tpu.memref_squeeze %dma_wait3A_328 : memref<1x128xi32, #tpu.memory_space<vmem>> -> memref<128xi32, #tpu.memory_space<vmem>>
      %dma_wait3A_330 = arith.constant 0 : i32
      %dma_wait3A_331 = arith.constant 0 : i32
      %dma_wait3A_332 = tpu.memref_slice %arg18[%dma_wait3A_330, %dma_wait3A_331] : memref<10240x8xf32, #tpu.memory_space<vmem_shared>> -> memref<10240x8xf32, #tpu.memory_space<vmem_shared>>
      tpu.wait_indirect_dma semaphore(%arg14 : memref<!tpu.dma_semaphore, #tpu.memory_space<semaphore_mem>>) src(%dma_wait3A_326 : memref<128x8xf32, #tpu.memory_space<vmem>>) dst(%dma_wait3A_332 : memref<10240x8xf32, #tpu.memory_space<vmem_shared>>)
      %add3A_333 = arith.constant 4 : i32
      %add3A_334 = arith.addi %mul3A_215, %add3A_333 : i32
      %add3A_335 = arith.constant 0 : i32
      %add3A_336 = arith.addi %add3A_334, %add3A_335 : i32
      %dma_start3A_337 = arith.constant 0 : i32
      %dma_start3A_338 = arith.constant 0 : i32
      %dma_start3A_339 = arith.constant 0 : i32
      %dma_start3A_340 = tpu.memref_slice %arg9[%dma_start3A_337, %dma_start3A_338, %dma_start3A_339] : memref<4x128x8xf32, #tpu.memory_space<vmem>> -> memref<1x128x8xf32, #tpu.memory_space<vmem>>
      %dma_start3A_341 = tpu.memref_squeeze %dma_start3A_340 : memref<1x128x8xf32, #tpu.memory_space<vmem>> -> memref<128x8xf32, #tpu.memory_space<vmem>>
      %dma_start3A_342 = arith.constant 0 : i32
      %dma_start3A_343 = tpu.memref_slice %arg7[%add3A_336, %dma_start3A_342] : memref<80x128xi32, #tpu.memory_space<vmem>> -> memref<1x128xi32, #tpu.memory_space<vmem>>
      %dma_start3A_344 = tpu.memref_squeeze %dma_start3A_343 : memref<1x128xi32, #tpu.memory_space<vmem>> -> memref<128xi32, #tpu.memory_space<vmem>>
      %dma_start3A_345 = arith.constant 0 : i32
      %dma_start3A_346 = arith.constant 0 : i32
      %dma_start3A_347 = tpu.memref_slice %arg19[%dma_start3A_345, %dma_start3A_346] : memref<10240x8xf32, #tpu.memory_space<vmem_shared>> -> memref<10240x8xf32, #tpu.memory_space<vmem_shared>>
      tpu.enqueue_indirect_dma source(%dma_start3A_347 : memref<10240x8xf32, #tpu.memory_space<vmem_shared>>) target(%dma_start3A_341 : memref<128x8xf32, #tpu.memory_space<vmem>>) offsets(%dma_start3A_344 : memref<128xi32, #tpu.memory_space<vmem>>) semaphore(%arg10 : memref<!tpu.dma_semaphore, #tpu.memory_space<semaphore_mem>>)
      %add3A_348 = arith.constant 1 : i32
      %add3A_349 = arith.addi %mul3A_215, %add3A_348 : i32
      %dma_wait3A_350 = arith.constant 1 : i32
      %dma_wait3A_351 = arith.constant 0 : i32
      %dma_wait3A_352 = arith.constant 0 : i32
      %dma_wait3A_353 = tpu.memref_slice %arg9[%dma_wait3A_350, %dma_wait3A_351, %dma_wait3A_352] : memref<4x128x8xf32, #tpu.memory_space<vmem>> -> memref<1x128x8xf32, #tpu.memory_space<vmem>>
      %dma_wait3A_354 = tpu.memref_squeeze %dma_wait3A_353 : memref<1x128x8xf32, #tpu.memory_space<vmem>> -> memref<128x8xf32, #tpu.memory_space<vmem>>
      %dma_wait3A_355 = arith.constant 0 : i32
      %dma_wait3A_356 = tpu.memref_slice %arg8[%add3A_349, %dma_wait3A_355] : memref<80x128xi32, #tpu.memory_space<vmem>> -> memref<1x128xi32, #tpu.memory_space<vmem>>
      %dma_wait3A_357 = tpu.memref_squeeze %dma_wait3A_356 : memref<1x128xi32, #tpu.memory_space<vmem>> -> memref<128xi32, #tpu.memory_space<vmem>>
      %dma_wait3A_358 = arith.constant 0 : i32
      %dma_wait3A_359 = arith.constant 0 : i32
      %dma_wait3A_360 = tpu.memref_slice %arg18[%dma_wait3A_358, %dma_wait3A_359] : memref<10240x8xf32, #tpu.memory_space<vmem_shared>> -> memref<10240x8xf32, #tpu.memory_space<vmem_shared>>
      tpu.wait_indirect_dma semaphore(%arg15 : memref<!tpu.dma_semaphore, #tpu.memory_space<semaphore_mem>>) src(%dma_wait3A_354 : memref<128x8xf32, #tpu.memory_space<vmem>>) dst(%dma_wait3A_360 : memref<10240x8xf32, #tpu.memory_space<vmem_shared>>)
      %add3A_361 = arith.constant 4 : i32
      %add3A_362 = arith.addi %mul3A_215, %add3A_361 : i32
      %add3A_363 = arith.constant 1 : i32
      %add3A_364 = arith.addi %add3A_362, %add3A_363 : i32
      %dma_start3A_365 = arith.constant 1 : i32
      %dma_start3A_366 = arith.constant 0 : i32
      %dma_start3A_367 = arith.constant 0 : i32
      %dma_start3A_368 = tpu.memref_slice %arg9[%dma_start3A_365, %dma_start3A_366, %dma_start3A_367] : memref<4x128x8xf32, #tpu.memory_space<vmem>> -> memref<1x128x8xf32, #tpu.memory_space<vmem>>
      %dma_start3A_369 = tpu.memref_squeeze %dma_start3A_368 : memref<1x128x8xf32, #tpu.memory_space<vmem>> -> memref<128x8xf32, #tpu.memory_space<vmem>>
      %dma_start3A_370 = arith.constant 0 : i32
      %dma_start3A_371 = tpu.memref_slice %arg7[%add3A_364, %dma_start3A_370] : memref<80x128xi32, #tpu.memory_space<vmem>> -> memref<1x128xi32, #tpu.memory_space<vmem>>
      %dma_start3A_372 = tpu.memref_squeeze %dma_start3A_371 : memref<1x128xi32, #tpu.memory_space<vmem>> -> memref<128xi32, #tpu.memory_space<vmem>>
      %dma_start3A_373 = arith.constant 0 : i32
      %dma_start3A_374 = arith.constant 0 : i32
      %dma_start3A_375 = tpu.memref_slice %arg19[%dma_start3A_373, %dma_start3A_374] : memref<10240x8xf32, #tpu.memory_space<vmem_shared>> -> memref<10240x8xf32, #tpu.memory_space<vmem_shared>>
      tpu.enqueue_indirect_dma source(%dma_start3A_375 : memref<10240x8xf32, #tpu.memory_space<vmem_shared>>) target(%dma_start3A_369 : memref<128x8xf32, #tpu.memory_space<vmem>>) offsets(%dma_start3A_372 : memref<128xi32, #tpu.memory_space<vmem>>) semaphore(%arg11 : memref<!tpu.dma_semaphore, #tpu.memory_space<semaphore_mem>>)
      %add3A_376 = arith.constant 2 : i32
      %add3A_377 = arith.addi %mul3A_215, %add3A_376 : i32
      %dma_wait3A_378 = arith.constant 2 : i32
      %dma_wait3A_379 = arith.constant 0 : i32
      %dma_wait3A_380 = arith.constant 0 : i32
      %dma_wait3A_381 = tpu.memref_slice %arg9[%dma_wait3A_378, %dma_wait3A_379, %dma_wait3A_380] : memref<4x128x8xf32, #tpu.memory_space<vmem>> -> memref<1x128x8xf32, #tpu.memory_space<vmem>>
      %dma_wait3A_382 = tpu.memref_squeeze %dma_wait3A_381 : memref<1x128x8xf32, #tpu.memory_space<vmem>> -> memref<128x8xf32, #tpu.memory_space<vmem>>
      %dma_wait3A_383 = arith.constant 0 : i32
      %dma_wait3A_384 = tpu.memref_slice %arg8[%add3A_377, %dma_wait3A_383] : memref<80x128xi32, #tpu.memory_space<vmem>> -> memref<1x128xi32, #tpu.memory_space<vmem>>
      %dma_wait3A_385 = tpu.memref_squeeze %dma_wait3A_384 : memref<1x128xi32, #tpu.memory_space<vmem>> -> memref<128xi32, #tpu.memory_space<vmem>>
      %dma_wait3A_386 = arith.constant 0 : i32
      %dma_wait3A_387 = arith.constant 0 : i32
      %dma_wait3A_388 = tpu.memref_slice %arg18[%dma_wait3A_386, %dma_wait3A_387] : memref<10240x8xf32, #tpu.memory_space<vmem_shared>> -> memref<10240x8xf32, #tpu.memory_space<vmem_shared>>
      tpu.wait_indirect_dma semaphore(%arg16 : memref<!tpu.dma_semaphore, #tpu.memory_space<semaphore_mem>>) src(%dma_wait3A_382 : memref<128x8xf32, #tpu.memory_space<vmem>>) dst(%dma_wait3A_388 : memref<10240x8xf32, #tpu.memory_space<vmem_shared>>)
      %add3A_389 = arith.constant 4 : i32
      %add3A_390 = arith.addi %mul3A_215, %add3A_389 : i32
      %add3A_391 = arith.constant 2 : i32
      %add3A_392 = arith.addi %add3A_390, %add3A_391 : i32
      %dma_start3A_393 = arith.constant 2 : i32
      %dma_start3A_394 = arith.constant 0 : i32
      %dma_start3A_395 = arith.constant 0 : i32
      %dma_start3A_396 = tpu.memref_slice %arg9[%dma_start3A_393, %dma_start3A_394, %dma_start3A_395] : memref<4x128x8xf32, #tpu.memory_space<vmem>> -> memref<1x128x8xf32, #tpu.memory_space<vmem>>
      %dma_start3A_397 = tpu.memref_squeeze %dma_start3A_396 : memref<1x128x8xf32, #tpu.memory_space<vmem>> -> memref<128x8xf32, #tpu.memory_space<vmem>>
      %dma_start3A_398 = arith.constant 0 : i32
      %dma_start3A_399 = tpu.memref_slice %arg7[%add3A_392, %dma_start3A_398] : memref<80x128xi32, #tpu.memory_space<vmem>> -> memref<1x128xi32, #tpu.memory_space<vmem>>
      %dma_start3A_400 = tpu.memref_squeeze %dma_start3A_399 : memref<1x128xi32, #tpu.memory_space<vmem>> -> memref<128xi32, #tpu.memory_space<vmem>>
      %dma_start3A_401 = arith.constant 0 : i32
      %dma_start3A_402 = arith.constant 0 : i32
      %dma_start3A_403 = tpu.memref_slice %arg19[%dma_start3A_401, %dma_start3A_402] : memref<10240x8xf32, #tpu.memory_space<vmem_shared>> -> memref<10240x8xf32, #tpu.memory_space<vmem_shared>>
      tpu.enqueue_indirect_dma source(%dma_start3A_403 : memref<10240x8xf32, #tpu.memory_space<vmem_shared>>) target(%dma_start3A_397 : memref<128x8xf32, #tpu.memory_space<vmem>>) offsets(%dma_start3A_400 : memref<128xi32, #tpu.memory_space<vmem>>) semaphore(%arg12 : memref<!tpu.dma_semaphore, #tpu.memory_space<semaphore_mem>>)
      %add3A_404 = arith.constant 3 : i32
      %add3A_405 = arith.addi %mul3A_215, %add3A_404 : i32
      %dma_wait3A_406 = arith.constant 3 : i32
      %dma_wait3A_407 = arith.constant 0 : i32
      %dma_wait3A_408 = arith.constant 0 : i32
      %dma_wait3A_409 = tpu.memref_slice %arg9[%dma_wait3A_406, %dma_wait3A_407, %dma_wait3A_408] : memref<4x128x8xf32, #tpu.memory_space<vmem>> -> memref<1x128x8xf32, #tpu.memory_space<vmem>>
      %dma_wait3A_410 = tpu.memref_squeeze %dma_wait3A_409 : memref<1x128x8xf32, #tpu.memory_space<vmem>> -> memref<128x8xf32, #tpu.memory_space<vmem>>
      %dma_wait3A_411 = arith.constant 0 : i32
      %dma_wait3A_412 = tpu.memref_slice %arg8[%add3A_405, %dma_wait3A_411] : memref<80x128xi32, #tpu.memory_space<vmem>> -> memref<1x128xi32, #tpu.memory_space<vmem>>
      %dma_wait3A_413 = tpu.memref_squeeze %dma_wait3A_412 : memref<1x128xi32, #tpu.memory_space<vmem>> -> memref<128xi32, #tpu.memory_space<vmem>>
      %dma_wait3A_414 = arith.constant 0 : i32
      %dma_wait3A_415 = arith.constant 0 : i32
      %dma_wait3A_416 = tpu.memref_slice %arg18[%dma_wait3A_414, %dma_wait3A_415] : memref<10240x8xf32, #tpu.memory_space<vmem_shared>> -> memref<10240x8xf32, #tpu.memory_space<vmem_shared>>
      tpu.wait_indirect_dma semaphore(%arg17 : memref<!tpu.dma_semaphore, #tpu.memory_space<semaphore_mem>>) src(%dma_wait3A_410 : memref<128x8xf32, #tpu.memory_space<vmem>>) dst(%dma_wait3A_416 : memref<10240x8xf32, #tpu.memory_space<vmem_shared>>)
      %add3A_417 = arith.constant 4 : i32
      %add3A_418 = arith.addi %mul3A_215, %add3A_417 : i32
      %add3A_419 = arith.constant 3 : i32
      %add3A_420 = arith.addi %add3A_418, %add3A_419 : i32
      %dma_start3A_421 = arith.constant 3 : i32
      %dma_start3A_422 = arith.constant 0 : i32
      %dma_start3A_423 = arith.constant 0 : i32
      %dma_start3A_424 = tpu.memref_slice %arg9[%dma_start3A_421, %dma_start3A_422, %dma_start3A_423] : memref<4x128x8xf32, #tpu.memory_space<vmem>> -> memref<1x128x8xf32, #tpu.memory_space<vmem>>
      %dma_start3A_425 = tpu.memref_squeeze %dma_start3A_424 : memref<1x128x8xf32, #tpu.memory_space<vmem>> -> memref<128x8xf32, #tpu.memory_space<vmem>>
      %dma_start3A_426 = arith.constant 0 : i32
      %dma_start3A_427 = tpu.memref_slice %arg7[%add3A_420, %dma_start3A_426] : memref<80x128xi32, #tpu.memory_space<vmem>> -> memref<1x128xi32, #tpu.memory_space<vmem>>
      %dma_start3A_428 = tpu.memref_squeeze %dma_start3A_427 : memref<1x128xi32, #tpu.memory_space<vmem>> -> memref<128xi32, #tpu.memory_space<vmem>>
      %dma_start3A_429 = arith.constant 0 : i32
      %dma_start3A_430 = arith.constant 0 : i32
      %dma_start3A_431 = tpu.memref_slice %arg19[%dma_start3A_429, %dma_start3A_430] : memref<10240x8xf32, #tpu.memory_space<vmem_shared>> -> memref<10240x8xf32, #tpu.memory_space<vmem_shared>>
      tpu.enqueue_indirect_dma source(%dma_start3A_431 : memref<10240x8xf32, #tpu.memory_space<vmem_shared>>) target(%dma_start3A_425 : memref<128x8xf32, #tpu.memory_space<vmem>>) offsets(%dma_start3A_428 : memref<128xi32, #tpu.memory_space<vmem>>) semaphore(%arg13 : memref<!tpu.dma_semaphore, #tpu.memory_space<semaphore_mem>>)
    }
    %scan3A_64 = arith.constant 19 : i32
    %dma_wait3A = arith.constant 76 : i32
    %dma_wait3A_65 = arith.constant 0 : i32
    %dma_wait3A_66 = arith.constant 0 : i32
    %dma_wait3A_67 = arith.constant 0 : i32
    %dma_wait3A_68 = tpu.memref_slice %arg9[%dma_wait3A_65, %dma_wait3A_66, %dma_wait3A_67] : memref<4x128x8xf32, #tpu.memory_space<vmem>> -> memref<1x128x8xf32, #tpu.memory_space<vmem>>
    %dma_wait3A_69 = tpu.memref_squeeze %dma_wait3A_68 : memref<1x128x8xf32, #tpu.memory_space<vmem>> -> memref<128x8xf32, #tpu.memory_space<vmem>>
    %dma_wait3A_70 = arith.constant 0 : i32
    %dma_wait3A_71 = tpu.memref_slice %arg7[%dma_wait3A, %dma_wait3A_70] : memref<80x128xi32, #tpu.memory_space<vmem>> -> memref<1x128xi32, #tpu.memory_space<vmem>>
    %dma_wait3A_72 = tpu.memref_squeeze %dma_wait3A_71 : memref<1x128xi32, #tpu.memory_space<vmem>> -> memref<128xi32, #tpu.memory_space<vmem>>
    %dma_wait3A_73 = arith.constant 0 : i32
    %dma_wait3A_74 = arith.constant 0 : i32
    %dma_wait3A_75 = tpu.memref_slice %arg19[%dma_wait3A_73, %dma_wait3A_74] : memref<10240x8xf32, #tpu.memory_space<vmem_shared>> -> memref<10240x8xf32, #tpu.memory_space<vmem_shared>>
    tpu.wait_indirect_dma semaphore(%arg10 : memref<!tpu.dma_semaphore, #tpu.memory_space<semaphore_mem>>) src(%dma_wait3A_75 : memref<10240x8xf32, #tpu.memory_space<vmem_shared>>) dst(%dma_wait3A_69 : memref<128x8xf32, #tpu.memory_space<vmem>>)
    %dma_start3A_76 = arith.constant 0 : i32
    %dma_start3A_77 = arith.constant 76 : i32
    %dma_start3A_78 = arith.constant 0 : i32
    %dma_start3A_79 = arith.constant 0 : i32
    %dma_start3A_80 = tpu.memref_slice %arg9[%dma_start3A_76, %dma_start3A_78, %dma_start3A_79] : memref<4x128x8xf32, #tpu.memory_space<vmem>> -> memref<1x128x8xf32, #tpu.memory_space<vmem>>
    %dma_start3A_81 = tpu.memref_squeeze %dma_start3A_80 : memref<1x128x8xf32, #tpu.memory_space<vmem>> -> memref<128x8xf32, #tpu.memory_space<vmem>>
    %dma_start3A_82 = arith.constant 0 : i32
    %dma_start3A_83 = tpu.memref_slice %arg8[%dma_start3A_77, %dma_start3A_82] : memref<80x128xi32, #tpu.memory_space<vmem>> -> memref<1x128xi32, #tpu.memory_space<vmem>>
    %dma_start3A_84 = tpu.memref_squeeze %dma_start3A_83 : memref<1x128xi32, #tpu.memory_space<vmem>> -> memref<128xi32, #tpu.memory_space<vmem>>
    %dma_start3A_85 = arith.constant 0 : i32
    %dma_start3A_86 = arith.constant 0 : i32
    %dma_start3A_87 = tpu.memref_slice %arg18[%dma_start3A_85, %dma_start3A_86] : memref<10240x8xf32, #tpu.memory_space<vmem_shared>> -> memref<10240x8xf32, #tpu.memory_space<vmem_shared>>
    tpu.enqueue_indirect_dma source(%dma_start3A_81 : memref<128x8xf32, #tpu.memory_space<vmem>>) target(%dma_start3A_87 : memref<10240x8xf32, #tpu.memory_space<vmem_shared>>) offsets(%dma_start3A_84 : memref<128xi32, #tpu.memory_space<vmem>>) semaphore(%arg14 : memref<!tpu.dma_semaphore, #tpu.memory_space<semaphore_mem>>) {add = true}
    %dma_wait3A_88 = arith.constant 77 : i32
    %dma_wait3A_89 = arith.constant 1 : i32
    %dma_wait3A_90 = arith.constant 0 : i32
    %dma_wait3A_91 = arith.constant 0 : i32
    %dma_wait3A_92 = tpu.memref_slice %arg9[%dma_wait3A_89, %dma_wait3A_90, %dma_wait3A_91] : memref<4x128x8xf32, #tpu.memory_space<vmem>> -> memref<1x128x8xf32, #tpu.memory_space<vmem>>
    %dma_wait3A_93 = tpu.memref_squeeze %dma_wait3A_92 : memref<1x128x8xf32, #tpu.memory_space<vmem>> -> memref<128x8xf32, #tpu.memory_space<vmem>>
    %dma_wait3A_94 = arith.constant 0 : i32
    %dma_wait3A_95 = tpu.memref_slice %arg7[%dma_wait3A_88, %dma_wait3A_94] : memref<80x128xi32, #tpu.memory_space<vmem>> -> memref<1x128xi32, #tpu.memory_space<vmem>>
    %dma_wait3A_96 = tpu.memref_squeeze %dma_wait3A_95 : memref<1x128xi32, #tpu.memory_space<vmem>> -> memref<128xi32, #tpu.memory_space<vmem>>
    %dma_wait3A_97 = arith.constant 0 : i32
    %dma_wait3A_98 = arith.constant 0 : i32
    %dma_wait3A_99 = tpu.memref_slice %arg19[%dma_wait3A_97, %dma_wait3A_98] : memref<10240x8xf32, #tpu.memory_space<vmem_shared>> -> memref<10240x8xf32, #tpu.memory_space<vmem_shared>>
    tpu.wait_indirect_dma semaphore(%arg11 : memref<!tpu.dma_semaphore, #tpu.memory_space<semaphore_mem>>) src(%dma_wait3A_99 : memref<10240x8xf32, #tpu.memory_space<vmem_shared>>) dst(%dma_wait3A_93 : memref<128x8xf32, #tpu.memory_space<vmem>>)
    %dma_start3A_100 = arith.constant 1 : i32
    %dma_start3A_101 = arith.constant 77 : i32
    %dma_start3A_102 = arith.constant 0 : i32
    %dma_start3A_103 = arith.constant 0 : i32
    %dma_start3A_104 = tpu.memref_slice %arg9[%dma_start3A_100, %dma_start3A_102, %dma_start3A_103] : memref<4x128x8xf32, #tpu.memory_space<vmem>> -> memref<1x128x8xf32, #tpu.memory_space<vmem>>
    %dma_start3A_105 = tpu.memref_squeeze %dma_start3A_104 : memref<1x128x8xf32, #tpu.memory_space<vmem>> -> memref<128x8xf32, #tpu.memory_space<vmem>>
    %dma_start3A_106 = arith.constant 0 : i32
    %dma_start3A_107 = tpu.memref_slice %arg8[%dma_start3A_101, %dma_start3A_106] : memref<80x128xi32, #tpu.memory_space<vmem>> -> memref<1x128xi32, #tpu.memory_space<vmem>>
    %dma_start3A_108 = tpu.memref_squeeze %dma_start3A_107 : memref<1x128xi32, #tpu.memory_space<vmem>> -> memref<128xi32, #tpu.memory_space<vmem>>
    %dma_start3A_109 = arith.constant 0 : i32
    %dma_start3A_110 = arith.constant 0 : i32
    %dma_start3A_111 = tpu.memref_slice %arg18[%dma_start3A_109, %dma_start3A_110] : memref<10240x8xf32, #tpu.memory_space<vmem_shared>> -> memref<10240x8xf32, #tpu.memory_space<vmem_shared>>
    tpu.enqueue_indirect_dma source(%dma_start3A_105 : memref<128x8xf32, #tpu.memory_space<vmem>>) target(%dma_start3A_111 : memref<10240x8xf32, #tpu.memory_space<vmem_shared>>) offsets(%dma_start3A_108 : memref<128xi32, #tpu.memory_space<vmem>>) semaphore(%arg15 : memref<!tpu.dma_semaphore, #tpu.memory_space<semaphore_mem>>) {add = true}
    %dma_wait3A_112 = arith.constant 78 : i32
    %dma_wait3A_113 = arith.constant 2 : i32
    %dma_wait3A_114 = arith.constant 0 : i32
    %dma_wait3A_115 = arith.constant 0 : i32
    %dma_wait3A_116 = tpu.memref_slice %arg9[%dma_wait3A_113, %dma_wait3A_114, %dma_wait3A_115] : memref<4x128x8xf32, #tpu.memory_space<vmem>> -> memref<1x128x8xf32, #tpu.memory_space<vmem>>
    %dma_wait3A_117 = tpu.memref_squeeze %dma_wait3A_116 : memref<1x128x8xf32, #tpu.memory_space<vmem>> -> memref<128x8xf32, #tpu.memory_space<vmem>>
    %dma_wait3A_118 = arith.constant 0 : i32
    %dma_wait3A_119 = tpu.memref_slice %arg7[%dma_wait3A_112, %dma_wait3A_118] : memref<80x128xi32, #tpu.memory_space<vmem>> -> memref<1x128xi32, #tpu.memory_space<vmem>>
    %dma_wait3A_120 = tpu.memref_squeeze %dma_wait3A_119 : memref<1x128xi32, #tpu.memory_space<vmem>> -> memref<128xi32, #tpu.memory_space<vmem>>
    %dma_wait3A_121 = arith.constant 0 : i32
    %dma_wait3A_122 = arith.constant 0 : i32
    %dma_wait3A_123 = tpu.memref_slice %arg19[%dma_wait3A_121, %dma_wait3A_122] : memref<10240x8xf32, #tpu.memory_space<vmem_shared>> -> memref<10240x8xf32, #tpu.memory_space<vmem_shared>>
    tpu.wait_indirect_dma semaphore(%arg12 : memref<!tpu.dma_semaphore, #tpu.memory_space<semaphore_mem>>) src(%dma_wait3A_123 : memref<10240x8xf32, #tpu.memory_space<vmem_shared>>) dst(%dma_wait3A_117 : memref<128x8xf32, #tpu.memory_space<vmem>>)
    %dma_start3A_124 = arith.constant 2 : i32
    %dma_start3A_125 = arith.constant 78 : i32
    %dma_start3A_126 = arith.constant 0 : i32
    %dma_start3A_127 = arith.constant 0 : i32
    %dma_start3A_128 = tpu.memref_slice %arg9[%dma_start3A_124, %dma_start3A_126, %dma_start3A_127] : memref<4x128x8xf32, #tpu.memory_space<vmem>> -> memref<1x128x8xf32, #tpu.memory_space<vmem>>
    %dma_start3A_129 = tpu.memref_squeeze %dma_start3A_128 : memref<1x128x8xf32, #tpu.memory_space<vmem>> -> memref<128x8xf32, #tpu.memory_space<vmem>>
    %dma_start3A_130 = arith.constant 0 : i32
    %dma_start3A_131 = tpu.memref_slice %arg8[%dma_start3A_125, %dma_start3A_130] : memref<80x128xi32, #tpu.memory_space<vmem>> -> memref<1x128xi32, #tpu.memory_space<vmem>>
    %dma_start3A_132 = tpu.memref_squeeze %dma_start3A_131 : memref<1x128xi32, #tpu.memory_space<vmem>> -> memref<128xi32, #tpu.memory_space<vmem>>
    %dma_start3A_133 = arith.constant 0 : i32
    %dma_start3A_134 = arith.constant 0 : i32
    %dma_start3A_135 = tpu.memref_slice %arg18[%dma_start3A_133, %dma_start3A_134] : memref<10240x8xf32, #tpu.memory_space<vmem_shared>> -> memref<10240x8xf32, #tpu.memory_space<vmem_shared>>
    tpu.enqueue_indirect_dma source(%dma_start3A_129 : memref<128x8xf32, #tpu.memory_space<vmem>>) target(%dma_start3A_135 : memref<10240x8xf32, #tpu.memory_space<vmem_shared>>) offsets(%dma_start3A_132 : memref<128xi32, #tpu.memory_space<vmem>>) semaphore(%arg16 : memref<!tpu.dma_semaphore, #tpu.memory_space<semaphore_mem>>) {add = true}
    %dma_wait3A_136 = arith.constant 79 : i32
    %dma_wait3A_137 = arith.constant 3 : i32
    %dma_wait3A_138 = arith.constant 0 : i32
    %dma_wait3A_139 = arith.constant 0 : i32
    %dma_wait3A_140 = tpu.memref_slice %arg9[%dma_wait3A_137, %dma_wait3A_138, %dma_wait3A_139] : memref<4x128x8xf32, #tpu.memory_space<vmem>> -> memref<1x128x8xf32, #tpu.memory_space<vmem>>
    %dma_wait3A_141 = tpu.memref_squeeze %dma_wait3A_140 : memref<1x128x8xf32, #tpu.memory_space<vmem>> -> memref<128x8xf32, #tpu.memory_space<vmem>>
    %dma_wait3A_142 = arith.constant 0 : i32
    %dma_wait3A_143 = tpu.memref_slice %arg7[%dma_wait3A_136, %dma_wait3A_142] : memref<80x128xi32, #tpu.memory_space<vmem>> -> memref<1x128xi32, #tpu.memory_space<vmem>>
    %dma_wait3A_144 = tpu.memref_squeeze %dma_wait3A_143 : memref<1x128xi32, #tpu.memory_space<vmem>> -> memref<128xi32, #tpu.memory_space<vmem>>
    %dma_wait3A_145 = arith.constant 0 : i32
    %dma_wait3A_146 = arith.constant 0 : i32
    %dma_wait3A_147 = tpu.memref_slice %arg19[%dma_wait3A_145, %dma_wait3A_146] : memref<10240x8xf32, #tpu.memory_space<vmem_shared>> -> memref<10240x8xf32, #tpu.memory_space<vmem_shared>>
    tpu.wait_indirect_dma semaphore(%arg13 : memref<!tpu.dma_semaphore, #tpu.memory_space<semaphore_mem>>) src(%dma_wait3A_147 : memref<10240x8xf32, #tpu.memory_space<vmem_shared>>) dst(%dma_wait3A_141 : memref<128x8xf32, #tpu.memory_space<vmem>>)
    %dma_start3A_148 = arith.constant 3 : i32
    %dma_start3A_149 = arith.constant 79 : i32
    %dma_start3A_150 = arith.constant 0 : i32
    %dma_start3A_151 = arith.constant 0 : i32
    %dma_start3A_152 = tpu.memref_slice %arg9[%dma_start3A_148, %dma_start3A_150, %dma_start3A_151] : memref<4x128x8xf32, #tpu.memory_space<vmem>> -> memref<1x128x8xf32, #tpu.memory_space<vmem>>
    %dma_start3A_153 = tpu.memref_squeeze %dma_start3A_152 : memref<1x128x8xf32, #tpu.memory_space<vmem>> -> memref<128x8xf32, #tpu.memory_space<vmem>>
    %dma_start3A_154 = arith.constant 0 : i32
    %dma_start3A_155 = tpu.memref_slice %arg8[%dma_start3A_149, %dma_start3A_154] : memref<80x128xi32, #tpu.memory_space<vmem>> -> memref<1x128xi32, #tpu.memory_space<vmem>>
    %dma_start3A_156 = tpu.memref_squeeze %dma_start3A_155 : memref<1x128xi32, #tpu.memory_space<vmem>> -> memref<128xi32, #tpu.memory_space<vmem>>
    %dma_start3A_157 = arith.constant 0 : i32
    %dma_start3A_158 = arith.constant 0 : i32
    %dma_start3A_159 = tpu.memref_slice %arg18[%dma_start3A_157, %dma_start3A_158] : memref<10240x8xf32, #tpu.memory_space<vmem_shared>> -> memref<10240x8xf32, #tpu.memory_space<vmem_shared>>
    tpu.enqueue_indirect_dma source(%dma_start3A_153 : memref<128x8xf32, #tpu.memory_space<vmem>>) target(%dma_start3A_159 : memref<10240x8xf32, #tpu.memory_space<vmem_shared>>) offsets(%dma_start3A_156 : memref<128xi32, #tpu.memory_space<vmem>>) semaphore(%arg17 : memref<!tpu.dma_semaphore, #tpu.memory_space<semaphore_mem>>) {add = true}
    %dma_wait3A_160 = arith.constant 0 : i32
    %dma_wait3A_161 = arith.constant 76 : i32
    %dma_wait3A_162 = arith.constant 0 : i32
    %dma_wait3A_163 = arith.constant 0 : i32
    %dma_wait3A_164 = tpu.memref_slice %arg9[%dma_wait3A_160, %dma_wait3A_162, %dma_wait3A_163] : memref<4x128x8xf32, #tpu.memory_space<vmem>> -> memref<1x128x8xf32, #tpu.memory_space<vmem>>
    %dma_wait3A_165 = tpu.memref_squeeze %dma_wait3A_164 : memref<1x128x8xf32, #tpu.memory_space<vmem>> -> memref<128x8xf32, #tpu.memory_space<vmem>>
    %dma_wait3A_166 = arith.constant 0 : i32
    %dma_wait3A_167 = tpu.memref_slice %arg8[%dma_wait3A_161, %dma_wait3A_166] : memref<80x128xi32, #tpu.memory_space<vmem>> -> memref<1x128xi32, #tpu.memory_space<vmem>>
    %dma_wait3A_168 = tpu.memref_squeeze %dma_wait3A_167 : memref<1x128xi32, #tpu.memory_space<vmem>> -> memref<128xi32, #tpu.memory_space<vmem>>
    %dma_wait3A_169 = arith.constant 0 : i32
    %dma_wait3A_170 = arith.constant 0 : i32
    %dma_wait3A_171 = tpu.memref_slice %arg18[%dma_wait3A_169, %dma_wait3A_170] : memref<10240x8xf32, #tpu.memory_space<vmem_shared>> -> memref<10240x8xf32, #tpu.memory_space<vmem_shared>>
    tpu.wait_indirect_dma semaphore(%arg14 : memref<!tpu.dma_semaphore, #tpu.memory_space<semaphore_mem>>) src(%dma_wait3A_165 : memref<128x8xf32, #tpu.memory_space<vmem>>) dst(%dma_wait3A_171 : memref<10240x8xf32, #tpu.memory_space<vmem_shared>>)
    %dma_wait3A_172 = arith.constant 1 : i32
    %dma_wait3A_173 = arith.constant 77 : i32
    %dma_wait3A_174 = arith.constant 0 : i32
    %dma_wait3A_175 = arith.constant 0 : i32
    %dma_wait3A_176 = tpu.memref_slice %arg9[%dma_wait3A_172, %dma_wait3A_174, %dma_wait3A_175] : memref<4x128x8xf32, #tpu.memory_space<vmem>> -> memref<1x128x8xf32, #tpu.memory_space<vmem>>
    %dma_wait3A_177 = tpu.memref_squeeze %dma_wait3A_176 : memref<1x128x8xf32, #tpu.memory_space<vmem>> -> memref<128x8xf32, #tpu.memory_space<vmem>>
    %dma_wait3A_178 = arith.constant 0 : i32
    %dma_wait3A_179 = tpu.memref_slice %arg8[%dma_wait3A_173, %dma_wait3A_178] : memref<80x128xi32, #tpu.memory_space<vmem>> -> memref<1x128xi32, #tpu.memory_space<vmem>>
    %dma_wait3A_180 = tpu.memref_squeeze %dma_wait3A_179 : memref<1x128xi32, #tpu.memory_space<vmem>> -> memref<128xi32, #tpu.memory_space<vmem>>
    %dma_wait3A_181 = arith.constant 0 : i32
    %dma_wait3A_182 = arith.constant 0 : i32
    %dma_wait3A_183 = tpu.memref_slice %arg18[%dma_wait3A_181, %dma_wait3A_182] : memref<10240x8xf32, #tpu.memory_space<vmem_shared>> -> memref<10240x8xf32, #tpu.memory_space<vmem_shared>>
    tpu.wait_indirect_dma semaphore(%arg15 : memref<!tpu.dma_semaphore, #tpu.memory_space<semaphore_mem>>) src(%dma_wait3A_177 : memref<128x8xf32, #tpu.memory_space<vmem>>) dst(%dma_wait3A_183 : memref<10240x8xf32, #tpu.memory_space<vmem_shared>>)
    %dma_wait3A_184 = arith.constant 2 : i32
    %dma_wait3A_185 = arith.constant 78 : i32
    %dma_wait3A_186 = arith.constant 0 : i32
    %dma_wait3A_187 = arith.constant 0 : i32
    %dma_wait3A_188 = tpu.memref_slice %arg9[%dma_wait3A_184, %dma_wait3A_186, %dma_wait3A_187] : memref<4x128x8xf32, #tpu.memory_space<vmem>> -> memref<1x128x8xf32, #tpu.memory_space<vmem>>
    %dma_wait3A_189 = tpu.memref_squeeze %dma_wait3A_188 : memref<1x128x8xf32, #tpu.memory_space<vmem>> -> memref<128x8xf32, #tpu.memory_space<vmem>>
    %dma_wait3A_190 = arith.constant 0 : i32
    %dma_wait3A_191 = tpu.memref_slice %arg8[%dma_wait3A_185, %dma_wait3A_190] : memref<80x128xi32, #tpu.memory_space<vmem>> -> memref<1x128xi32, #tpu.memory_space<vmem>>
    %dma_wait3A_192 = tpu.memref_squeeze %dma_wait3A_191 : memref<1x128xi32, #tpu.memory_space<vmem>> -> memref<128xi32, #tpu.memory_space<vmem>>
    %dma_wait3A_193 = arith.constant 0 : i32
    %dma_wait3A_194 = arith.constant 0 : i32
    %dma_wait3A_195 = tpu.memref_slice %arg18[%dma_wait3A_193, %dma_wait3A_194] : memref<10240x8xf32, #tpu.memory_space<vmem_shared>> -> memref<10240x8xf32, #tpu.memory_space<vmem_shared>>
    tpu.wait_indirect_dma semaphore(%arg16 : memref<!tpu.dma_semaphore, #tpu.memory_space<semaphore_mem>>) src(%dma_wait3A_189 : memref<128x8xf32, #tpu.memory_space<vmem>>) dst(%dma_wait3A_195 : memref<10240x8xf32, #tpu.memory_space<vmem_shared>>)
    %dma_wait3A_196 = arith.constant 3 : i32
    %dma_wait3A_197 = arith.constant 79 : i32
    %dma_wait3A_198 = arith.constant 0 : i32
    %dma_wait3A_199 = arith.constant 0 : i32
    %dma_wait3A_200 = tpu.memref_slice %arg9[%dma_wait3A_196, %dma_wait3A_198, %dma_wait3A_199] : memref<4x128x8xf32, #tpu.memory_space<vmem>> -> memref<1x128x8xf32, #tpu.memory_space<vmem>>
    %dma_wait3A_201 = tpu.memref_squeeze %dma_wait3A_200 : memref<1x128x8xf32, #tpu.memory_space<vmem>> -> memref<128x8xf32, #tpu.memory_space<vmem>>
    %dma_wait3A_202 = arith.constant 0 : i32
    %dma_wait3A_203 = tpu.memref_slice %arg8[%dma_wait3A_197, %dma_wait3A_202] : memref<80x128xi32, #tpu.memory_space<vmem>> -> memref<1x128xi32, #tpu.memory_space<vmem>>
    %dma_wait3A_204 = tpu.memref_squeeze %dma_wait3A_203 : memref<1x128xi32, #tpu.memory_space<vmem>> -> memref<128xi32, #tpu.memory_space<vmem>>
    %dma_wait3A_205 = arith.constant 0 : i32
    %dma_wait3A_206 = arith.constant 0 : i32
    %dma_wait3A_207 = tpu.memref_slice %arg18[%dma_wait3A_205, %dma_wait3A_206] : memref<10240x8xf32, #tpu.memory_space<vmem_shared>> -> memref<10240x8xf32, #tpu.memory_space<vmem_shared>>
    tpu.wait_indirect_dma semaphore(%arg17 : memref<!tpu.dma_semaphore, #tpu.memory_space<semaphore_mem>>) src(%dma_wait3A_201 : memref<128x8xf32, #tpu.memory_space<vmem>>) dst(%dma_wait3A_207 : memref<10240x8xf32, #tpu.memory_space<vmem_shared>>)
    %barrier3A_208 = arith.constant 0 : index
    tpu.barrier barrier_id(%barrier3A_208)
    %mul3A_209 = arith.constant 640 : i32
    %mul3A_210 = arith.muli %arg1, %mul3A_209 : i32
    %mul3A_211 = arith.constant 640 : i32
    %mul3A_212 = arith.muli %arg1, %mul3A_211 : i32
    "tpu.region"() ({
      %run_scoped3A = tpu.sem_alloc : memref<!tpu.dma_semaphore, #tpu.memory_space<semaphore_mem>>
      %dma_start3A_213 = arith.constant 0 : i32
      %dma_start3A_214 = tpu.memref_slice %arg6[%arg0, %mul3A_212, %dma_start3A_213] : memref<2x10240x8xf32, #tpu.memory_space<hbm>> -> memref<1x640x8xf32, #tpu.memory_space<hbm>>
      %dma_start3A_215 = tpu.memref_squeeze %dma_start3A_214 : memref<1x640x8xf32, #tpu.memory_space<hbm>> -> memref<640x8xf32, #tpu.memory_space<hbm>>
      %dma_start3A_216 = arith.constant 0 : i32
      %dma_start3A_217 = tpu.memref_slice %arg18[%mul3A_210, %dma_start3A_216] : memref<10240x8xf32, #tpu.memory_space<vmem_shared>> -> memref<640x8xf32, #tpu.memory_space<vmem_shared>>
      tpu.enqueue_dma source(%dma_start3A_217 : memref<640x8xf32, #tpu.memory_space<vmem_shared>>) target(%dma_start3A_215 : memref<640x8xf32, #tpu.memory_space<hbm>>) target_semaphore(%run_scoped3A : memref<!tpu.dma_semaphore, #tpu.memory_space<semaphore_mem>>)
      %dma_wait3A_218 = arith.constant 0 : i32
      %dma_wait3A_219 = tpu.memref_slice %arg6[%arg0, %mul3A_212, %dma_wait3A_218] : memref<2x10240x8xf32, #tpu.memory_space<hbm>> -> memref<1x640x8xf32, #tpu.memory_space<hbm>>
      %dma_wait3A_220 = tpu.memref_squeeze %dma_wait3A_219 : memref<1x640x8xf32, #tpu.memory_space<hbm>> -> memref<640x8xf32, #tpu.memory_space<hbm>>
      %dma_wait3A_221 = arith.constant 0 : i32
      %dma_wait3A_222 = tpu.memref_slice %arg18[%mul3A_210, %dma_wait3A_221] : memref<10240x8xf32, #tpu.memory_space<vmem_shared>> -> memref<640x8xf32, #tpu.memory_space<vmem_shared>>
      tpu.wait_dma2 semaphore(%run_scoped3A : memref<!tpu.dma_semaphore, #tpu.memory_space<semaphore_mem>>) src(%dma_wait3A_222 : memref<640x8xf32, #tpu.memory_space<vmem_shared>>) dst(%dma_wait3A_220 : memref<640x8xf32, #tpu.memory_space<hbm>>)
      tpu.yield
    }) : () -> ()
    return
  }
}

#map = affine_map<(d0, d1) -> (0, 0)>
#map1 = affine_map<(d0, d1) -> (0, 0, 0)>
module attributes {stable_mosaic.version = 14 : i64} {
  func.func @_hop_body(%arg0: i32, %arg1: i32, %arg2: memref<10240x8xf32, #tpu.memory_space<hbm>>, %arg3: memref<2560x128xi32, #tpu.memory_space<hbm>>, %arg4: memref<2560x128xi32, #tpu.memory_space<hbm>>, %arg5: memref<10240x8xf32, #tpu.memory_space<hbm>>, %arg6: memref<2x10240x8xf32, #tpu.memory_space<hbm>>, %arg7: memref<80x128xi32, #tpu.memory_space<vmem>>, %arg8: memref<80x128xi32, #tpu.memory_space<vmem>>, %arg9: memref<4x128x8xf32, #tpu.memory_space<vmem>>, %arg10: memref<!tpu.dma_semaphore, #tpu.memory_space<semaphore_mem>>, %arg11: memref<!tpu.dma_semaphore, #tpu.memory_space<semaphore_mem>>, %arg12: memref<!tpu.dma_semaphore, #tpu.memory_space<semaphore_mem>>, %arg13: memref<!tpu.dma_semaphore, #tpu.memory_space<semaphore_mem>>, %arg14: memref<!tpu.dma_semaphore, #tpu.memory_space<semaphore_mem>>, %arg15: memref<!tpu.dma_semaphore, #tpu.memory_space<semaphore_mem>>, %arg16: memref<!tpu.dma_semaphore, #tpu.memory_space<semaphore_mem>>, %arg17: memref<!tpu.dma_semaphore, #tpu.memory_space<semaphore_mem>>, %arg18: memref<10240x8xf32, #tpu.memory_space<vmem_shared>>, %arg19: memref<10240x8xf32, #tpu.memory_space<vmem_shared>>) attributes {dimension_semantics = [#tpu.dimension_semantics<core_parallel>, #tpu.dimension_semantics<subcore_parallel>], iteration_bounds = array<i64: 2, 16>, scalar_prefetch = 0 : i64, scratch_operands = 13 : i64, tpu.core_type = #tpu.core_type<sc_vector_subcore>, window_params = [{transform_indices = #map}, {transform_indices = #map}, {transform_indices = #map}, {transform_indices = #map}, {transform_indices = #map1}]} {
    %mul3A = arith.constant 16 : i32
    %mul3A_0 = arith.muli %arg0, %mul3A : i32
    %add3A = arith.addi %mul3A_0, %arg1 : i32
    %mul3A_1 = arith.constant 640 : i32
    %mul3A_2 = arith.muli %arg1, %mul3A_1 : i32
    %mul3A_3 = arith.constant 640 : i32
    %mul3A_4 = arith.muli %arg1, %mul3A_3 : i32
    "tpu.region"() ({
      %run_scoped3A = tpu.sem_alloc : memref<!tpu.dma_semaphore, #tpu.memory_space<semaphore_mem>>
      %dma_start3A_213 = arith.constant 0 : i32
      %dma_start3A_214 = tpu.memref_slice %arg19[%mul3A_4, %dma_start3A_213] : memref<10240x8xf32, #tpu.memory_space<vmem_shared>> -> memref<640x8xf32, #tpu.memory_space<vmem_shared>>
      %dma_start3A_215 = arith.constant 0 : i32
      %dma_start3A_216 = tpu.memref_slice %arg2[%mul3A_2, %dma_start3A_215] : memref<10240x8xf32, #tpu.memory_space<hbm>> -> memref<640x8xf32, #tpu.memory_space<hbm>>
      tpu.enqueue_dma source(%dma_start3A_216 : memref<640x8xf32, #tpu.memory_space<hbm>>) target(%dma_start3A_214 : memref<640x8xf32, #tpu.memory_space<vmem_shared>>) target_semaphore(%run_scoped3A : memref<!tpu.dma_semaphore, #tpu.memory_space<semaphore_mem>>)
      %dma_wait3A_217 = arith.constant 0 : i32
      %dma_wait3A_218 = tpu.memref_slice %arg19[%mul3A_4, %dma_wait3A_217] : memref<10240x8xf32, #tpu.memory_space<vmem_shared>> -> memref<640x8xf32, #tpu.memory_space<vmem_shared>>
      %dma_wait3A_219 = arith.constant 0 : i32
      %dma_wait3A_220 = tpu.memref_slice %arg2[%mul3A_2, %dma_wait3A_219] : memref<10240x8xf32, #tpu.memory_space<hbm>> -> memref<640x8xf32, #tpu.memory_space<hbm>>
      tpu.wait_dma2 semaphore(%run_scoped3A : memref<!tpu.dma_semaphore, #tpu.memory_space<semaphore_mem>>) src(%dma_wait3A_220 : memref<640x8xf32, #tpu.memory_space<hbm>>) dst(%dma_wait3A_218 : memref<640x8xf32, #tpu.memory_space<vmem_shared>>)
      tpu.yield
    }) : () -> ()
    %mul3A_5 = arith.constant 640 : i32
    %mul3A_6 = arith.muli %arg1, %mul3A_5 : i32
    %mul3A_7 = arith.constant 640 : i32
    %mul3A_8 = arith.muli %arg1, %mul3A_7 : i32
    "tpu.region"() ({
      %run_scoped3A = tpu.sem_alloc : memref<!tpu.dma_semaphore, #tpu.memory_space<semaphore_mem>>
      %dma_start3A_213 = arith.constant 0 : i32
      %dma_start3A_214 = tpu.memref_slice %arg18[%mul3A_8, %dma_start3A_213] : memref<10240x8xf32, #tpu.memory_space<vmem_shared>> -> memref<640x8xf32, #tpu.memory_space<vmem_shared>>
      %dma_start3A_215 = arith.constant 0 : i32
      %dma_start3A_216 = tpu.memref_slice %arg5[%mul3A_6, %dma_start3A_215] : memref<10240x8xf32, #tpu.memory_space<hbm>> -> memref<640x8xf32, #tpu.memory_space<hbm>>
      tpu.enqueue_dma source(%dma_start3A_216 : memref<640x8xf32, #tpu.memory_space<hbm>>) target(%dma_start3A_214 : memref<640x8xf32, #tpu.memory_space<vmem_shared>>) target_semaphore(%run_scoped3A : memref<!tpu.dma_semaphore, #tpu.memory_space<semaphore_mem>>)
      %dma_wait3A_217 = arith.constant 0 : i32
      %dma_wait3A_218 = tpu.memref_slice %arg18[%mul3A_8, %dma_wait3A_217] : memref<10240x8xf32, #tpu.memory_space<vmem_shared>> -> memref<640x8xf32, #tpu.memory_space<vmem_shared>>
      %dma_wait3A_219 = arith.constant 0 : i32
      %dma_wait3A_220 = tpu.memref_slice %arg5[%mul3A_6, %dma_wait3A_219] : memref<10240x8xf32, #tpu.memory_space<hbm>> -> memref<640x8xf32, #tpu.memory_space<hbm>>
      tpu.wait_dma2 semaphore(%run_scoped3A : memref<!tpu.dma_semaphore, #tpu.memory_space<semaphore_mem>>) src(%dma_wait3A_220 : memref<640x8xf32, #tpu.memory_space<hbm>>) dst(%dma_wait3A_218 : memref<640x8xf32, #tpu.memory_space<vmem_shared>>)
      tpu.yield
    }) : () -> ()
    %mul3A_9 = arith.constant 80 : i32
    %mul3A_10 = arith.muli %add3A, %mul3A_9 : i32
    "tpu.region"() ({
      %run_scoped3A = tpu.sem_alloc : memref<!tpu.dma_semaphore, #tpu.memory_space<semaphore_mem>>
      %dma_start3A_213 = arith.constant 0 : i32
      %dma_start3A_214 = tpu.memref_slice %arg3[%mul3A_10, %dma_start3A_213] : memref<2560x128xi32, #tpu.memory_space<hbm>> -> memref<80x128xi32, #tpu.memory_space<hbm>>
      %dma_start3A_215 = arith.constant 0 : i32
      %dma_start3A_216 = tpu.memref_slice %arg3[%mul3A_10, %dma_start3A_215] : memref<2560x128xi32, #tpu.memory_space<hbm>> -> memref<80x128xi32, #tpu.memory_space<hbm>>
      tpu.enqueue_dma source(%dma_start3A_216 : memref<80x128xi32, #tpu.memory_space<hbm>>) target(%arg7 : memref<80x128xi32, #tpu.memory_space<vmem>>) target_semaphore(%run_scoped3A : memref<!tpu.dma_semaphore, #tpu.memory_space<semaphore_mem>>)
      %dma_wait3A_217 = arith.constant 0 : i32
      %dma_wait3A_218 = tpu.memref_slice %arg3[%mul3A_10, %dma_wait3A_217] : memref<2560x128xi32, #tpu.memory_space<hbm>> -> memref<80x128xi32, #tpu.memory_space<hbm>>
      %dma_wait3A_219 = arith.constant 0 : i32
      %dma_wait3A_220 = tpu.memref_slice %arg3[%mul3A_10, %dma_wait3A_219] : memref<2560x128xi32, #tpu.memory_space<hbm>> -> memref<80x128xi32, #tpu.memory_space<hbm>>
      tpu.wait_dma2 semaphore(%run_scoped3A : memref<!tpu.dma_semaphore, #tpu.memory_space<semaphore_mem>>) src(%dma_wait3A_220 : memref<80x128xi32, #tpu.memory_space<hbm>>) dst(%arg7 : memref<80x128xi32, #tpu.memory_space<vmem>>)
      tpu.yield
    }) : () -> ()
    %mul3A_11 = arith.constant 80 : i32
    %mul3A_12 = arith.muli %add3A, %mul3A_11 : i32
    "tpu.region"() ({
      %run_scoped3A = tpu.sem_alloc : memref<!tpu.dma_semaphore, #tpu.memory_space<semaphore_mem>>
      %dma_start3A_213 = arith.constant 0 : i32
      %dma_start3A_214 = tpu.memref_slice %arg4[%mul3A_12, %dma_start3A_213] : memref<2560x128xi32, #tpu.memory_space<hbm>> -> memref<80x128xi32, #tpu.memory_space<hbm>>
      %dma_start3A_215 = arith.constant 0 : i32
      %dma_start3A_216 = tpu.memref_slice %arg4[%mul3A_12, %dma_start3A_215] : memref<2560x128xi32, #tpu.memory_space<hbm>> -> memref<80x128xi32, #tpu.memory_space<hbm>>
      tpu.enqueue_dma source(%dma_start3A_216 : memref<80x128xi32, #tpu.memory_space<hbm>>) target(%arg8 : memref<80x128xi32, #tpu.memory_space<vmem>>) target_semaphore(%run_scoped3A : memref<!tpu.dma_semaphore, #tpu.memory_space<semaphore_mem>>)
      %dma_wait3A_217 = arith.constant 0 : i32
      %dma_wait3A_218 = tpu.memref_slice %arg4[%mul3A_12, %dma_wait3A_217] : memref<2560x128xi32, #tpu.memory_space<hbm>> -> memref<80x128xi32, #tpu.memory_space<hbm>>
      %dma_wait3A_219 = arith.constant 0 : i32
      %dma_wait3A_220 = tpu.memref_slice %arg4[%mul3A_12, %dma_wait3A_219] : memref<2560x128xi32, #tpu.memory_space<hbm>> -> memref<80x128xi32, #tpu.memory_space<hbm>>
      tpu.wait_dma2 semaphore(%run_scoped3A : memref<!tpu.dma_semaphore, #tpu.memory_space<semaphore_mem>>) src(%dma_wait3A_220 : memref<80x128xi32, #tpu.memory_space<hbm>>) dst(%arg8 : memref<80x128xi32, #tpu.memory_space<vmem>>)
      tpu.yield
    }) : () -> ()
    %barrier3A = arith.constant 0 : index
    tpu.barrier barrier_id(%barrier3A)
    %dma_start3A = arith.constant 0 : i32
    %dma_start3A_13 = arith.constant 0 : i32
    %dma_start3A_14 = arith.constant 0 : i32
    %dma_start3A_15 = arith.constant 0 : i32
    %dma_start3A_16 = tpu.memref_slice %arg9[%dma_start3A_13, %dma_start3A_14, %dma_start3A_15] : memref<4x128x8xf32, #tpu.memory_space<vmem>> -> memref<1x128x8xf32, #tpu.memory_space<vmem>>
    %dma_start3A_17 = tpu.memref_squeeze %dma_start3A_16 : memref<1x128x8xf32, #tpu.memory_space<vmem>> -> memref<128x8xf32, #tpu.memory_space<vmem>>
    %dma_start3A_18 = arith.constant 0 : i32
    %dma_start3A_19 = tpu.memref_slice %arg7[%dma_start3A, %dma_start3A_18] : memref<80x128xi32, #tpu.memory_space<vmem>> -> memref<1x128xi32, #tpu.memory_space<vmem>>
    %dma_start3A_20 = tpu.memref_squeeze %dma_start3A_19 : memref<1x128xi32, #tpu.memory_space<vmem>> -> memref<128xi32, #tpu.memory_space<vmem>>
    %dma_start3A_21 = arith.constant 0 : i32
    %dma_start3A_22 = arith.constant 0 : i32
    %dma_start3A_23 = tpu.memref_slice %arg19[%dma_start3A_21, %dma_start3A_22] : memref<10240x8xf32, #tpu.memory_space<vmem_shared>> -> memref<10240x8xf32, #tpu.memory_space<vmem_shared>>
    tpu.enqueue_indirect_dma source(%dma_start3A_23 : memref<10240x8xf32, #tpu.memory_space<vmem_shared>>) target(%dma_start3A_17 : memref<128x8xf32, #tpu.memory_space<vmem>>) offsets(%dma_start3A_20 : memref<128xi32, #tpu.memory_space<vmem>>) semaphore(%arg10 : memref<!tpu.dma_semaphore, #tpu.memory_space<semaphore_mem>>)
    %dma_start3A_24 = arith.constant 1 : i32
    %dma_start3A_25 = arith.constant 1 : i32
    %dma_start3A_26 = arith.constant 0 : i32
    %dma_start3A_27 = arith.constant 0 : i32
    %dma_start3A_28 = tpu.memref_slice %arg9[%dma_start3A_25, %dma_start3A_26, %dma_start3A_27] : memref<4x128x8xf32, #tpu.memory_space<vmem>> -> memref<1x128x8xf32, #tpu.memory_space<vmem>>
    %dma_start3A_29 = tpu.memref_squeeze %dma_start3A_28 : memref<1x128x8xf32, #tpu.memory_space<vmem>> -> memref<128x8xf32, #tpu.memory_space<vmem>>
    %dma_start3A_30 = arith.constant 0 : i32
    %dma_start3A_31 = tpu.memref_slice %arg7[%dma_start3A_24, %dma_start3A_30] : memref<80x128xi32, #tpu.memory_space<vmem>> -> memref<1x128xi32, #tpu.memory_space<vmem>>
    %dma_start3A_32 = tpu.memref_squeeze %dma_start3A_31 : memref<1x128xi32, #tpu.memory_space<vmem>> -> memref<128xi32, #tpu.memory_space<vmem>>
    %dma_start3A_33 = arith.constant 0 : i32
    %dma_start3A_34 = arith.constant 0 : i32
    %dma_start3A_35 = tpu.memref_slice %arg19[%dma_start3A_33, %dma_start3A_34] : memref<10240x8xf32, #tpu.memory_space<vmem_shared>> -> memref<10240x8xf32, #tpu.memory_space<vmem_shared>>
    tpu.enqueue_indirect_dma source(%dma_start3A_35 : memref<10240x8xf32, #tpu.memory_space<vmem_shared>>) target(%dma_start3A_29 : memref<128x8xf32, #tpu.memory_space<vmem>>) offsets(%dma_start3A_32 : memref<128xi32, #tpu.memory_space<vmem>>) semaphore(%arg11 : memref<!tpu.dma_semaphore, #tpu.memory_space<semaphore_mem>>)
    %dma_start3A_36 = arith.constant 2 : i32
    %dma_start3A_37 = arith.constant 2 : i32
    %dma_start3A_38 = arith.constant 0 : i32
    %dma_start3A_39 = arith.constant 0 : i32
    %dma_start3A_40 = tpu.memref_slice %arg9[%dma_start3A_37, %dma_start3A_38, %dma_start3A_39] : memref<4x128x8xf32, #tpu.memory_space<vmem>> -> memref<1x128x8xf32, #tpu.memory_space<vmem>>
    %dma_start3A_41 = tpu.memref_squeeze %dma_start3A_40 : memref<1x128x8xf32, #tpu.memory_space<vmem>> -> memref<128x8xf32, #tpu.memory_space<vmem>>
    %dma_start3A_42 = arith.constant 0 : i32
    %dma_start3A_43 = tpu.memref_slice %arg7[%dma_start3A_36, %dma_start3A_42] : memref<80x128xi32, #tpu.memory_space<vmem>> -> memref<1x128xi32, #tpu.memory_space<vmem>>
    %dma_start3A_44 = tpu.memref_squeeze %dma_start3A_43 : memref<1x128xi32, #tpu.memory_space<vmem>> -> memref<128xi32, #tpu.memory_space<vmem>>
    %dma_start3A_45 = arith.constant 0 : i32
    %dma_start3A_46 = arith.constant 0 : i32
    %dma_start3A_47 = tpu.memref_slice %arg19[%dma_start3A_45, %dma_start3A_46] : memref<10240x8xf32, #tpu.memory_space<vmem_shared>> -> memref<10240x8xf32, #tpu.memory_space<vmem_shared>>
    tpu.enqueue_indirect_dma source(%dma_start3A_47 : memref<10240x8xf32, #tpu.memory_space<vmem_shared>>) target(%dma_start3A_41 : memref<128x8xf32, #tpu.memory_space<vmem>>) offsets(%dma_start3A_44 : memref<128xi32, #tpu.memory_space<vmem>>) semaphore(%arg12 : memref<!tpu.dma_semaphore, #tpu.memory_space<semaphore_mem>>)
    %dma_start3A_48 = arith.constant 3 : i32
    %dma_start3A_49 = arith.constant 3 : i32
    %dma_start3A_50 = arith.constant 0 : i32
    %dma_start3A_51 = arith.constant 0 : i32
    %dma_start3A_52 = tpu.memref_slice %arg9[%dma_start3A_49, %dma_start3A_50, %dma_start3A_51] : memref<4x128x8xf32, #tpu.memory_space<vmem>> -> memref<1x128x8xf32, #tpu.memory_space<vmem>>
    %dma_start3A_53 = tpu.memref_squeeze %dma_start3A_52 : memref<1x128x8xf32, #tpu.memory_space<vmem>> -> memref<128x8xf32, #tpu.memory_space<vmem>>
    %dma_start3A_54 = arith.constant 0 : i32
    %dma_start3A_55 = tpu.memref_slice %arg7[%dma_start3A_48, %dma_start3A_54] : memref<80x128xi32, #tpu.memory_space<vmem>> -> memref<1x128xi32, #tpu.memory_space<vmem>>
    %dma_start3A_56 = tpu.memref_squeeze %dma_start3A_55 : memref<1x128xi32, #tpu.memory_space<vmem>> -> memref<128xi32, #tpu.memory_space<vmem>>
    %dma_start3A_57 = arith.constant 0 : i32
    %dma_start3A_58 = arith.constant 0 : i32
    %dma_start3A_59 = tpu.memref_slice %arg19[%dma_start3A_57, %dma_start3A_58] : memref<10240x8xf32, #tpu.memory_space<vmem_shared>> -> memref<10240x8xf32, #tpu.memory_space<vmem_shared>>
    tpu.enqueue_indirect_dma source(%dma_start3A_59 : memref<10240x8xf32, #tpu.memory_space<vmem_shared>>) target(%dma_start3A_53 : memref<128x8xf32, #tpu.memory_space<vmem>>) offsets(%dma_start3A_56 : memref<128xi32, #tpu.memory_space<vmem>>) semaphore(%arg13 : memref<!tpu.dma_semaphore, #tpu.memory_space<semaphore_mem>>)
    %scan3A = arith.constant 0 : i32
    %scan3A_60 = arith.constant 0 : i32
    %scan3A_61 = arith.constant 19 : i32
    %scan3A_62 = arith.addi %scan3A_60, %scan3A_61 : i32
    %scan3A_63 = arith.constant 1 : i32
    scf.for %scan3A_213 = %scan3A_60 to %scan3A_62 step %scan3A_63  : i32 {
      %mul3A_214 = arith.constant 4 : i32
      %mul3A_215 = arith.muli %scan3A_213, %mul3A_214 : i32
      %add3A_216 = arith.constant 0 : i32
      %add3A_217 = arith.addi %mul3A_215, %add3A_216 : i32
      %dma_wait3A_218 = arith.constant 0 : i32
      %dma_wait3A_219 = arith.constant 0 : i32
      %dma_wait3A_220 = arith.constant 0 : i32
      %dma_wait3A_221 = tpu.memref_slice %arg9[%dma_wait3A_218, %dma_wait3A_219, %dma_wait3A_220] : memref<4x128x8xf32, #tpu.memory_space<vmem>> -> memref<1x128x8xf32, #tpu.memory_space<vmem>>
      %dma_wait3A_222 = tpu.memref_squeeze %dma_wait3A_221 : memref<1x128x8xf32, #tpu.memory_space<vmem>> -> memref<128x8xf32, #tpu.memory_space<vmem>>
      %dma_wait3A_223 = arith.constant 0 : i32
      %dma_wait3A_224 = tpu.memref_slice %arg7[%add3A_217, %dma_wait3A_223] : memref<80x128xi32, #tpu.memory_space<vmem>> -> memref<1x128xi32, #tpu.memory_space<vmem>>
      %dma_wait3A_225 = tpu.memref_squeeze %dma_wait3A_224 : memref<1x128xi32, #tpu.memory_space<vmem>> -> memref<128xi32, #tpu.memory_space<vmem>>
      %dma_wait3A_226 = arith.constant 0 : i32
      %dma_wait3A_227 = arith.constant 0 : i32
      %dma_wait3A_228 = tpu.memref_slice %arg19[%dma_wait3A_226, %dma_wait3A_227] : memref<10240x8xf32, #tpu.memory_space<vmem_shared>> -> memref<10240x8xf32, #tpu.memory_space<vmem_shared>>
      tpu.wait_indirect_dma semaphore(%arg10 : memref<!tpu.dma_semaphore, #tpu.memory_space<semaphore_mem>>) src(%dma_wait3A_228 : memref<10240x8xf32, #tpu.memory_space<vmem_shared>>) dst(%dma_wait3A_222 : memref<128x8xf32, #tpu.memory_space<vmem>>)
      %add3A_229 = arith.constant 0 : i32
      %add3A_230 = arith.addi %mul3A_215, %add3A_229 : i32
      %dma_start3A_231 = arith.constant 0 : i32
      %dma_start3A_232 = arith.constant 0 : i32
      %dma_start3A_233 = arith.constant 0 : i32
      %dma_start3A_234 = tpu.memref_slice %arg9[%dma_start3A_231, %dma_start3A_232, %dma_start3A_233] : memref<4x128x8xf32, #tpu.memory_space<vmem>> -> memref<1x128x8xf32, #tpu.memory_space<vmem>>
      %dma_start3A_235 = tpu.memref_squeeze %dma_start3A_234 : memref<1x128x8xf32, #tpu.memory_space<vmem>> -> memref<128x8xf32, #tpu.memory_space<vmem>>
      %dma_start3A_236 = arith.constant 0 : i32
      %dma_start3A_237 = tpu.memref_slice %arg8[%add3A_230, %dma_start3A_236] : memref<80x128xi32, #tpu.memory_space<vmem>> -> memref<1x128xi32, #tpu.memory_space<vmem>>
      %dma_start3A_238 = tpu.memref_squeeze %dma_start3A_237 : memref<1x128xi32, #tpu.memory_space<vmem>> -> memref<128xi32, #tpu.memory_space<vmem>>
      %dma_start3A_239 = arith.constant 0 : i32
      %dma_start3A_240 = arith.constant 0 : i32
      %dma_start3A_241 = tpu.memref_slice %arg18[%dma_start3A_239, %dma_start3A_240] : memref<10240x8xf32, #tpu.memory_space<vmem_shared>> -> memref<10240x8xf32, #tpu.memory_space<vmem_shared>>
      tpu.enqueue_indirect_dma source(%dma_start3A_235 : memref<128x8xf32, #tpu.memory_space<vmem>>) target(%dma_start3A_241 : memref<10240x8xf32, #tpu.memory_space<vmem_shared>>) offsets(%dma_start3A_238 : memref<128xi32, #tpu.memory_space<vmem>>) semaphore(%arg14 : memref<!tpu.dma_semaphore, #tpu.memory_space<semaphore_mem>>) {add = true}
      %add3A_242 = arith.constant 1 : i32
      %add3A_243 = arith.addi %mul3A_215, %add3A_242 : i32
      %dma_wait3A_244 = arith.constant 1 : i32
      %dma_wait3A_245 = arith.constant 0 : i32
      %dma_wait3A_246 = arith.constant 0 : i32
      %dma_wait3A_247 = tpu.memref_slice %arg9[%dma_wait3A_244, %dma_wait3A_245, %dma_wait3A_246] : memref<4x128x8xf32, #tpu.memory_space<vmem>> -> memref<1x128x8xf32, #tpu.memory_space<vmem>>
      %dma_wait3A_248 = tpu.memref_squeeze %dma_wait3A_247 : memref<1x128x8xf32, #tpu.memory_space<vmem>> -> memref<128x8xf32, #tpu.memory_space<vmem>>
      %dma_wait3A_249 = arith.constant 0 : i32
      %dma_wait3A_250 = tpu.memref_slice %arg7[%add3A_243, %dma_wait3A_249] : memref<80x128xi32, #tpu.memory_space<vmem>> -> memref<1x128xi32, #tpu.memory_space<vmem>>
      %dma_wait3A_251 = tpu.memref_squeeze %dma_wait3A_250 : memref<1x128xi32, #tpu.memory_space<vmem>> -> memref<128xi32, #tpu.memory_space<vmem>>
      %dma_wait3A_252 = arith.constant 0 : i32
      %dma_wait3A_253 = arith.constant 0 : i32
      %dma_wait3A_254 = tpu.memref_slice %arg19[%dma_wait3A_252, %dma_wait3A_253] : memref<10240x8xf32, #tpu.memory_space<vmem_shared>> -> memref<10240x8xf32, #tpu.memory_space<vmem_shared>>
      tpu.wait_indirect_dma semaphore(%arg11 : memref<!tpu.dma_semaphore, #tpu.memory_space<semaphore_mem>>) src(%dma_wait3A_254 : memref<10240x8xf32, #tpu.memory_space<vmem_shared>>) dst(%dma_wait3A_248 : memref<128x8xf32, #tpu.memory_space<vmem>>)
      %add3A_255 = arith.constant 1 : i32
      %add3A_256 = arith.addi %mul3A_215, %add3A_255 : i32
      %dma_start3A_257 = arith.constant 1 : i32
      %dma_start3A_258 = arith.constant 0 : i32
      %dma_start3A_259 = arith.constant 0 : i32
      %dma_start3A_260 = tpu.memref_slice %arg9[%dma_start3A_257, %dma_start3A_258, %dma_start3A_259] : memref<4x128x8xf32, #tpu.memory_space<vmem>> -> memref<1x128x8xf32, #tpu.memory_space<vmem>>
      %dma_start3A_261 = tpu.memref_squeeze %dma_start3A_260 : memref<1x128x8xf32, #tpu.memory_space<vmem>> -> memref<128x8xf32, #tpu.memory_space<vmem>>
      %dma_start3A_262 = arith.constant 0 : i32
      %dma_start3A_263 = tpu.memref_slice %arg8[%add3A_256, %dma_start3A_262] : memref<80x128xi32, #tpu.memory_space<vmem>> -> memref<1x128xi32, #tpu.memory_space<vmem>>
      %dma_start3A_264 = tpu.memref_squeeze %dma_start3A_263 : memref<1x128xi32, #tpu.memory_space<vmem>> -> memref<128xi32, #tpu.memory_space<vmem>>
      %dma_start3A_265 = arith.constant 0 : i32
      %dma_start3A_266 = arith.constant 0 : i32
      %dma_start3A_267 = tpu.memref_slice %arg18[%dma_start3A_265, %dma_start3A_266] : memref<10240x8xf32, #tpu.memory_space<vmem_shared>> -> memref<10240x8xf32, #tpu.memory_space<vmem_shared>>
      tpu.enqueue_indirect_dma source(%dma_start3A_261 : memref<128x8xf32, #tpu.memory_space<vmem>>) target(%dma_start3A_267 : memref<10240x8xf32, #tpu.memory_space<vmem_shared>>) offsets(%dma_start3A_264 : memref<128xi32, #tpu.memory_space<vmem>>) semaphore(%arg15 : memref<!tpu.dma_semaphore, #tpu.memory_space<semaphore_mem>>) {add = true}
      %add3A_268 = arith.constant 2 : i32
      %add3A_269 = arith.addi %mul3A_215, %add3A_268 : i32
      %dma_wait3A_270 = arith.constant 2 : i32
      %dma_wait3A_271 = arith.constant 0 : i32
      %dma_wait3A_272 = arith.constant 0 : i32
      %dma_wait3A_273 = tpu.memref_slice %arg9[%dma_wait3A_270, %dma_wait3A_271, %dma_wait3A_272] : memref<4x128x8xf32, #tpu.memory_space<vmem>> -> memref<1x128x8xf32, #tpu.memory_space<vmem>>
      %dma_wait3A_274 = tpu.memref_squeeze %dma_wait3A_273 : memref<1x128x8xf32, #tpu.memory_space<vmem>> -> memref<128x8xf32, #tpu.memory_space<vmem>>
      %dma_wait3A_275 = arith.constant 0 : i32
      %dma_wait3A_276 = tpu.memref_slice %arg7[%add3A_269, %dma_wait3A_275] : memref<80x128xi32, #tpu.memory_space<vmem>> -> memref<1x128xi32, #tpu.memory_space<vmem>>
      %dma_wait3A_277 = tpu.memref_squeeze %dma_wait3A_276 : memref<1x128xi32, #tpu.memory_space<vmem>> -> memref<128xi32, #tpu.memory_space<vmem>>
      %dma_wait3A_278 = arith.constant 0 : i32
      %dma_wait3A_279 = arith.constant 0 : i32
      %dma_wait3A_280 = tpu.memref_slice %arg19[%dma_wait3A_278, %dma_wait3A_279] : memref<10240x8xf32, #tpu.memory_space<vmem_shared>> -> memref<10240x8xf32, #tpu.memory_space<vmem_shared>>
      tpu.wait_indirect_dma semaphore(%arg12 : memref<!tpu.dma_semaphore, #tpu.memory_space<semaphore_mem>>) src(%dma_wait3A_280 : memref<10240x8xf32, #tpu.memory_space<vmem_shared>>) dst(%dma_wait3A_274 : memref<128x8xf32, #tpu.memory_space<vmem>>)
      %add3A_281 = arith.constant 2 : i32
      %add3A_282 = arith.addi %mul3A_215, %add3A_281 : i32
      %dma_start3A_283 = arith.constant 2 : i32
      %dma_start3A_284 = arith.constant 0 : i32
      %dma_start3A_285 = arith.constant 0 : i32
      %dma_start3A_286 = tpu.memref_slice %arg9[%dma_start3A_283, %dma_start3A_284, %dma_start3A_285] : memref<4x128x8xf32, #tpu.memory_space<vmem>> -> memref<1x128x8xf32, #tpu.memory_space<vmem>>
      %dma_start3A_287 = tpu.memref_squeeze %dma_start3A_286 : memref<1x128x8xf32, #tpu.memory_space<vmem>> -> memref<128x8xf32, #tpu.memory_space<vmem>>
      %dma_start3A_288 = arith.constant 0 : i32
      %dma_start3A_289 = tpu.memref_slice %arg8[%add3A_282, %dma_start3A_288] : memref<80x128xi32, #tpu.memory_space<vmem>> -> memref<1x128xi32, #tpu.memory_space<vmem>>
      %dma_start3A_290 = tpu.memref_squeeze %dma_start3A_289 : memref<1x128xi32, #tpu.memory_space<vmem>> -> memref<128xi32, #tpu.memory_space<vmem>>
      %dma_start3A_291 = arith.constant 0 : i32
      %dma_start3A_292 = arith.constant 0 : i32
      %dma_start3A_293 = tpu.memref_slice %arg18[%dma_start3A_291, %dma_start3A_292] : memref<10240x8xf32, #tpu.memory_space<vmem_shared>> -> memref<10240x8xf32, #tpu.memory_space<vmem_shared>>
      tpu.enqueue_indirect_dma source(%dma_start3A_287 : memref<128x8xf32, #tpu.memory_space<vmem>>) target(%dma_start3A_293 : memref<10240x8xf32, #tpu.memory_space<vmem_shared>>) offsets(%dma_start3A_290 : memref<128xi32, #tpu.memory_space<vmem>>) semaphore(%arg16 : memref<!tpu.dma_semaphore, #tpu.memory_space<semaphore_mem>>) {add = true}
      %add3A_294 = arith.constant 3 : i32
      %add3A_295 = arith.addi %mul3A_215, %add3A_294 : i32
      %dma_wait3A_296 = arith.constant 3 : i32
      %dma_wait3A_297 = arith.constant 0 : i32
      %dma_wait3A_298 = arith.constant 0 : i32
      %dma_wait3A_299 = tpu.memref_slice %arg9[%dma_wait3A_296, %dma_wait3A_297, %dma_wait3A_298] : memref<4x128x8xf32, #tpu.memory_space<vmem>> -> memref<1x128x8xf32, #tpu.memory_space<vmem>>
      %dma_wait3A_300 = tpu.memref_squeeze %dma_wait3A_299 : memref<1x128x8xf32, #tpu.memory_space<vmem>> -> memref<128x8xf32, #tpu.memory_space<vmem>>
      %dma_wait3A_301 = arith.constant 0 : i32
      %dma_wait3A_302 = tpu.memref_slice %arg7[%add3A_295, %dma_wait3A_301] : memref<80x128xi32, #tpu.memory_space<vmem>> -> memref<1x128xi32, #tpu.memory_space<vmem>>
      %dma_wait3A_303 = tpu.memref_squeeze %dma_wait3A_302 : memref<1x128xi32, #tpu.memory_space<vmem>> -> memref<128xi32, #tpu.memory_space<vmem>>
      %dma_wait3A_304 = arith.constant 0 : i32
      %dma_wait3A_305 = arith.constant 0 : i32
      %dma_wait3A_306 = tpu.memref_slice %arg19[%dma_wait3A_304, %dma_wait3A_305] : memref<10240x8xf32, #tpu.memory_space<vmem_shared>> -> memref<10240x8xf32, #tpu.memory_space<vmem_shared>>
      tpu.wait_indirect_dma semaphore(%arg13 : memref<!tpu.dma_semaphore, #tpu.memory_space<semaphore_mem>>) src(%dma_wait3A_306 : memref<10240x8xf32, #tpu.memory_space<vmem_shared>>) dst(%dma_wait3A_300 : memref<128x8xf32, #tpu.memory_space<vmem>>)
      %add3A_307 = arith.constant 3 : i32
      %add3A_308 = arith.addi %mul3A_215, %add3A_307 : i32
      %dma_start3A_309 = arith.constant 3 : i32
      %dma_start3A_310 = arith.constant 0 : i32
      %dma_start3A_311 = arith.constant 0 : i32
      %dma_start3A_312 = tpu.memref_slice %arg9[%dma_start3A_309, %dma_start3A_310, %dma_start3A_311] : memref<4x128x8xf32, #tpu.memory_space<vmem>> -> memref<1x128x8xf32, #tpu.memory_space<vmem>>
      %dma_start3A_313 = tpu.memref_squeeze %dma_start3A_312 : memref<1x128x8xf32, #tpu.memory_space<vmem>> -> memref<128x8xf32, #tpu.memory_space<vmem>>
      %dma_start3A_314 = arith.constant 0 : i32
      %dma_start3A_315 = tpu.memref_slice %arg8[%add3A_308, %dma_start3A_314] : memref<80x128xi32, #tpu.memory_space<vmem>> -> memref<1x128xi32, #tpu.memory_space<vmem>>
      %dma_start3A_316 = tpu.memref_squeeze %dma_start3A_315 : memref<1x128xi32, #tpu.memory_space<vmem>> -> memref<128xi32, #tpu.memory_space<vmem>>
      %dma_start3A_317 = arith.constant 0 : i32
      %dma_start3A_318 = arith.constant 0 : i32
      %dma_start3A_319 = tpu.memref_slice %arg18[%dma_start3A_317, %dma_start3A_318] : memref<10240x8xf32, #tpu.memory_space<vmem_shared>> -> memref<10240x8xf32, #tpu.memory_space<vmem_shared>>
      tpu.enqueue_indirect_dma source(%dma_start3A_313 : memref<128x8xf32, #tpu.memory_space<vmem>>) target(%dma_start3A_319 : memref<10240x8xf32, #tpu.memory_space<vmem_shared>>) offsets(%dma_start3A_316 : memref<128xi32, #tpu.memory_space<vmem>>) semaphore(%arg17 : memref<!tpu.dma_semaphore, #tpu.memory_space<semaphore_mem>>) {add = true}
      %add3A_320 = arith.constant 0 : i32
      %add3A_321 = arith.addi %mul3A_215, %add3A_320 : i32
      %dma_wait3A_322 = arith.constant 0 : i32
      %dma_wait3A_323 = arith.constant 0 : i32
      %dma_wait3A_324 = arith.constant 0 : i32
      %dma_wait3A_325 = tpu.memref_slice %arg9[%dma_wait3A_322, %dma_wait3A_323, %dma_wait3A_324] : memref<4x128x8xf32, #tpu.memory_space<vmem>> -> memref<1x128x8xf32, #tpu.memory_space<vmem>>
      %dma_wait3A_326 = tpu.memref_squeeze %dma_wait3A_325 : memref<1x128x8xf32, #tpu.memory_space<vmem>> -> memref<128x8xf32, #tpu.memory_space<vmem>>
      %dma_wait3A_327 = arith.constant 0 : i32
      %dma_wait3A_328 = tpu.memref_slice %arg8[%add3A_321, %dma_wait3A_327] : memref<80x128xi32, #tpu.memory_space<vmem>> -> memref<1x128xi32, #tpu.memory_space<vmem>>
      %dma_wait3A_329 = tpu.memref_squeeze %dma_wait3A_328 : memref<1x128xi32, #tpu.memory_space<vmem>> -> memref<128xi32, #tpu.memory_space<vmem>>
      %dma_wait3A_330 = arith.constant 0 : i32
      %dma_wait3A_331 = arith.constant 0 : i32
      %dma_wait3A_332 = tpu.memref_slice %arg18[%dma_wait3A_330, %dma_wait3A_331] : memref<10240x8xf32, #tpu.memory_space<vmem_shared>> -> memref<10240x8xf32, #tpu.memory_space<vmem_shared>>
      tpu.wait_indirect_dma semaphore(%arg14 : memref<!tpu.dma_semaphore, #tpu.memory_space<semaphore_mem>>) src(%dma_wait3A_326 : memref<128x8xf32, #tpu.memory_space<vmem>>) dst(%dma_wait3A_332 : memref<10240x8xf32, #tpu.memory_space<vmem_shared>>)
      %add3A_333 = arith.constant 4 : i32
      %add3A_334 = arith.addi %mul3A_215, %add3A_333 : i32
      %add3A_335 = arith.constant 0 : i32
      %add3A_336 = arith.addi %add3A_334, %add3A_335 : i32
      %dma_start3A_337 = arith.constant 0 : i32
      %dma_start3A_338 = arith.constant 0 : i32
      %dma_start3A_339 = arith.constant 0 : i32
      %dma_start3A_340 = tpu.memref_slice %arg9[%dma_start3A_337, %dma_start3A_338, %dma_start3A_339] : memref<4x128x8xf32, #tpu.memory_space<vmem>> -> memref<1x128x8xf32, #tpu.memory_space<vmem>>
      %dma_start3A_341 = tpu.memref_squeeze %dma_start3A_340 : memref<1x128x8xf32, #tpu.memory_space<vmem>> -> memref<128x8xf32, #tpu.memory_space<vmem>>
      %dma_start3A_342 = arith.constant 0 : i32
      %dma_start3A_343 = tpu.memref_slice %arg7[%add3A_336, %dma_start3A_342] : memref<80x128xi32, #tpu.memory_space<vmem>> -> memref<1x128xi32, #tpu.memory_space<vmem>>
      %dma_start3A_344 = tpu.memref_squeeze %dma_start3A_343 : memref<1x128xi32, #tpu.memory_space<vmem>> -> memref<128xi32, #tpu.memory_space<vmem>>
      %dma_start3A_345 = arith.constant 0 : i32
      %dma_start3A_346 = arith.constant 0 : i32
      %dma_start3A_347 = tpu.memref_slice %arg19[%dma_start3A_345, %dma_start3A_346] : memref<10240x8xf32, #tpu.memory_space<vmem_shared>> -> memref<10240x8xf32, #tpu.memory_space<vmem_shared>>
      tpu.enqueue_indirect_dma source(%dma_start3A_347 : memref<10240x8xf32, #tpu.memory_space<vmem_shared>>) target(%dma_start3A_341 : memref<128x8xf32, #tpu.memory_space<vmem>>) offsets(%dma_start3A_344 : memref<128xi32, #tpu.memory_space<vmem>>) semaphore(%arg10 : memref<!tpu.dma_semaphore, #tpu.memory_space<semaphore_mem>>)
      %add3A_348 = arith.constant 1 : i32
      %add3A_349 = arith.addi %mul3A_215, %add3A_348 : i32
      %dma_wait3A_350 = arith.constant 1 : i32
      %dma_wait3A_351 = arith.constant 0 : i32
      %dma_wait3A_352 = arith.constant 0 : i32
      %dma_wait3A_353 = tpu.memref_slice %arg9[%dma_wait3A_350, %dma_wait3A_351, %dma_wait3A_352] : memref<4x128x8xf32, #tpu.memory_space<vmem>> -> memref<1x128x8xf32, #tpu.memory_space<vmem>>
      %dma_wait3A_354 = tpu.memref_squeeze %dma_wait3A_353 : memref<1x128x8xf32, #tpu.memory_space<vmem>> -> memref<128x8xf32, #tpu.memory_space<vmem>>
      %dma_wait3A_355 = arith.constant 0 : i32
      %dma_wait3A_356 = tpu.memref_slice %arg8[%add3A_349, %dma_wait3A_355] : memref<80x128xi32, #tpu.memory_space<vmem>> -> memref<1x128xi32, #tpu.memory_space<vmem>>
      %dma_wait3A_357 = tpu.memref_squeeze %dma_wait3A_356 : memref<1x128xi32, #tpu.memory_space<vmem>> -> memref<128xi32, #tpu.memory_space<vmem>>
      %dma_wait3A_358 = arith.constant 0 : i32
      %dma_wait3A_359 = arith.constant 0 : i32
      %dma_wait3A_360 = tpu.memref_slice %arg18[%dma_wait3A_358, %dma_wait3A_359] : memref<10240x8xf32, #tpu.memory_space<vmem_shared>> -> memref<10240x8xf32, #tpu.memory_space<vmem_shared>>
      tpu.wait_indirect_dma semaphore(%arg15 : memref<!tpu.dma_semaphore, #tpu.memory_space<semaphore_mem>>) src(%dma_wait3A_354 : memref<128x8xf32, #tpu.memory_space<vmem>>) dst(%dma_wait3A_360 : memref<10240x8xf32, #tpu.memory_space<vmem_shared>>)
      %add3A_361 = arith.constant 4 : i32
      %add3A_362 = arith.addi %mul3A_215, %add3A_361 : i32
      %add3A_363 = arith.constant 1 : i32
      %add3A_364 = arith.addi %add3A_362, %add3A_363 : i32
      %dma_start3A_365 = arith.constant 1 : i32
      %dma_start3A_366 = arith.constant 0 : i32
      %dma_start3A_367 = arith.constant 0 : i32
      %dma_start3A_368 = tpu.memref_slice %arg9[%dma_start3A_365, %dma_start3A_366, %dma_start3A_367] : memref<4x128x8xf32, #tpu.memory_space<vmem>> -> memref<1x128x8xf32, #tpu.memory_space<vmem>>
      %dma_start3A_369 = tpu.memref_squeeze %dma_start3A_368 : memref<1x128x8xf32, #tpu.memory_space<vmem>> -> memref<128x8xf32, #tpu.memory_space<vmem>>
      %dma_start3A_370 = arith.constant 0 : i32
      %dma_start3A_371 = tpu.memref_slice %arg7[%add3A_364, %dma_start3A_370] : memref<80x128xi32, #tpu.memory_space<vmem>> -> memref<1x128xi32, #tpu.memory_space<vmem>>
      %dma_start3A_372 = tpu.memref_squeeze %dma_start3A_371 : memref<1x128xi32, #tpu.memory_space<vmem>> -> memref<128xi32, #tpu.memory_space<vmem>>
      %dma_start3A_373 = arith.constant 0 : i32
      %dma_start3A_374 = arith.constant 0 : i32
      %dma_start3A_375 = tpu.memref_slice %arg19[%dma_start3A_373, %dma_start3A_374] : memref<10240x8xf32, #tpu.memory_space<vmem_shared>> -> memref<10240x8xf32, #tpu.memory_space<vmem_shared>>
      tpu.enqueue_indirect_dma source(%dma_start3A_375 : memref<10240x8xf32, #tpu.memory_space<vmem_shared>>) target(%dma_start3A_369 : memref<128x8xf32, #tpu.memory_space<vmem>>) offsets(%dma_start3A_372 : memref<128xi32, #tpu.memory_space<vmem>>) semaphore(%arg11 : memref<!tpu.dma_semaphore, #tpu.memory_space<semaphore_mem>>)
      %add3A_376 = arith.constant 2 : i32
      %add3A_377 = arith.addi %mul3A_215, %add3A_376 : i32
      %dma_wait3A_378 = arith.constant 2 : i32
      %dma_wait3A_379 = arith.constant 0 : i32
      %dma_wait3A_380 = arith.constant 0 : i32
      %dma_wait3A_381 = tpu.memref_slice %arg9[%dma_wait3A_378, %dma_wait3A_379, %dma_wait3A_380] : memref<4x128x8xf32, #tpu.memory_space<vmem>> -> memref<1x128x8xf32, #tpu.memory_space<vmem>>
      %dma_wait3A_382 = tpu.memref_squeeze %dma_wait3A_381 : memref<1x128x8xf32, #tpu.memory_space<vmem>> -> memref<128x8xf32, #tpu.memory_space<vmem>>
      %dma_wait3A_383 = arith.constant 0 : i32
      %dma_wait3A_384 = tpu.memref_slice %arg8[%add3A_377, %dma_wait3A_383] : memref<80x128xi32, #tpu.memory_space<vmem>> -> memref<1x128xi32, #tpu.memory_space<vmem>>
      %dma_wait3A_385 = tpu.memref_squeeze %dma_wait3A_384 : memref<1x128xi32, #tpu.memory_space<vmem>> -> memref<128xi32, #tpu.memory_space<vmem>>
      %dma_wait3A_386 = arith.constant 0 : i32
      %dma_wait3A_387 = arith.constant 0 : i32
      %dma_wait3A_388 = tpu.memref_slice %arg18[%dma_wait3A_386, %dma_wait3A_387] : memref<10240x8xf32, #tpu.memory_space<vmem_shared>> -> memref<10240x8xf32, #tpu.memory_space<vmem_shared>>
      tpu.wait_indirect_dma semaphore(%arg16 : memref<!tpu.dma_semaphore, #tpu.memory_space<semaphore_mem>>) src(%dma_wait3A_382 : memref<128x8xf32, #tpu.memory_space<vmem>>) dst(%dma_wait3A_388 : memref<10240x8xf32, #tpu.memory_space<vmem_shared>>)
      %add3A_389 = arith.constant 4 : i32
      %add3A_390 = arith.addi %mul3A_215, %add3A_389 : i32
      %add3A_391 = arith.constant 2 : i32
      %add3A_392 = arith.addi %add3A_390, %add3A_391 : i32
      %dma_start3A_393 = arith.constant 2 : i32
      %dma_start3A_394 = arith.constant 0 : i32
      %dma_start3A_395 = arith.constant 0 : i32
      %dma_start3A_396 = tpu.memref_slice %arg9[%dma_start3A_393, %dma_start3A_394, %dma_start3A_395] : memref<4x128x8xf32, #tpu.memory_space<vmem>> -> memref<1x128x8xf32, #tpu.memory_space<vmem>>
      %dma_start3A_397 = tpu.memref_squeeze %dma_start3A_396 : memref<1x128x8xf32, #tpu.memory_space<vmem>> -> memref<128x8xf32, #tpu.memory_space<vmem>>
      %dma_start3A_398 = arith.constant 0 : i32
      %dma_start3A_399 = tpu.memref_slice %arg7[%add3A_392, %dma_start3A_398] : memref<80x128xi32, #tpu.memory_space<vmem>> -> memref<1x128xi32, #tpu.memory_space<vmem>>
      %dma_start3A_400 = tpu.memref_squeeze %dma_start3A_399 : memref<1x128xi32, #tpu.memory_space<vmem>> -> memref<128xi32, #tpu.memory_space<vmem>>
      %dma_start3A_401 = arith.constant 0 : i32
      %dma_start3A_402 = arith.constant 0 : i32
      %dma_start3A_403 = tpu.memref_slice %arg19[%dma_start3A_401, %dma_start3A_402] : memref<10240x8xf32, #tpu.memory_space<vmem_shared>> -> memref<10240x8xf32, #tpu.memory_space<vmem_shared>>
      tpu.enqueue_indirect_dma source(%dma_start3A_403 : memref<10240x8xf32, #tpu.memory_space<vmem_shared>>) target(%dma_start3A_397 : memref<128x8xf32, #tpu.memory_space<vmem>>) offsets(%dma_start3A_400 : memref<128xi32, #tpu.memory_space<vmem>>) semaphore(%arg12 : memref<!tpu.dma_semaphore, #tpu.memory_space<semaphore_mem>>)
      %add3A_404 = arith.constant 3 : i32
      %add3A_405 = arith.addi %mul3A_215, %add3A_404 : i32
      %dma_wait3A_406 = arith.constant 3 : i32
      %dma_wait3A_407 = arith.constant 0 : i32
      %dma_wait3A_408 = arith.constant 0 : i32
      %dma_wait3A_409 = tpu.memref_slice %arg9[%dma_wait3A_406, %dma_wait3A_407, %dma_wait3A_408] : memref<4x128x8xf32, #tpu.memory_space<vmem>> -> memref<1x128x8xf32, #tpu.memory_space<vmem>>
      %dma_wait3A_410 = tpu.memref_squeeze %dma_wait3A_409 : memref<1x128x8xf32, #tpu.memory_space<vmem>> -> memref<128x8xf32, #tpu.memory_space<vmem>>
      %dma_wait3A_411 = arith.constant 0 : i32
      %dma_wait3A_412 = tpu.memref_slice %arg8[%add3A_405, %dma_wait3A_411] : memref<80x128xi32, #tpu.memory_space<vmem>> -> memref<1x128xi32, #tpu.memory_space<vmem>>
      %dma_wait3A_413 = tpu.memref_squeeze %dma_wait3A_412 : memref<1x128xi32, #tpu.memory_space<vmem>> -> memref<128xi32, #tpu.memory_space<vmem>>
      %dma_wait3A_414 = arith.constant 0 : i32
      %dma_wait3A_415 = arith.constant 0 : i32
      %dma_wait3A_416 = tpu.memref_slice %arg18[%dma_wait3A_414, %dma_wait3A_415] : memref<10240x8xf32, #tpu.memory_space<vmem_shared>> -> memref<10240x8xf32, #tpu.memory_space<vmem_shared>>
      tpu.wait_indirect_dma semaphore(%arg17 : memref<!tpu.dma_semaphore, #tpu.memory_space<semaphore_mem>>) src(%dma_wait3A_410 : memref<128x8xf32, #tpu.memory_space<vmem>>) dst(%dma_wait3A_416 : memref<10240x8xf32, #tpu.memory_space<vmem_shared>>)
      %add3A_417 = arith.constant 4 : i32
      %add3A_418 = arith.addi %mul3A_215, %add3A_417 : i32
      %add3A_419 = arith.constant 3 : i32
      %add3A_420 = arith.addi %add3A_418, %add3A_419 : i32
      %dma_start3A_421 = arith.constant 3 : i32
      %dma_start3A_422 = arith.constant 0 : i32
      %dma_start3A_423 = arith.constant 0 : i32
      %dma_start3A_424 = tpu.memref_slice %arg9[%dma_start3A_421, %dma_start3A_422, %dma_start3A_423] : memref<4x128x8xf32, #tpu.memory_space<vmem>> -> memref<1x128x8xf32, #tpu.memory_space<vmem>>
      %dma_start3A_425 = tpu.memref_squeeze %dma_start3A_424 : memref<1x128x8xf32, #tpu.memory_space<vmem>> -> memref<128x8xf32, #tpu.memory_space<vmem>>
      %dma_start3A_426 = arith.constant 0 : i32
      %dma_start3A_427 = tpu.memref_slice %arg7[%add3A_420, %dma_start3A_426] : memref<80x128xi32, #tpu.memory_space<vmem>> -> memref<1x128xi32, #tpu.memory_space<vmem>>
      %dma_start3A_428 = tpu.memref_squeeze %dma_start3A_427 : memref<1x128xi32, #tpu.memory_space<vmem>> -> memref<128xi32, #tpu.memory_space<vmem>>
      %dma_start3A_429 = arith.constant 0 : i32
      %dma_start3A_430 = arith.constant 0 : i32
      %dma_start3A_431 = tpu.memref_slice %arg19[%dma_start3A_429, %dma_start3A_430] : memref<10240x8xf32, #tpu.memory_space<vmem_shared>> -> memref<10240x8xf32, #tpu.memory_space<vmem_shared>>
      tpu.enqueue_indirect_dma source(%dma_start3A_431 : memref<10240x8xf32, #tpu.memory_space<vmem_shared>>) target(%dma_start3A_425 : memref<128x8xf32, #tpu.memory_space<vmem>>) offsets(%dma_start3A_428 : memref<128xi32, #tpu.memory_space<vmem>>) semaphore(%arg13 : memref<!tpu.dma_semaphore, #tpu.memory_space<semaphore_mem>>)
    }
    %scan3A_64 = arith.constant 19 : i32
    %dma_wait3A = arith.constant 76 : i32
    %dma_wait3A_65 = arith.constant 0 : i32
    %dma_wait3A_66 = arith.constant 0 : i32
    %dma_wait3A_67 = arith.constant 0 : i32
    %dma_wait3A_68 = tpu.memref_slice %arg9[%dma_wait3A_65, %dma_wait3A_66, %dma_wait3A_67] : memref<4x128x8xf32, #tpu.memory_space<vmem>> -> memref<1x128x8xf32, #tpu.memory_space<vmem>>
    %dma_wait3A_69 = tpu.memref_squeeze %dma_wait3A_68 : memref<1x128x8xf32, #tpu.memory_space<vmem>> -> memref<128x8xf32, #tpu.memory_space<vmem>>
    %dma_wait3A_70 = arith.constant 0 : i32
    %dma_wait3A_71 = tpu.memref_slice %arg7[%dma_wait3A, %dma_wait3A_70] : memref<80x128xi32, #tpu.memory_space<vmem>> -> memref<1x128xi32, #tpu.memory_space<vmem>>
    %dma_wait3A_72 = tpu.memref_squeeze %dma_wait3A_71 : memref<1x128xi32, #tpu.memory_space<vmem>> -> memref<128xi32, #tpu.memory_space<vmem>>
    %dma_wait3A_73 = arith.constant 0 : i32
    %dma_wait3A_74 = arith.constant 0 : i32
    %dma_wait3A_75 = tpu.memref_slice %arg19[%dma_wait3A_73, %dma_wait3A_74] : memref<10240x8xf32, #tpu.memory_space<vmem_shared>> -> memref<10240x8xf32, #tpu.memory_space<vmem_shared>>
    tpu.wait_indirect_dma semaphore(%arg10 : memref<!tpu.dma_semaphore, #tpu.memory_space<semaphore_mem>>) src(%dma_wait3A_75 : memref<10240x8xf32, #tpu.memory_space<vmem_shared>>) dst(%dma_wait3A_69 : memref<128x8xf32, #tpu.memory_space<vmem>>)
    %dma_start3A_76 = arith.constant 0 : i32
    %dma_start3A_77 = arith.constant 76 : i32
    %dma_start3A_78 = arith.constant 0 : i32
    %dma_start3A_79 = arith.constant 0 : i32
    %dma_start3A_80 = tpu.memref_slice %arg9[%dma_start3A_76, %dma_start3A_78, %dma_start3A_79] : memref<4x128x8xf32, #tpu.memory_space<vmem>> -> memref<1x128x8xf32, #tpu.memory_space<vmem>>
    %dma_start3A_81 = tpu.memref_squeeze %dma_start3A_80 : memref<1x128x8xf32, #tpu.memory_space<vmem>> -> memref<128x8xf32, #tpu.memory_space<vmem>>
    %dma_start3A_82 = arith.constant 0 : i32
    %dma_start3A_83 = tpu.memref_slice %arg8[%dma_start3A_77, %dma_start3A_82] : memref<80x128xi32, #tpu.memory_space<vmem>> -> memref<1x128xi32, #tpu.memory_space<vmem>>
    %dma_start3A_84 = tpu.memref_squeeze %dma_start3A_83 : memref<1x128xi32, #tpu.memory_space<vmem>> -> memref<128xi32, #tpu.memory_space<vmem>>
    %dma_start3A_85 = arith.constant 0 : i32
    %dma_start3A_86 = arith.constant 0 : i32
    %dma_start3A_87 = tpu.memref_slice %arg18[%dma_start3A_85, %dma_start3A_86] : memref<10240x8xf32, #tpu.memory_space<vmem_shared>> -> memref<10240x8xf32, #tpu.memory_space<vmem_shared>>
    tpu.enqueue_indirect_dma source(%dma_start3A_81 : memref<128x8xf32, #tpu.memory_space<vmem>>) target(%dma_start3A_87 : memref<10240x8xf32, #tpu.memory_space<vmem_shared>>) offsets(%dma_start3A_84 : memref<128xi32, #tpu.memory_space<vmem>>) semaphore(%arg14 : memref<!tpu.dma_semaphore, #tpu.memory_space<semaphore_mem>>) {add = true}
    %dma_wait3A_88 = arith.constant 77 : i32
    %dma_wait3A_89 = arith.constant 1 : i32
    %dma_wait3A_90 = arith.constant 0 : i32
    %dma_wait3A_91 = arith.constant 0 : i32
    %dma_wait3A_92 = tpu.memref_slice %arg9[%dma_wait3A_89, %dma_wait3A_90, %dma_wait3A_91] : memref<4x128x8xf32, #tpu.memory_space<vmem>> -> memref<1x128x8xf32, #tpu.memory_space<vmem>>
    %dma_wait3A_93 = tpu.memref_squeeze %dma_wait3A_92 : memref<1x128x8xf32, #tpu.memory_space<vmem>> -> memref<128x8xf32, #tpu.memory_space<vmem>>
    %dma_wait3A_94 = arith.constant 0 : i32
    %dma_wait3A_95 = tpu.memref_slice %arg7[%dma_wait3A_88, %dma_wait3A_94] : memref<80x128xi32, #tpu.memory_space<vmem>> -> memref<1x128xi32, #tpu.memory_space<vmem>>
    %dma_wait3A_96 = tpu.memref_squeeze %dma_wait3A_95 : memref<1x128xi32, #tpu.memory_space<vmem>> -> memref<128xi32, #tpu.memory_space<vmem>>
    %dma_wait3A_97 = arith.constant 0 : i32
    %dma_wait3A_98 = arith.constant 0 : i32
    %dma_wait3A_99 = tpu.memref_slice %arg19[%dma_wait3A_97, %dma_wait3A_98] : memref<10240x8xf32, #tpu.memory_space<vmem_shared>> -> memref<10240x8xf32, #tpu.memory_space<vmem_shared>>
    tpu.wait_indirect_dma semaphore(%arg11 : memref<!tpu.dma_semaphore, #tpu.memory_space<semaphore_mem>>) src(%dma_wait3A_99 : memref<10240x8xf32, #tpu.memory_space<vmem_shared>>) dst(%dma_wait3A_93 : memref<128x8xf32, #tpu.memory_space<vmem>>)
    %dma_start3A_100 = arith.constant 1 : i32
    %dma_start3A_101 = arith.constant 77 : i32
    %dma_start3A_102 = arith.constant 0 : i32
    %dma_start3A_103 = arith.constant 0 : i32
    %dma_start3A_104 = tpu.memref_slice %arg9[%dma_start3A_100, %dma_start3A_102, %dma_start3A_103] : memref<4x128x8xf32, #tpu.memory_space<vmem>> -> memref<1x128x8xf32, #tpu.memory_space<vmem>>
    %dma_start3A_105 = tpu.memref_squeeze %dma_start3A_104 : memref<1x128x8xf32, #tpu.memory_space<vmem>> -> memref<128x8xf32, #tpu.memory_space<vmem>>
    %dma_start3A_106 = arith.constant 0 : i32
    %dma_start3A_107 = tpu.memref_slice %arg8[%dma_start3A_101, %dma_start3A_106] : memref<80x128xi32, #tpu.memory_space<vmem>> -> memref<1x128xi32, #tpu.memory_space<vmem>>
    %dma_start3A_108 = tpu.memref_squeeze %dma_start3A_107 : memref<1x128xi32, #tpu.memory_space<vmem>> -> memref<128xi32, #tpu.memory_space<vmem>>
    %dma_start3A_109 = arith.constant 0 : i32
    %dma_start3A_110 = arith.constant 0 : i32
    %dma_start3A_111 = tpu.memref_slice %arg18[%dma_start3A_109, %dma_start3A_110] : memref<10240x8xf32, #tpu.memory_space<vmem_shared>> -> memref<10240x8xf32, #tpu.memory_space<vmem_shared>>
    tpu.enqueue_indirect_dma source(%dma_start3A_105 : memref<128x8xf32, #tpu.memory_space<vmem>>) target(%dma_start3A_111 : memref<10240x8xf32, #tpu.memory_space<vmem_shared>>) offsets(%dma_start3A_108 : memref<128xi32, #tpu.memory_space<vmem>>) semaphore(%arg15 : memref<!tpu.dma_semaphore, #tpu.memory_space<semaphore_mem>>) {add = true}
    %dma_wait3A_112 = arith.constant 78 : i32
    %dma_wait3A_113 = arith.constant 2 : i32
    %dma_wait3A_114 = arith.constant 0 : i32
    %dma_wait3A_115 = arith.constant 0 : i32
    %dma_wait3A_116 = tpu.memref_slice %arg9[%dma_wait3A_113, %dma_wait3A_114, %dma_wait3A_115] : memref<4x128x8xf32, #tpu.memory_space<vmem>> -> memref<1x128x8xf32, #tpu.memory_space<vmem>>
    %dma_wait3A_117 = tpu.memref_squeeze %dma_wait3A_116 : memref<1x128x8xf32, #tpu.memory_space<vmem>> -> memref<128x8xf32, #tpu.memory_space<vmem>>
    %dma_wait3A_118 = arith.constant 0 : i32
    %dma_wait3A_119 = tpu.memref_slice %arg7[%dma_wait3A_112, %dma_wait3A_118] : memref<80x128xi32, #tpu.memory_space<vmem>> -> memref<1x128xi32, #tpu.memory_space<vmem>>
    %dma_wait3A_120 = tpu.memref_squeeze %dma_wait3A_119 : memref<1x128xi32, #tpu.memory_space<vmem>> -> memref<128xi32, #tpu.memory_space<vmem>>
    %dma_wait3A_121 = arith.constant 0 : i32
    %dma_wait3A_122 = arith.constant 0 : i32
    %dma_wait3A_123 = tpu.memref_slice %arg19[%dma_wait3A_121, %dma_wait3A_122] : memref<10240x8xf32, #tpu.memory_space<vmem_shared>> -> memref<10240x8xf32, #tpu.memory_space<vmem_shared>>
    tpu.wait_indirect_dma semaphore(%arg12 : memref<!tpu.dma_semaphore, #tpu.memory_space<semaphore_mem>>) src(%dma_wait3A_123 : memref<10240x8xf32, #tpu.memory_space<vmem_shared>>) dst(%dma_wait3A_117 : memref<128x8xf32, #tpu.memory_space<vmem>>)
    %dma_start3A_124 = arith.constant 2 : i32
    %dma_start3A_125 = arith.constant 78 : i32
    %dma_start3A_126 = arith.constant 0 : i32
    %dma_start3A_127 = arith.constant 0 : i32
    %dma_start3A_128 = tpu.memref_slice %arg9[%dma_start3A_124, %dma_start3A_126, %dma_start3A_127] : memref<4x128x8xf32, #tpu.memory_space<vmem>> -> memref<1x128x8xf32, #tpu.memory_space<vmem>>
    %dma_start3A_129 = tpu.memref_squeeze %dma_start3A_128 : memref<1x128x8xf32, #tpu.memory_space<vmem>> -> memref<128x8xf32, #tpu.memory_space<vmem>>
    %dma_start3A_130 = arith.constant 0 : i32
    %dma_start3A_131 = tpu.memref_slice %arg8[%dma_start3A_125, %dma_start3A_130] : memref<80x128xi32, #tpu.memory_space<vmem>> -> memref<1x128xi32, #tpu.memory_space<vmem>>
    %dma_start3A_132 = tpu.memref_squeeze %dma_start3A_131 : memref<1x128xi32, #tpu.memory_space<vmem>> -> memref<128xi32, #tpu.memory_space<vmem>>
    %dma_start3A_133 = arith.constant 0 : i32
    %dma_start3A_134 = arith.constant 0 : i32
    %dma_start3A_135 = tpu.memref_slice %arg18[%dma_start3A_133, %dma_start3A_134] : memref<10240x8xf32, #tpu.memory_space<vmem_shared>> -> memref<10240x8xf32, #tpu.memory_space<vmem_shared>>
    tpu.enqueue_indirect_dma source(%dma_start3A_129 : memref<128x8xf32, #tpu.memory_space<vmem>>) target(%dma_start3A_135 : memref<10240x8xf32, #tpu.memory_space<vmem_shared>>) offsets(%dma_start3A_132 : memref<128xi32, #tpu.memory_space<vmem>>) semaphore(%arg16 : memref<!tpu.dma_semaphore, #tpu.memory_space<semaphore_mem>>) {add = true}
    %dma_wait3A_136 = arith.constant 79 : i32
    %dma_wait3A_137 = arith.constant 3 : i32
    %dma_wait3A_138 = arith.constant 0 : i32
    %dma_wait3A_139 = arith.constant 0 : i32
    %dma_wait3A_140 = tpu.memref_slice %arg9[%dma_wait3A_137, %dma_wait3A_138, %dma_wait3A_139] : memref<4x128x8xf32, #tpu.memory_space<vmem>> -> memref<1x128x8xf32, #tpu.memory_space<vmem>>
    %dma_wait3A_141 = tpu.memref_squeeze %dma_wait3A_140 : memref<1x128x8xf32, #tpu.memory_space<vmem>> -> memref<128x8xf32, #tpu.memory_space<vmem>>
    %dma_wait3A_142 = arith.constant 0 : i32
    %dma_wait3A_143 = tpu.memref_slice %arg7[%dma_wait3A_136, %dma_wait3A_142] : memref<80x128xi32, #tpu.memory_space<vmem>> -> memref<1x128xi32, #tpu.memory_space<vmem>>
    %dma_wait3A_144 = tpu.memref_squeeze %dma_wait3A_143 : memref<1x128xi32, #tpu.memory_space<vmem>> -> memref<128xi32, #tpu.memory_space<vmem>>
    %dma_wait3A_145 = arith.constant 0 : i32
    %dma_wait3A_146 = arith.constant 0 : i32
    %dma_wait3A_147 = tpu.memref_slice %arg19[%dma_wait3A_145, %dma_wait3A_146] : memref<10240x8xf32, #tpu.memory_space<vmem_shared>> -> memref<10240x8xf32, #tpu.memory_space<vmem_shared>>
    tpu.wait_indirect_dma semaphore(%arg13 : memref<!tpu.dma_semaphore, #tpu.memory_space<semaphore_mem>>) src(%dma_wait3A_147 : memref<10240x8xf32, #tpu.memory_space<vmem_shared>>) dst(%dma_wait3A_141 : memref<128x8xf32, #tpu.memory_space<vmem>>)
    %dma_start3A_148 = arith.constant 3 : i32
    %dma_start3A_149 = arith.constant 79 : i32
    %dma_start3A_150 = arith.constant 0 : i32
    %dma_start3A_151 = arith.constant 0 : i32
    %dma_start3A_152 = tpu.memref_slice %arg9[%dma_start3A_148, %dma_start3A_150, %dma_start3A_151] : memref<4x128x8xf32, #tpu.memory_space<vmem>> -> memref<1x128x8xf32, #tpu.memory_space<vmem>>
    %dma_start3A_153 = tpu.memref_squeeze %dma_start3A_152 : memref<1x128x8xf32, #tpu.memory_space<vmem>> -> memref<128x8xf32, #tpu.memory_space<vmem>>
    %dma_start3A_154 = arith.constant 0 : i32
    %dma_start3A_155 = tpu.memref_slice %arg8[%dma_start3A_149, %dma_start3A_154] : memref<80x128xi32, #tpu.memory_space<vmem>> -> memref<1x128xi32, #tpu.memory_space<vmem>>
    %dma_start3A_156 = tpu.memref_squeeze %dma_start3A_155 : memref<1x128xi32, #tpu.memory_space<vmem>> -> memref<128xi32, #tpu.memory_space<vmem>>
    %dma_start3A_157 = arith.constant 0 : i32
    %dma_start3A_158 = arith.constant 0 : i32
    %dma_start3A_159 = tpu.memref_slice %arg18[%dma_start3A_157, %dma_start3A_158] : memref<10240x8xf32, #tpu.memory_space<vmem_shared>> -> memref<10240x8xf32, #tpu.memory_space<vmem_shared>>
    tpu.enqueue_indirect_dma source(%dma_start3A_153 : memref<128x8xf32, #tpu.memory_space<vmem>>) target(%dma_start3A_159 : memref<10240x8xf32, #tpu.memory_space<vmem_shared>>) offsets(%dma_start3A_156 : memref<128xi32, #tpu.memory_space<vmem>>) semaphore(%arg17 : memref<!tpu.dma_semaphore, #tpu.memory_space<semaphore_mem>>) {add = true}
    %dma_wait3A_160 = arith.constant 0 : i32
    %dma_wait3A_161 = arith.constant 76 : i32
    %dma_wait3A_162 = arith.constant 0 : i32
    %dma_wait3A_163 = arith.constant 0 : i32
    %dma_wait3A_164 = tpu.memref_slice %arg9[%dma_wait3A_160, %dma_wait3A_162, %dma_wait3A_163] : memref<4x128x8xf32, #tpu.memory_space<vmem>> -> memref<1x128x8xf32, #tpu.memory_space<vmem>>
    %dma_wait3A_165 = tpu.memref_squeeze %dma_wait3A_164 : memref<1x128x8xf32, #tpu.memory_space<vmem>> -> memref<128x8xf32, #tpu.memory_space<vmem>>
    %dma_wait3A_166 = arith.constant 0 : i32
    %dma_wait3A_167 = tpu.memref_slice %arg8[%dma_wait3A_161, %dma_wait3A_166] : memref<80x128xi32, #tpu.memory_space<vmem>> -> memref<1x128xi32, #tpu.memory_space<vmem>>
    %dma_wait3A_168 = tpu.memref_squeeze %dma_wait3A_167 : memref<1x128xi32, #tpu.memory_space<vmem>> -> memref<128xi32, #tpu.memory_space<vmem>>
    %dma_wait3A_169 = arith.constant 0 : i32
    %dma_wait3A_170 = arith.constant 0 : i32
    %dma_wait3A_171 = tpu.memref_slice %arg18[%dma_wait3A_169, %dma_wait3A_170] : memref<10240x8xf32, #tpu.memory_space<vmem_shared>> -> memref<10240x8xf32, #tpu.memory_space<vmem_shared>>
    tpu.wait_indirect_dma semaphore(%arg14 : memref<!tpu.dma_semaphore, #tpu.memory_space<semaphore_mem>>) src(%dma_wait3A_165 : memref<128x8xf32, #tpu.memory_space<vmem>>) dst(%dma_wait3A_171 : memref<10240x8xf32, #tpu.memory_space<vmem_shared>>)
    %dma_wait3A_172 = arith.constant 1 : i32
    %dma_wait3A_173 = arith.constant 77 : i32
    %dma_wait3A_174 = arith.constant 0 : i32
    %dma_wait3A_175 = arith.constant 0 : i32
    %dma_wait3A_176 = tpu.memref_slice %arg9[%dma_wait3A_172, %dma_wait3A_174, %dma_wait3A_175] : memref<4x128x8xf32, #tpu.memory_space<vmem>> -> memref<1x128x8xf32, #tpu.memory_space<vmem>>
    %dma_wait3A_177 = tpu.memref_squeeze %dma_wait3A_176 : memref<1x128x8xf32, #tpu.memory_space<vmem>> -> memref<128x8xf32, #tpu.memory_space<vmem>>
    %dma_wait3A_178 = arith.constant 0 : i32
    %dma_wait3A_179 = tpu.memref_slice %arg8[%dma_wait3A_173, %dma_wait3A_178] : memref<80x128xi32, #tpu.memory_space<vmem>> -> memref<1x128xi32, #tpu.memory_space<vmem>>
    %dma_wait3A_180 = tpu.memref_squeeze %dma_wait3A_179 : memref<1x128xi32, #tpu.memory_space<vmem>> -> memref<128xi32, #tpu.memory_space<vmem>>
    %dma_wait3A_181 = arith.constant 0 : i32
    %dma_wait3A_182 = arith.constant 0 : i32
    %dma_wait3A_183 = tpu.memref_slice %arg18[%dma_wait3A_181, %dma_wait3A_182] : memref<10240x8xf32, #tpu.memory_space<vmem_shared>> -> memref<10240x8xf32, #tpu.memory_space<vmem_shared>>
    tpu.wait_indirect_dma semaphore(%arg15 : memref<!tpu.dma_semaphore, #tpu.memory_space<semaphore_mem>>) src(%dma_wait3A_177 : memref<128x8xf32, #tpu.memory_space<vmem>>) dst(%dma_wait3A_183 : memref<10240x8xf32, #tpu.memory_space<vmem_shared>>)
    %dma_wait3A_184 = arith.constant 2 : i32
    %dma_wait3A_185 = arith.constant 78 : i32
    %dma_wait3A_186 = arith.constant 0 : i32
    %dma_wait3A_187 = arith.constant 0 : i32
    %dma_wait3A_188 = tpu.memref_slice %arg9[%dma_wait3A_184, %dma_wait3A_186, %dma_wait3A_187] : memref<4x128x8xf32, #tpu.memory_space<vmem>> -> memref<1x128x8xf32, #tpu.memory_space<vmem>>
    %dma_wait3A_189 = tpu.memref_squeeze %dma_wait3A_188 : memref<1x128x8xf32, #tpu.memory_space<vmem>> -> memref<128x8xf32, #tpu.memory_space<vmem>>
    %dma_wait3A_190 = arith.constant 0 : i32
    %dma_wait3A_191 = tpu.memref_slice %arg8[%dma_wait3A_185, %dma_wait3A_190] : memref<80x128xi32, #tpu.memory_space<vmem>> -> memref<1x128xi32, #tpu.memory_space<vmem>>
    %dma_wait3A_192 = tpu.memref_squeeze %dma_wait3A_191 : memref<1x128xi32, #tpu.memory_space<vmem>> -> memref<128xi32, #tpu.memory_space<vmem>>
    %dma_wait3A_193 = arith.constant 0 : i32
    %dma_wait3A_194 = arith.constant 0 : i32
    %dma_wait3A_195 = tpu.memref_slice %arg18[%dma_wait3A_193, %dma_wait3A_194] : memref<10240x8xf32, #tpu.memory_space<vmem_shared>> -> memref<10240x8xf32, #tpu.memory_space<vmem_shared>>
    tpu.wait_indirect_dma semaphore(%arg16 : memref<!tpu.dma_semaphore, #tpu.memory_space<semaphore_mem>>) src(%dma_wait3A_189 : memref<128x8xf32, #tpu.memory_space<vmem>>) dst(%dma_wait3A_195 : memref<10240x8xf32, #tpu.memory_space<vmem_shared>>)
    %dma_wait3A_196 = arith.constant 3 : i32
    %dma_wait3A_197 = arith.constant 79 : i32
    %dma_wait3A_198 = arith.constant 0 : i32
    %dma_wait3A_199 = arith.constant 0 : i32
    %dma_wait3A_200 = tpu.memref_slice %arg9[%dma_wait3A_196, %dma_wait3A_198, %dma_wait3A_199] : memref<4x128x8xf32, #tpu.memory_space<vmem>> -> memref<1x128x8xf32, #tpu.memory_space<vmem>>
    %dma_wait3A_201 = tpu.memref_squeeze %dma_wait3A_200 : memref<1x128x8xf32, #tpu.memory_space<vmem>> -> memref<128x8xf32, #tpu.memory_space<vmem>>
    %dma_wait3A_202 = arith.constant 0 : i32
    %dma_wait3A_203 = tpu.memref_slice %arg8[%dma_wait3A_197, %dma_wait3A_202] : memref<80x128xi32, #tpu.memory_space<vmem>> -> memref<1x128xi32, #tpu.memory_space<vmem>>
    %dma_wait3A_204 = tpu.memref_squeeze %dma_wait3A_203 : memref<1x128xi32, #tpu.memory_space<vmem>> -> memref<128xi32, #tpu.memory_space<vmem>>
    %dma_wait3A_205 = arith.constant 0 : i32
    %dma_wait3A_206 = arith.constant 0 : i32
    %dma_wait3A_207 = tpu.memref_slice %arg18[%dma_wait3A_205, %dma_wait3A_206] : memref<10240x8xf32, #tpu.memory_space<vmem_shared>> -> memref<10240x8xf32, #tpu.memory_space<vmem_shared>>
    tpu.wait_indirect_dma semaphore(%arg17 : memref<!tpu.dma_semaphore, #tpu.memory_space<semaphore_mem>>) src(%dma_wait3A_201 : memref<128x8xf32, #tpu.memory_space<vmem>>) dst(%dma_wait3A_207 : memref<10240x8xf32, #tpu.memory_space<vmem_shared>>)
    %barrier3A_208 = arith.constant 0 : index
    tpu.barrier barrier_id(%barrier3A_208)
    %mul3A_209 = arith.constant 640 : i32
    %mul3A_210 = arith.muli %arg1, %mul3A_209 : i32
    %mul3A_211 = arith.constant 640 : i32
    %mul3A_212 = arith.muli %arg1, %mul3A_211 : i32
    "tpu.region"() ({
      %run_scoped3A = tpu.sem_alloc : memref<!tpu.dma_semaphore, #tpu.memory_space<semaphore_mem>>
      %dma_start3A_213 = arith.constant 0 : i32
      %dma_start3A_214 = tpu.memref_slice %arg6[%arg0, %mul3A_212, %dma_start3A_213] : memref<2x10240x8xf32, #tpu.memory_space<hbm>> -> memref<1x640x8xf32, #tpu.memory_space<hbm>>
      %dma_start3A_215 = tpu.memref_squeeze %dma_start3A_214 : memref<1x640x8xf32, #tpu.memory_space<hbm>> -> memref<640x8xf32, #tpu.memory_space<hbm>>
      %dma_start3A_216 = arith.constant 0 : i32
      %dma_start3A_217 = tpu.memref_slice %arg18[%mul3A_210, %dma_start3A_216] : memref<10240x8xf32, #tpu.memory_space<vmem_shared>> -> memref<640x8xf32, #tpu.memory_space<vmem_shared>>
      tpu.enqueue_dma source(%dma_start3A_217 : memref<640x8xf32, #tpu.memory_space<vmem_shared>>) target(%dma_start3A_215 : memref<640x8xf32, #tpu.memory_space<hbm>>) target_semaphore(%run_scoped3A : memref<!tpu.dma_semaphore, #tpu.memory_space<semaphore_mem>>)
      %dma_wait3A_218 = arith.constant 0 : i32
      %dma_wait3A_219 = tpu.memref_slice %arg6[%arg0, %mul3A_212, %dma_wait3A_218] : memref<2x10240x8xf32, #tpu.memory_space<hbm>> -> memref<1x640x8xf32, #tpu.memory_space<hbm>>
      %dma_wait3A_220 = tpu.memref_squeeze %dma_wait3A_219 : memref<1x640x8xf32, #tpu.memory_space<hbm>> -> memref<640x8xf32, #tpu.memory_space<hbm>>
      %dma_wait3A_221 = arith.constant 0 : i32
      %dma_wait3A_222 = tpu.memref_slice %arg18[%mul3A_210, %dma_wait3A_221] : memref<10240x8xf32, #tpu.memory_space<vmem_shared>> -> memref<640x8xf32, #tpu.memory_space<vmem_shared>>
      tpu.wait_dma2 semaphore(%run_scoped3A : memref<!tpu.dma_semaphore, #tpu.memory_space<semaphore_mem>>) src(%dma_wait3A_222 : memref<640x8xf32, #tpu.memory_space<vmem_shared>>) dst(%dma_wait3A_220 : memref<640x8xf32, #tpu.memory_space<hbm>>)
      tpu.yield
    }) : () -> ()
    return
  }
}

module attributes {stable_mosaic.version = 14 : i64} {
  func.func @_gatenorm_body(%arg0: memref<10240x128xf32, #tpu.memory_space<vmem>>, %arg1: memref<128x8xf32, #tpu.memory_space<vmem>>, %arg2: memref<1x8xf32, #tpu.memory_space<vmem>>, %arg3: memref<2x10240x8xf32, #tpu.memory_space<vmem>>, %arg4: memref<10240x8xf32, #tpu.memory_space<vmem>>, %arg5: memref<10240x8xf32, #tpu.memory_space<vmem>>, %arg6: memref<10240x8xf32, #tpu.memory_space<vmem>>) attributes {dimension_semantics = [], scalar_prefetch = 0 : i64, scratch_operands = 0 : i64, tpu.core_type = #tpu.core_type<tc>} {
    %get3A = arith.constant 0 : index
    %get3A_0 = arith.constant 0 : index
    %get3A_1 = vector.load %arg0[%get3A, %get3A_0] : memref<10240x128xf32, #tpu.memory_space<vmem>>, vector<10240x128xf32>
    %get3A_2 = arith.constant 0 : index
    %get3A_3 = arith.constant 0 : index
    %get3A_4 = vector.load %arg1[%get3A_2, %get3A_3] : memref<128x8xf32, #tpu.memory_space<vmem>>, vector<128x8xf32>
    %dot_general3A = arith.constant dense<0.000000e+00> : vector<10240x8xf32>
    %dot_general3A_5 = tpu.matmul %get3A_1, %get3A_4, %dot_general3A {dimension_numbers = #tpu.dot_dimension_numbers<[1], [0], [0], [1], [0, 0, 1, 1], [], []>, transpose_lhs_hint = false} : vector<10240x128xf32>, vector<128x8xf32>, vector<10240x8xf32> -> vector<10240x8xf32>
    %get3A_6 = arith.constant 0 : index
    %get3A_7 = arith.constant 0 : index
    %get3A_8 = vector.load %arg2[%get3A_6, %get3A_7] : memref<1x8xf32, #tpu.memory_space<vmem>>, vector<1x8xf32>
    %add3A = vector.broadcast %get3A_8 : vector<1x8xf32> to vector<10240x8xf32>
    %add3A_9 = arith.addf %dot_general3A_5, %add3A : vector<10240x8xf32>
    %iota3A = tpu.iota {dimensions = array<i32: 0>} : vector<10240x1xi32>
    %lt3A = arith.constant 10000 : i32
    %lt3A_10 = vector.broadcast %lt3A : i32 to vector<10240x1xi32>
    %lt3A_11 = arith.cmpi slt, %iota3A, %lt3A_10 : vector<10240x1xi32>
    %iota3A_12 = tpu.iota {dimensions = array<i32: 1>} : vector<1x8xi32>
    %lt3A_13 = arith.constant 7 : i32
    %lt3A_14 = vector.broadcast %lt3A_13 : i32 to vector<1x8xi32>
    %lt3A_15 = arith.cmpi slt, %iota3A_12, %lt3A_14 : vector<1x8xi32>
    %and3A = vector.broadcast %lt3A_11 : vector<10240x1xi1> to vector<10240x8xi1>
    %and3A_16 = vector.broadcast %lt3A_15 : vector<1x8xi1> to vector<10240x8xi1>
    %and3A_17 = arith.andi %and3A, %and3A_16 : vector<10240x8xi1>
    %logistic3A = arith.negf %add3A_9 : vector<10240x8xf32>
    %logistic3A_18 = math.exp %logistic3A : vector<10240x8xf32>
    %logistic3A_19 = arith.constant 1.000000e+00 : f32
    %logistic3A_20 = vector.broadcast %logistic3A_19 : f32 to vector<10240x8xf32>
    %logistic3A_21 = arith.addf %logistic3A_20, %logistic3A_18 : vector<10240x8xf32>
    %logistic3A_22 = arith.divf %logistic3A_20, %logistic3A_21 : vector<10240x8xf32>
    %jit3A = arith.constant 0.000000e+00 : f32
    %broadcast_in_dim3A = vector.broadcast %jit3A : f32 to vector<10240x8xf32>
    %select_n3A = arith.select %and3A_17, %logistic3A_22, %broadcast_in_dim3A : vector<10240x8xi1>, vector<10240x8xf32>
    %get3A_23 = arith.constant 0 : index
    %get3A_24 = arith.constant 0 : index
    %get3A_25 = arith.constant 0 : index
    %get3A_26 = vector.load %arg3[%get3A_23, %get3A_24, %get3A_25] : memref<2x10240x8xf32, #tpu.memory_space<vmem>>, vector<1x10240x8xf32>
    %get3A_27 = vector.shape_cast %get3A_26 : vector<1x10240x8xf32> to vector<10240x8xf32>
    %get3A_28 = arith.constant 1 : index
    %get3A_29 = arith.constant 0 : index
    %get3A_30 = arith.constant 0 : index
    %get3A_31 = vector.load %arg3[%get3A_28, %get3A_29, %get3A_30] : memref<2x10240x8xf32, #tpu.memory_space<vmem>>, vector<1x10240x8xf32>
    %get3A_32 = vector.shape_cast %get3A_31 : vector<1x10240x8xf32> to vector<10240x8xf32>
    %add3A_33 = arith.addf %get3A_27, %get3A_32 : vector<10240x8xf32>
    %max3A = arith.constant 1.000000e+00 : f32
    %max3A_34 = vector.broadcast %max3A : f32 to vector<10240x8xf32>
    %max3A_35 = arith.maximumf %add3A_33, %max3A_34 : vector<10240x8xf32>
    %rsqrt3A = math.rsqrt %max3A_35 : vector<10240x8xf32>
    %swap3A = arith.constant 0 : index
    %swap3A_36 = arith.constant 0 : index
    %swap3A_37 = vector.load %arg4[%swap3A, %swap3A_36] : memref<10240x8xf32, #tpu.memory_space<vmem>>, vector<10240x8xf32>
    tpu.vector_store %arg4[%swap3A, %swap3A_36], %select_n3A {strides = array<i32>} : memref<10240x8xf32, #tpu.memory_space<vmem>>, vector<10240x8xf32>,
    %swap3A_38 = arith.constant 0 : index
    %swap3A_39 = arith.constant 0 : index
    %swap3A_40 = vector.load %arg5[%swap3A_38, %swap3A_39] : memref<10240x8xf32, #tpu.memory_space<vmem>>, vector<10240x8xf32>
    tpu.vector_store %arg5[%swap3A_38, %swap3A_39], %rsqrt3A {strides = array<i32>} : memref<10240x8xf32, #tpu.memory_space<vmem>>, vector<10240x8xf32>,
    %mul3A = arith.mulf %select_n3A, %rsqrt3A : vector<10240x8xf32>
    %swap3A_41 = arith.constant 0 : index
    %swap3A_42 = arith.constant 0 : index
    %swap3A_43 = vector.load %arg6[%swap3A_41, %swap3A_42] : memref<10240x8xf32, #tpu.memory_space<vmem>>, vector<10240x8xf32>
    tpu.vector_store %arg6[%swap3A_41, %swap3A_42], %mul3A {strides = array<i32>} : memref<10240x8xf32, #tpu.memory_space<vmem>>, vector<10240x8xf32>,
    return
  }
}

module attributes {stable_mosaic.version = 14 : i64} {
  func.func @_scale_body(%arg0: memref<2x10240x8xf32, #tpu.memory_space<vmem>>, %arg1: memref<10240x8xf32, #tpu.memory_space<vmem>>, %arg2: memref<10240x8xf32, #tpu.memory_space<vmem>>, %arg3: memref<10240x8xf32, #tpu.memory_space<vmem>>) attributes {dimension_semantics = [], scalar_prefetch = 0 : i64, scratch_operands = 0 : i64, tpu.core_type = #tpu.core_type<tc>} {
    %iota3A = tpu.iota {dimensions = array<i32: 0>} : vector<10240x1xi32>
    %lt3A = arith.constant 10000 : i32
    %lt3A_0 = vector.broadcast %lt3A : i32 to vector<10240x1xi32>
    %lt3A_1 = arith.cmpi slt, %iota3A, %lt3A_0 : vector<10240x1xi32>
    %get3A = arith.constant 0 : index
    %get3A_2 = arith.constant 0 : index
    %get3A_3 = arith.constant 0 : index
    %get3A_4 = vector.load %arg0[%get3A, %get3A_2, %get3A_3] : memref<2x10240x8xf32, #tpu.memory_space<vmem>>, vector<1x10240x8xf32>
    %get3A_5 = vector.shape_cast %get3A_4 : vector<1x10240x8xf32> to vector<10240x8xf32>
    %get3A_6 = arith.constant 1 : index
    %get3A_7 = arith.constant 0 : index
    %get3A_8 = arith.constant 0 : index
    %get3A_9 = vector.load %arg0[%get3A_6, %get3A_7, %get3A_8] : memref<2x10240x8xf32, #tpu.memory_space<vmem>>, vector<1x10240x8xf32>
    %get3A_10 = vector.shape_cast %get3A_9 : vector<1x10240x8xf32> to vector<10240x8xf32>
    %add3A = arith.addf %get3A_5, %get3A_10 : vector<10240x8xf32>
    %get3A_11 = arith.constant 0 : index
    %get3A_12 = arith.constant 0 : index
    %get3A_13 = vector.load %arg1[%get3A_11, %get3A_12] : memref<10240x8xf32, #tpu.memory_space<vmem>>, vector<10240x8xf32>
    %mul3A = arith.mulf %add3A, %get3A_13 : vector<10240x8xf32>
    %jit3A = arith.constant 0.000000e+00 : f32
    %broadcast_in_dim3A = vector.shape_cast %lt3A_1 : vector<10240x1xi1> to vector<10240x1xi1>
    %broadcast_in_dim3A_14 = vector.broadcast %broadcast_in_dim3A : vector<10240x1xi1> to vector<10240x8xi1>
    %broadcast_in_dim3A_15 = vector.broadcast %jit3A : f32 to vector<10240x8xf32>
    %select_n3A = arith.select %broadcast_in_dim3A_14, %mul3A, %broadcast_in_dim3A_15 : vector<10240x8xi1>, vector<10240x8xf32>
    %swap3A = arith.constant 0 : index
    %swap3A_16 = arith.constant 0 : index
    %swap3A_17 = vector.load %arg2[%swap3A, %swap3A_16] : memref<10240x8xf32, #tpu.memory_space<vmem>>, vector<10240x8xf32>
    tpu.vector_store %arg2[%swap3A, %swap3A_16], %select_n3A {strides = array<i32>} : memref<10240x8xf32, #tpu.memory_space<vmem>>, vector<10240x8xf32>,
    %get3A_18 = arith.constant 0 : index
    %get3A_19 = arith.constant 0 : index
    %get3A_20 = vector.load %arg1[%get3A_18, %get3A_19] : memref<10240x8xf32, #tpu.memory_space<vmem>>, vector<10240x8xf32>
    %mul3A_21 = arith.mulf %select_n3A, %get3A_20 : vector<10240x8xf32>
    %swap3A_22 = arith.constant 0 : index
    %swap3A_23 = arith.constant 0 : index
    %swap3A_24 = vector.load %arg3[%swap3A_22, %swap3A_23] : memref<10240x8xf32, #tpu.memory_space<vmem>>, vector<10240x8xf32>
    tpu.vector_store %arg3[%swap3A_22, %swap3A_23], %mul3A_21 {strides = array<i32>} : memref<10240x8xf32, #tpu.memory_space<vmem>>, vector<10240x8xf32>,
    return
  }
}

module attributes {stable_mosaic.version = 14 : i64} {
  func.func @_layer_body(%arg0: memref<2x10240x8xf32, #tpu.memory_space<vmem>>, %arg1: memref<10240x8xf32, #tpu.memory_space<vmem>>, %arg2: memref<10240x8xf32, #tpu.memory_space<vmem>>, %arg3: memref<10240x8xf32, #tpu.memory_space<vmem>>, %arg4: memref<24x8xf32, #tpu.memory_space<vmem>>, %arg5: memref<1x8xf32, #tpu.memory_space<vmem>>, %arg6: memref<1x8xf32, #tpu.memory_space<vmem>>, %arg7: memref<10240x8xf32, #tpu.memory_space<vmem>>, %arg8: memref<10240x8xf32, #tpu.memory_space<vmem>>) attributes {dimension_semantics = [], scalar_prefetch = 0 : i64, scratch_operands = 0 : i64, tpu.core_type = #tpu.core_type<tc>} {
    %iota3A = tpu.iota {dimensions = array<i32: 0>} : vector<10240x1xi32>
    %lt3A = arith.constant 10000 : i32
    %lt3A_0 = vector.broadcast %lt3A : i32 to vector<10240x1xi32>
    %lt3A_1 = arith.cmpi slt, %iota3A, %lt3A_0 : vector<10240x1xi32>
    %get3A = arith.constant 0 : index
    %get3A_2 = arith.constant 0 : index
    %get3A_3 = arith.constant 0 : index
    %get3A_4 = vector.load %arg0[%get3A, %get3A_2, %get3A_3] : memref<2x10240x8xf32, #tpu.memory_space<vmem>>, vector<1x10240x8xf32>
    %get3A_5 = vector.shape_cast %get3A_4 : vector<1x10240x8xf32> to vector<10240x8xf32>
    %get3A_6 = arith.constant 1 : index
    %get3A_7 = arith.constant 0 : index
    %get3A_8 = arith.constant 0 : index
    %get3A_9 = vector.load %arg0[%get3A_6, %get3A_7, %get3A_8] : memref<2x10240x8xf32, #tpu.memory_space<vmem>>, vector<1x10240x8xf32>
    %get3A_10 = vector.shape_cast %get3A_9 : vector<1x10240x8xf32> to vector<10240x8xf32>
    %add3A = arith.addf %get3A_5, %get3A_10 : vector<10240x8xf32>
    %get3A_11 = arith.constant 0 : index
    %get3A_12 = arith.constant 0 : index
    %get3A_13 = vector.load %arg1[%get3A_11, %get3A_12] : memref<10240x8xf32, #tpu.memory_space<vmem>>, vector<10240x8xf32>
    %mul3A = arith.mulf %add3A, %get3A_13 : vector<10240x8xf32>
    %jit3A = arith.constant 0.000000e+00 : f32
    %broadcast_in_dim3A = vector.shape_cast %lt3A_1 : vector<10240x1xi1> to vector<10240x1xi1>
    %broadcast_in_dim3A_14 = vector.broadcast %broadcast_in_dim3A : vector<10240x1xi1> to vector<10240x8xi1>
    %broadcast_in_dim3A_15 = vector.broadcast %jit3A : f32 to vector<10240x8xf32>
    %select_n3A = arith.select %broadcast_in_dim3A_14, %mul3A, %broadcast_in_dim3A_15 : vector<10240x8xi1>, vector<10240x8xf32>
    %get3A_16 = arith.constant 0 : index
    %get3A_17 = arith.constant 0 : index
    %get3A_18 = vector.load %arg4[%get3A_16, %get3A_17] : memref<24x8xf32, #tpu.memory_space<vmem>>, vector<24x8xf32>
    %get3A_19 = arith.constant 0 : index
    %get3A_20 = arith.constant 0 : index
    %get3A_21 = vector.load %arg2[%get3A_19, %get3A_20] : memref<10240x8xf32, #tpu.memory_space<vmem>>, vector<10240x8xf32>
    %slice3A = vector.extract_strided_slice %get3A_18 {offsets = [0, 0], sizes = [8, 8], strides = [1, 1]} : vector<24x8xf32> to vector<8x8xf32>
    %dot_general3A = arith.constant dense<0.000000e+00> : vector<10240x8xf32>
    %dot_general3A_22 = tpu.matmul %get3A_21, %slice3A, %dot_general3A {dimension_numbers = #tpu.dot_dimension_numbers<[1], [0], [0], [1], [0, 0, 1, 1], [], []>, transpose_lhs_hint = false} : vector<10240x8xf32>, vector<8x8xf32>, vector<10240x8xf32> -> vector<10240x8xf32>
    %get3A_23 = arith.constant 0 : index
    %get3A_24 = arith.constant 0 : index
    %get3A_25 = vector.load %arg3[%get3A_23, %get3A_24] : memref<10240x8xf32, #tpu.memory_space<vmem>>, vector<10240x8xf32>
    %slice3A_26 = vector.extract_strided_slice %get3A_18 {offsets = [8, 0], sizes = [8, 8], strides = [1, 1]} : vector<24x8xf32> to vector<8x8xf32>
    %dot_general3A_27 = arith.constant dense<0.000000e+00> : vector<10240x8xf32>
    %dot_general3A_28 = tpu.matmul %get3A_25, %slice3A_26, %dot_general3A_27 {dimension_numbers = #tpu.dot_dimension_numbers<[1], [0], [0], [1], [0, 0, 1, 1], [], []>, transpose_lhs_hint = false} : vector<10240x8xf32>, vector<8x8xf32>, vector<10240x8xf32> -> vector<10240x8xf32>
    %add3A_29 = arith.addf %dot_general3A_22, %dot_general3A_28 : vector<10240x8xf32>
    %slice3A_30 = vector.extract_strided_slice %get3A_18 {offsets = [16, 0], sizes = [8, 8], strides = [1, 1]} : vector<24x8xf32> to vector<8x8xf32>
    %dot_general3A_31 = arith.constant dense<0.000000e+00> : vector<10240x8xf32>
    %dot_general3A_32 = tpu.matmul %select_n3A, %slice3A_30, %dot_general3A_31 {dimension_numbers = #tpu.dot_dimension_numbers<[1], [0], [0], [1], [0, 0, 1, 1], [], []>, transpose_lhs_hint = false} : vector<10240x8xf32>, vector<8x8xf32>, vector<10240x8xf32> -> vector<10240x8xf32>
    %add3A_33 = arith.addf %add3A_29, %dot_general3A_32 : vector<10240x8xf32>
    %iota3A_34 = tpu.iota {dimensions = array<i32: 0>} : vector<10240x1xi32>
    %lt3A_35 = arith.constant 10000 : i32
    %lt3A_36 = vector.broadcast %lt3A_35 : i32 to vector<10240x1xi32>
    %lt3A_37 = arith.cmpi slt, %iota3A_34, %lt3A_36 : vector<10240x1xi32>
    %iota3A_38 = tpu.iota {dimensions = array<i32: 1>} : vector<1x8xi32>
    %lt3A_39 = arith.constant 7 : i32
    %lt3A_40 = vector.broadcast %lt3A_39 : i32 to vector<1x8xi32>
    %lt3A_41 = arith.cmpi slt, %iota3A_38, %lt3A_40 : vector<1x8xi32>
    %and3A = vector.broadcast %lt3A_37 : vector<10240x1xi1> to vector<10240x8xi1>
    %and3A_42 = vector.broadcast %lt3A_41 : vector<1x8xi1> to vector<10240x8xi1>
    %and3A_43 = arith.andi %and3A, %and3A_42 : vector<10240x8xi1>
    %get3A_44 = arith.constant 0 : index
    %get3A_45 = arith.constant 0 : index
    %get3A_46 = vector.load %arg5[%get3A_44, %get3A_45] : memref<1x8xf32, #tpu.memory_space<vmem>>, vector<1x8xf32>
    %get3A_47 = arith.constant 0 : index
    %get3A_48 = arith.constant 0 : index
    %get3A_49 = vector.load %arg6[%get3A_47, %get3A_48] : memref<1x8xf32, #tpu.memory_space<vmem>>, vector<1x8xf32>
    %reduce_sum3A = arith.constant dense<0.000000e+00> : vector<8xf32>
    %reduce_sum3A_50 = vector.multi_reduction <add>, %add3A_33, %reduce_sum3A [0] : vector<10240x8xf32> to vector<8xf32>
    %broadcast_in_dim3A_51 = vector.shape_cast %reduce_sum3A_50 : vector<8xf32> to vector<1x8xf32>
    %div3A = arith.constant 1.000000e+04 : f32
    %div3A_52 = vector.broadcast %div3A : f32 to vector<1x8xf32>
    %div3A_53 = arith.divf %broadcast_in_dim3A_51, %div3A_52 : vector<1x8xf32>
    %mul3A_54 = arith.mulf %add3A_33, %add3A_33 : vector<10240x8xf32>
    %reduce_sum3A_55 = arith.constant dense<0.000000e+00> : vector<8xf32>
    %reduce_sum3A_56 = vector.multi_reduction <add>, %mul3A_54, %reduce_sum3A_55 [0] : vector<10240x8xf32> to vector<8xf32>
    %broadcast_in_dim3A_57 = vector.shape_cast %reduce_sum3A_56 : vector<8xf32> to vector<1x8xf32>
    %div3A_58 = arith.constant 1.000000e+04 : f32
    %div3A_59 = vector.broadcast %div3A_58 : f32 to vector<1x8xf32>
    %div3A_60 = arith.divf %broadcast_in_dim3A_57, %div3A_59 : vector<1x8xf32>
    %mul3A_61 = arith.mulf %div3A_53, %div3A_53 : vector<1x8xf32>
    %sub3A = arith.subf %div3A_60, %mul3A_61 : vector<1x8xf32>
    %sub3A_62 = vector.broadcast %div3A_53 : vector<1x8xf32> to vector<10240x8xf32>
    %sub3A_63 = arith.subf %add3A_33, %sub3A_62 : vector<10240x8xf32>
    %add3A_64 = arith.constant 9.99999974E-6 : f32
    %add3A_65 = vector.broadcast %add3A_64 : f32 to vector<1x8xf32>
    %add3A_66 = arith.addf %sub3A, %add3A_65 : vector<1x8xf32>
    %rsqrt3A = math.rsqrt %add3A_66 : vector<1x8xf32>
    %mul3A_67 = vector.broadcast %rsqrt3A : vector<1x8xf32> to vector<10240x8xf32>
    %mul3A_68 = arith.mulf %sub3A_63, %mul3A_67 : vector<10240x8xf32>
    %mul3A_69 = vector.broadcast %get3A_46 : vector<1x8xf32> to vector<10240x8xf32>
    %mul3A_70 = arith.mulf %mul3A_68, %mul3A_69 : vector<10240x8xf32>
    %add3A_71 = vector.broadcast %get3A_49 : vector<1x8xf32> to vector<10240x8xf32>
    %add3A_72 = arith.addf %mul3A_70, %add3A_71 : vector<10240x8xf32>
    %max3A = arith.constant 0.000000e+00 : f32
    %max3A_73 = vector.broadcast %max3A : f32 to vector<10240x8xf32>
    %max3A_74 = arith.maximumf %add3A_72, %max3A_73 : vector<10240x8xf32>
    %jit3A_75 = arith.constant 0.000000e+00 : f32
    %broadcast_in_dim3A_76 = vector.broadcast %jit3A_75 : f32 to vector<10240x8xf32>
    %select_n3A_77 = arith.select %and3A_43, %max3A_74, %broadcast_in_dim3A_76 : vector<10240x8xi1>, vector<10240x8xf32>
    %swap3A = arith.constant 0 : index
    %swap3A_78 = arith.constant 0 : index
    %swap3A_79 = vector.load %arg7[%swap3A, %swap3A_78] : memref<10240x8xf32, #tpu.memory_space<vmem>>, vector<10240x8xf32>
    tpu.vector_store %arg7[%swap3A, %swap3A_78], %select_n3A_77 {strides = array<i32>} : memref<10240x8xf32, #tpu.memory_space<vmem>>, vector<10240x8xf32>,
    %get3A_80 = arith.constant 0 : index
    %get3A_81 = arith.constant 0 : index
    %get3A_82 = vector.load %arg1[%get3A_80, %get3A_81] : memref<10240x8xf32, #tpu.memory_space<vmem>>, vector<10240x8xf32>
    %mul3A_83 = arith.mulf %select_n3A_77, %get3A_82 : vector<10240x8xf32>
    %swap3A_84 = arith.constant 0 : index
    %swap3A_85 = arith.constant 0 : index
    %swap3A_86 = vector.load %arg8[%swap3A_84, %swap3A_85] : memref<10240x8xf32, #tpu.memory_space<vmem>>, vector<10240x8xf32>
    tpu.vector_store %arg8[%swap3A_84, %swap3A_85], %mul3A_83 {strides = array<i32>} : memref<10240x8xf32, #tpu.memory_space<vmem>>, vector<10240x8xf32>,
    return
  }
}

module attributes {stable_mosaic.version = 14 : i64} {
  func.func @_final_body(%arg0: memref<2x10240x8xf32, #tpu.memory_space<vmem>>, %arg1: memref<10240x8xf32, #tpu.memory_space<vmem>>, %arg2: memref<10240x8xf32, #tpu.memory_space<vmem>>, %arg3: memref<10240x8xf32, #tpu.memory_space<vmem>>, %arg4: memref<24x8xf32, #tpu.memory_space<vmem>>, %arg5: memref<1x8xf32, #tpu.memory_space<vmem>>, %arg6: memref<1x8xf32, #tpu.memory_space<vmem>>, %arg7: memref<8x128xf32, #tpu.memory_space<vmem>>, %arg8: memref<1x128xf32, #tpu.memory_space<vmem>>, %arg9: memref<1x128xf32, #tpu.memory_space<vmem>>) attributes {dimension_semantics = [], scalar_prefetch = 0 : i64, scratch_operands = 0 : i64, tpu.core_type = #tpu.core_type<tc>} {
    %iota3A = tpu.iota {dimensions = array<i32: 0>} : vector<10240x1xi32>
    %lt3A = arith.constant 10000 : i32
    %lt3A_0 = vector.broadcast %lt3A : i32 to vector<10240x1xi32>
    %lt3A_1 = arith.cmpi slt, %iota3A, %lt3A_0 : vector<10240x1xi32>
    %get3A = arith.constant 0 : index
    %get3A_2 = arith.constant 0 : index
    %get3A_3 = arith.constant 0 : index
    %get3A_4 = vector.load %arg0[%get3A, %get3A_2, %get3A_3] : memref<2x10240x8xf32, #tpu.memory_space<vmem>>, vector<1x10240x8xf32>
    %get3A_5 = vector.shape_cast %get3A_4 : vector<1x10240x8xf32> to vector<10240x8xf32>
    %get3A_6 = arith.constant 1 : index
    %get3A_7 = arith.constant 0 : index
    %get3A_8 = arith.constant 0 : index
    %get3A_9 = vector.load %arg0[%get3A_6, %get3A_7, %get3A_8] : memref<2x10240x8xf32, #tpu.memory_space<vmem>>, vector<1x10240x8xf32>
    %get3A_10 = vector.shape_cast %get3A_9 : vector<1x10240x8xf32> to vector<10240x8xf32>
    %add3A = arith.addf %get3A_5, %get3A_10 : vector<10240x8xf32>
    %get3A_11 = arith.constant 0 : index
    %get3A_12 = arith.constant 0 : index
    %get3A_13 = vector.load %arg1[%get3A_11, %get3A_12] : memref<10240x8xf32, #tpu.memory_space<vmem>>, vector<10240x8xf32>
    %mul3A = arith.mulf %add3A, %get3A_13 : vector<10240x8xf32>
    %jit3A = arith.constant 0.000000e+00 : f32
    %broadcast_in_dim3A = vector.shape_cast %lt3A_1 : vector<10240x1xi1> to vector<10240x1xi1>
    %broadcast_in_dim3A_14 = vector.broadcast %broadcast_in_dim3A : vector<10240x1xi1> to vector<10240x8xi1>
    %broadcast_in_dim3A_15 = vector.broadcast %jit3A : f32 to vector<10240x8xf32>
    %select_n3A = arith.select %broadcast_in_dim3A_14, %mul3A, %broadcast_in_dim3A_15 : vector<10240x8xi1>, vector<10240x8xf32>
    %get3A_16 = arith.constant 0 : index
    %get3A_17 = arith.constant 0 : index
    %get3A_18 = vector.load %arg4[%get3A_16, %get3A_17] : memref<24x8xf32, #tpu.memory_space<vmem>>, vector<24x8xf32>
    %get3A_19 = arith.constant 0 : index
    %get3A_20 = arith.constant 0 : index
    %get3A_21 = vector.load %arg2[%get3A_19, %get3A_20] : memref<10240x8xf32, #tpu.memory_space<vmem>>, vector<10240x8xf32>
    %slice3A = vector.extract_strided_slice %get3A_18 {offsets = [0, 0], sizes = [8, 8], strides = [1, 1]} : vector<24x8xf32> to vector<8x8xf32>
    %dot_general3A = arith.constant dense<0.000000e+00> : vector<10240x8xf32>
    %dot_general3A_22 = tpu.matmul %get3A_21, %slice3A, %dot_general3A {dimension_numbers = #tpu.dot_dimension_numbers<[1], [0], [0], [1], [0, 0, 1, 1], [], []>, transpose_lhs_hint = false} : vector<10240x8xf32>, vector<8x8xf32>, vector<10240x8xf32> -> vector<10240x8xf32>
    %get3A_23 = arith.constant 0 : index
    %get3A_24 = arith.constant 0 : index
    %get3A_25 = vector.load %arg3[%get3A_23, %get3A_24] : memref<10240x8xf32, #tpu.memory_space<vmem>>, vector<10240x8xf32>
    %slice3A_26 = vector.extract_strided_slice %get3A_18 {offsets = [8, 0], sizes = [8, 8], strides = [1, 1]} : vector<24x8xf32> to vector<8x8xf32>
    %dot_general3A_27 = arith.constant dense<0.000000e+00> : vector<10240x8xf32>
    %dot_general3A_28 = tpu.matmul %get3A_25, %slice3A_26, %dot_general3A_27 {dimension_numbers = #tpu.dot_dimension_numbers<[1], [0], [0], [1], [0, 0, 1, 1], [], []>, transpose_lhs_hint = false} : vector<10240x8xf32>, vector<8x8xf32>, vector<10240x8xf32> -> vector<10240x8xf32>
    %add3A_29 = arith.addf %dot_general3A_22, %dot_general3A_28 : vector<10240x8xf32>
    %slice3A_30 = vector.extract_strided_slice %get3A_18 {offsets = [16, 0], sizes = [8, 8], strides = [1, 1]} : vector<24x8xf32> to vector<8x8xf32>
    %dot_general3A_31 = arith.constant dense<0.000000e+00> : vector<10240x8xf32>
    %dot_general3A_32 = tpu.matmul %select_n3A, %slice3A_30, %dot_general3A_31 {dimension_numbers = #tpu.dot_dimension_numbers<[1], [0], [0], [1], [0, 0, 1, 1], [], []>, transpose_lhs_hint = false} : vector<10240x8xf32>, vector<8x8xf32>, vector<10240x8xf32> -> vector<10240x8xf32>
    %add3A_33 = arith.addf %add3A_29, %dot_general3A_32 : vector<10240x8xf32>
    %iota3A_34 = tpu.iota {dimensions = array<i32: 0>} : vector<10240x1xi32>
    %lt3A_35 = arith.constant 10000 : i32
    %lt3A_36 = vector.broadcast %lt3A_35 : i32 to vector<10240x1xi32>
    %lt3A_37 = arith.cmpi slt, %iota3A_34, %lt3A_36 : vector<10240x1xi32>
    %iota3A_38 = tpu.iota {dimensions = array<i32: 1>} : vector<1x8xi32>
    %lt3A_39 = arith.constant 7 : i32
    %lt3A_40 = vector.broadcast %lt3A_39 : i32 to vector<1x8xi32>
    %lt3A_41 = arith.cmpi slt, %iota3A_38, %lt3A_40 : vector<1x8xi32>
    %and3A = vector.broadcast %lt3A_37 : vector<10240x1xi1> to vector<10240x8xi1>
    %and3A_42 = vector.broadcast %lt3A_41 : vector<1x8xi1> to vector<10240x8xi1>
    %and3A_43 = arith.andi %and3A, %and3A_42 : vector<10240x8xi1>
    %get3A_44 = arith.constant 0 : index
    %get3A_45 = arith.constant 0 : index
    %get3A_46 = vector.load %arg5[%get3A_44, %get3A_45] : memref<1x8xf32, #tpu.memory_space<vmem>>, vector<1x8xf32>
    %get3A_47 = arith.constant 0 : index
    %get3A_48 = arith.constant 0 : index
    %get3A_49 = vector.load %arg6[%get3A_47, %get3A_48] : memref<1x8xf32, #tpu.memory_space<vmem>>, vector<1x8xf32>
    %reduce_sum3A = arith.constant dense<0.000000e+00> : vector<8xf32>
    %reduce_sum3A_50 = vector.multi_reduction <add>, %add3A_33, %reduce_sum3A [0] : vector<10240x8xf32> to vector<8xf32>
    %broadcast_in_dim3A_51 = vector.shape_cast %reduce_sum3A_50 : vector<8xf32> to vector<1x8xf32>
    %div3A = arith.constant 1.000000e+04 : f32
    %div3A_52 = vector.broadcast %div3A : f32 to vector<1x8xf32>
    %div3A_53 = arith.divf %broadcast_in_dim3A_51, %div3A_52 : vector<1x8xf32>
    %mul3A_54 = arith.mulf %add3A_33, %add3A_33 : vector<10240x8xf32>
    %reduce_sum3A_55 = arith.constant dense<0.000000e+00> : vector<8xf32>
    %reduce_sum3A_56 = vector.multi_reduction <add>, %mul3A_54, %reduce_sum3A_55 [0] : vector<10240x8xf32> to vector<8xf32>
    %broadcast_in_dim3A_57 = vector.shape_cast %reduce_sum3A_56 : vector<8xf32> to vector<1x8xf32>
    %div3A_58 = arith.constant 1.000000e+04 : f32
    %div3A_59 = vector.broadcast %div3A_58 : f32 to vector<1x8xf32>
    %div3A_60 = arith.divf %broadcast_in_dim3A_57, %div3A_59 : vector<1x8xf32>
    %mul3A_61 = arith.mulf %div3A_53, %div3A_53 : vector<1x8xf32>
    %sub3A = arith.subf %div3A_60, %mul3A_61 : vector<1x8xf32>
    %sub3A_62 = vector.broadcast %div3A_53 : vector<1x8xf32> to vector<10240x8xf32>
    %sub3A_63 = arith.subf %add3A_33, %sub3A_62 : vector<10240x8xf32>
    %add3A_64 = arith.constant 9.99999974E-6 : f32
    %add3A_65 = vector.broadcast %add3A_64 : f32 to vector<1x8xf32>
    %add3A_66 = arith.addf %sub3A, %add3A_65 : vector<1x8xf32>
    %rsqrt3A = math.rsqrt %add3A_66 : vector<1x8xf32>
    %mul3A_67 = vector.broadcast %rsqrt3A : vector<1x8xf32> to vector<10240x8xf32>
    %mul3A_68 = arith.mulf %sub3A_63, %mul3A_67 : vector<10240x8xf32>
    %mul3A_69 = vector.broadcast %get3A_46 : vector<1x8xf32> to vector<10240x8xf32>
    %mul3A_70 = arith.mulf %mul3A_68, %mul3A_69 : vector<10240x8xf32>
    %add3A_71 = vector.broadcast %get3A_49 : vector<1x8xf32> to vector<10240x8xf32>
    %add3A_72 = arith.addf %mul3A_70, %add3A_71 : vector<10240x8xf32>
    %max3A = arith.constant 0.000000e+00 : f32
    %max3A_73 = vector.broadcast %max3A : f32 to vector<10240x8xf32>
    %max3A_74 = arith.maximumf %add3A_72, %max3A_73 : vector<10240x8xf32>
    %jit3A_75 = arith.constant 0.000000e+00 : f32
    %broadcast_in_dim3A_76 = vector.broadcast %jit3A_75 : f32 to vector<10240x8xf32>
    %select_n3A_77 = arith.select %and3A_43, %max3A_74, %broadcast_in_dim3A_76 : vector<10240x8xi1>, vector<10240x8xf32>
    %reduce_sum3A_78 = arith.constant dense<0.000000e+00> : vector<8xf32>
    %reduce_sum3A_79 = vector.multi_reduction <add>, %select_n3A_77, %reduce_sum3A_78 [0] : vector<10240x8xf32> to vector<8xf32>
    %broadcast_in_dim3A_80 = vector.shape_cast %reduce_sum3A_79 : vector<8xf32> to vector<1x8xf32>
    %div3A_81 = arith.constant 1.000000e+04 : f32
    %div3A_82 = vector.broadcast %div3A_81 : f32 to vector<1x8xf32>
    %div3A_83 = arith.divf %broadcast_in_dim3A_80, %div3A_82 : vector<1x8xf32>
    %get3A_84 = arith.constant 0 : index
    %get3A_85 = arith.constant 0 : index
    %get3A_86 = vector.load %arg7[%get3A_84, %get3A_85] : memref<8x128xf32, #tpu.memory_space<vmem>>, vector<8x128xf32>
    %dot_general3A_87 = arith.constant dense<0.000000e+00> : vector<1x128xf32>
    %dot_general3A_88 = tpu.matmul %div3A_83, %get3A_86, %dot_general3A_87 {dimension_numbers = #tpu.dot_dimension_numbers<[1], [0], [0], [1], [0, 0, 1, 1], [], []>, transpose_lhs_hint = false} : vector<1x8xf32>, vector<8x128xf32>, vector<1x128xf32> -> vector<1x128xf32>
    %get3A_89 = arith.constant 0 : index
    %get3A_90 = arith.constant 0 : index
    %get3A_91 = vector.load %arg8[%get3A_89, %get3A_90] : memref<1x128xf32, #tpu.memory_space<vmem>>, vector<1x128xf32>
    %add3A_92 = arith.addf %dot_general3A_88, %get3A_91 : vector<1x128xf32>
    %swap3A = arith.constant 0 : index
    %swap3A_93 = arith.constant 0 : index
    %swap3A_94 = vector.load %arg9[%swap3A, %swap3A_93] : memref<1x128xf32, #tpu.memory_space<vmem>>, vector<1x128xf32>
    tpu.vector_store %arg9[%swap3A, %swap3A_93], %add3A_92 {strides = array<i32>} : memref<1x128xf32, #tpu.memory_space<vmem>>, vector<1x128xf32>,
    return
  }
}

</mosaic_0001>

<sc_bundles>
// kernel: kernel.12.cloned.1.call-start
scs
__scs_entry_jumppad:
0x0: {  	(pc) =	sbr.rel $0x88, $3  }
0x1: {  	(tag) =	ssettag $0x0;
	lr =	simm.s32 $0x1  }
0x2: {  	[smem:$0x3F95] =	sst lr;
	_ =	strace $0xD0000000  }
0x3: {  	_ = 	snop  }
0x4: {  	_ = 	snop  }
0x5: {  	_ = 	snop  }
0x6: {  	_ = 	snop  }
0x7: {  	_ = 	snop  }
__scs_overlays_trampoline_lowered:
0x8: {  	[smem:$0x3FA4] =	sst s0  }
0x9: {  	[smem:$0x3FA5] =	sst s1  }
0xa: {  	[smem:$0x3FA6] =	sst s2  }
0xb: {  	[smem:$0x3FA7] =	sst s3  }
0xc: {  	[smem:$0x3FA8] =	sst s4  }
0xd: {  	[smem:$0x3FA9] =	sst s5  }
0xe: {  	[smem:$0x3FAA] =	sst s6  }
0xf: {  	[smem:$0x3FAB] =	sst s7  }
0x10: {  	[smem:$0x3FAC] =	sst s8  }
0x11: {  	[smem:$0x3FAD] =	sst s9;
	s0 =	simm.s32 @!p0 $0x0  }
0x12: {  	s1 =	sld [smem:$0x3F93];
	s0 =	simm.s32 @p0 $0x1  }
0x13: {  	[smem:$0x3FAE] =	sst s0;
	s0 =	simm.s32 @!p1 $0x0  }
0x14: {  	s2 =	sld [smem:$0x3F92];
	s0 =	simm.s32 @p1 $0x1  }
0x15: {  	[smem:$0x3FAF] =	sst s0;
	s0 =	simm.s32 @!p2 $0x0  }
0x16: {  	s3 =	sld [smem:$0x3FDB];
	s0 =	simm.s32 @p2 $0x1  }
0x17: {  	s4 =	simm.s32 $0x1BF5;
	[smem:$0x3FB1] =	sst s0  }
0x18: {  	s0 =	sld [smem:$0x3F94];
	_ =	swait.ge [sflag:s4], $0x0  }
0x19: {  	s7 =	sld [smem:$0x3F95]  }
0x1a: {  	s8 =	sadd.s32 $0xFFFFE003, lr  }
0x1b: {  	s9 =	sadd.s32 $0xFFFFFEF7, lr;
	s5 =	simm.s32 $0xFFFFFFFF;
	p2 =	slt.u32 s8, $0xFFFFF086  }
0x1c: {  	p1 =	slt.u32 s9, $0xF7A;
	s5 =	simm.s32 @!p2 $0x0  }
0x1d: {  	s5 =	simm.s32 @p1 $0x1;
	p0 =	seq.s32 s7, s2  }
0x1e: {  	s7 =	smul.u32 @!p0 $0xF7A, s2;
	p2 =	seq.s32 @!p0 s5, $0x0  }
0x1f: {  	s9 =	smul.u32 $0xF7A, s1;
	s8 =	simm.s32 @!p0 $0x1BF5;
	p2 =	por !p2, p0  }
0x20: {  	[sflag:s8] =	ssyncset.s32 @!p0 $0xFFFFF086;
	s6 =	sadd.s32 @!p0 s3, s7;
	s7 =	simm.s32 @!p0 $0x108  }
0x21: {  	s3 =	sadd.s32 s3, s9;
	s6 =	sadd.s32 @!p0 $0x88, s6;
	s7 =	simm.s32 @p2 $0x1082  }
0x22: {  	[simem:s7], [sflag:s8] =	dma.local @!p0 [hbm:s6], $0xF7A  }
0x23: {  	s9 =	sor.u32 $0xD0000000, s2;
	s6 =	simm.s32 $0x108;
	_ =	swait.ge @!p0 [sflag:s8], $0x0  }
0x24: {  	s3 =	sadd.s32 $0x88, s3;
	s6 =	simm.s32 @!p1 $0x1082;
	[sflag:s4] =	ssyncset.s32 $0xFFFFF086  }
0x25: {  	[simem:s6], [sflag:s4] =	dma.local [hbm:s3], $0xF7A  }
0x26: {  	[smem:$0x3F95] =	sst s1;
	(tag) =	ssettag s2;
	_ =	strace s9  }
0x27: {  	s1 =	sld [smem:$0x3FA5]  }
0x28: {  	s2 =	sld [smem:$0x3FA6]  }
0x29: {  	s4 =	sld [smem:$0x3FA8]  }
0x2a: {  	p0 =	seq.s32 s5, $0x0;
	s5 =	sld [smem:$0x3FA9]  }
0x2b: {  	s6 =	sld [smem:$0x3FAA]  }
0x2c: {  	s7 =	sld [smem:$0x3FAB]  }
0x2d: {  	s3 =	simm.s32 $0x108;
	s8 =	sld [smem:$0x3FAC]  }
0x2e: {  	s3 =	simm.s32 @!p0 $0x1082;
	s9 =	sld [smem:$0x3FAD]  }
0x2f: {  	lr =	sadd.s32 s0, s3;
	s0 =	sld [smem:$0x3FA4]  }
0x30: {  	s3 =	sld [smem:$0x3FA7]  }
0x31: {  	[smem:$0x3FB0] =	sst s10  }
0x32: {  	s10 =	sld [smem:$0x3FAE];
	_ =	sdelay $0x3  }
0x33: {  	p0 =	seq.s32 s10, $0x1;
	s10 =	sld [smem:$0x3FB0];
	_ =	sdelay $0x3  }
0x34: {  	[smem:$0x3FB0] =	sst s10  }
0x35: {  	s10 =	sld [smem:$0x3FAF];
	_ =	sdelay $0x3  }
0x36: {  	p1 =	seq.s32 s10, $0x1;
	s10 =	sld [smem:$0x3FB0];
	_ =	sdelay $0x3  }
0x37: {  	[smem:$0x3FB0] =	sst s10  }
0x38: {  	s10 =	sld [smem:$0x3FB1]  }
0x39: {  	_ = 	snop;
	(pc) =	sbr.ind lr, $3  }
0x3a: {  	_ = 	snop  }
0x3b: {  	_ = 	snop  }
0x3c: {  	p2 =	seq.s32 s10, $0x1;
	s10 =	sld [smem:$0x3FB0]  }
0x3d: {  	_ =	shalt  }
0x3e: {  	_ =	shalt  }
0x3f: {  	_ =	shalt  }
0x40: {  	_ =	shalt  }
0x41: {  	_ =	shalt  }
0x42: {  	_ =	shalt  }
0x43: {  	_ =	shalt  }
0x44: {  	_ =	shalt  }
0x45: {  	_ =	shalt  }
0x46: {  	_ =	shalt  }
0x47: {  	_ =	shalt  }
0x48: {  	_ =	shalt  }
0x49: {  	_ =	shalt  }
0x4a: {  	_ =	shalt  }
0x4b: {  	_ =	shalt  }
0x4c: {  	_ =	shalt  }
0x4d: {  	_ =	shalt  }
0x4e: {  	_ =	shalt  }
0x4f: {  	_ =	shalt  }
0x50: {  	_ =	shalt  }
0x51: {  	_ =	shalt  }
0x52: {  	_ =	shalt  }
0x53: {  	_ =	shalt  }
0x54: {  	_ =	shalt  }
0x55: {  	_ =	shalt  }
0x56: {  	_ =	shalt  }
0x57: {  	_ =	shalt  }
0x58: {  	_ =	shalt  }
0x59: {  	_ =	shalt  }
0x5a: {  	_ =	shalt  }
0x5b: {  	_ =	shalt  }
0x5c: {  	_ =	shalt  }
0x5d: {  	_ =	shalt  }
0x5e: {  	_ =	shalt  }
0x5f: {  	_ =	shalt  }
0x60: {  	_ =	shalt  }
0x61: {  	_ =	shalt  }
0x62: {  	_ =	shalt  }
0x63: {  	_ =	shalt  }
0x64: {  	_ =	shalt  }
0x65: {  	_ =	shalt  }
0x66: {  	_ =	shalt  }
0x67: {  	_ =	shalt  }
0x68: {  	_ =	shalt  }
0x69: {  	_ =	shalt  }
0x6a: {  	_ =	shalt  }
0x6b: {  	_ =	shalt  }
0x6c: {  	_ =	shalt  }
0x6d: {  	_ =	shalt  }
0x6e: {  	_ =	shalt  }
0x6f: {  	_ =	shalt  }
0x70: {  	_ =	shalt  }
0x71: {  	_ =	shalt  }
0x72: {  	_ =	shalt  }
0x73: {  	_ =	shalt  }
0x74: {  	_ =	shalt  }
0x75: {  	_ =	shalt  }
0x76: {  	_ =	shalt  }
0x77: {  	_ =	shalt  }
0x78: {  	_ =	shalt  }
0x79: {  	_ =	shalt  }
0x7a: {  	_ =	shalt  }
0x7b: {  	_ =	shalt  }
0x7c: {  	_ =	shalt  }
0x7d: {  	_ =	shalt  }
0x7e: {  	_ =	shalt  }
0x7f: {  	_ =	shalt  }
0x80: {  	_ =	shalt  }
0x81: {  	_ =	shalt  }
0x82: {  	_ =	shalt  }
0x83: {  	_ =	shalt  }
0x84: {  	_ =	shalt  }
0x85: {  	_ =	shalt  }
0x86: {  	_ =	shalt  }
0x87: {  	_ =	shalt  }
.Lfunc_end0:
.L_simem_size_0:
called_computation_lowered:
.L_overlay_start_0:
0x88: {  	s2 =	sld [smem:$0x3FD9]  }
0x89: {  	s3 =	sld [smem:$0x3FFE];
	_ =	sdelay $0x1  }
0x8a: {  	s1 =	srdreg.scid  }
0x8b: {  	s0 =	sand.u32 $0x1, s1  }
0x8c: {  	s16 =	sshll.u32 s0, $0xA;
	s2 =	sadd.s32 s3, s2  }
0x8d: {  	s2 =	sadd.s32 s2, s16  }
0x8e: {  	[smem:$0x3FBC] =	sst s2  }
0x8f: {  	_ = 	snop  }
0x90: {  	(tm) =	ssettm $0x1  }
0x91: {  	s17 =	sld [smem:$0x3FFB];
	_ =	sdelay $0x3  }
0x92: {  	_ =	strace s17  }
0x93: {  	s2 =	sld [smem:$0x3FFC];
	_ =	sdelay $0x3  }
0x94: {  	_ =	strace s2  }
0x95: {  	s2 =	sld [smem:$0x3FFD];
	_ =	sdelay $0x3  }
0x96: {  	_ =	strace s2  }
0x97: {  	_ =	strace $0x8FFFFFFF  }
0x98: {  	s18 =	sld [smem:$0x3FDB];
	_ =	sdelay $0x1  }
0x99: {  	s19 =	simm.s32 $_scs_section_size  }
0x9a: {  	s4 =	simm.s32 $_size__tile_overlayer_lowered;
	s5 =	simm.s32 $_tile_overlayer_lowered  }
0x9b: {  	s22 =	simm.s32 $0x1BFF;
	s21 =	sshll.u32 s5, $0x1;
	s2 =	sadd.s32 s19, s18  }
0x9c: {  	s6 =	simm.s32 $0x0;
	s20 =	sshll.u32 s4, $0x1;
	s4 =	sadd.s32 s21, s2  }
0x9d: {  	[timem:s6], [sflag:s22] =	dma.local [hbm:s4], s20  }
0x9e: {  	_ =	swait.ge [sflag:s22], s20  }
0x9f: {  	s3 =	ssub.s32 $0x0, s20;
	[sflag:s22] =	ssyncset.done $0x0  }
0xa0: {  	[sflag:s22] =	ssyncadd.s32 s3;
	_ =	sdelay $0x1  }
0xa1: {  	s23 =	simm.s32 $0x1B8B  }
0xa2: {  	_ =	swait.ge [sflag:s23], $0x1  }
0xa3: {  	[sflag:s23] =	ssyncset.done $0x0  }
0xa4: {  	s25 =	simm.s32 $0x1B8E;
	s24 =	sld [smem:$0x3FFE];
	[sflag:s23] =	ssyncadd.s32 $0xFFFFFFFF  }
0xa5: {  	s26 =	simm.s32 $execute0_lowered;
	[smem:$0x3FD2] =	sst s25  }
0xa6: {  	s4 =	sshll.u32 s26, $0x1;
	_ =	strace $0x80000046;
	[dreg:$0x1] =	wrdreg $0xFFFFFFFF  }
0xa7: {  	s28 =	simm.s32 $_size_execute0_lowered;
	s2 =	sadd.s32 s2, s4;
	[dreg:$0x0] =	wrdreg $0x0  }
0xa8: {  	s4 =	sshll.u32 s28, $0x1;
	[dreg:$0x2] =	wrdreg s2  }
0xa9: {  	[dreg:$0x3] =	wrdreg s4  }
0xaa: {  	[dreg:$0x4] =	wrdreg $0xC0  }
0xab: {  	_ =	task [dreg:s6], $0x5FFFF  }
0xac: {  	[dreg:$0x1] =	wrdreg $0xFFFFFFFF  }
0xad: {  	[dreg:$0x0] =	wrdreg $0x60  }
0xae: {  	[dreg:$0x2] =	wrdreg s24  }
0xaf: {  	[dreg:$0x3] =	wrdreg $0x2C000  }
0xb0: {  	[dreg:$0x4] =	wrdreg $0x9  }
0xb1: {  	_ =	task.clear_ibuf [dreg:s6], $0x5FFFF;
	_ =	strace $0x90000046  }
0xb2: {  	s29 =	simm.s32 $0x9;
	_ =	strace $0x80000048  }
0xb3: {  	_ =	swait.ge [sflag:s29], $0x1  }
0xb4: {  	[sflag:s29] =	ssyncadd.s32 $0xFFFFFFFF  }
0xb5: {  	_ =	strace $0x90000048  }
0xb6: {  	_ =	sfence  }
0xb7: {  	s30 =	sld [smem:$0x0];
	_ =	sdelay $0x2  }
0xb8: {  	s31 =	sshll.u32 s1, $0xD;
	s1 =	sshrl.u32 s1, $0x2  }
0xb9: {  	s3 =	sand.u32 $0x4000, s31;
	s1 =	sadd.s32 s1, s30  }
0xba: {  	s0 =	sor.u32 s3, s0;
	s1 =	sshll.u32 s1, $0x11  }
0xbb: {  	s0 =	sor.u32 s1, s0  }
0xbc: {  	s0 =	sadd.s32 $0x8F2B, s0  }
0xbd: {  	[sflag:s0] =	ssyncadd.remote.s32 $0x1  }
0xbe: {  	_ =	sfence.sel $0xFFFF  }
0xbf: {  	[dreg:$0x0] =	wrdreg $0xFFFFFFFF;
	(pc) =	sbr.abs _section_cstart, $3  }
0xc0: {  	[dreg:$0x1] =	wrdreg $0xFFFFFFFF  }
0xc1: {  	_ =	task.clear_ibuf [dreg:s6], $0x2FFFF;
	_ =	strace $0x9FFFFFFF  }
0xc2: {  	(tm) =	ssettm $0x7FFFFFFF  }
0xc3: {  	_ =	shalt  }
tec
execute0_lowered:
.L_overlay_start_1:
0x0: {  	(tag) =	ssettag $0x1  }
0x1: {  	s6 =	rddreg [dreg:$0x0]  }
0x2: {  	s0 =	srdreg.scid;
	s2 =	rddreg [dreg:$0x1]  }
0x3: {  	s3 =	simm.s32 $0x0;
	s13 =	simm.s32 $0x80;
	s14 =	simm.s32 $0x100  }
0x4: {  	s15 =	simm.s32 $0x180;
	s16 =	simm.s32 $0x1;
	s17 =	simm.s32 $0x0  }
0x5: {  	s5 =	sand.u32 $0x1, s0;
	s0 =	stileid.u32;
	[smem:$0x7FF] =	sst s3  }
0x6: {  	s4 =	sadd.s32 $0xFE00, s6;
	s1 =	sshll.u32 s5, $0x4;
	s8 =	smul.u32 $0x1400, s0  }
0x7: {  	s9 =	smul.u32 $0x14000, s5;
	s5 =	ssub.s32 $0x2, s5;
	s1 =	sor.u32 s0, s1  }
0x8: {  	s31 =	sshll.u32 s0, $0x6;
	s11 =	sshrl.u32 s5, $0x1;
	s7 =	smul.u32 $0x500, s1  }
0x9: {  	s1 =	rddreg [dreg:$0x2];
	_ =	strace $0x80000047;
	s9 =	sadd.s32 s8, s9  }
0xa: {  	s10 =	sshrl.u32 s8, $0x3;
	s11 =	ssub.s32 s5, s11;
	s12 =	sadd.s32 s8, s2  }
0xb: {  	s9 =	sshrl.u32 s9, $0x3;
	s10 =	sadd.s32 s10, s6;
	s7 =	sadd.s32 s7, s6  }
0xc: {  	s9 =	sadd.s32 s9, s6;
	s5 =	sadd.s32 $0xD600, s10;
	s6 =	sor.u32 $0x1C02, s31  }
0xd: {  	s10 =	sshrl.u32 s12, $0x3;
	s12 =	simm.s32 $0x2800;
	s7 =	sadd.s32 $0x3600, s7  }
0xe: {  	s8 =	sadd.s32 $0x10000, s9;
	s9 =	smax.u32 s11, $0x1;
	s11 =	simm.s32 $0x2  }
.LBB2_1:
0xf: {  	[spmem:s10], [sflag:s6] =	dma.local [hbm:s5], $0x280  }
0x10: {  	_ =	swait.ge [sflag:s11], $0x280  }
0x11: {  	[sflag:s11] =	ssyncset.done $0x0  }
0x12: {  	[sflag:s11] =	ssyncadd.s32 $0xFFFFFD80  }
0x13: {  	[tilespmem:s12], [sflag:$0x2] =	stream.linear.gather [hbm4b:s4+s3], $0x400, $0x38;
	[tilespmem:$0x4000] =	vst v63  }
0x14: {  	_ =	swait.ge [sflag:s11], $0x400  }
0x15: {  	[sflag:s11] =	ssyncset.done $0x0  }
0x16: {  	[sflag:s11] =	ssyncadd.s32 $0xFFFFFC00  }
0x17: {  	[tilespmem:s3], [sflag:$0x2] =	stream.linear.gather [hbm4b:s7+s3], $0x2800, $0x38;
	[tilespmem:$0x4000] =	vst v63  }
0x18: {  	_ =	swait.ge [sflag:s11], $0x2800  }
0x19: {  	[sflag:s11] =	ssyncset.done $0x0  }
0x1a: {  	[sflag:s11] =	ssyncadd.s32 $0xFFFFD800  }
0x1b: {  	[bflag:$0x0] =	sbarrier.arrive $0xFFFF  }
0x1c: {  	[spmem:s2] =	stream.indirect.scatter.add.f32 [tilespmem:s12], [sflag:$0x1], $0x8, s3, s13, $0xb8;
	[tilespmem:$0x4000] =	vst v63  }
0x1d: {  	_ = 	snop  }
0x1e: {  	[spmem:s2] =	stream.indirect.scatter.add.f32 [tilespmem:s12], [sflag:$0x1], $0x8, s13, s13, $0xb8;
	[tilespmem:$0x4000] =	vst v63  }
0x1f: {  	_ = 	snop  }
0x20: {  	[spmem:s2] =	stream.indirect.scatter.add.f32 [tilespmem:s12], [sflag:$0x1], $0x8, s14, s13, $0xb8;
	[tilespmem:$0x4000] =	vst v63  }
0x21: {  	_ = 	snop  }
0x22: {  	[spmem:s2] =	stream.indirect.scatter.add.f32 [tilespmem:s12], [sflag:$0x1], $0x8, s15, s13, $0xb8;
	[tilespmem:$0x4000] =	vst v63  }
0x23: {  	_ =	swait.ge [sflag:s16], $0x400  }
0x24: {  	[sflag:s16] =	ssyncset.done $0x0  }
0x25: {  	s18 =	simm.s32 $0xA00;
	s19 =	simm.s32 $0x200;
	[sflag:s16] =	ssyncadd.s32 $0xFFFFFC00  }
.LBB2_2:
0x26: {  	[spmem:s2] =	stream.indirect.scatter.add.f32 [tilespmem:s12], [sflag:$0x1], $0x8, s19, s13, $0xb8;
	[tilespmem:$0x4000] =	vst v63  }
0x27: {  	s19 =	smov.u32 s18;
	p0 =	sne.s32 s18, $0x9E00  }
.Ltmp0:
0x28: {  	s18 =	sadd.s32 $0x200, s18;
	(pc) =	sbr.rel @p0 .LBB2_2-.Ltmp0, $4  }
0x29: {  	_ = 	snop  }
0x2a: {  	_ =	swait.ge [sflag:s16], $0x400  }
0x2b: {  	[sflag:s16] =	ssyncset.done $0x0  }
0x2c: {  	s19 =	sshra.s32 s19, $0x2;
	[sflag:s16] =	ssyncadd.s32 $0xFFFFFC00  }
0x2d: {  	[spmem:s2] =	stream.indirect.scatter.add.f32 [tilespmem:s12], [sflag:$0x1], $0x8, s19, s13, $0xb8;
	[tilespmem:$0x4000] =	vst v63  }
0x2e: {  	_ =	swait.ge [sflag:s16], $0x400  }
0x2f: {  	[sflag:s16] =	ssyncset.done $0x0  }
0x30: {  	[sflag:s16] =	ssyncadd.s32 $0xFFFFFC00  }
0x31: {  	_ =	swait.ge [sflag:s16], $0x400  }
0x32: {  	[sflag:s16] =	ssyncset.done $0x0  }
0x33: {  	[sflag:s16] =	ssyncadd.s32 $0xFFFFFC00  }
0x34: {  	_ =	swait.ge [sflag:s16], $0x400  }
0x35: {  	[sflag:s16] =	ssyncset.done $0x0  }
0x36: {  	[sflag:s16] =	ssyncadd.s32 $0xFFFFFC00  }
0x37: {  	_ =	swait.ge [sflag:s16], $0x400  }
0x38: {  	s17 =	sadd.s32 $0x1, s17;
	[sflag:s16] =	ssyncset.done $0x0  }
0x39: {  	p0 =	sne.s32 s17, s9;
	[sflag:s16] =	ssyncadd.s32 $0xFFFFFC00  }
.Ltmp1:
0x3a: {  	[bflag:$0x0] =	sbarrier.arrive $0xFFFF;
	(pc) =	sbr.rel @p0 .LBB2_1-.Ltmp1, $4  }
0x3b: {  	[hbm:s8], [sflag:s6] =	dma.local [spmem:s10], $0x280  }
0x3c: {  	_ =	swait.ge [sflag:s11], $0x280  }
0x3d: {  	[sflag:s11] =	ssyncset.done $0x0  }
0x3e: {  	[sflag:s11] =	ssyncadd.s32 $0xFFFFFD80  }
0x3f: {  	_ =	sfence.sel $0x180000  }
0x40: {  	[bflag:$0x0] =	sbarrier.arrive $0xFFFF  }
0x41: {  	p0 =	sne.s32 s0, $0x0;
	_ =	strace $0x90000047  }
0x42: {  	s0 =	sadd.s32 @!p0 $0x100000, s1;
	[bflag:$0x2] =	sbarrier.arrive $0xFFFF  }
0x43: {  	[sflag:s0] =	ssyncadd.tile.s32 @!p0 $0x1;
	_ =	shalt  }
.Lfunc_end2:
_tile_overlayer_lowered:
.L_overlay_start_2:
0x44: {  	(tag) =	ssettag $0x2  }
0x45: {  	s0 =	rddreg [dreg:$0x0];
	s2 =	stileid.u32  }
0x46: {  	s1 =	rddreg [dreg:$0x1];
	p0 =	sne.s32 s2, $0x0  }
0x47: {  	s3 =	rddreg [dreg:$0x2];
	[bflag:$0x3] =	sbarrier.arrive $0xFFFF;
	s2 =	simm.s32 @!p0 $0x1C02  }
0x48: {  	[timem:s3], [sflag:s2] =	dma.local @!p0 [hbm:s0], s1  }
0x49: {  	s0 =	simm.s32 @!p0 $0x2  }
0x4a: {  	_ =	swait.ge @!p0 [sflag:s0], s1  }
0x4b: {  	s1 =	ssub.s32 @!p0 $0x0, s1;
	[sflag:s0] =	ssyncset.done @!p0 $0x0  }
0x4c: {  	[sflag:s0] =	ssyncadd.s32 @!p0 s1  }
0x4d: {  	[bflag:$0x3] =	sbarrier.arrive $0xFFFF  }
0x4e: {  	_ =	shalt  }

// kernel: kernel.15.cloned.1.call-start
scs
__scs_entry_jumppad:
0x0: {  	(pc) =	sbr.rel $0x88, $3  }
0x1: {  	(tag) =	ssettag $0x0;
	lr =	simm.s32 $0x1  }
0x2: {  	[smem:$0x3F95] =	sst lr;
	_ =	strace $0xD0000000  }
0x3: {  	_ = 	snop  }
0x4: {  	_ = 	snop  }
0x5: {  	_ = 	snop  }
0x6: {  	_ = 	snop  }
0x7: {  	_ = 	snop  }
__scs_overlays_trampoline_lowered:
0x8: {  	[smem:$0x3FA4] =	sst s0  }
0x9: {  	[smem:$0x3FA5] =	sst s1  }
0xa: {  	[smem:$0x3FA6] =	sst s2  }
0xb: {  	[smem:$0x3FA7] =	sst s3  }
0xc: {  	[smem:$0x3FA8] =	sst s4  }
0xd: {  	[smem:$0x3FA9] =	sst s5  }
0xe: {  	[smem:$0x3FAA] =	sst s6  }
0xf: {  	[smem:$0x3FAB] =	sst s7  }
0x10: {  	[smem:$0x3FAC] =	sst s8  }
0x11: {  	[smem:$0x3FAD] =	sst s9;
	s0 =	simm.s32 @!p0 $0x0  }
0x12: {  	s1 =	sld [smem:$0x3F93];
	s0 =	simm.s32 @p0 $0x1  }
0x13: {  	[smem:$0x3FAE] =	sst s0;
	s0 =	simm.s32 @!p1 $0x0  }
0x14: {  	s2 =	sld [smem:$0x3F92];
	s0 =	simm.s32 @p1 $0x1  }
0x15: {  	[smem:$0x3FAF] =	sst s0;
	s0 =	simm.s32 @!p2 $0x0  }
0x16: {  	s3 =	sld [smem:$0x3FDB];
	s0 =	simm.s32 @p2 $0x1  }
0x17: {  	s4 =	simm.s32 $0x1BF5;
	[smem:$0x3FB1] =	sst s0  }
0x18: {  	s0 =	sld [smem:$0x3F94];
	_ =	swait.ge [sflag:s4], $0x0  }
0x19: {  	s7 =	sld [smem:$0x3F95]  }
0x1a: {  	s8 =	sadd.s32 $0xFFFFE003, lr  }
0x1b: {  	s9 =	sadd.s32 $0xFFFFFEF7, lr;
	s5 =	simm.s32 $0xFFFFFFFF;
	p2 =	slt.u32 s8, $0xFFFFF086  }
0x1c: {  	p1 =	slt.u32 s9, $0xF7A;
	s5 =	simm.s32 @!p2 $0x0  }
0x1d: {  	s5 =	simm.s32 @p1 $0x1;
	p0 =	seq.s32 s7, s2  }
0x1e: {  	s7 =	smul.u32 @!p0 $0xF7A, s2;
	p2 =	seq.s32 @!p0 s5, $0x0  }
0x1f: {  	s9 =	smul.u32 $0xF7A, s1;
	s8 =	simm.s32 @!p0 $0x1BF5;
	p2 =	por !p2, p0  }
0x20: {  	[sflag:s8] =	ssyncset.s32 @!p0 $0xFFFFF086;
	s6 =	sadd.s32 @!p0 s3, s7;
	s7 =	simm.s32 @!p0 $0x108  }
0x21: {  	s3 =	sadd.s32 s3, s9;
	s6 =	sadd.s32 @!p0 $0x88, s6;
	s7 =	simm.s32 @p2 $0x1082  }
0x22: {  	[simem:s7], [sflag:s8] =	dma.local @!p0 [hbm:s6], $0xF7A  }
0x23: {  	s9 =	sor.u32 $0xD0000000, s2;
	s6 =	simm.s32 $0x108;
	_ =	swait.ge @!p0 [sflag:s8], $0x0  }
0x24: {  	s3 =	sadd.s32 $0x88, s3;
	s6 =	simm.s32 @!p1 $0x1082;
	[sflag:s4] =	ssyncset.s32 $0xFFFFF086  }
0x25: {  	[simem:s6], [sflag:s4] =	dma.local [hbm:s3], $0xF7A  }
0x26: {  	[smem:$0x3F95] =	sst s1;
	(tag) =	ssettag s2;
	_ =	strace s9  }
0x27: {  	s1 =	sld [smem:$0x3FA5]  }
0x28: {  	s2 =	sld [smem:$0x3FA6]  }
0x29: {  	s4 =	sld [smem:$0x3FA8]  }
0x2a: {  	p0 =	seq.s32 s5, $0x0;
	s5 =	sld [smem:$0x3FA9]  }
0x2b: {  	s6 =	sld [smem:$0x3FAA]  }
0x2c: {  	s7 =	sld [smem:$0x3FAB]  }
0x2d: {  	s3 =	simm.s32 $0x108;
	s8 =	sld [smem:$0x3FAC]  }
0x2e: {  	s3 =	simm.s32 @!p0 $0x1082;
	s9 =	sld [smem:$0x3FAD]  }
0x2f: {  	lr =	sadd.s32 s0, s3;
	s0 =	sld [smem:$0x3FA4]  }
0x30: {  	s3 =	sld [smem:$0x3FA7]  }
0x31: {  	[smem:$0x3FB0] =	sst s10  }
0x32: {  	s10 =	sld [smem:$0x3FAE];
	_ =	sdelay $0x3  }
0x33: {  	p0 =	seq.s32 s10, $0x1;
	s10 =	sld [smem:$0x3FB0];
	_ =	sdelay $0x3  }
0x34: {  	[smem:$0x3FB0] =	sst s10  }
0x35: {  	s10 =	sld [smem:$0x3FAF];
	_ =	sdelay $0x3  }
0x36: {  	p1 =	seq.s32 s10, $0x1;
	s10 =	sld [smem:$0x3FB0];
	_ =	sdelay $0x3  }
0x37: {  	[smem:$0x3FB0] =	sst s10  }
0x38: {  	s10 =	sld [smem:$0x3FB1]  }
0x39: {  	_ = 	snop;
	(pc) =	sbr.ind lr, $3  }
0x3a: {  	_ = 	snop  }
0x3b: {  	_ = 	snop  }
0x3c: {  	p2 =	seq.s32 s10, $0x1;
	s10 =	sld [smem:$0x3FB0]  }
0x3d: {  	_ =	shalt  }
0x3e: {  	_ =	shalt  }
0x3f: {  	_ =	shalt  }
0x40: {  	_ =	shalt  }
0x41: {  	_ =	shalt  }
0x42: {  	_ =	shalt  }
0x43: {  	_ =	shalt  }
0x44: {  	_ =	shalt  }
0x45: {  	_ =	shalt  }
0x46: {  	_ =	shalt  }
0x47: {  	_ =	shalt  }
0x48: {  	_ =	shalt  }
0x49: {  	_ =	shalt  }
0x4a: {  	_ =	shalt  }
0x4b: {  	_ =	shalt  }
0x4c: {  	_ =	shalt  }
0x4d: {  	_ =	shalt  }
0x4e: {  	_ =	shalt  }
0x4f: {  	_ =	shalt  }
0x50: {  	_ =	shalt  }
0x51: {  	_ =	shalt  }
0x52: {  	_ =	shalt  }
0x53: {  	_ =	shalt  }
0x54: {  	_ =	shalt  }
0x55: {  	_ =	shalt  }
0x56: {  	_ =	shalt  }
0x57: {  	_ =	shalt  }
0x58: {  	_ =	shalt  }
0x59: {  	_ =	shalt  }
0x5a: {  	_ =	shalt  }
0x5b: {  	_ =	shalt  }
0x5c: {  	_ =	shalt  }
0x5d: {  	_ =	shalt  }
0x5e: {  	_ =	shalt  }
0x5f: {  	_ =	shalt  }
0x60: {  	_ =	shalt  }
0x61: {  	_ =	shalt  }
0x62: {  	_ =	shalt  }
0x63: {  	_ =	shalt  }
0x64: {  	_ =	shalt  }
0x65: {  	_ =	shalt  }
0x66: {  	_ =	shalt  }
0x67: {  	_ =	shalt  }
0x68: {  	_ =	shalt  }
0x69: {  	_ =	shalt  }
0x6a: {  	_ =	shalt  }
0x6b: {  	_ =	shalt  }
0x6c: {  	_ =	shalt  }
0x6d: {  	_ =	shalt  }
0x6e: {  	_ =	shalt  }
0x6f: {  	_ =	shalt  }
0x70: {  	_ =	shalt  }
0x71: {  	_ =	shalt  }
0x72: {  	_ =	shalt  }
0x73: {  	_ =	shalt  }
0x74: {  	_ =	shalt  }
0x75: {  	_ =	shalt  }
0x76: {  	_ =	shalt  }
0x77: {  	_ =	shalt  }
0x78: {  	_ =	shalt  }
0x79: {  	_ =	shalt  }
0x7a: {  	_ =	shalt  }
0x7b: {  	_ =	shalt  }
0x7c: {  	_ =	shalt  }
0x7d: {  	_ =	shalt  }
0x7e: {  	_ =	shalt  }
0x7f: {  	_ =	shalt  }
0x80: {  	_ =	shalt  }
0x81: {  	_ =	shalt  }
0x82: {  	_ =	shalt  }
0x83: {  	_ =	shalt  }
0x84: {  	_ =	shalt  }
0x85: {  	_ =	shalt  }
0x86: {  	_ =	shalt  }
0x87: {  	_ =	shalt  }
.Lfunc_end0:
.L_simem_size_0:
called_computation.1_lowered:
.L_overlay_start_0:
0x88: {  	s2 =	sld [smem:$0x3FD9]  }
0x89: {  	s3 =	sld [smem:$0x3FFE];
	_ =	sdelay $0x1  }
0x8a: {  	s1 =	srdreg.scid  }
0x8b: {  	s0 =	sand.u32 $0x1, s1  }
0x8c: {  	s16 =	sshll.u32 s0, $0xA;
	s2 =	sadd.s32 s3, s2  }
0x8d: {  	s2 =	sadd.s32 s2, s16  }
0x8e: {  	[smem:$0x3FBC] =	sst s2  }
0x8f: {  	_ = 	snop  }
0x90: {  	(tm) =	ssettm $0x1  }
0x91: {  	s17 =	sld [smem:$0x3FFB];
	_ =	sdelay $0x3  }
0x92: {  	_ =	strace s17  }
0x93: {  	s2 =	sld [smem:$0x3FFC];
	_ =	sdelay $0x3  }
0x94: {  	_ =	strace s2  }
0x95: {  	s2 =	sld [smem:$0x3FFD];
	_ =	sdelay $0x3  }
0x96: {  	_ =	strace s2  }
0x97: {  	_ =	strace $0x8FFFFFFF  }
0x98: {  	s18 =	sld [smem:$0x3FDB];
	_ =	sdelay $0x1  }
0x99: {  	s19 =	simm.s32 $_scs_section_size  }
0x9a: {  	s4 =	simm.s32 $_size__tile_overlayer_lowered;
	s5 =	simm.s32 $_tile_overlayer_lowered  }
0x9b: {  	s22 =	simm.s32 $0x1BFF;
	s21 =	sshll.u32 s5, $0x1;
	s2 =	sadd.s32 s19, s18  }
0x9c: {  	s6 =	simm.s32 $0x0;
	s20 =	sshll.u32 s4, $0x1;
	s4 =	sadd.s32 s21, s2  }
0x9d: {  	[timem:s6], [sflag:s22] =	dma.local [hbm:s4], s20  }
0x9e: {  	_ =	swait.ge [sflag:s22], s20  }
0x9f: {  	s3 =	ssub.s32 $0x0, s20;
	[sflag:s22] =	ssyncset.done $0x0  }
0xa0: {  	[sflag:s22] =	ssyncadd.s32 s3;
	_ =	sdelay $0x1  }
0xa1: {  	s23 =	simm.s32 $0x1B8B  }
0xa2: {  	_ =	swait.ge [sflag:s23], $0x1  }
0xa3: {  	[sflag:s23] =	ssyncset.done $0x0  }
0xa4: {  	s25 =	simm.s32 $0x1B8E;
	s24 =	sld [smem:$0x3FFE];
	[sflag:s23] =	ssyncadd.s32 $0xFFFFFFFF  }
0xa5: {  	s26 =	simm.s32 $execute0_lowered;
	[smem:$0x3FD2] =	sst s25  }
0xa6: {  	s4 =	sshll.u32 s26, $0x1;
	_ =	strace $0x80000049;
	[dreg:$0x1] =	wrdreg $0xFFFFFFFF  }
0xa7: {  	s28 =	simm.s32 $_size_execute0_lowered;
	s2 =	sadd.s32 s2, s4;
	[dreg:$0x0] =	wrdreg $0x0  }
0xa8: {  	s4 =	sshll.u32 s28, $0x1;
	[dreg:$0x2] =	wrdreg s2  }
0xa9: {  	[dreg:$0x3] =	wrdreg s4  }
0xaa: {  	[dreg:$0x4] =	wrdreg $0xC0  }
0xab: {  	_ =	task [dreg:s6], $0x5FFFF  }
0xac: {  	[dreg:$0x1] =	wrdreg $0xFFFFFFFF  }
0xad: {  	[dreg:$0x0] =	wrdreg $0x60  }
0xae: {  	[dreg:$0x2] =	wrdreg s24  }
0xaf: {  	[dreg:$0x3] =	wrdreg $0x74000  }
0xb0: {  	[dreg:$0x4] =	wrdreg $0x60000  }
0xb1: {  	[dreg:$0x5] =	wrdreg $0x9  }
0xb2: {  	_ =	task.clear_ibuf [dreg:s6], $0x6FFFF;
	_ =	strace $0x90000049  }
0xb3: {  	s29 =	simm.s32 $0x9;
	_ =	strace $0x8000004B  }
0xb4: {  	_ =	swait.ge [sflag:s29], $0x1  }
0xb5: {  	[sflag:s29] =	ssyncadd.s32 $0xFFFFFFFF  }
0xb6: {  	_ =	strace $0x9000004B  }
0xb7: {  	_ =	sfence  }
0xb8: {  	s30 =	sld [smem:$0x0];
	_ =	sdelay $0x2  }
0xb9: {  	s31 =	sshll.u32 s1, $0xD;
	s1 =	sshrl.u32 s1, $0x2  }
0xba: {  	s3 =	sand.u32 $0x4000, s31;
	s1 =	sadd.s32 s1, s30  }
0xbb: {  	s0 =	sor.u32 s3, s0;
	s1 =	sshll.u32 s1, $0x11  }
0xbc: {  	s0 =	sor.u32 s1, s0  }
0xbd: {  	s0 =	sadd.s32 $0x8F2B, s0  }
0xbe: {  	[sflag:s0] =	ssyncadd.remote.s32 $0x1  }
0xbf: {  	_ =	sfence.sel $0xFFFF  }
0xc0: {  	[dreg:$0x0] =	wrdreg $0xFFFFFFFF;
	(pc) =	sbr.abs _section_cstart, $3  }
0xc1: {  	[dreg:$0x1] =	wrdreg $0xFFFFFFFF  }
0xc2: {  	_ =	task.clear_ibuf [dreg:s6], $0x2FFFF;
	_ =	strace $0x9FFFFFFF  }
0xc3: {  	(tm) =	ssettm $0x7FFFFFFF  }
tec
execute0_lowered:
.L_overlay_start_1:
0x0: {  	(tag) =	ssettag $0x1  }
0x1: {  	s0 =	srdreg.scid  }
0x2: {  	s1 =	rddreg [dreg:$0x0];
	s10 =	stileid.u32  }
0x3: {  	s2 =	rddreg [dreg:$0x1];
	s13 =	simm.s32 $0x9;
	s16 =	simm.s32 $0x80  }
0x4: {  	s17 =	simm.s32 $0x5000;
	s18 =	simm.s32 $0x5400;
	s20 =	simm.s32 $0x5800  }
0x5: {  	s22 =	simm.s32 $0x5C00;
	s28 =	simm.s32 $0x5;
	s29 =	simm.s32 $0x6  }
0x6: {  	s30 =	simm.s32 $0x7;
	s31 =	simm.s32 $0x8;
	s19 =	simm.s32 $0x4F80  }
0x7: {  	s21 =	simm.s32 $0x0;
	s0 =	sand.u32 $0x1, s0;
	s7 =	smul.u32 $0x1400, s10  }
0x8: {  	s26 =	sshll.u32 s10, $0x6;
	s3 =	sshll.u32 s0, $0x4;
	s6 =	smul.u32 $0x14000, s0  }
0x9: {  	s0 =	ssub.s32 $0x2, s0;
	s4 =	sor.u32 s10, s3;
	s3 =	rddreg [dreg:$0x2]  }
0xa: {  	s23 =	sshrl.u32 s7, $0x3;
	s25 =	sshrl.u32 s0, $0x1;
	s12 =	sadd.s32 s7, s2  }
0xb: {  	s5 =	smul.u32 $0x500, s4;
	s4 =	simm.s32 $0x0;
	s6 =	sadd.s32 s7, s6  }
0xc: {  	s8 =	sadd.s32 s23, s1;
	s0 =	ssub.s32 s0, s25;
	s14 =	sadd.s32 s7, s3  }
0xd: {  	s12 =	sshrl.u32 s12, $0x3;
	s23 =	simm.s32 $0x1;
	s25 =	simm.s32 $0x3  }
0xe: {  	[smem:$0x7FF] =	sst s4;
	s24 =	sshrl.u32 s6, $0x3;
	s6 =	sor.u32 $0x1C09, s26  }
0xf: {  	s7 =	sadd.s32 $0xD600, s8;
	s11 =	smax.u32 s0, $0x1;
	s14 =	sshrl.u32 s14, $0x3  }
0x10: {  	s26 =	simm.s32 $0x4;
	_ =	strace $0x8000004A;
	s9 =	sadd.s32 s5, s1  }
0x11: {  	s1 =	sadd.s32 s24, s1;
	s5 =	sadd.s32 $0xFE00, s8;
	s24 =	simm.s32 $0x2  }
0x12: {  	s8 =	sadd.s32 $0x15000, s9;
	s9 =	sadd.s32 $0x3600, s9;
	s10 =	sadd.s32 $0x1F000, s1  }
.LBB2_1:
0x13: {  	[spmem:s12], [sflag:s6] =	dma.local [hbm:s5], $0x280  }
0x14: {  	_ =	swait.ge [sflag:s13], $0x280  }
0x15: {  	[sflag:s13] =	ssyncset.done $0x0  }
0x16: {  	[sflag:s13] =	ssyncadd.s32 $0xFFFFFD80  }
0x17: {  	[spmem:s14], [sflag:s6] =	dma.local [hbm:s7], $0x280  }
0x18: {  	_ =	swait.ge [sflag:s13], $0x280  }
0x19: {  	[sflag:s13] =	ssyncset.done $0x0  }
0x1a: {  	[sflag:s13] =	ssyncadd.s32 $0xFFFFFD80  }
0x1b: {  	[tilespmem:s4], [sflag:$0x9] =	stream.linear.gather [hbm4b:s8+s4], $0x2800, $0x38;
	[tilespmem:$0x8800] =	vst v63  }
0x1c: {  	_ =	swait.ge [sflag:s13], $0x2800  }
0x1d: {  	[sflag:s13] =	ssyncset.done $0x0  }
0x1e: {  	s0 =	simm.s32 $0x2800;
	[sflag:s13] =	ssyncadd.s32 $0xFFFFD800  }
0x1f: {  	[tilespmem:s0], [sflag:$0x9] =	stream.linear.gather [hbm4b:s9+s4], $0x2800, $0x38;
	[tilespmem:$0x8800] =	vst v63  }
0x20: {  	_ =	swait.ge [sflag:s13], $0x2800  }
0x21: {  	[sflag:s13] =	ssyncset.done $0x0  }
0x22: {  	[sflag:s13] =	ssyncadd.s32 $0xFFFFD800  }
0x23: {  	[bflag:$0x0] =	sbarrier.arrive $0xFFFF  }
0x24: {  	[tilespmem:s17], [sflag:$0x1] =	stream.indirect.gather [spmem:s2], $0x8, s4, s16, $0xb8;
	[tilespmem:$0x8800] =	vst v63  }
0x25: {  	_ = 	snop  }
0x26: {  	[tilespmem:s18], [sflag:$0x2] =	stream.indirect.gather [spmem:s2], $0x8, s16, s16, $0xb8;
	[tilespmem:$0x8800] =	vst v63  }
0x27: {  	s15 =	simm.s32 $0x100  }
0x28: {  	[tilespmem:s20], [sflag:$0x3] =	stream.indirect.gather [spmem:s2], $0x8, s15, s16, $0xb8;
	[tilespmem:$0x8800] =	vst v63  }
0x29: {  	s1 =	simm.s32 $0x180  }
0x2a: {  	[tilespmem:s22], [sflag:$0x4] =	stream.indirect.gather [spmem:s2], $0x8, s1, s16, $0xb8;
	[tilespmem:$0x8800] =	vst v63  }
0x2b: {  	_ =	swait.ge [sflag:s23], $0x400  }
0x2c: {  	[sflag:s23] =	ssyncset.done $0x0  }
0x2d: {  	s15 =	simm.s32 $0x2800;
	[sflag:s23] =	ssyncadd.s32 $0xFFFFFC00  }
0x2e: {  	[spmem:s3] =	stream.indirect.scatter.add.f32 [tilespmem:s17], [sflag:$0x5], $0x8, s15, s16, $0xb8;
	[tilespmem:$0x8800] =	vst v63  }
0x2f: {  	_ =	swait.ge [sflag:s24], $0x400  }
0x30: {  	[sflag:s24] =	ssyncset.done $0x0  }
0x31: {  	s1 =	simm.s32 $0x2880;
	[sflag:s24] =	ssyncadd.s32 $0xFFFFFC00  }
0x32: {  	[spmem:s3] =	stream.indirect.scatter.add.f32 [tilespmem:s18], [sflag:$0x6], $0x8, s1, s16, $0xb8;
	[tilespmem:$0x8800] =	vst v63  }
0x33: {  	_ =	swait.ge [sflag:s25], $0x400  }
0x34: {  	[sflag:s25] =	ssyncset.done $0x0  }
0x35: {  	s15 =	simm.s32 $0x2900;
	[sflag:s25] =	ssyncadd.s32 $0xFFFFFC00  }
0x36: {  	[spmem:s3] =	stream.indirect.scatter.add.f32 [tilespmem:s20], [sflag:$0x7], $0x8, s15, s16, $0xb8;
	[tilespmem:$0x8800] =	vst v63  }
0x37: {  	_ =	swait.ge [sflag:s26], $0x400  }
0x38: {  	[sflag:s26] =	ssyncset.done $0x0  }
0x39: {  	s1 =	simm.s32 $0x2980;
	[sflag:s26] =	ssyncadd.s32 $0xFFFFFC00  }
0x3a: {  	[spmem:s3] =	stream.indirect.scatter.add.f32 [tilespmem:s22], [sflag:$0x8], $0x8, s1, s16, $0xb8;
	[tilespmem:$0x8800] =	vst v63  }
0x3b: {  	_ =	swait.ge [sflag:s28], $0x400  }
0x3c: {  	[sflag:s28] =	ssyncset.done $0x0  }
0x3d: {  	s15 =	simm.s32 $0x200;
	[sflag:s28] =	ssyncadd.s32 $0xFFFFFC00  }
0x3e: {  	[tilespmem:s17], [sflag:$0x1] =	stream.indirect.gather [spmem:s2], $0x8, s15, s16, $0xb8;
	[tilespmem:$0x8800] =	vst v63  }
0x3f: {  	_ =	swait.ge [sflag:s29], $0x400  }
0x40: {  	[sflag:s29] =	ssyncset.done $0x0  }
0x41: {  	s1 =	simm.s32 $0x280;
	[sflag:s29] =	ssyncadd.s32 $0xFFFFFC00  }
0x42: {  	[tilespmem:s18], [sflag:$0x2] =	stream.indirect.gather [spmem:s2], $0x8, s1, s16, $0xb8;
	[tilespmem:$0x8800] =	vst v63  }
0x43: {  	_ =	swait.ge [sflag:s30], $0x400  }
0x44: {  	[sflag:s30] =	ssyncset.done $0x0  }
0x45: {  	s15 =	simm.s32 $0x300;
	[sflag:s30] =	ssyncadd.s32 $0xFFFFFC00  }
0x46: {  	[tilespmem:s20], [sflag:$0x3] =	stream.indirect.gather [spmem:s2], $0x8, s15, s16, $0xb8;
	[tilespmem:$0x8800] =	vst v63  }
0x47: {  	_ =	swait.ge [sflag:s31], $0x400  }
0x48: {  	[sflag:s31] =	ssyncset.done $0x0  }
0x49: {  	s0 =	simm.s32 $0x380;
	s1 =	simm.s32 $0x800;
	[sflag:s31] =	ssyncadd.s32 $0xFFFFFC00  }
.LBB2_2:
0x4a: {  	[tilespmem:s22], [sflag:$0x4] =	stream.indirect.gather [spmem:s2], $0x8, s0, s16, $0xb8;
	[tilespmem:$0x8800] =	vst v63  }
0x4b: {  	s0 =	smov.u32 s1  }
0x4c: {  	p0 =	sne.s32 s1, $0x9000;
	s1 =	sadd.s32 $0x800, s1;
	_ =	swait.ge [sflag:s23], $0x400  }
0x4d: {  	s0 =	sshra.s32 s0, $0x2;
	[sflag:s23] =	ssyncset.done $0x0  }
0x4e: {  	s15 =	sadd.s32 $0x2800, s0;
	[sflag:s23] =	ssyncadd.s32 $0xFFFFFC00  }
0x4f: {  	[spmem:s3] =	stream.indirect.scatter.add.f32 [tilespmem:s17], [sflag:$0x5], $0x8, s15, s16, $0xb8;
	[tilespmem:$0x8800] =	vst v63  }
0x50: {  	_ =	swait.ge [sflag:s24], $0x400  }
0x51: {  	[sflag:s24] =	ssyncset.done $0x0  }
0x52: {  	s15 =	sadd.s32 $0x2880, s0;
	[sflag:s24] =	ssyncadd.s32 $0xFFFFFC00  }
0x53: {  	[spmem:s3] =	stream.indirect.scatter.add.f32 [tilespmem:s18], [sflag:$0x6], $0x8, s15, s16, $0xb8;
	[tilespmem:$0x8800] =	vst v63  }
0x54: {  	_ =	swait.ge [sflag:s25], $0x400  }
0x55: {  	[sflag:s25] =	ssyncset.done $0x0  }
0x56: {  	s15 =	sadd.s32 $0x2900, s0;
	[sflag:s25] =	ssyncadd.s32 $0xFFFFFC00  }
0x57: {  	[spmem:s3] =	stream.indirect.scatter.add.f32 [tilespmem:s20], [sflag:$0x7], $0x8, s15, s16, $0xb8;
	[tilespmem:$0x8800] =	vst v63  }
0x58: {  	_ =	swait.ge [sflag:s26], $0x400  }
0x59: {  	[sflag:s26] =	ssyncset.done $0x0  }
0x5a: {  	s15 =	sadd.s32 $0x2980, s0;
	[sflag:s26] =	ssyncadd.s32 $0xFFFFFC00  }
0x5b: {  	[spmem:s3] =	stream.indirect.scatter.add.f32 [tilespmem:s22], [sflag:$0x8], $0x8, s15, s16, $0xb8;
	[tilespmem:$0x8800] =	vst v63  }
0x5c: {  	_ =	swait.ge [sflag:s28], $0x400  }
0x5d: {  	[sflag:s28] =	ssyncset.done $0x0  }
0x5e: {  	s15 =	sadd.s32 $0x200, s0;
	[sflag:s28] =	ssyncadd.s32 $0xFFFFFC00  }
0x5f: {  	[tilespmem:s17], [sflag:$0x1] =	stream.indirect.gather [spmem:s2], $0x8, s15, s16, $0xb8;
	[tilespmem:$0x8800] =	vst v63  }
0x60: {  	_ =	swait.ge [sflag:s29], $0x400  }
0x61: {  	[sflag:s29] =	ssyncset.done $0x0  }
0x62: {  	s15 =	sadd.s32 $0x280, s0;
	[sflag:s29] =	ssyncadd.s32 $0xFFFFFC00  }
0x63: {  	[tilespmem:s18], [sflag:$0x2] =	stream.indirect.gather [spmem:s2], $0x8, s15, s16, $0xb8;
	[tilespmem:$0x8800] =	vst v63  }
0x64: {  	_ =	swait.ge [sflag:s30], $0x400  }
0x65: {  	[sflag:s30] =	ssyncset.done $0x0  }
.Ltmp0:
0x66: {  	s15 =	sadd.s32 $0x300, s0;
	[sflag:s30] =	ssyncadd.s32 $0xFFFFFC00;
	(pc) =	sbr.rel @p0 .LBB2_2-.Ltmp0, $4  }
0x67: {  	[tilespmem:s20], [sflag:$0x3] =	stream.indirect.gather [spmem:s2], $0x8, s15, s16, $0xb8;
	[tilespmem:$0x8800] =	vst v63  }
0x68: {  	_ =	swait.ge [sflag:s31], $0x400  }
0x69: {  	[sflag:s31] =	ssyncset.done $0x0  }
0x6a: {  	s0 =	sadd.s32 $0x380, s0;
	[sflag:s31] =	ssyncadd.s32 $0xFFFFFC00  }
0x6b: {  	[tilespmem:s22], [sflag:$0x4] =	stream.indirect.gather [spmem:s2], $0x8, s0, s16, $0xb8;
	[tilespmem:$0x8800] =	vst v63  }
0x6c: {  	_ =	swait.ge [sflag:s23], $0x400  }
0x6d: {  	[sflag:s23] =	ssyncset.done $0x0  }
0x6e: {  	s15 =	simm.s32 $0x4E00;
	[sflag:s23] =	ssyncadd.s32 $0xFFFFFC00  }
0x6f: {  	[spmem:s3] =	stream.indirect.scatter.add.f32 [tilespmem:s17], [sflag:$0x5], $0x8, s15, s16, $0xb8;
	[tilespmem:$0x8800] =	vst v63  }
0x70: {  	_ =	swait.ge [sflag:s24], $0x400  }
0x71: {  	[sflag:s24] =	ssyncset.done $0x0  }
0x72: {  	s1 =	simm.s32 $0x4E80;
	[sflag:s24] =	ssyncadd.s32 $0xFFFFFC00  }
0x73: {  	[spmem:s3] =	stream.indirect.scatter.add.f32 [tilespmem:s18], [sflag:$0x6], $0x8, s1, s16, $0xb8;
	[tilespmem:$0x8800] =	vst v63  }
0x74: {  	_ =	swait.ge [sflag:s25], $0x400  }
0x75: {  	[sflag:s25] =	ssyncset.done $0x0  }
0x76: {  	s15 =	simm.s32 $0x4F00;
	[sflag:s25] =	ssyncadd.s32 $0xFFFFFC00  }
0x77: {  	[spmem:s3] =	stream.indirect.scatter.add.f32 [tilespmem:s20], [sflag:$0x7], $0x8, s15, s16, $0xb8;
	[tilespmem:$0x8800] =	vst v63  }
0x78: {  	_ =	swait.ge [sflag:s26], $0x400  }
0x79: {  	[sflag:s26] =	ssyncset.done $0x0  }
0x7a: {  	[sflag:s26] =	ssyncadd.s32 $0xFFFFFC00  }
0x7b: {  	[spmem:s3] =	stream.indirect.scatter.add.f32 [tilespmem:s22], [sflag:$0x8], $0x8, s19, s16, $0xb8;
	[tilespmem:$0x8800] =	vst v63  }
0x7c: {  	_ =	swait.ge [sflag:s28], $0x400  }
0x7d: {  	[sflag:s28] =	ssyncset.done $0x0  }
0x7e: {  	[sflag:s28] =	ssyncadd.s32 $0xFFFFFC00  }
0x7f: {  	_ =	swait.ge [sflag:s29], $0x400  }
0x80: {  	[sflag:s29] =	ssyncset.done $0x0  }
0x81: {  	[sflag:s29] =	ssyncadd.s32 $0xFFFFFC00  }
0x82: {  	_ =	swait.ge [sflag:s30], $0x400  }
0x83: {  	[sflag:s30] =	ssyncset.done $0x0  }
0x84: {  	[sflag:s30] =	ssyncadd.s32 $0xFFFFFC00  }
0x85: {  	_ =	swait.ge [sflag:s31], $0x400  }
0x86: {  	s21 =	sadd.s32 $0x1, s21;
	[sflag:s31] =	ssyncset.done $0x0  }
0x87: {  	p0 =	sne.s32 s21, s11;
	[sflag:s31] =	ssyncadd.s32 $0xFFFFFC00  }
.Ltmp1:
0x88: {  	[bflag:$0x0] =	sbarrier.arrive $0xFFFF;
	(pc) =	sbr.rel @p0 .LBB2_1-.Ltmp1, $4  }
0x89: {  	[hbm:s10], [sflag:s6] =	dma.local [spmem:s14], $0x280  }
0x8a: {  	_ =	swait.ge [sflag:s13], $0x280  }
0x8b: {  	[sflag:s13] =	ssyncset.done $0x0  }
0x8c: {  	[sflag:s13] =	ssyncadd.s32 $0xFFFFFD80  }
0x8d: {  	_ =	sfence.sel $0x180000  }
0x8e: {  	[bflag:$0x0] =	sbarrier.arrive $0xFFFF  }
0x8f: {  	_ =	strace $0x9000004A  }
0x90: {  	s0 =	stileid.u32;
	[bflag:$0x2] =	sbarrier.arrive $0xFFFF  }
0x91: {  	p0 =	sne.s32 s0, $0x0;
	s0 =	rddreg [dreg:$0x3]  }
0x92: {  	s0 =	sadd.s32 @!p0 $0x100000, s0  }
0x93: {  	[sflag:s0] =	ssyncadd.tile.s32 @!p0 $0x1;
	_ =	shalt  }
.Lfunc_end2:
_tile_overlayer_lowered:
.L_overlay_start_2:
0x94: {  	(tag) =	ssettag $0x2  }
0x95: {  	s0 =	rddreg [dreg:$0x0];
	s2 =	stileid.u32  }
0x96: {  	s1 =	rddreg [dreg:$0x1];
	p0 =	sne.s32 s2, $0x0  }
0x97: {  	s3 =	rddreg [dreg:$0x2];
	[bflag:$0x3] =	sbarrier.arrive $0xFFFF;
	s2 =	simm.s32 @!p0 $0x1C09  }
0x98: {  	[timem:s3], [sflag:s2] =	dma.local @!p0 [hbm:s0], s1  }
0x99: {  	s0 =	simm.s32 @!p0 $0x9  }
0x9a: {  	_ =	swait.ge @!p0 [sflag:s0], s1  }
0x9b: {  	s1 =	ssub.s32 @!p0 $0x0, s1;
	[sflag:s0] =	ssyncset.done @!p0 $0x0  }
0x9c: {  	[sflag:s0] =	ssyncadd.s32 @!p0 s1  }
0x9d: {  	[bflag:$0x3] =	sbarrier.arrive $0xFFFF  }
0x9e: {  	_ =	shalt  }

// kernel: kernel.18.cloned.1.call-start
scs
__scs_entry_jumppad:
0x0: {  	(pc) =	sbr.rel $0x88, $3  }
0x1: {  	(tag) =	ssettag $0x0;
	lr =	simm.s32 $0x1  }
0x2: {  	[smem:$0x3F95] =	sst lr;
	_ =	strace $0xD0000000  }
0x3: {  	_ = 	snop  }
0x4: {  	_ = 	snop  }
0x5: {  	_ = 	snop  }
0x6: {  	_ = 	snop  }
0x7: {  	_ = 	snop  }
__scs_overlays_trampoline_lowered:
0x8: {  	[smem:$0x3FA4] =	sst s0  }
0x9: {  	[smem:$0x3FA5] =	sst s1  }
0xa: {  	[smem:$0x3FA6] =	sst s2  }
0xb: {  	[smem:$0x3FA7] =	sst s3  }
0xc: {  	[smem:$0x3FA8] =	sst s4  }
0xd: {  	[smem:$0x3FA9] =	sst s5  }
0xe: {  	[smem:$0x3FAA] =	sst s6  }
0xf: {  	[smem:$0x3FAB] =	sst s7  }
0x10: {  	[smem:$0x3FAC] =	sst s8  }
0x11: {  	[smem:$0x3FAD] =	sst s9;
	s0 =	simm.s32 @!p0 $0x0  }
0x12: {  	s1 =	sld [smem:$0x3F93];
	s0 =	simm.s32 @p0 $0x1  }
0x13: {  	[smem:$0x3FAE] =	sst s0;
	s0 =	simm.s32 @!p1 $0x0  }
0x14: {  	s2 =	sld [smem:$0x3F92];
	s0 =	simm.s32 @p1 $0x1  }
0x15: {  	[smem:$0x3FAF] =	sst s0;
	s0 =	simm.s32 @!p2 $0x0  }
0x16: {  	s3 =	sld [smem:$0x3FDB];
	s0 =	simm.s32 @p2 $0x1  }
0x17: {  	s4 =	simm.s32 $0x1BF5;
	[smem:$0x3FB1] =	sst s0  }
0x18: {  	s0 =	sld [smem:$0x3F94];
	_ =	swait.ge [sflag:s4], $0x0  }
0x19: {  	s7 =	sld [smem:$0x3F95]  }
0x1a: {  	s8 =	sadd.s32 $0xFFFFE003, lr  }
0x1b: {  	s9 =	sadd.s32 $0xFFFFFEF7, lr;
	s5 =	simm.s32 $0xFFFFFFFF;
	p2 =	slt.u32 s8, $0xFFFFF086  }
0x1c: {  	p1 =	slt.u32 s9, $0xF7A;
	s5 =	simm.s32 @!p2 $0x0  }
0x1d: {  	s5 =	simm.s32 @p1 $0x1;
	p0 =	seq.s32 s7, s2  }
0x1e: {  	s7 =	smul.u32 @!p0 $0xF7A, s2;
	p2 =	seq.s32 @!p0 s5, $0x0  }
0x1f: {  	s9 =	smul.u32 $0xF7A, s1;
	s8 =	simm.s32 @!p0 $0x1BF5;
	p2 =	por !p2, p0  }
0x20: {  	[sflag:s8] =	ssyncset.s32 @!p0 $0xFFFFF086;
	s6 =	sadd.s32 @!p0 s3, s7;
	s7 =	simm.s32 @!p0 $0x108  }
0x21: {  	s3 =	sadd.s32 s3, s9;
	s6 =	sadd.s32 @!p0 $0x88, s6;
	s7 =	simm.s32 @p2 $0x1082  }
0x22: {  	[simem:s7], [sflag:s8] =	dma.local @!p0 [hbm:s6], $0xF7A  }
0x23: {  	s9 =	sor.u32 $0xD0000000, s2;
	s6 =	simm.s32 $0x108;
	_ =	swait.ge @!p0 [sflag:s8], $0x0  }
0x24: {  	s3 =	sadd.s32 $0x88, s3;
	s6 =	simm.s32 @!p1 $0x1082;
	[sflag:s4] =	ssyncset.s32 $0xFFFFF086  }
0x25: {  	[simem:s6], [sflag:s4] =	dma.local [hbm:s3], $0xF7A  }
0x26: {  	[smem:$0x3F95] =	sst s1;
	(tag) =	ssettag s2;
	_ =	strace s9  }
0x27: {  	s1 =	sld [smem:$0x3FA5]  }
0x28: {  	s2 =	sld [smem:$0x3FA6]  }
0x29: {  	s4 =	sld [smem:$0x3FA8]  }
0x2a: {  	p0 =	seq.s32 s5, $0x0;
	s5 =	sld [smem:$0x3FA9]  }
0x2b: {  	s6 =	sld [smem:$0x3FAA]  }
0x2c: {  	s7 =	sld [smem:$0x3FAB]  }
0x2d: {  	s3 =	simm.s32 $0x108;
	s8 =	sld [smem:$0x3FAC]  }
0x2e: {  	s3 =	simm.s32 @!p0 $0x1082;
	s9 =	sld [smem:$0x3FAD]  }
0x2f: {  	lr =	sadd.s32 s0, s3;
	s0 =	sld [smem:$0x3FA4]  }
0x30: {  	s3 =	sld [smem:$0x3FA7]  }
0x31: {  	[smem:$0x3FB0] =	sst s10  }
0x32: {  	s10 =	sld [smem:$0x3FAE];
	_ =	sdelay $0x3  }
0x33: {  	p0 =	seq.s32 s10, $0x1;
	s10 =	sld [smem:$0x3FB0];
	_ =	sdelay $0x3  }
0x34: {  	[smem:$0x3FB0] =	sst s10  }
0x35: {  	s10 =	sld [smem:$0x3FAF];
	_ =	sdelay $0x3  }
0x36: {  	p1 =	seq.s32 s10, $0x1;
	s10 =	sld [smem:$0x3FB0];
	_ =	sdelay $0x3  }
0x37: {  	[smem:$0x3FB0] =	sst s10  }
0x38: {  	s10 =	sld [smem:$0x3FB1]  }
0x39: {  	_ = 	snop;
	(pc) =	sbr.ind lr, $3  }
0x3a: {  	_ = 	snop  }
0x3b: {  	_ = 	snop  }
0x3c: {  	p2 =	seq.s32 s10, $0x1;
	s10 =	sld [smem:$0x3FB0]  }
0x3d: {  	_ =	shalt  }
0x3e: {  	_ =	shalt  }
0x3f: {  	_ =	shalt  }
0x40: {  	_ =	shalt  }
0x41: {  	_ =	shalt  }
0x42: {  	_ =	shalt  }
0x43: {  	_ =	shalt  }
0x44: {  	_ =	shalt  }
0x45: {  	_ =	shalt  }
0x46: {  	_ =	shalt  }
0x47: {  	_ =	shalt  }
0x48: {  	_ =	shalt  }
0x49: {  	_ =	shalt  }
0x4a: {  	_ =	shalt  }
0x4b: {  	_ =	shalt  }
0x4c: {  	_ =	shalt  }
0x4d: {  	_ =	shalt  }
0x4e: {  	_ =	shalt  }
0x4f: {  	_ =	shalt  }
0x50: {  	_ =	shalt  }
0x51: {  	_ =	shalt  }
0x52: {  	_ =	shalt  }
0x53: {  	_ =	shalt  }
0x54: {  	_ =	shalt  }
0x55: {  	_ =	shalt  }
0x56: {  	_ =	shalt  }
0x57: {  	_ =	shalt  }
0x58: {  	_ =	shalt  }
0x59: {  	_ =	shalt  }
0x5a: {  	_ =	shalt  }
0x5b: {  	_ =	shalt  }
0x5c: {  	_ =	shalt  }
0x5d: {  	_ =	shalt  }
0x5e: {  	_ =	shalt  }
0x5f: {  	_ =	shalt  }
0x60: {  	_ =	shalt  }
0x61: {  	_ =	shalt  }
0x62: {  	_ =	shalt  }
0x63: {  	_ =	shalt  }
0x64: {  	_ =	shalt  }
0x65: {  	_ =	shalt  }
0x66: {  	_ =	shalt  }
0x67: {  	_ =	shalt  }
0x68: {  	_ =	shalt  }
0x69: {  	_ =	shalt  }
0x6a: {  	_ =	shalt  }
0x6b: {  	_ =	shalt  }
0x6c: {  	_ =	shalt  }
0x6d: {  	_ =	shalt  }
0x6e: {  	_ =	shalt  }
0x6f: {  	_ =	shalt  }
0x70: {  	_ =	shalt  }
0x71: {  	_ =	shalt  }
0x72: {  	_ =	shalt  }
0x73: {  	_ =	shalt  }
0x74: {  	_ =	shalt  }
0x75: {  	_ =	shalt  }
0x76: {  	_ =	shalt  }
0x77: {  	_ =	shalt  }
0x78: {  	_ =	shalt  }
0x79: {  	_ =	shalt  }
0x7a: {  	_ =	shalt  }
0x7b: {  	_ =	shalt  }
0x7c: {  	_ =	shalt  }
0x7d: {  	_ =	shalt  }
0x7e: {  	_ =	shalt  }
0x7f: {  	_ =	shalt  }
0x80: {  	_ =	shalt  }
0x81: {  	_ =	shalt  }
0x82: {  	_ =	shalt  }
0x83: {  	_ =	shalt  }
0x84: {  	_ =	shalt  }
0x85: {  	_ =	shalt  }
0x86: {  	_ =	shalt  }
0x87: {  	_ =	shalt  }
.Lfunc_end0:
.L_simem_size_0:
called_computation.2_lowered:
.L_overlay_start_0:
0x88: {  	s2 =	sld [smem:$0x3FD9]  }
0x89: {  	s3 =	sld [smem:$0x3FFE];
	_ =	sdelay $0x1  }
0x8a: {  	s1 =	srdreg.scid  }
0x8b: {  	s0 =	sand.u32 $0x1, s1  }
0x8c: {  	s16 =	sshll.u32 s0, $0xA;
	s2 =	sadd.s32 s3, s2  }
0x8d: {  	s2 =	sadd.s32 s2, s16  }
0x8e: {  	[smem:$0x3FBC] =	sst s2  }
0x8f: {  	_ = 	snop  }
0x90: {  	(tm) =	ssettm $0x1  }
0x91: {  	s17 =	sld [smem:$0x3FFB];
	_ =	sdelay $0x3  }
0x92: {  	_ =	strace s17  }
0x93: {  	s2 =	sld [smem:$0x3FFC];
	_ =	sdelay $0x3  }
0x94: {  	_ =	strace s2  }
0x95: {  	s2 =	sld [smem:$0x3FFD];
	_ =	sdelay $0x3  }
0x96: {  	_ =	strace s2  }
0x97: {  	_ =	strace $0x8FFFFFFF  }
0x98: {  	s18 =	sld [smem:$0x3FDB];
	_ =	sdelay $0x1  }
0x99: {  	s19 =	simm.s32 $_scs_section_size  }
0x9a: {  	s4 =	simm.s32 $_size__tile_overlayer_lowered;
	s5 =	simm.s32 $_tile_overlayer_lowered  }
0x9b: {  	s22 =	simm.s32 $0x1BFF;
	s21 =	sshll.u32 s5, $0x1;
	s2 =	sadd.s32 s19, s18  }
0x9c: {  	s6 =	simm.s32 $0x0;
	s20 =	sshll.u32 s4, $0x1;
	s4 =	sadd.s32 s21, s2  }
0x9d: {  	[timem:s6], [sflag:s22] =	dma.local [hbm:s4], s20  }
0x9e: {  	_ =	swait.ge [sflag:s22], s20  }
0x9f: {  	s3 =	ssub.s32 $0x0, s20;
	[sflag:s22] =	ssyncset.done $0x0  }
0xa0: {  	[sflag:s22] =	ssyncadd.s32 s3;
	_ =	sdelay $0x1  }
0xa1: {  	s23 =	simm.s32 $0x1B8B  }
0xa2: {  	_ =	swait.ge [sflag:s23], $0x1  }
0xa3: {  	[sflag:s23] =	ssyncset.done $0x0  }
0xa4: {  	s25 =	simm.s32 $0x1B8E;
	s24 =	sld [smem:$0x3FFE];
	[sflag:s23] =	ssyncadd.s32 $0xFFFFFFFF  }
0xa5: {  	s26 =	simm.s32 $execute0_lowered;
	[smem:$0x3FD2] =	sst s25  }
0xa6: {  	s4 =	sshll.u32 s26, $0x1;
	_ =	strace $0x8000004C;
	[dreg:$0x1] =	wrdreg $0xFFFFFFFF  }
0xa7: {  	s28 =	simm.s32 $_size_execute0_lowered;
	s2 =	sadd.s32 s2, s4;
	[dreg:$0x0] =	wrdreg $0x0  }
0xa8: {  	s4 =	sshll.u32 s28, $0x1;
	[dreg:$0x2] =	wrdreg s2  }
0xa9: {  	[dreg:$0x3] =	wrdreg s4  }
0xaa: {  	[dreg:$0x4] =	wrdreg $0xC0  }
0xab: {  	_ =	task [dreg:s6], $0x5FFFF  }
0xac: {  	[dreg:$0x1] =	wrdreg $0xFFFFFFFF  }
0xad: {  	[dreg:$0x0] =	wrdreg $0x60  }
0xae: {  	[dreg:$0x2] =	wrdreg s24  }
0xaf: {  	[dreg:$0x3] =	wrdreg $0x74000  }
0xb0: {  	[dreg:$0x4] =	wrdreg $0x60000  }
0xb1: {  	[dreg:$0x5] =	wrdreg $0x9  }
0xb2: {  	_ =	task.clear_ibuf [dreg:s6], $0x6FFFF;
	_ =	strace $0x9000004C  }
0xb3: {  	s29 =	simm.s32 $0x9;
	_ =	strace $0x8000004E  }
0xb4: {  	_ =	swait.ge [sflag:s29], $0x1  }
0xb5: {  	[sflag:s29] =	ssyncadd.s32 $0xFFFFFFFF  }
0xb6: {  	_ =	strace $0x9000004E  }
0xb7: {  	_ =	sfence  }
0xb8: {  	s30 =	sld [smem:$0x0];
	_ =	sdelay $0x2  }
0xb9: {  	s31 =	sshll.u32 s1, $0xD;
	s1 =	sshrl.u32 s1, $0x2  }
0xba: {  	s3 =	sand.u32 $0x4000, s31;
	s1 =	sadd.s32 s1, s30  }
0xbb: {  	s0 =	sor.u32 s3, s0;
	s1 =	sshll.u32 s1, $0x11  }
0xbc: {  	s0 =	sor.u32 s1, s0  }
0xbd: {  	s0 =	sadd.s32 $0x8F2B, s0  }
0xbe: {  	[sflag:s0] =	ssyncadd.remote.s32 $0x1  }
0xbf: {  	_ =	sfence.sel $0xFFFF  }
0xc0: {  	[dreg:$0x0] =	wrdreg $0xFFFFFFFF;
	(pc) =	sbr.abs _section_cstart, $3  }
0xc1: {  	[dreg:$0x1] =	wrdreg $0xFFFFFFFF  }
0xc2: {  	_ =	task.clear_ibuf [dreg:s6], $0x2FFFF;
	_ =	strace $0x9FFFFFFF  }
0xc3: {  	(tm) =	ssettm $0x7FFFFFFF  }
tec
execute0_lowered:
.L_overlay_start_1:
0x0: {  	(tag) =	ssettag $0x1  }
0x1: {  	s0 =	srdreg.scid  }
0x2: {  	s1 =	rddreg [dreg:$0x0];
	s10 =	stileid.u32  }
0x3: {  	s2 =	rddreg [dreg:$0x1];
	s13 =	simm.s32 $0x9;
	s16 =	simm.s32 $0x80  }
0x4: {  	s17 =	simm.s32 $0x5000;
	s18 =	simm.s32 $0x5400;
	s20 =	simm.s32 $0x5800  }
0x5: {  	s22 =	simm.s32 $0x5C00;
	s28 =	simm.s32 $0x5;
	s29 =	simm.s32 $0x6  }
0x6: {  	s30 =	simm.s32 $0x7;
	s31 =	simm.s32 $0x8;
	s19 =	simm.s32 $0x4F80  }
0x7: {  	s21 =	simm.s32 $0x0;
	s0 =	sand.u32 $0x1, s0;
	s7 =	smul.u32 $0x1400, s10  }
0x8: {  	s26 =	sshll.u32 s10, $0x6;
	s3 =	sshll.u32 s0, $0x4;
	s6 =	smul.u32 $0x14000, s0  }
0x9: {  	s0 =	ssub.s32 $0x2, s0;
	s4 =	sor.u32 s10, s3;
	s3 =	rddreg [dreg:$0x2]  }
0xa: {  	s23 =	sshrl.u32 s7, $0x3;
	s25 =	sshrl.u32 s0, $0x1;
	s12 =	sadd.s32 s7, s2  }
0xb: {  	s5 =	smul.u32 $0x500, s4;
	s4 =	simm.s32 $0x0;
	s6 =	sadd.s32 s7, s6  }
0xc: {  	s8 =	sadd.s32 s23, s1;
	s0 =	ssub.s32 s0, s25;
	s14 =	sadd.s32 s7, s3  }
0xd: {  	s12 =	sshrl.u32 s12, $0x3;
	s23 =	simm.s32 $0x1;
	s25 =	simm.s32 $0x3  }
0xe: {  	[smem:$0x7FF] =	sst s4;
	s24 =	sshrl.u32 s6, $0x3;
	s6 =	sor.u32 $0x1C09, s26  }
0xf: {  	s7 =	sadd.s32 $0xD600, s8;
	s11 =	smax.u32 s0, $0x1;
	s14 =	sshrl.u32 s14, $0x3  }
0x10: {  	s26 =	simm.s32 $0x4;
	_ =	strace $0x8000004D;
	s9 =	sadd.s32 s5, s1  }
0x11: {  	s1 =	sadd.s32 s24, s1;
	s5 =	sadd.s32 $0xFE00, s8;
	s24 =	simm.s32 $0x2  }
0x12: {  	s8 =	sadd.s32 $0x15000, s9;
	s9 =	sadd.s32 $0x3600, s9;
	s10 =	sadd.s32 $0x47000, s1  }
.LBB2_1:
0x13: {  	[spmem:s12], [sflag:s6] =	dma.local [hbm:s5], $0x280  }
0x14: {  	_ =	swait.ge [sflag:s13], $0x280  }
0x15: {  	[sflag:s13] =	ssyncset.done $0x0  }
0x16: {  	[sflag:s13] =	ssyncadd.s32 $0xFFFFFD80  }
0x17: {  	[spmem:s14], [sflag:s6] =	dma.local [hbm:s7], $0x280  }
0x18: {  	_ =	swait.ge [sflag:s13], $0x280  }
0x19: {  	[sflag:s13] =	ssyncset.done $0x0  }
0x1a: {  	[sflag:s13] =	ssyncadd.s32 $0xFFFFFD80  }
0x1b: {  	[tilespmem:s4], [sflag:$0x9] =	stream.linear.gather [hbm4b:s8+s4], $0x2800, $0x38;
	[tilespmem:$0x8800] =	vst v63  }
0x1c: {  	_ =	swait.ge [sflag:s13], $0x2800  }
0x1d: {  	[sflag:s13] =	ssyncset.done $0x0  }
0x1e: {  	s0 =	simm.s32 $0x2800;
	[sflag:s13] =	ssyncadd.s32 $0xFFFFD800  }
0x1f: {  	[tilespmem:s0], [sflag:$0x9] =	stream.linear.gather [hbm4b:s9+s4], $0x2800, $0x38;
	[tilespmem:$0x8800] =	vst v63  }
0x20: {  	_ =	swait.ge [sflag:s13], $0x2800  }
0x21: {  	[sflag:s13] =	ssyncset.done $0x0  }
0x22: {  	[sflag:s13] =	ssyncadd.s32 $0xFFFFD800  }
0x23: {  	[bflag:$0x0] =	sbarrier.arrive $0xFFFF  }
0x24: {  	[tilespmem:s17], [sflag:$0x1] =	stream.indirect.gather [spmem:s2], $0x8, s4, s16, $0xb8;
	[tilespmem:$0x8800] =	vst v63  }
0x25: {  	_ = 	snop  }
0x26: {  	[tilespmem:s18], [sflag:$0x2] =	stream.indirect.gather [spmem:s2], $0x8, s16, s16, $0xb8;
	[tilespmem:$0x8800] =	vst v63  }
0x27: {  	s15 =	simm.s32 $0x100  }
0x28: {  	[tilespmem:s20], [sflag:$0x3] =	stream.indirect.gather [spmem:s2], $0x8, s15, s16, $0xb8;
	[tilespmem:$0x8800] =	vst v63  }
0x29: {  	s1 =	simm.s32 $0x180  }
0x2a: {  	[tilespmem:s22], [sflag:$0x4] =	stream.indirect.gather [spmem:s2], $0x8, s1, s16, $0xb8;
	[tilespmem:$0x8800] =	vst v63  }
0x2b: {  	_ =	swait.ge [sflag:s23], $0x400  }
0x2c: {  	[sflag:s23] =	ssyncset.done $0x0  }
0x2d: {  	s15 =	simm.s32 $0x2800;
	[sflag:s23] =	ssyncadd.s32 $0xFFFFFC00  }
0x2e: {  	[spmem:s3] =	stream.indirect.scatter.add.f32 [tilespmem:s17], [sflag:$0x5], $0x8, s15, s16, $0xb8;
	[tilespmem:$0x8800] =	vst v63  }
0x2f: {  	_ =	swait.ge [sflag:s24], $0x400  }
0x30: {  	[sflag:s24] =	ssyncset.done $0x0  }
0x31: {  	s1 =	simm.s32 $0x2880;
	[sflag:s24] =	ssyncadd.s32 $0xFFFFFC00  }
0x32: {  	[spmem:s3] =	stream.indirect.scatter.add.f32 [tilespmem:s18], [sflag:$0x6], $0x8, s1, s16, $0xb8;
	[tilespmem:$0x8800] =	vst v63  }
0x33: {  	_ =	swait.ge [sflag:s25], $0x400  }
0x34: {  	[sflag:s25] =	ssyncset.done $0x0  }
0x35: {  	s15 =	simm.s32 $0x2900;
	[sflag:s25] =	ssyncadd.s32 $0xFFFFFC00  }
0x36: {  	[spmem:s3] =	stream.indirect.scatter.add.f32 [tilespmem:s20], [sflag:$0x7], $0x8, s15, s16, $0xb8;
	[tilespmem:$0x8800] =	vst v63  }
0x37: {  	_ =	swait.ge [sflag:s26], $0x400  }
0x38: {  	[sflag:s26] =	ssyncset.done $0x0  }
0x39: {  	s1 =	simm.s32 $0x2980;
	[sflag:s26] =	ssyncadd.s32 $0xFFFFFC00  }
0x3a: {  	[spmem:s3] =	stream.indirect.scatter.add.f32 [tilespmem:s22], [sflag:$0x8], $0x8, s1, s16, $0xb8;
	[tilespmem:$0x8800] =	vst v63  }
0x3b: {  	_ =	swait.ge [sflag:s28], $0x400  }
0x3c: {  	[sflag:s28] =	ssyncset.done $0x0  }
0x3d: {  	s15 =	simm.s32 $0x200;
	[sflag:s28] =	ssyncadd.s32 $0xFFFFFC00  }
0x3e: {  	[tilespmem:s17], [sflag:$0x1] =	stream.indirect.gather [spmem:s2], $0x8, s15, s16, $0xb8;
	[tilespmem:$0x8800] =	vst v63  }
0x3f: {  	_ =	swait.ge [sflag:s29], $0x400  }
0x40: {  	[sflag:s29] =	ssyncset.done $0x0  }
0x41: {  	s1 =	simm.s32 $0x280;
	[sflag:s29] =	ssyncadd.s32 $0xFFFFFC00  }
0x42: {  	[tilespmem:s18], [sflag:$0x2] =	stream.indirect.gather [spmem:s2], $0x8, s1, s16, $0xb8;
	[tilespmem:$0x8800] =	vst v63  }
0x43: {  	_ =	swait.ge [sflag:s30], $0x400  }
0x44: {  	[sflag:s30] =	ssyncset.done $0x0  }
0x45: {  	s15 =	simm.s32 $0x300;
	[sflag:s30] =	ssyncadd.s32 $0xFFFFFC00  }
0x46: {  	[tilespmem:s20], [sflag:$0x3] =	stream.indirect.gather [spmem:s2], $0x8, s15, s16, $0xb8;
	[tilespmem:$0x8800] =	vst v63  }
0x47: {  	_ =	swait.ge [sflag:s31], $0x400  }
0x48: {  	[sflag:s31] =	ssyncset.done $0x0  }
0x49: {  	s0 =	simm.s32 $0x380;
	s1 =	simm.s32 $0x800;
	[sflag:s31] =	ssyncadd.s32 $0xFFFFFC00  }
.LBB2_2:
0x4a: {  	[tilespmem:s22], [sflag:$0x4] =	stream.indirect.gather [spmem:s2], $0x8, s0, s16, $0xb8;
	[tilespmem:$0x8800] =	vst v63  }
0x4b: {  	s0 =	smov.u32 s1  }
0x4c: {  	p0 =	sne.s32 s1, $0x9000;
	s1 =	sadd.s32 $0x800, s1;
	_ =	swait.ge [sflag:s23], $0x400  }
0x4d: {  	s0 =	sshra.s32 s0, $0x2;
	[sflag:s23] =	ssyncset.done $0x0  }
0x4e: {  	s15 =	sadd.s32 $0x2800, s0;
	[sflag:s23] =	ssyncadd.s32 $0xFFFFFC00  }
0x4f: {  	[spmem:s3] =	stream.indirect.scatter.add.f32 [tilespmem:s17], [sflag:$0x5], $0x8, s15, s16, $0xb8;
	[tilespmem:$0x8800] =	vst v63  }
0x50: {  	_ =	swait.ge [sflag:s24], $0x400  }
0x51: {  	[sflag:s24] =	ssyncset.done $0x0  }
0x52: {  	s15 =	sadd.s32 $0x2880, s0;
	[sflag:s24] =	ssyncadd.s32 $0xFFFFFC00  }
0x53: {  	[spmem:s3] =	stream.indirect.scatter.add.f32 [tilespmem:s18], [sflag:$0x6], $0x8, s15, s16, $0xb8;
	[tilespmem:$0x8800] =	vst v63  }
0x54: {  	_ =	swait.ge [sflag:s25], $0x400  }
0x55: {  	[sflag:s25] =	ssyncset.done $0x0  }
0x56: {  	s15 =	sadd.s32 $0x2900, s0;
	[sflag:s25] =	ssyncadd.s32 $0xFFFFFC00  }
0x57: {  	[spmem:s3] =	stream.indirect.scatter.add.f32 [tilespmem:s20], [sflag:$0x7], $0x8, s15, s16, $0xb8;
	[tilespmem:$0x8800] =	vst v63  }
0x58: {  	_ =	swait.ge [sflag:s26], $0x400  }
0x59: {  	[sflag:s26] =	ssyncset.done $0x0  }
0x5a: {  	s15 =	sadd.s32 $0x2980, s0;
	[sflag:s26] =	ssyncadd.s32 $0xFFFFFC00  }
0x5b: {  	[spmem:s3] =	stream.indirect.scatter.add.f32 [tilespmem:s22], [sflag:$0x8], $0x8, s15, s16, $0xb8;
	[tilespmem:$0x8800] =	vst v63  }
0x5c: {  	_ =	swait.ge [sflag:s28], $0x400  }
0x5d: {  	[sflag:s28] =	ssyncset.done $0x0  }
0x5e: {  	s15 =	sadd.s32 $0x200, s0;
	[sflag:s28] =	ssyncadd.s32 $0xFFFFFC00  }
0x5f: {  	[tilespmem:s17], [sflag:$0x1] =	stream.indirect.gather [spmem:s2], $0x8, s15, s16, $0xb8;
	[tilespmem:$0x8800] =	vst v63  }
0x60: {  	_ =	swait.ge [sflag:s29], $0x400  }
0x61: {  	[sflag:s29] =	ssyncset.done $0x0  }
0x62: {  	s15 =	sadd.s32 $0x280, s0;
	[sflag:s29] =	ssyncadd.s32 $0xFFFFFC00  }
0x63: {  	[tilespmem:s18], [sflag:$0x2] =	stream.indirect.gather [spmem:s2], $0x8, s15, s16, $0xb8;
	[tilespmem:$0x8800] =	vst v63  }
0x64: {  	_ =	swait.ge [sflag:s30], $0x400  }
0x65: {  	[sflag:s30] =	ssyncset.done $0x0  }
.Ltmp0:
0x66: {  	s15 =	sadd.s32 $0x300, s0;
	[sflag:s30] =	ssyncadd.s32 $0xFFFFFC00;
	(pc) =	sbr.rel @p0 .LBB2_2-.Ltmp0, $4  }
0x67: {  	[tilespmem:s20], [sflag:$0x3] =	stream.indirect.gather [spmem:s2], $0x8, s15, s16, $0xb8;
	[tilespmem:$0x8800] =	vst v63  }
0x68: {  	_ =	swait.ge [sflag:s31], $0x400  }
0x69: {  	[sflag:s31] =	ssyncset.done $0x0  }
0x6a: {  	s0 =	sadd.s32 $0x380, s0;
	[sflag:s31] =	ssyncadd.s32 $0xFFFFFC00  }
0x6b: {  	[tilespmem:s22], [sflag:$0x4] =	stream.indirect.gather [spmem:s2], $0x8, s0, s16, $0xb8;
	[tilespmem:$0x8800] =	vst v63  }
0x6c: {  	_ =	swait.ge [sflag:s23], $0x400  }
0x6d: {  	[sflag:s23] =	ssyncset.done $0x0  }
0x6e: {  	s15 =	simm.s32 $0x4E00;
	[sflag:s23] =	ssyncadd.s32 $0xFFFFFC00  }
0x6f: {  	[spmem:s3] =	stream.indirect.scatter.add.f32 [tilespmem:s17], [sflag:$0x5], $0x8, s15, s16, $0xb8;
	[tilespmem:$0x8800] =	vst v63  }
0x70: {  	_ =	swait.ge [sflag:s24], $0x400  }
0x71: {  	[sflag:s24] =	ssyncset.done $0x0  }
0x72: {  	s1 =	simm.s32 $0x4E80;
	[sflag:s24] =	ssyncadd.s32 $0xFFFFFC00  }
0x73: {  	[spmem:s3] =	stream.indirect.scatter.add.f32 [tilespmem:s18], [sflag:$0x6], $0x8, s1, s16, $0xb8;
	[tilespmem:$0x8800] =	vst v63  }
0x74: {  	_ =	swait.ge [sflag:s25], $0x400  }
0x75: {  	[sflag:s25] =	ssyncset.done $0x0  }
0x76: {  	s15 =	simm.s32 $0x4F00;
	[sflag:s25] =	ssyncadd.s32 $0xFFFFFC00  }
0x77: {  	[spmem:s3] =	stream.indirect.scatter.add.f32 [tilespmem:s20], [sflag:$0x7], $0x8, s15, s16, $0xb8;
	[tilespmem:$0x8800] =	vst v63  }
0x78: {  	_ =	swait.ge [sflag:s26], $0x400  }
0x79: {  	[sflag:s26] =	ssyncset.done $0x0  }
0x7a: {  	[sflag:s26] =	ssyncadd.s32 $0xFFFFFC00  }
0x7b: {  	[spmem:s3] =	stream.indirect.scatter.add.f32 [tilespmem:s22], [sflag:$0x8], $0x8, s19, s16, $0xb8;
	[tilespmem:$0x8800] =	vst v63  }
0x7c: {  	_ =	swait.ge [sflag:s28], $0x400  }
0x7d: {  	[sflag:s28] =	ssyncset.done $0x0  }
0x7e: {  	[sflag:s28] =	ssyncadd.s32 $0xFFFFFC00  }
0x7f: {  	_ =	swait.ge [sflag:s29], $0x400  }
0x80: {  	[sflag:s29] =	ssyncset.done $0x0  }
0x81: {  	[sflag:s29] =	ssyncadd.s32 $0xFFFFFC00  }
0x82: {  	_ =	swait.ge [sflag:s30], $0x400  }
0x83: {  	[sflag:s30] =	ssyncset.done $0x0  }
0x84: {  	[sflag:s30] =	ssyncadd.s32 $0xFFFFFC00  }
0x85: {  	_ =	swait.ge [sflag:s31], $0x400  }
0x86: {  	s21 =	sadd.s32 $0x1, s21;
	[sflag:s31] =	ssyncset.done $0x0  }
0x87: {  	p0 =	sne.s32 s21, s11;
	[sflag:s31] =	ssyncadd.s32 $0xFFFFFC00  }
.Ltmp1:
0x88: {  	[bflag:$0x0] =	sbarrier.arrive $0xFFFF;
	(pc) =	sbr.rel @p0 .LBB2_1-.Ltmp1, $4  }
0x89: {  	[hbm:s10], [sflag:s6] =	dma.local [spmem:s14], $0x280  }
0x8a: {  	_ =	swait.ge [sflag:s13], $0x280  }
0x8b: {  	[sflag:s13] =	ssyncset.done $0x0  }
0x8c: {  	[sflag:s13] =	ssyncadd.s32 $0xFFFFFD80  }
0x8d: {  	_ =	sfence.sel $0x180000  }
0x8e: {  	[bflag:$0x0] =	sbarrier.arrive $0xFFFF  }
0x8f: {  	_ =	strace $0x9000004D  }
0x90: {  	s0 =	stileid.u32;
	[bflag:$0x2] =	sbarrier.arrive $0xFFFF  }
0x91: {  	p0 =	sne.s32 s0, $0x0;
	s0 =	rddreg [dreg:$0x3]  }
0x92: {  	s0 =	sadd.s32 @!p0 $0x100000, s0  }
0x93: {  	[sflag:s0] =	ssyncadd.tile.s32 @!p0 $0x1;
	_ =	shalt  }
.Lfunc_end2:
_tile_overlayer_lowered:
.L_overlay_start_2:
0x94: {  	(tag) =	ssettag $0x2  }
0x95: {  	s0 =	rddreg [dreg:$0x0];
	s2 =	stileid.u32  }
0x96: {  	s1 =	rddreg [dreg:$0x1];
	p0 =	sne.s32 s2, $0x0  }
0x97: {  	s3 =	rddreg [dreg:$0x2];
	[bflag:$0x3] =	sbarrier.arrive $0xFFFF;
	s2 =	simm.s32 @!p0 $0x1C09  }
0x98: {  	[timem:s3], [sflag:s2] =	dma.local @!p0 [hbm:s0], s1  }
0x99: {  	s0 =	simm.s32 @!p0 $0x9  }
0x9a: {  	_ =	swait.ge @!p0 [sflag:s0], s1  }
0x9b: {  	s1 =	ssub.s32 @!p0 $0x0, s1;
	[sflag:s0] =	ssyncset.done @!p0 $0x0  }
0x9c: {  	[sflag:s0] =	ssyncadd.s32 @!p0 s1  }
0x9d: {  	[bflag:$0x3] =	sbarrier.arrive $0xFFFF  }
0x9e: {  	_ =	shalt  }

// kernel: kernel.21.cloned.1.call-start
scs
__scs_entry_jumppad:
0x0: {  	(pc) =	sbr.rel $0x88, $3  }
0x1: {  	(tag) =	ssettag $0x0;
	lr =	simm.s32 $0x1  }
0x2: {  	[smem:$0x3F95] =	sst lr;
	_ =	strace $0xD0000000  }
0x3: {  	_ = 	snop  }
0x4: {  	_ = 	snop  }
0x5: {  	_ = 	snop  }
0x6: {  	_ = 	snop  }
0x7: {  	_ = 	snop  }
__scs_overlays_trampoline_lowered:
0x8: {  	[smem:$0x3FA4] =	sst s0  }
0x9: {  	[smem:$0x3FA5] =	sst s1  }
0xa: {  	[smem:$0x3FA6] =	sst s2  }
0xb: {  	[smem:$0x3FA7] =	sst s3  }
0xc: {  	[smem:$0x3FA8] =	sst s4  }
0xd: {  	[smem:$0x3FA9] =	sst s5  }
0xe: {  	[smem:$0x3FAA] =	sst s6  }
0xf: {  	[smem:$0x3FAB] =	sst s7  }
0x10: {  	[smem:$0x3FAC] =	sst s8  }
0x11: {  	[smem:$0x3FAD] =	sst s9;
	s0 =	simm.s32 @!p0 $0x0  }
0x12: {  	s1 =	sld [smem:$0x3F93];
	s0 =	simm.s32 @p0 $0x1  }
0x13: {  	[smem:$0x3FAE] =	sst s0;
	s0 =	simm.s32 @!p1 $0x0  }
0x14: {  	s2 =	sld [smem:$0x3F92];
	s0 =	simm.s32 @p1 $0x1  }
0x15: {  	[smem:$0x3FAF] =	sst s0;
	s0 =	simm.s32 @!p2 $0x0  }
0x16: {  	s3 =	sld [smem:$0x3FDB];
	s0 =	simm.s32 @p2 $0x1  }
0x17: {  	s4 =	simm.s32 $0x1BF5;
	[smem:$0x3FB1] =	sst s0  }
0x18: {  	s0 =	sld [smem:$0x3F94];
	_ =	swait.ge [sflag:s4], $0x0  }
0x19: {  	s7 =	sld [smem:$0x3F95]  }
0x1a: {  	s8 =	sadd.s32 $0xFFFFE003, lr  }
0x1b: {  	s9 =	sadd.s32 $0xFFFFFEF7, lr;
	s5 =	simm.s32 $0xFFFFFFFF;
	p2 =	slt.u32 s8, $0xFFFFF086  }
0x1c: {  	p1 =	slt.u32 s9, $0xF7A;
	s5 =	simm.s32 @!p2 $0x0  }
0x1d: {  	s5 =	simm.s32 @p1 $0x1;
	p0 =	seq.s32 s7, s2  }
0x1e: {  	s7 =	smul.u32 @!p0 $0xF7A, s2;
	p2 =	seq.s32 @!p0 s5, $0x0  }
0x1f: {  	s9 =	smul.u32 $0xF7A, s1;
	s8 =	simm.s32 @!p0 $0x1BF5;
	p2 =	por !p2, p0  }
0x20: {  	[sflag:s8] =	ssyncset.s32 @!p0 $0xFFFFF086;
	s6 =	sadd.s32 @!p0 s3, s7;
	s7 =	simm.s32 @!p0 $0x108  }
0x21: {  	s3 =	sadd.s32 s3, s9;
	s6 =	sadd.s32 @!p0 $0x88, s6;
	s7 =	simm.s32 @p2 $0x1082  }
0x22: {  	[simem:s7], [sflag:s8] =	dma.local @!p0 [hbm:s6], $0xF7A  }
0x23: {  	s9 =	sor.u32 $0xD0000000, s2;
	s6 =	simm.s32 $0x108;
	_ =	swait.ge @!p0 [sflag:s8], $0x0  }
0x24: {  	s3 =	sadd.s32 $0x88, s3;
	s6 =	simm.s32 @!p1 $0x1082;
	[sflag:s4] =	ssyncset.s32 $0xFFFFF086  }
0x25: {  	[simem:s6], [sflag:s4] =	dma.local [hbm:s3], $0xF7A  }
0x26: {  	[smem:$0x3F95] =	sst s1;
	(tag) =	ssettag s2;
	_ =	strace s9  }
0x27: {  	s1 =	sld [smem:$0x3FA5]  }
0x28: {  	s2 =	sld [smem:$0x3FA6]  }
0x29: {  	s4 =	sld [smem:$0x3FA8]  }
0x2a: {  	p0 =	seq.s32 s5, $0x0;
	s5 =	sld [smem:$0x3FA9]  }
0x2b: {  	s6 =	sld [smem:$0x3FAA]  }
0x2c: {  	s7 =	sld [smem:$0x3FAB]  }
0x2d: {  	s3 =	simm.s32 $0x108;
	s8 =	sld [smem:$0x3FAC]  }
0x2e: {  	s3 =	simm.s32 @!p0 $0x1082;
	s9 =	sld [smem:$0x3FAD]  }
0x2f: {  	lr =	sadd.s32 s0, s3;
	s0 =	sld [smem:$0x3FA4]  }
0x30: {  	s3 =	sld [smem:$0x3FA7]  }
0x31: {  	[smem:$0x3FB0] =	sst s10  }
0x32: {  	s10 =	sld [smem:$0x3FAE];
	_ =	sdelay $0x3  }
0x33: {  	p0 =	seq.s32 s10, $0x1;
	s10 =	sld [smem:$0x3FB0];
	_ =	sdelay $0x3  }
0x34: {  	[smem:$0x3FB0] =	sst s10  }
0x35: {  	s10 =	sld [smem:$0x3FAF];
	_ =	sdelay $0x3  }
0x36: {  	p1 =	seq.s32 s10, $0x1;
	s10 =	sld [smem:$0x3FB0];
	_ =	sdelay $0x3  }
0x37: {  	[smem:$0x3FB0] =	sst s10  }
0x38: {  	s10 =	sld [smem:$0x3FB1]  }
0x39: {  	_ = 	snop;
	(pc) =	sbr.ind lr, $3  }
0x3a: {  	_ = 	snop  }
0x3b: {  	_ = 	snop  }
0x3c: {  	p2 =	seq.s32 s10, $0x1;
	s10 =	sld [smem:$0x3FB0]  }
0x3d: {  	_ =	shalt  }
0x3e: {  	_ =	shalt  }
0x3f: {  	_ =	shalt  }
0x40: {  	_ =	shalt  }
0x41: {  	_ =	shalt  }
0x42: {  	_ =	shalt  }
0x43: {  	_ =	shalt  }
0x44: {  	_ =	shalt  }
0x45: {  	_ =	shalt  }
0x46: {  	_ =	shalt  }
0x47: {  	_ =	shalt  }
0x48: {  	_ =	shalt  }
0x49: {  	_ =	shalt  }
0x4a: {  	_ =	shalt  }
0x4b: {  	_ =	shalt  }
0x4c: {  	_ =	shalt  }
0x4d: {  	_ =	shalt  }
0x4e: {  	_ =	shalt  }
0x4f: {  	_ =	shalt  }
0x50: {  	_ =	shalt  }
0x51: {  	_ =	shalt  }
0x52: {  	_ =	shalt  }
0x53: {  	_ =	shalt  }
0x54: {  	_ =	shalt  }
0x55: {  	_ =	shalt  }
0x56: {  	_ =	shalt  }
0x57: {  	_ =	shalt  }
0x58: {  	_ =	shalt  }
0x59: {  	_ =	shalt  }
0x5a: {  	_ =	shalt  }
0x5b: {  	_ =	shalt  }
0x5c: {  	_ =	shalt  }
0x5d: {  	_ =	shalt  }
0x5e: {  	_ =	shalt  }
0x5f: {  	_ =	shalt  }
0x60: {  	_ =	shalt  }
0x61: {  	_ =	shalt  }
0x62: {  	_ =	shalt  }
0x63: {  	_ =	shalt  }
0x64: {  	_ =	shalt  }
0x65: {  	_ =	shalt  }
0x66: {  	_ =	shalt  }
0x67: {  	_ =	shalt  }
0x68: {  	_ =	shalt  }
0x69: {  	_ =	shalt  }
0x6a: {  	_ =	shalt  }
0x6b: {  	_ =	shalt  }
0x6c: {  	_ =	shalt  }
0x6d: {  	_ =	shalt  }
0x6e: {  	_ =	shalt  }
0x6f: {  	_ =	shalt  }
0x70: {  	_ =	shalt  }
0x71: {  	_ =	shalt  }
0x72: {  	_ =	shalt  }
0x73: {  	_ =	shalt  }
0x74: {  	_ =	shalt  }
0x75: {  	_ =	shalt  }
0x76: {  	_ =	shalt  }
0x77: {  	_ =	shalt  }
0x78: {  	_ =	shalt  }
0x79: {  	_ =	shalt  }
0x7a: {  	_ =	shalt  }
0x7b: {  	_ =	shalt  }
0x7c: {  	_ =	shalt  }
0x7d: {  	_ =	shalt  }
0x7e: {  	_ =	shalt  }
0x7f: {  	_ =	shalt  }
0x80: {  	_ =	shalt  }
0x81: {  	_ =	shalt  }
0x82: {  	_ =	shalt  }
0x83: {  	_ =	shalt  }
0x84: {  	_ =	shalt  }
0x85: {  	_ =	shalt  }
0x86: {  	_ =	shalt  }
0x87: {  	_ =	shalt  }
.Lfunc_end0:
.L_simem_size_0:
called_computation.3_lowered:
.L_overlay_start_0:
0x88: {  	s2 =	sld [smem:$0x3FD9]  }
0x89: {  	s3 =	sld [smem:$0x3FFE];
	_ =	sdelay $0x1  }
0x8a: {  	s1 =	srdreg.scid  }
0x8b: {  	s0 =	sand.u32 $0x1, s1  }
0x8c: {  	s16 =	sshll.u32 s0, $0xA;
	s2 =	sadd.s32 s3, s2  }
0x8d: {  	s2 =	sadd.s32 s2, s16  }
0x8e: {  	[smem:$0x3FBC] =	sst s2  }
0x8f: {  	_ = 	snop  }
0x90: {  	(tm) =	ssettm $0x1  }
0x91: {  	s17 =	sld [smem:$0x3FFB];
	_ =	sdelay $0x3  }
0x92: {  	_ =	strace s17  }
0x93: {  	s2 =	sld [smem:$0x3FFC];
	_ =	sdelay $0x3  }
0x94: {  	_ =	strace s2  }
0x95: {  	s2 =	sld [smem:$0x3FFD];
	_ =	sdelay $0x3  }
0x96: {  	_ =	strace s2  }
0x97: {  	_ =	strace $0x8FFFFFFF  }
0x98: {  	s18 =	sld [smem:$0x3FDB];
	_ =	sdelay $0x1  }
0x99: {  	s19 =	simm.s32 $_scs_section_size  }
0x9a: {  	s4 =	simm.s32 $_size__tile_overlayer_lowered;
	s5 =	simm.s32 $_tile_overlayer_lowered  }
0x9b: {  	s22 =	simm.s32 $0x1BFF;
	s21 =	sshll.u32 s5, $0x1;
	s2 =	sadd.s32 s19, s18  }
0x9c: {  	s6 =	simm.s32 $0x0;
	s20 =	sshll.u32 s4, $0x1;
	s4 =	sadd.s32 s21, s2  }
0x9d: {  	[timem:s6], [sflag:s22] =	dma.local [hbm:s4], s20  }
0x9e: {  	_ =	swait.ge [sflag:s22], s20  }
0x9f: {  	s3 =	ssub.s32 $0x0, s20;
	[sflag:s22] =	ssyncset.done $0x0  }
0xa0: {  	[sflag:s22] =	ssyncadd.s32 s3;
	_ =	sdelay $0x1  }
0xa1: {  	s23 =	simm.s32 $0x1B8B  }
0xa2: {  	_ =	swait.ge [sflag:s23], $0x1  }
0xa3: {  	[sflag:s23] =	ssyncset.done $0x0  }
0xa4: {  	s25 =	simm.s32 $0x1B8E;
	s24 =	sld [smem:$0x3FFE];
	[sflag:s23] =	ssyncadd.s32 $0xFFFFFFFF  }
0xa5: {  	s26 =	simm.s32 $execute0_lowered;
	[smem:$0x3FD2] =	sst s25  }
0xa6: {  	s4 =	sshll.u32 s26, $0x1;
	_ =	strace $0x8000004F;
	[dreg:$0x1] =	wrdreg $0xFFFFFFFF  }
0xa7: {  	s28 =	simm.s32 $_size_execute0_lowered;
	s2 =	sadd.s32 s2, s4;
	[dreg:$0x0] =	wrdreg $0x0  }
0xa8: {  	s4 =	sshll.u32 s28, $0x1;
	[dreg:$0x2] =	wrdreg s2  }
0xa9: {  	[dreg:$0x3] =	wrdreg s4  }
0xaa: {  	[dreg:$0x4] =	wrdreg $0xC0  }
0xab: {  	_ =	task [dreg:s6], $0x5FFFF  }
0xac: {  	[dreg:$0x1] =	wrdreg $0xFFFFFFFF  }
0xad: {  	[dreg:$0x0] =	wrdreg $0x60  }
0xae: {  	[dreg:$0x2] =	wrdreg s24  }
0xaf: {  	[dreg:$0x3] =	wrdreg $0x74000  }
0xb0: {  	[dreg:$0x4] =	wrdreg $0x60000  }
0xb1: {  	[dreg:$0x5] =	wrdreg $0x9  }
0xb2: {  	_ =	task.clear_ibuf [dreg:s6], $0x6FFFF;
	_ =	strace $0x9000004F  }
0xb3: {  	s29 =	simm.s32 $0x9;
	_ =	strace $0x80000051  }
0xb4: {  	_ =	swait.ge [sflag:s29], $0x1  }
0xb5: {  	[sflag:s29] =	ssyncadd.s32 $0xFFFFFFFF  }
0xb6: {  	_ =	strace $0x90000051  }
0xb7: {  	_ =	sfence  }
0xb8: {  	s30 =	sld [smem:$0x0];
	_ =	sdelay $0x2  }
0xb9: {  	s31 =	sshll.u32 s1, $0xD;
	s1 =	sshrl.u32 s1, $0x2  }
0xba: {  	s3 =	sand.u32 $0x4000, s31;
	s1 =	sadd.s32 s1, s30  }
0xbb: {  	s0 =	sor.u32 s3, s0;
	s1 =	sshll.u32 s1, $0x11  }
0xbc: {  	s0 =	sor.u32 s1, s0  }
0xbd: {  	s0 =	sadd.s32 $0x8F2B, s0  }
0xbe: {  	[sflag:s0] =	ssyncadd.remote.s32 $0x1  }
0xbf: {  	_ =	sfence.sel $0xFFFF  }
0xc0: {  	[dreg:$0x0] =	wrdreg $0xFFFFFFFF;
	(pc) =	sbr.abs _section_cstart, $3  }
0xc1: {  	[dreg:$0x1] =	wrdreg $0xFFFFFFFF  }
0xc2: {  	_ =	task.clear_ibuf [dreg:s6], $0x2FFFF;
	_ =	strace $0x9FFFFFFF  }
0xc3: {  	(tm) =	ssettm $0x7FFFFFFF  }
tec
execute0_lowered:
.L_overlay_start_1:
0x0: {  	(tag) =	ssettag $0x1  }
0x1: {  	s0 =	srdreg.scid  }
0x2: {  	s1 =	rddreg [dreg:$0x0];
	s10 =	stileid.u32  }
0x3: {  	s2 =	rddreg [dreg:$0x1];
	s13 =	simm.s32 $0x9;
	s16 =	simm.s32 $0x80  }
0x4: {  	s17 =	simm.s32 $0x5000;
	s18 =	simm.s32 $0x5400;
	s20 =	simm.s32 $0x5800  }
0x5: {  	s22 =	simm.s32 $0x5C00;
	s28 =	simm.s32 $0x5;
	s29 =	simm.s32 $0x6  }
0x6: {  	s30 =	simm.s32 $0x7;
	s31 =	simm.s32 $0x8;
	s19 =	simm.s32 $0x4F80  }
0x7: {  	s21 =	simm.s32 $0x0;
	s0 =	sand.u32 $0x1, s0;
	s7 =	smul.u32 $0x1400, s10  }
0x8: {  	s26 =	sshll.u32 s10, $0x6;
	s3 =	sshll.u32 s0, $0x4;
	s6 =	smul.u32 $0x14000, s0  }
0x9: {  	s0 =	ssub.s32 $0x2, s0;
	s4 =	sor.u32 s10, s3;
	s3 =	rddreg [dreg:$0x2]  }
0xa: {  	s23 =	sshrl.u32 s7, $0x3;
	s25 =	sshrl.u32 s0, $0x1;
	s12 =	sadd.s32 s7, s2  }
0xb: {  	s5 =	smul.u32 $0x500, s4;
	s4 =	simm.s32 $0x0;
	s6 =	sadd.s32 s7, s6  }
0xc: {  	s8 =	sadd.s32 s23, s1;
	s0 =	ssub.s32 s0, s25;
	s14 =	sadd.s32 s7, s3  }
0xd: {  	s12 =	sshrl.u32 s12, $0x3;
	s23 =	simm.s32 $0x1;
	s25 =	simm.s32 $0x3  }
0xe: {  	[smem:$0x7FF] =	sst s4;
	s24 =	sshrl.u32 s6, $0x3;
	s6 =	sor.u32 $0x1C09, s26  }
0xf: {  	s7 =	sadd.s32 $0xD600, s8;
	s11 =	smax.u32 s0, $0x1;
	s14 =	sshrl.u32 s14, $0x3  }
0x10: {  	s26 =	simm.s32 $0x4;
	_ =	strace $0x80000050;
	s9 =	sadd.s32 s5, s1  }
0x11: {  	s1 =	sadd.s32 s24, s1;
	s5 =	sadd.s32 $0xFE00, s8;
	s24 =	simm.s32 $0x2  }
0x12: {  	s8 =	sadd.s32 $0x15000, s9;
	s9 =	sadd.s32 $0x3600, s9;
	s10 =	sadd.s32 $0x1F000, s1  }
.LBB2_1:
0x13: {  	[spmem:s12], [sflag:s6] =	dma.local [hbm:s5], $0x280  }
0x14: {  	_ =	swait.ge [sflag:s13], $0x280  }
0x15: {  	[sflag:s13] =	ssyncset.done $0x0  }
0x16: {  	[sflag:s13] =	ssyncadd.s32 $0xFFFFFD80  }
0x17: {  	[spmem:s14], [sflag:s6] =	dma.local [hbm:s7], $0x280  }
0x18: {  	_ =	swait.ge [sflag:s13], $0x280  }
0x19: {  	[sflag:s13] =	ssyncset.done $0x0  }
0x1a: {  	[sflag:s13] =	ssyncadd.s32 $0xFFFFFD80  }
0x1b: {  	[tilespmem:s4], [sflag:$0x9] =	stream.linear.gather [hbm4b:s8+s4], $0x2800, $0x38;
	[tilespmem:$0x8800] =	vst v63  }
0x1c: {  	_ =	swait.ge [sflag:s13], $0x2800  }
0x1d: {  	[sflag:s13] =	ssyncset.done $0x0  }
0x1e: {  	s0 =	simm.s32 $0x2800;
	[sflag:s13] =	ssyncadd.s32 $0xFFFFD800  }
0x1f: {  	[tilespmem:s0], [sflag:$0x9] =	stream.linear.gather [hbm4b:s9+s4], $0x2800, $0x38;
	[tilespmem:$0x8800] =	vst v63  }
0x20: {  	_ =	swait.ge [sflag:s13], $0x2800  }
0x21: {  	[sflag:s13] =	ssyncset.done $0x0  }
0x22: {  	[sflag:s13] =	ssyncadd.s32 $0xFFFFD800  }
0x23: {  	[bflag:$0x0] =	sbarrier.arrive $0xFFFF  }
0x24: {  	[tilespmem:s17], [sflag:$0x1] =	stream.indirect.gather [spmem:s2], $0x8, s4, s16, $0xb8;
	[tilespmem:$0x8800] =	vst v63  }
0x25: {  	_ = 	snop  }
0x26: {  	[tilespmem:s18], [sflag:$0x2] =	stream.indirect.gather [spmem:s2], $0x8, s16, s16, $0xb8;
	[tilespmem:$0x8800] =	vst v63  }
0x27: {  	s15 =	simm.s32 $0x100  }
0x28: {  	[tilespmem:s20], [sflag:$0x3] =	stream.indirect.gather [spmem:s2], $0x8, s15, s16, $0xb8;
	[tilespmem:$0x8800] =	vst v63  }
0x29: {  	s1 =	simm.s32 $0x180  }
0x2a: {  	[tilespmem:s22], [sflag:$0x4] =	stream.indirect.gather [spmem:s2], $0x8, s1, s16, $0xb8;
	[tilespmem:$0x8800] =	vst v63  }
0x2b: {  	_ =	swait.ge [sflag:s23], $0x400  }
0x2c: {  	[sflag:s23] =	ssyncset.done $0x0  }
0x2d: {  	s15 =	simm.s32 $0x2800;
	[sflag:s23] =	ssyncadd.s32 $0xFFFFFC00  }
0x2e: {  	[spmem:s3] =	stream.indirect.scatter.add.f32 [tilespmem:s17], [sflag:$0x5], $0x8, s15, s16, $0xb8;
	[tilespmem:$0x8800] =	vst v63  }
0x2f: {  	_ =	swait.ge [sflag:s24], $0x400  }
0x30: {  	[sflag:s24] =	ssyncset.done $0x0  }
0x31: {  	s1 =	simm.s32 $0x2880;
	[sflag:s24] =	ssyncadd.s32 $0xFFFFFC00  }
0x32: {  	[spmem:s3] =	stream.indirect.scatter.add.f32 [tilespmem:s18], [sflag:$0x6], $0x8, s1, s16, $0xb8;
	[tilespmem:$0x8800] =	vst v63  }
0x33: {  	_ =	swait.ge [sflag:s25], $0x400  }
0x34: {  	[sflag:s25] =	ssyncset.done $0x0  }
0x35: {  	s15 =	simm.s32 $0x2900;
	[sflag:s25] =	ssyncadd.s32 $0xFFFFFC00  }
0x36: {  	[spmem:s3] =	stream.indirect.scatter.add.f32 [tilespmem:s20], [sflag:$0x7], $0x8, s15, s16, $0xb8;
	[tilespmem:$0x8800] =	vst v63  }
0x37: {  	_ =	swait.ge [sflag:s26], $0x400  }
0x38: {  	[sflag:s26] =	ssyncset.done $0x0  }
0x39: {  	s1 =	simm.s32 $0x2980;
	[sflag:s26] =	ssyncadd.s32 $0xFFFFFC00  }
0x3a: {  	[spmem:s3] =	stream.indirect.scatter.add.f32 [tilespmem:s22], [sflag:$0x8], $0x8, s1, s16, $0xb8;
	[tilespmem:$0x8800] =	vst v63  }
0x3b: {  	_ =	swait.ge [sflag:s28], $0x400  }
0x3c: {  	[sflag:s28] =	ssyncset.done $0x0  }
0x3d: {  	s15 =	simm.s32 $0x200;
	[sflag:s28] =	ssyncadd.s32 $0xFFFFFC00  }
0x3e: {  	[tilespmem:s17], [sflag:$0x1] =	stream.indirect.gather [spmem:s2], $0x8, s15, s16, $0xb8;
	[tilespmem:$0x8800] =	vst v63  }
0x3f: {  	_ =	swait.ge [sflag:s29], $0x400  }
0x40: {  	[sflag:s29] =	ssyncset.done $0x0  }
0x41: {  	s1 =	simm.s32 $0x280;
	[sflag:s29] =	ssyncadd.s32 $0xFFFFFC00  }
0x42: {  	[tilespmem:s18], [sflag:$0x2] =	stream.indirect.gather [spmem:s2], $0x8, s1, s16, $0xb8;
	[tilespmem:$0x8800] =	vst v63  }
0x43: {  	_ =	swait.ge [sflag:s30], $0x400  }
0x44: {  	[sflag:s30] =	ssyncset.done $0x0  }
0x45: {  	s15 =	simm.s32 $0x300;
	[sflag:s30] =	ssyncadd.s32 $0xFFFFFC00  }
0x46: {  	[tilespmem:s20], [sflag:$0x3] =	stream.indirect.gather [spmem:s2], $0x8, s15, s16, $0xb8;
	[tilespmem:$0x8800] =	vst v63  }
0x47: {  	_ =	swait.ge [sflag:s31], $0x400  }
0x48: {  	[sflag:s31] =	ssyncset.done $0x0  }
0x49: {  	s0 =	simm.s32 $0x380;
	s1 =	simm.s32 $0x800;
	[sflag:s31] =	ssyncadd.s32 $0xFFFFFC00  }
.LBB2_2:
0x4a: {  	[tilespmem:s22], [sflag:$0x4] =	stream.indirect.gather [spmem:s2], $0x8, s0, s16, $0xb8;
	[tilespmem:$0x8800] =	vst v63  }
0x4b: {  	s0 =	smov.u32 s1  }
0x4c: {  	p0 =	sne.s32 s1, $0x9000;
	s1 =	sadd.s32 $0x800, s1;
	_ =	swait.ge [sflag:s23], $0x400  }
0x4d: {  	s0 =	sshra.s32 s0, $0x2;
	[sflag:s23] =	ssyncset.done $0x0  }
0x4e: {  	s15 =	sadd.s32 $0x2800, s0;
	[sflag:s23] =	ssyncadd.s32 $0xFFFFFC00  }
0x4f: {  	[spmem:s3] =	stream.indirect.scatter.add.f32 [tilespmem:s17], [sflag:$0x5], $0x8, s15, s16, $0xb8;
	[tilespmem:$0x8800] =	vst v63  }
0x50: {  	_ =	swait.ge [sflag:s24], $0x400  }
0x51: {  	[sflag:s24] =	ssyncset.done $0x0  }
0x52: {  	s15 =	sadd.s32 $0x2880, s0;
	[sflag:s24] =	ssyncadd.s32 $0xFFFFFC00  }
0x53: {  	[spmem:s3] =	stream.indirect.scatter.add.f32 [tilespmem:s18], [sflag:$0x6], $0x8, s15, s16, $0xb8;
	[tilespmem:$0x8800] =	vst v63  }
0x54: {  	_ =	swait.ge [sflag:s25], $0x400  }
0x55: {  	[sflag:s25] =	ssyncset.done $0x0  }
0x56: {  	s15 =	sadd.s32 $0x2900, s0;
	[sflag:s25] =	ssyncadd.s32 $0xFFFFFC00  }
0x57: {  	[spmem:s3] =	stream.indirect.scatter.add.f32 [tilespmem:s20], [sflag:$0x7], $0x8, s15, s16, $0xb8;
	[tilespmem:$0x8800] =	vst v63  }
0x58: {  	_ =	swait.ge [sflag:s26], $0x400  }
0x59: {  	[sflag:s26] =	ssyncset.done $0x0  }
0x5a: {  	s15 =	sadd.s32 $0x2980, s0;
	[sflag:s26] =	ssyncadd.s32 $0xFFFFFC00  }
0x5b: {  	[spmem:s3] =	stream.indirect.scatter.add.f32 [tilespmem:s22], [sflag:$0x8], $0x8, s15, s16, $0xb8;
	[tilespmem:$0x8800] =	vst v63  }
0x5c: {  	_ =	swait.ge [sflag:s28], $0x400  }
0x5d: {  	[sflag:s28] =	ssyncset.done $0x0  }
0x5e: {  	s15 =	sadd.s32 $0x200, s0;
	[sflag:s28] =	ssyncadd.s32 $0xFFFFFC00  }
0x5f: {  	[tilespmem:s17], [sflag:$0x1] =	stream.indirect.gather [spmem:s2], $0x8, s15, s16, $0xb8;
	[tilespmem:$0x8800] =	vst v63  }
0x60: {  	_ =	swait.ge [sflag:s29], $0x400  }
0x61: {  	[sflag:s29] =	ssyncset.done $0x0  }
0x62: {  	s15 =	sadd.s32 $0x280, s0;
	[sflag:s29] =	ssyncadd.s32 $0xFFFFFC00  }
0x63: {  	[tilespmem:s18], [sflag:$0x2] =	stream.indirect.gather [spmem:s2], $0x8, s15, s16, $0xb8;
	[tilespmem:$0x8800] =	vst v63  }
0x64: {  	_ =	swait.ge [sflag:s30], $0x400  }
0x65: {  	[sflag:s30] =	ssyncset.done $0x0  }
.Ltmp0:
0x66: {  	s15 =	sadd.s32 $0x300, s0;
	[sflag:s30] =	ssyncadd.s32 $0xFFFFFC00;
	(pc) =	sbr.rel @p0 .LBB2_2-.Ltmp0, $4  }
0x67: {  	[tilespmem:s20], [sflag:$0x3] =	stream.indirect.gather [spmem:s2], $0x8, s15, s16, $0xb8;
	[tilespmem:$0x8800] =	vst v63  }
0x68: {  	_ =	swait.ge [sflag:s31], $0x400  }
0x69: {  	[sflag:s31] =	ssyncset.done $0x0  }
0x6a: {  	s0 =	sadd.s32 $0x380, s0;
	[sflag:s31] =	ssyncadd.s32 $0xFFFFFC00  }
0x6b: {  	[tilespmem:s22], [sflag:$0x4] =	stream.indirect.gather [spmem:s2], $0x8, s0, s16, $0xb8;
	[tilespmem:$0x8800] =	vst v63  }
0x6c: {  	_ =	swait.ge [sflag:s23], $0x400  }
0x6d: {  	[sflag:s23] =	ssyncset.done $0x0  }
0x6e: {  	s15 =	simm.s32 $0x4E00;
	[sflag:s23] =	ssyncadd.s32 $0xFFFFFC00  }
0x6f: {  	[spmem:s3] =	stream.indirect.scatter.add.f32 [tilespmem:s17], [sflag:$0x5], $0x8, s15, s16, $0xb8;
	[tilespmem:$0x8800] =	vst v63  }
0x70: {  	_ =	swait.ge [sflag:s24], $0x400  }
0x71: {  	[sflag:s24] =	ssyncset.done $0x0  }
0x72: {  	s1 =	simm.s32 $0x4E80;
	[sflag:s24] =	ssyncadd.s32 $0xFFFFFC00  }
0x73: {  	[spmem:s3] =	stream.indirect.scatter.add.f32 [tilespmem:s18], [sflag:$0x6], $0x8, s1, s16, $0xb8;
	[tilespmem:$0x8800] =	vst v63  }
0x74: {  	_ =	swait.ge [sflag:s25], $0x400  }
0x75: {  	[sflag:s25] =	ssyncset.done $0x0  }
0x76: {  	s15 =	simm.s32 $0x4F00;
	[sflag:s25] =	ssyncadd.s32 $0xFFFFFC00  }
0x77: {  	[spmem:s3] =	stream.indirect.scatter.add.f32 [tilespmem:s20], [sflag:$0x7], $0x8, s15, s16, $0xb8;
	[tilespmem:$0x8800] =	vst v63  }
0x78: {  	_ =	swait.ge [sflag:s26], $0x400  }
0x79: {  	[sflag:s26] =	ssyncset.done $0x0  }
0x7a: {  	[sflag:s26] =	ssyncadd.s32 $0xFFFFFC00  }
0x7b: {  	[spmem:s3] =	stream.indirect.scatter.add.f32 [tilespmem:s22], [sflag:$0x8], $0x8, s19, s16, $0xb8;
	[tilespmem:$0x8800] =	vst v63  }
0x7c: {  	_ =	swait.ge [sflag:s28], $0x400  }
0x7d: {  	[sflag:s28] =	ssyncset.done $0x0  }
0x7e: {  	[sflag:s28] =	ssyncadd.s32 $0xFFFFFC00  }
0x7f: {  	_ =	swait.ge [sflag:s29], $0x400  }
0x80: {  	[sflag:s29] =	ssyncset.done $0x0  }
0x81: {  	[sflag:s29] =	ssyncadd.s32 $0xFFFFFC00  }
0x82: {  	_ =	swait.ge [sflag:s30], $0x400  }
0x83: {  	[sflag:s30] =	ssyncset.done $0x0  }
0x84: {  	[sflag:s30] =	ssyncadd.s32 $0xFFFFFC00  }
0x85: {  	_ =	swait.ge [sflag:s31], $0x400  }
0x86: {  	s21 =	sadd.s32 $0x1, s21;
	[sflag:s31] =	ssyncset.done $0x0  }
0x87: {  	p0 =	sne.s32 s21, s11;
	[sflag:s31] =	ssyncadd.s32 $0xFFFFFC00  }
.Ltmp1:
0x88: {  	[bflag:$0x0] =	sbarrier.arrive $0xFFFF;
	(pc) =	sbr.rel @p0 .LBB2_1-.Ltmp1, $4  }
0x89: {  	[hbm:s10], [sflag:s6] =	dma.local [spmem:s14], $0x280  }
0x8a: {  	_ =	swait.ge [sflag:s13], $0x280  }
0x8b: {  	[sflag:s13] =	ssyncset.done $0x0  }
0x8c: {  	[sflag:s13] =	ssyncadd.s32 $0xFFFFFD80  }
0x8d: {  	_ =	sfence.sel $0x180000  }
0x8e: {  	[bflag:$0x0] =	sbarrier.arrive $0xFFFF  }
0x8f: {  	_ =	strace $0x90000050  }
0x90: {  	s0 =	stileid.u32;
	[bflag:$0x2] =	sbarrier.arrive $0xFFFF  }
0x91: {  	p0 =	sne.s32 s0, $0x0;
	s0 =	rddreg [dreg:$0x3]  }
0x92: {  	s0 =	sadd.s32 @!p0 $0x100000, s0  }
0x93: {  	[sflag:s0] =	ssyncadd.tile.s32 @!p0 $0x1;
	_ =	shalt  }
.Lfunc_end2:
_tile_overlayer_lowered:
.L_overlay_start_2:
0x94: {  	(tag) =	ssettag $0x2  }
0x95: {  	s0 =	rddreg [dreg:$0x0];
	s2 =	stileid.u32  }
0x96: {  	s1 =	rddreg [dreg:$0x1];
	p0 =	sne.s32 s2, $0x0  }
0x97: {  	s3 =	rddreg [dreg:$0x2];
	[bflag:$0x3] =	sbarrier.arrive $0xFFFF;
	s2 =	simm.s32 @!p0 $0x1C09  }
0x98: {  	[timem:s3], [sflag:s2] =	dma.local @!p0 [hbm:s0], s1  }
0x99: {  	s0 =	simm.s32 @!p0 $0x9  }
0x9a: {  	_ =	swait.ge @!p0 [sflag:s0], s1  }
0x9b: {  	s1 =	ssub.s32 @!p0 $0x0, s1;
	[sflag:s0] =	ssyncset.done @!p0 $0x0  }
0x9c: {  	[sflag:s0] =	ssyncadd.s32 @!p0 s1  }
0x9d: {  	[bflag:$0x3] =	sbarrier.arrive $0xFFFF  }
0x9e: {  	_ =	shalt  }

// kernel: kernel.24.cloned.1.call-start
scs
__scs_entry_jumppad:
0x0: {  	(pc) =	sbr.rel $0x88, $3  }
0x1: {  	(tag) =	ssettag $0x0;
	lr =	simm.s32 $0x1  }
0x2: {  	[smem:$0x3F95] =	sst lr;
	_ =	strace $0xD0000000  }
0x3: {  	_ = 	snop  }
0x4: {  	_ = 	snop  }
0x5: {  	_ = 	snop  }
0x6: {  	_ = 	snop  }
0x7: {  	_ = 	snop  }
__scs_overlays_trampoline_lowered:
0x8: {  	[smem:$0x3FA4] =	sst s0  }
0x9: {  	[smem:$0x3FA5] =	sst s1  }
0xa: {  	[smem:$0x3FA6] =	sst s2  }
0xb: {  	[smem:$0x3FA7] =	sst s3  }
0xc: {  	[smem:$0x3FA8] =	sst s4  }
0xd: {  	[smem:$0x3FA9] =	sst s5  }
0xe: {  	[smem:$0x3FAA] =	sst s6  }
0xf: {  	[smem:$0x3FAB] =	sst s7  }
0x10: {  	[smem:$0x3FAC] =	sst s8  }
0x11: {  	[smem:$0x3FAD] =	sst s9;
	s0 =	simm.s32 @!p0 $0x0  }
0x12: {  	s1 =	sld [smem:$0x3F93];
	s0 =	simm.s32 @p0 $0x1  }
0x13: {  	[smem:$0x3FAE] =	sst s0;
	s0 =	simm.s32 @!p1 $0x0  }
0x14: {  	s2 =	sld [smem:$0x3F92];
	s0 =	simm.s32 @p1 $0x1  }
0x15: {  	[smem:$0x3FAF] =	sst s0;
	s0 =	simm.s32 @!p2 $0x0  }
0x16: {  	s3 =	sld [smem:$0x3FDB];
	s0 =	simm.s32 @p2 $0x1  }
0x17: {  	s4 =	simm.s32 $0x1BF5;
	[smem:$0x3FB1] =	sst s0  }
0x18: {  	s0 =	sld [smem:$0x3F94];
	_ =	swait.ge [sflag:s4], $0x0  }
0x19: {  	s7 =	sld [smem:$0x3F95]  }
0x1a: {  	s8 =	sadd.s32 $0xFFFFE003, lr  }
0x1b: {  	s9 =	sadd.s32 $0xFFFFFEF7, lr;
	s5 =	simm.s32 $0xFFFFFFFF;
	p2 =	slt.u32 s8, $0xFFFFF086  }
0x1c: {  	p1 =	slt.u32 s9, $0xF7A;
	s5 =	simm.s32 @!p2 $0x0  }
0x1d: {  	s5 =	simm.s32 @p1 $0x1;
	p0 =	seq.s32 s7, s2  }
0x1e: {  	s7 =	smul.u32 @!p0 $0xF7A, s2;
	p2 =	seq.s32 @!p0 s5, $0x0  }
0x1f: {  	s9 =	smul.u32 $0xF7A, s1;
	s8 =	simm.s32 @!p0 $0x1BF5;
	p2 =	por !p2, p0  }
0x20: {  	[sflag:s8] =	ssyncset.s32 @!p0 $0xFFFFF086;
	s6 =	sadd.s32 @!p0 s3, s7;
	s7 =	simm.s32 @!p0 $0x108  }
0x21: {  	s3 =	sadd.s32 s3, s9;
	s6 =	sadd.s32 @!p0 $0x88, s6;
	s7 =	simm.s32 @p2 $0x1082  }
0x22: {  	[simem:s7], [sflag:s8] =	dma.local @!p0 [hbm:s6], $0xF7A  }
0x23: {  	s9 =	sor.u32 $0xD0000000, s2;
	s6 =	simm.s32 $0x108;
	_ =	swait.ge @!p0 [sflag:s8], $0x0  }
0x24: {  	s3 =	sadd.s32 $0x88, s3;
	s6 =	simm.s32 @!p1 $0x1082;
	[sflag:s4] =	ssyncset.s32 $0xFFFFF086  }
0x25: {  	[simem:s6], [sflag:s4] =	dma.local [hbm:s3], $0xF7A  }
0x26: {  	[smem:$0x3F95] =	sst s1;
	(tag) =	ssettag s2;
	_ =	strace s9  }
0x27: {  	s1 =	sld [smem:$0x3FA5]  }
0x28: {  	s2 =	sld [smem:$0x3FA6]  }
0x29: {  	s4 =	sld [smem:$0x3FA8]  }
0x2a: {  	p0 =	seq.s32 s5, $0x0;
	s5 =	sld [smem:$0x3FA9]  }
0x2b: {  	s6 =	sld [smem:$0x3FAA]  }
0x2c: {  	s7 =	sld [smem:$0x3FAB]  }
0x2d: {  	s3 =	simm.s32 $0x108;
	s8 =	sld [smem:$0x3FAC]  }
0x2e: {  	s3 =	simm.s32 @!p0 $0x1082;
	s9 =	sld [smem:$0x3FAD]  }
0x2f: {  	lr =	sadd.s32 s0, s3;
	s0 =	sld [smem:$0x3FA4]  }
0x30: {  	s3 =	sld [smem:$0x3FA7]  }
0x31: {  	[smem:$0x3FB0] =	sst s10  }
0x32: {  	s10 =	sld [smem:$0x3FAE];
	_ =	sdelay $0x3  }
0x33: {  	p0 =	seq.s32 s10, $0x1;
	s10 =	sld [smem:$0x3FB0];
	_ =	sdelay $0x3  }
0x34: {  	[smem:$0x3FB0] =	sst s10  }
0x35: {  	s10 =	sld [smem:$0x3FAF];
	_ =	sdelay $0x3  }
0x36: {  	p1 =	seq.s32 s10, $0x1;
	s10 =	sld [smem:$0x3FB0];
	_ =	sdelay $0x3  }
0x37: {  	[smem:$0x3FB0] =	sst s10  }
0x38: {  	s10 =	sld [smem:$0x3FB1]  }
0x39: {  	_ = 	snop;
	(pc) =	sbr.ind lr, $3  }
0x3a: {  	_ = 	snop  }
0x3b: {  	_ = 	snop  }
0x3c: {  	p2 =	seq.s32 s10, $0x1;
	s10 =	sld [smem:$0x3FB0]  }
0x3d: {  	_ =	shalt  }
0x3e: {  	_ =	shalt  }
0x3f: {  	_ =	shalt  }
0x40: {  	_ =	shalt  }
0x41: {  	_ =	shalt  }
0x42: {  	_ =	shalt  }
0x43: {  	_ =	shalt  }
0x44: {  	_ =	shalt  }
0x45: {  	_ =	shalt  }
0x46: {  	_ =	shalt  }
0x47: {  	_ =	shalt  }
0x48: {  	_ =	shalt  }
0x49: {  	_ =	shalt  }
0x4a: {  	_ =	shalt  }
0x4b: {  	_ =	shalt  }
0x4c: {  	_ =	shalt  }
0x4d: {  	_ =	shalt  }
0x4e: {  	_ =	shalt  }
0x4f: {  	_ =	shalt  }
0x50: {  	_ =	shalt  }
0x51: {  	_ =	shalt  }
0x52: {  	_ =	shalt  }
0x53: {  	_ =	shalt  }
0x54: {  	_ =	shalt  }
0x55: {  	_ =	shalt  }
0x56: {  	_ =	shalt  }
0x57: {  	_ =	shalt  }
0x58: {  	_ =	shalt  }
0x59: {  	_ =	shalt  }
0x5a: {  	_ =	shalt  }
0x5b: {  	_ =	shalt  }
0x5c: {  	_ =	shalt  }
0x5d: {  	_ =	shalt  }
0x5e: {  	_ =	shalt  }
0x5f: {  	_ =	shalt  }
0x60: {  	_ =	shalt  }
0x61: {  	_ =	shalt  }
0x62: {  	_ =	shalt  }
0x63: {  	_ =	shalt  }
0x64: {  	_ =	shalt  }
0x65: {  	_ =	shalt  }
0x66: {  	_ =	shalt  }
0x67: {  	_ =	shalt  }
0x68: {  	_ =	shalt  }
0x69: {  	_ =	shalt  }
0x6a: {  	_ =	shalt  }
0x6b: {  	_ =	shalt  }
0x6c: {  	_ =	shalt  }
0x6d: {  	_ =	shalt  }
0x6e: {  	_ =	shalt  }
0x6f: {  	_ =	shalt  }
0x70: {  	_ =	shalt  }
0x71: {  	_ =	shalt  }
0x72: {  	_ =	shalt  }
0x73: {  	_ =	shalt  }
0x74: {  	_ =	shalt  }
0x75: {  	_ =	shalt  }
0x76: {  	_ =	shalt  }
0x77: {  	_ =	shalt  }
0x78: {  	_ =	shalt  }
0x79: {  	_ =	shalt  }
0x7a: {  	_ =	shalt  }
0x7b: {  	_ =	shalt  }
0x7c: {  	_ =	shalt  }
0x7d: {  	_ =	shalt  }
0x7e: {  	_ =	shalt  }
0x7f: {  	_ =	shalt  }
0x80: {  	_ =	shalt  }
0x81: {  	_ =	shalt  }
0x82: {  	_ =	shalt  }
0x83: {  	_ =	shalt  }
0x84: {  	_ =	shalt  }
0x85: {  	_ =	shalt  }
0x86: {  	_ =	shalt  }
0x87: {  	_ =	shalt  }
.Lfunc_end0:
.L_simem_size_0:
called_computation.4_lowered:
.L_overlay_start_0:
0x88: {  	s2 =	sld [smem:$0x3FD9]  }
0x89: {  	s3 =	sld [smem:$0x3FFE];
	_ =	sdelay $0x1  }
0x8a: {  	s1 =	srdreg.scid  }
0x8b: {  	s0 =	sand.u32 $0x1, s1  }
0x8c: {  	s16 =	sshll.u32 s0, $0xA;
	s2 =	sadd.s32 s3, s2  }
0x8d: {  	s2 =	sadd.s32 s2, s16  }
0x8e: {  	[smem:$0x3FBC] =	sst s2  }
0x8f: {  	_ = 	snop  }
0x90: {  	(tm) =	ssettm $0x1  }
0x91: {  	s17 =	sld [smem:$0x3FFB];
	_ =	sdelay $0x3  }
0x92: {  	_ =	strace s17  }
0x93: {  	s2 =	sld [smem:$0x3FFC];
	_ =	sdelay $0x3  }
0x94: {  	_ =	strace s2  }
0x95: {  	s2 =	sld [smem:$0x3FFD];
	_ =	sdelay $0x3  }
0x96: {  	_ =	strace s2  }
0x97: {  	_ =	strace $0x8FFFFFFF  }
0x98: {  	s18 =	sld [smem:$0x3FDB];
	_ =	sdelay $0x1  }
0x99: {  	s19 =	simm.s32 $_scs_section_size  }
0x9a: {  	s4 =	simm.s32 $_size__tile_overlayer_lowered;
	s5 =	simm.s32 $_tile_overlayer_lowered  }
0x9b: {  	s22 =	simm.s32 $0x1BFF;
	s21 =	sshll.u32 s5, $0x1;
	s2 =	sadd.s32 s19, s18  }
0x9c: {  	s6 =	simm.s32 $0x0;
	s20 =	sshll.u32 s4, $0x1;
	s4 =	sadd.s32 s21, s2  }
0x9d: {  	[timem:s6], [sflag:s22] =	dma.local [hbm:s4], s20  }
0x9e: {  	_ =	swait.ge [sflag:s22], s20  }
0x9f: {  	s3 =	ssub.s32 $0x0, s20;
	[sflag:s22] =	ssyncset.done $0x0  }
0xa0: {  	[sflag:s22] =	ssyncadd.s32 s3;
	_ =	sdelay $0x1  }
0xa1: {  	s23 =	simm.s32 $0x1B8B  }
0xa2: {  	_ =	swait.ge [sflag:s23], $0x1  }
0xa3: {  	[sflag:s23] =	ssyncset.done $0x0  }
0xa4: {  	s25 =	simm.s32 $0x1B8E;
	s24 =	sld [smem:$0x3FFE];
	[sflag:s23] =	ssyncadd.s32 $0xFFFFFFFF  }
0xa5: {  	s26 =	simm.s32 $execute0_lowered;
	[smem:$0x3FD2] =	sst s25  }
0xa6: {  	s4 =	sshll.u32 s26, $0x1;
	_ =	strace $0x80000052;
	[dreg:$0x1] =	wrdreg $0xFFFFFFFF  }
0xa7: {  	s28 =	simm.s32 $_size_execute0_lowered;
	s2 =	sadd.s32 s2, s4;
	[dreg:$0x0] =	wrdreg $0x0  }
0xa8: {  	s4 =	sshll.u32 s28, $0x1;
	[dreg:$0x2] =	wrdreg s2  }
0xa9: {  	[dreg:$0x3] =	wrdreg s4  }
0xaa: {  	[dreg:$0x4] =	wrdreg $0xC0  }
0xab: {  	_ =	task [dreg:s6], $0x5FFFF  }
0xac: {  	[dreg:$0x1] =	wrdreg $0xFFFFFFFF  }
0xad: {  	[dreg:$0x0] =	wrdreg $0x60  }
0xae: {  	[dreg:$0x2] =	wrdreg s24  }
0xaf: {  	[dreg:$0x3] =	wrdreg $0x74000  }
0xb0: {  	[dreg:$0x4] =	wrdreg $0x60000  }
0xb1: {  	[dreg:$0x5] =	wrdreg $0x9  }
0xb2: {  	_ =	task.clear_ibuf [dreg:s6], $0x6FFFF;
	_ =	strace $0x90000052  }
0xb3: {  	s29 =	simm.s32 $0x9;
	_ =	strace $0x80000054  }
0xb4: {  	_ =	swait.ge [sflag:s29], $0x1  }
0xb5: {  	[sflag:s29] =	ssyncadd.s32 $0xFFFFFFFF  }
0xb6: {  	_ =	strace $0x90000054  }
0xb7: {  	_ =	sfence  }
0xb8: {  	s30 =	sld [smem:$0x0];
	_ =	sdelay $0x2  }
0xb9: {  	s31 =	sshll.u32 s1, $0xD;
	s1 =	sshrl.u32 s1, $0x2  }
0xba: {  	s3 =	sand.u32 $0x4000, s31;
	s1 =	sadd.s32 s1, s30  }
0xbb: {  	s0 =	sor.u32 s3, s0;
	s1 =	sshll.u32 s1, $0x11  }
0xbc: {  	s0 =	sor.u32 s1, s0  }
0xbd: {  	s0 =	sadd.s32 $0x8F2B, s0  }
0xbe: {  	[sflag:s0] =	ssyncadd.remote.s32 $0x1  }
0xbf: {  	_ =	sfence.sel $0xFFFF  }
0xc0: {  	[dreg:$0x0] =	wrdreg $0xFFFFFFFF;
	(pc) =	sbr.abs _section_cstart, $3  }
0xc1: {  	[dreg:$0x1] =	wrdreg $0xFFFFFFFF  }
0xc2: {  	_ =	task.clear_ibuf [dreg:s6], $0x2FFFF;
	_ =	strace $0x9FFFFFFF  }
0xc3: {  	(tm) =	ssettm $0x7FFFFFFF  }
tec
execute0_lowered:
.L_overlay_start_1:
0x0: {  	(tag) =	ssettag $0x1  }
0x1: {  	s0 =	srdreg.scid  }
0x2: {  	s1 =	rddreg [dreg:$0x0];
	s10 =	stileid.u32  }
0x3: {  	s2 =	rddreg [dreg:$0x1];
	s13 =	simm.s32 $0x9;
	s16 =	simm.s32 $0x80  }
0x4: {  	s17 =	simm.s32 $0x5000;
	s18 =	simm.s32 $0x5400;
	s20 =	simm.s32 $0x5800  }
0x5: {  	s22 =	simm.s32 $0x5C00;
	s28 =	simm.s32 $0x5;
	s29 =	simm.s32 $0x6  }
0x6: {  	s30 =	simm.s32 $0x7;
	s31 =	simm.s32 $0x8;
	s19 =	simm.s32 $0x4F80  }
0x7: {  	s21 =	simm.s32 $0x0;
	s0 =	sand.u32 $0x1, s0;
	s7 =	smul.u32 $0x1400, s10  }
0x8: {  	s26 =	sshll.u32 s10, $0x6;
	s3 =	sshll.u32 s0, $0x4;
	s6 =	smul.u32 $0x14000, s0  }
0x9: {  	s0 =	ssub.s32 $0x2, s0;
	s4 =	sor.u32 s10, s3;
	s3 =	rddreg [dreg:$0x2]  }
0xa: {  	s23 =	sshrl.u32 s7, $0x3;
	s25 =	sshrl.u32 s0, $0x1;
	s12 =	sadd.s32 s7, s2  }
0xb: {  	s5 =	smul.u32 $0x500, s4;
	s4 =	simm.s32 $0x0;
	s6 =	sadd.s32 s7, s6  }
0xc: {  	s8 =	sadd.s32 s23, s1;
	s0 =	ssub.s32 s0, s25;
	s14 =	sadd.s32 s7, s3  }
0xd: {  	s12 =	sshrl.u32 s12, $0x3;
	s23 =	simm.s32 $0x1;
	s25 =	simm.s32 $0x3  }
0xe: {  	[smem:$0x7FF] =	sst s4;
	s24 =	sshrl.u32 s6, $0x3;
	s6 =	sor.u32 $0x1C09, s26  }
0xf: {  	s7 =	sadd.s32 $0xD600, s8;
	s11 =	smax.u32 s0, $0x1;
	s14 =	sshrl.u32 s14, $0x3  }
0x10: {  	s26 =	simm.s32 $0x4;
	_ =	strace $0x80000053;
	s9 =	sadd.s32 s5, s1  }
0x11: {  	s1 =	sadd.s32 s24, s1;
	s5 =	sadd.s32 $0xFE00, s8;
	s24 =	simm.s32 $0x2  }
0x12: {  	s8 =	sadd.s32 $0x15000, s9;
	s9 =	sadd.s32 $0x3600, s9;
	s10 =	sadd.s32 $0x1F000, s1  }
.LBB2_1:
0x13: {  	[spmem:s12], [sflag:s6] =	dma.local [hbm:s5], $0x280  }
0x14: {  	_ =	swait.ge [sflag:s13], $0x280  }
0x15: {  	[sflag:s13] =	ssyncset.done $0x0  }
0x16: {  	[sflag:s13] =	ssyncadd.s32 $0xFFFFFD80  }
0x17: {  	[spmem:s14], [sflag:s6] =	dma.local [hbm:s7], $0x280  }
0x18: {  	_ =	swait.ge [sflag:s13], $0x280  }
0x19: {  	[sflag:s13] =	ssyncset.done $0x0  }
0x1a: {  	[sflag:s13] =	ssyncadd.s32 $0xFFFFFD80  }
0x1b: {  	[tilespmem:s4], [sflag:$0x9] =	stream.linear.gather [hbm4b:s8+s4], $0x2800, $0x38;
	[tilespmem:$0x8800] =	vst v63  }
0x1c: {  	_ =	swait.ge [sflag:s13], $0x2800  }
0x1d: {  	[sflag:s13] =	ssyncset.done $0x0  }
0x1e: {  	s0 =	simm.s32 $0x2800;
	[sflag:s13] =	ssyncadd.s32 $0xFFFFD800  }
0x1f: {  	[tilespmem:s0], [sflag:$0x9] =	stream.linear.gather [hbm4b:s9+s4], $0x2800, $0x38;
	[tilespmem:$0x8800] =	vst v63  }
0x20: {  	_ =	swait.ge [sflag:s13], $0x2800  }
0x21: {  	[sflag:s13] =	ssyncset.done $0x0  }
0x22: {  	[sflag:s13] =	ssyncadd.s32 $0xFFFFD800  }
0x23: {  	[bflag:$0x0] =	sbarrier.arrive $0xFFFF  }
0x24: {  	[tilespmem:s17], [sflag:$0x1] =	stream.indirect.gather [spmem:s2], $0x8, s4, s16, $0xb8;
	[tilespmem:$0x8800] =	vst v63  }
0x25: {  	_ = 	snop  }
0x26: {  	[tilespmem:s18], [sflag:$0x2] =	stream.indirect.gather [spmem:s2], $0x8, s16, s16, $0xb8;
	[tilespmem:$0x8800] =	vst v63  }
0x27: {  	s15 =	simm.s32 $0x100  }
0x28: {  	[tilespmem:s20], [sflag:$0x3] =	stream.indirect.gather [spmem:s2], $0x8, s15, s16, $0xb8;
	[tilespmem:$0x8800] =	vst v63  }
0x29: {  	s1 =	simm.s32 $0x180  }
0x2a: {  	[tilespmem:s22], [sflag:$0x4] =	stream.indirect.gather [spmem:s2], $0x8, s1, s16, $0xb8;
	[tilespmem:$0x8800] =	vst v63  }
0x2b: {  	_ =	swait.ge [sflag:s23], $0x400  }
0x2c: {  	[sflag:s23] =	ssyncset.done $0x0  }
0x2d: {  	s15 =	simm.s32 $0x2800;
	[sflag:s23] =	ssyncadd.s32 $0xFFFFFC00  }
0x2e: {  	[spmem:s3] =	stream.indirect.scatter.add.f32 [tilespmem:s17], [sflag:$0x5], $0x8, s15, s16, $0xb8;
	[tilespmem:$0x8800] =	vst v63  }
0x2f: {  	_ =	swait.ge [sflag:s24], $0x400  }
0x30: {  	[sflag:s24] =	ssyncset.done $0x0  }
0x31: {  	s1 =	simm.s32 $0x2880;
	[sflag:s24] =	ssyncadd.s32 $0xFFFFFC00  }
0x32: {  	[spmem:s3] =	stream.indirect.scatter.add.f32 [tilespmem:s18], [sflag:$0x6], $0x8, s1, s16, $0xb8;
	[tilespmem:$0x8800] =	vst v63  }
0x33: {  	_ =	swait.ge [sflag:s25], $0x400  }
0x34: {  	[sflag:s25] =	ssyncset.done $0x0  }
0x35: {  	s15 =	simm.s32 $0x2900;
	[sflag:s25] =	ssyncadd.s32 $0xFFFFFC00  }
0x36: {  	[spmem:s3] =	stream.indirect.scatter.add.f32 [tilespmem:s20], [sflag:$0x7], $0x8, s15, s16, $0xb8;
	[tilespmem:$0x8800] =	vst v63  }
0x37: {  	_ =	swait.ge [sflag:s26], $0x400  }
0x38: {  	[sflag:s26] =	ssyncset.done $0x0  }
0x39: {  	s1 =	simm.s32 $0x2980;
	[sflag:s26] =	ssyncadd.s32 $0xFFFFFC00  }
0x3a: {  	[spmem:s3] =	stream.indirect.scatter.add.f32 [tilespmem:s22], [sflag:$0x8], $0x8, s1, s16, $0xb8;
	[tilespmem:$0x8800] =	vst v63  }
0x3b: {  	_ =	swait.ge [sflag:s28], $0x400  }
0x3c: {  	[sflag:s28] =	ssyncset.done $0x0  }
0x3d: {  	s15 =	simm.s32 $0x200;
	[sflag:s28] =	ssyncadd.s32 $0xFFFFFC00  }
0x3e: {  	[tilespmem:s17], [sflag:$0x1] =	stream.indirect.gather [spmem:s2], $0x8, s15, s16, $0xb8;
	[tilespmem:$0x8800] =	vst v63  }
0x3f: {  	_ =	swait.ge [sflag:s29], $0x400  }
0x40: {  	[sflag:s29] =	ssyncset.done $0x0  }
0x41: {  	s1 =	simm.s32 $0x280;
	[sflag:s29] =	ssyncadd.s32 $0xFFFFFC00  }
0x42: {  	[tilespmem:s18], [sflag:$0x2] =	stream.indirect.gather [spmem:s2], $0x8, s1, s16, $0xb8;
	[tilespmem:$0x8800] =	vst v63  }
0x43: {  	_ =	swait.ge [sflag:s30], $0x400  }
0x44: {  	[sflag:s30] =	ssyncset.done $0x0  }
0x45: {  	s15 =	simm.s32 $0x300;
	[sflag:s30] =	ssyncadd.s32 $0xFFFFFC00  }
0x46: {  	[tilespmem:s20], [sflag:$0x3] =	stream.indirect.gather [spmem:s2], $0x8, s15, s16, $0xb8;
	[tilespmem:$0x8800] =	vst v63  }
0x47: {  	_ =	swait.ge [sflag:s31], $0x400  }
0x48: {  	[sflag:s31] =	ssyncset.done $0x0  }
0x49: {  	s0 =	simm.s32 $0x380;
	s1 =	simm.s32 $0x800;
	[sflag:s31] =	ssyncadd.s32 $0xFFFFFC00  }
.LBB2_2:
0x4a: {  	[tilespmem:s22], [sflag:$0x4] =	stream.indirect.gather [spmem:s2], $0x8, s0, s16, $0xb8;
	[tilespmem:$0x8800] =	vst v63  }
0x4b: {  	s0 =	smov.u32 s1  }
0x4c: {  	p0 =	sne.s32 s1, $0x9000;
	s1 =	sadd.s32 $0x800, s1;
	_ =	swait.ge [sflag:s23], $0x400  }
0x4d: {  	s0 =	sshra.s32 s0, $0x2;
	[sflag:s23] =	ssyncset.done $0x0  }
0x4e: {  	s15 =	sadd.s32 $0x2800, s0;
	[sflag:s23] =	ssyncadd.s32 $0xFFFFFC00  }
0x4f: {  	[spmem:s3] =	stream.indirect.scatter.add.f32 [tilespmem:s17], [sflag:$0x5], $0x8, s15, s16, $0xb8;
	[tilespmem:$0x8800] =	vst v63  }
0x50: {  	_ =	swait.ge [sflag:s24], $0x400  }
0x51: {  	[sflag:s24] =	ssyncset.done $0x0  }
0x52: {  	s15 =	sadd.s32 $0x2880, s0;
	[sflag:s24] =	ssyncadd.s32 $0xFFFFFC00  }
0x53: {  	[spmem:s3] =	stream.indirect.scatter.add.f32 [tilespmem:s18], [sflag:$0x6], $0x8, s15, s16, $0xb8;
	[tilespmem:$0x8800] =	vst v63  }
0x54: {  	_ =	swait.ge [sflag:s25], $0x400  }
0x55: {  	[sflag:s25] =	ssyncset.done $0x0  }
0x56: {  	s15 =	sadd.s32 $0x2900, s0;
	[sflag:s25] =	ssyncadd.s32 $0xFFFFFC00  }
0x57: {  	[spmem:s3] =	stream.indirect.scatter.add.f32 [tilespmem:s20], [sflag:$0x7], $0x8, s15, s16, $0xb8;
	[tilespmem:$0x8800] =	vst v63  }
0x58: {  	_ =	swait.ge [sflag:s26], $0x400  }
0x59: {  	[sflag:s26] =	ssyncset.done $0x0  }
0x5a: {  	s15 =	sadd.s32 $0x2980, s0;
	[sflag:s26] =	ssyncadd.s32 $0xFFFFFC00  }
0x5b: {  	[spmem:s3] =	stream.indirect.scatter.add.f32 [tilespmem:s22], [sflag:$0x8], $0x8, s15, s16, $0xb8;
	[tilespmem:$0x8800] =	vst v63  }
0x5c: {  	_ =	swait.ge [sflag:s28], $0x400  }
0x5d: {  	[sflag:s28] =	ssyncset.done $0x0  }
0x5e: {  	s15 =	sadd.s32 $0x200, s0;
	[sflag:s28] =	ssyncadd.s32 $0xFFFFFC00  }
0x5f: {  	[tilespmem:s17], [sflag:$0x1] =	stream.indirect.gather [spmem:s2], $0x8, s15, s16, $0xb8;
	[tilespmem:$0x8800] =	vst v63  }
0x60: {  	_ =	swait.ge [sflag:s29], $0x400  }
0x61: {  	[sflag:s29] =	ssyncset.done $0x0  }
0x62: {  	s15 =	sadd.s32 $0x280, s0;
	[sflag:s29] =	ssyncadd.s32 $0xFFFFFC00  }
0x63: {  	[tilespmem:s18], [sflag:$0x2] =	stream.indirect.gather [spmem:s2], $0x8, s15, s16, $0xb8;
	[tilespmem:$0x8800] =	vst v63  }
0x64: {  	_ =	swait.ge [sflag:s30], $0x400  }
0x65: {  	[sflag:s30] =	ssyncset.done $0x0  }
.Ltmp0:
0x66: {  	s15 =	sadd.s32 $0x300, s0;
	[sflag:s30] =	ssyncadd.s32 $0xFFFFFC00;
	(pc) =	sbr.rel @p0 .LBB2_2-.Ltmp0, $4  }
0x67: {  	[tilespmem:s20], [sflag:$0x3] =	stream.indirect.gather [spmem:s2], $0x8, s15, s16, $0xb8;
	[tilespmem:$0x8800] =	vst v63  }
0x68: {  	_ =	swait.ge [sflag:s31], $0x400  }
0x69: {  	[sflag:s31] =	ssyncset.done $0x0  }
0x6a: {  	s0 =	sadd.s32 $0x380, s0;
	[sflag:s31] =	ssyncadd.s32 $0xFFFFFC00  }
0x6b: {  	[tilespmem:s22], [sflag:$0x4] =	stream.indirect.gather [spmem:s2], $0x8, s0, s16, $0xb8;
	[tilespmem:$0x8800] =	vst v63  }
0x6c: {  	_ =	swait.ge [sflag:s23], $0x400  }
0x6d: {  	[sflag:s23] =	ssyncset.done $0x0  }
0x6e: {  	s15 =	simm.s32 $0x4E00;
	[sflag:s23] =	ssyncadd.s32 $0xFFFFFC00  }
0x6f: {  	[spmem:s3] =	stream.indirect.scatter.add.f32 [tilespmem:s17], [sflag:$0x5], $0x8, s15, s16, $0xb8;
	[tilespmem:$0x8800] =	vst v63  }
0x70: {  	_ =	swait.ge [sflag:s24], $0x400  }
0x71: {  	[sflag:s24] =	ssyncset.done $0x0  }
0x72: {  	s1 =	simm.s32 $0x4E80;
	[sflag:s24] =	ssyncadd.s32 $0xFFFFFC00  }
0x73: {  	[spmem:s3] =	stream.indirect.scatter.add.f32 [tilespmem:s18], [sflag:$0x6], $0x8, s1, s16, $0xb8;
	[tilespmem:$0x8800] =	vst v63  }
0x74: {  	_ =	swait.ge [sflag:s25], $0x400  }
0x75: {  	[sflag:s25] =	ssyncset.done $0x0  }
0x76: {  	s15 =	simm.s32 $0x4F00;
	[sflag:s25] =	ssyncadd.s32 $0xFFFFFC00  }
0x77: {  	[spmem:s3] =	stream.indirect.scatter.add.f32 [tilespmem:s20], [sflag:$0x7], $0x8, s15, s16, $0xb8;
	[tilespmem:$0x8800] =	vst v63  }
0x78: {  	_ =	swait.ge [sflag:s26], $0x400  }
0x79: {  	[sflag:s26] =	ssyncset.done $0x0  }
0x7a: {  	[sflag:s26] =	ssyncadd.s32 $0xFFFFFC00  }
0x7b: {  	[spmem:s3] =	stream.indirect.scatter.add.f32 [tilespmem:s22], [sflag:$0x8], $0x8, s19, s16, $0xb8;
	[tilespmem:$0x8800] =	vst v63  }
0x7c: {  	_ =	swait.ge [sflag:s28], $0x400  }
0x7d: {  	[sflag:s28] =	ssyncset.done $0x0  }
0x7e: {  	[sflag:s28] =	ssyncadd.s32 $0xFFFFFC00  }
0x7f: {  	_ =	swait.ge [sflag:s29], $0x400  }
0x80: {  	[sflag:s29] =	ssyncset.done $0x0  }
0x81: {  	[sflag:s29] =	ssyncadd.s32 $0xFFFFFC00  }
0x82: {  	_ =	swait.ge [sflag:s30], $0x400  }
0x83: {  	[sflag:s30] =	ssyncset.done $0x0  }
0x84: {  	[sflag:s30] =	ssyncadd.s32 $0xFFFFFC00  }
0x85: {  	_ =	swait.ge [sflag:s31], $0x400  }
0x86: {  	s21 =	sadd.s32 $0x1, s21;
	[sflag:s31] =	ssyncset.done $0x0  }
0x87: {  	p0 =	sne.s32 s21, s11;
	[sflag:s31] =	ssyncadd.s32 $0xFFFFFC00  }
.Ltmp1:
0x88: {  	[bflag:$0x0] =	sbarrier.arrive $0xFFFF;
	(pc) =	sbr.rel @p0 .LBB2_1-.Ltmp1, $4  }
0x89: {  	[hbm:s10], [sflag:s6] =	dma.local [spmem:s14], $0x280  }
0x8a: {  	_ =	swait.ge [sflag:s13], $0x280  }
0x8b: {  	[sflag:s13] =	ssyncset.done $0x0  }
0x8c: {  	[sflag:s13] =	ssyncadd.s32 $0xFFFFFD80  }
0x8d: {  	_ =	sfence.sel $0x180000  }
0x8e: {  	[bflag:$0x0] =	sbarrier.arrive $0xFFFF  }
0x8f: {  	_ =	strace $0x90000053  }
0x90: {  	s0 =	stileid.u32;
	[bflag:$0x2] =	sbarrier.arrive $0xFFFF  }
0x91: {  	p0 =	sne.s32 s0, $0x0;
	s0 =	rddreg [dreg:$0x3]  }
0x92: {  	s0 =	sadd.s32 @!p0 $0x100000, s0  }
0x93: {  	[sflag:s0] =	ssyncadd.tile.s32 @!p0 $0x1;
	_ =	shalt  }
.Lfunc_end2:
_tile_overlayer_lowered:
.L_overlay_start_2:
0x94: {  	(tag) =	ssettag $0x2  }
0x95: {  	s0 =	rddreg [dreg:$0x0];
	s2 =	stileid.u32  }
0x96: {  	s1 =	rddreg [dreg:$0x1];
	p0 =	sne.s32 s2, $0x0  }
0x97: {  	s3 =	rddreg [dreg:$0x2];
	[bflag:$0x3] =	sbarrier.arrive $0xFFFF;
	s2 =	simm.s32 @!p0 $0x1C09  }
0x98: {  	[timem:s3], [sflag:s2] =	dma.local @!p0 [hbm:s0], s1  }
0x99: {  	s0 =	simm.s32 @!p0 $0x9  }
0x9a: {  	_ =	swait.ge @!p0 [sflag:s0], s1  }
0x9b: {  	s1 =	ssub.s32 @!p0 $0x0, s1;
	[sflag:s0] =	ssyncset.done @!p0 $0x0  }
0x9c: {  	[sflag:s0] =	ssyncadd.s32 @!p0 s1  }
0x9d: {  	[bflag:$0x3] =	sbarrier.arrive $0xFFFF  }
0x9e: {  	_ =	shalt  }

</sc_bundles>
